<compile_context>
chip_gen: v7x
topology: tpu7x:2x2x1
jax: 0.10.2.dev20260603
libtpu: 0.0.44.dev20260713+nightly
codegen_flags: <defaults>
</compile_context>

<pallas_src>
import functools

import jax
import jax.numpy as jnp
from jax import lax
from jax.experimental import pallas as pl
from jax.experimental.pallas import tpu as pltpu
from jax.experimental.pallas import tpu_sc as plsc

_K = 16
_F = 1024
_MAXF = 1024.0
_L = 16
_NWORK = 32
_NBUF = 2
_NSL = _F // _L


_CP = (-21.071106, 58.790497, -85.27162, 64.92866, -19.738981, 0.9999992)


def _cos_2pi(u):
    v = u - jnp.round(u)
    z = v * v
    p = _CP[0] * z + _CP[1]
    for c in _CP[2:]:
        p = p * z + c
    return p


def _sc_topk_body(w_hbm, vals_hbm, freqs_hbm, buf, vacc, facc, sems, *,
                  base, rpw):
    wid = lax.axis_index("s") * 2 + lax.axis_index("c")
    row0 = base + wid * rpw
    iota = lax.iota(jnp.int32, _L)

    def _copy(b, row):
        return pltpu.make_async_copy(
            w_hbm.at[pl.ds(row0 + row, 1)], buf.at[pl.ds(b, 1)], sems.at[b])

    for b in range(_NBUF):
        _copy(b, b).start()

    def _merge_sorted(tv, ti, sv, si):
        rv = lax.rev(sv, (0,))
        ri = lax.rev(si, (0,))
        take = rv > tv
        tv = jnp.where(take, rv, tv)
        ti = jnp.where(take, ri, ti)
        kv = plsc.sort_key_val(tv, ti)
        return kv[0], kv[1]

    def _process(b, row):
        def _leaf(i):
            a = jnp.abs(buf[b, pl.ds(i * _L, _L)])
            kv = plsc.sort_key_val(a, iota + (i * _L))
            return kv[0], kv[1]

        def _tree(lo, n):
            if n == 1:
                return _leaf(lo)
            vlo, ilo = _tree(lo, n // 2)
            vhi, ihi = _tree(lo + n // 2, n - n // 2)
            return _merge_sorted(vlo, ilo, vhi, ihi)

        tv, ti = _tree(0, _NSL)
        signed = plsc.load_gather(buf, [jnp.full((_L,), b, jnp.int32), ti])
        base = row * _L
        plsc.store_scatter(vacc, [base + iota], signed)
        plsc.store_scatter(facc, [base + iota],
                           (_MAXF / _F) * ti.astype(jnp.float32))

    nsteps = (rpw + _NBUF - 1) // _NBUF

    def _step(s, _):
        for b in range(_NBUF):
            row = s * _NBUF + b

            @pl.when(row < rpw)
            def _do():
                _copy(b, row).wait()
                _process(b, row)

                @pl.when(row + _NBUF < rpw)
                def _next():
                    _copy(b, row + _NBUF).start()

        return 0

    lax.fori_loop(0, nsteps, _step, 0)
    out0 = wid * (rpw * _K)
    pltpu.sync_copy(vacc, vals_hbm.at[pl.ds(out0, rpw * _K)])
    pltpu.sync_copy(facc, freqs_hbm.at[pl.ds(out0, rpw * _K)])


def _render_body(xt_ref, colors_ref, pos_ref, scales_ref, rot_ref,
                 vals_ref, freqs_ref, out_ref):
    xx = xt_ref[0:1, :]
    xy = xt_ref[1:2, :]
    px = pos_ref[:, 0:1]
    py = pos_ref[:, 1:2]
    relx = xx - px
    rely = xy - py
    rot = rot_ref[:, 0:1]
    c = jnp.cos(rot)
    s = jnp.sin(rot)
    tx = c * relx + s * rely
    ty = -s * relx + c * rely
    sx = scales_ref[:, 0:1]
    sy = scales_ref[:, 1:2]
    env = jnp.exp(-0.5 * ((tx * sx) ** 2 + (ty * sy) ** 2))
    vals = vals_ref[...]
    freqs = freqs_ref[...]
    wave_x = jnp.zeros_like(tx)
    wave_y = jnp.zeros_like(ty)
    for k in range(_K):
        wave_x = wave_x + vals[:, k:k + 1] * _cos_2pi(freqs[:, k:k + 1] * tx)
        ky = _K + k
        wave_y = wave_y + vals[:, ky:ky + 1] * _cos_2pi(freqs[:, ky:ky + 1] * ty)
    w = env * wave_x * wave_y
    col = colors_ref[...]
    part = jnp.concatenate(
        [jnp.sum(w * col[:, c0:c0 + 1], axis=0, keepdims=True) for c0 in range(3)],
        axis=0)

    @pl.when(pl.program_id(0) == 0)
    def _init():
        out_ref[...] = jnp.zeros_like(out_ref)

    out_ref[...] += part


def kernel(x, gaussian_colors, gaussian_positions, gaussian_scales,
           gaussian_rotations, wave_coefficients):
    G = wave_coefficients.shape[0]
    N = x.shape[0]
    wave2 = wave_coefficients.reshape(2 * G, _F)
    xt = x.T
    Gb = 200

    def _sc_call(g0, gn):
        nrows = 2 * gn
        rpw = nrows // _NWORK
        body = functools.partial(_sc_topk_body, base=2 * g0, rpw=rpw)
        call = pl.kernel(
            body,
            out_type=[jax.ShapeDtypeStruct((nrows * _K,), jnp.float32),
                      jax.ShapeDtypeStruct((nrows * _K,), jnp.float32)],
            mesh=plsc.VectorSubcoreMesh(core_axis_name="c",
                                        subcore_axis_name="s"),
            compiler_params=pltpu.CompilerParams(needs_layout_passes=False),
            scratch_types=[
                pltpu.VMEM((_NBUF, _F), jnp.float32),
                pltpu.VMEM((rpw * _K,), jnp.float32),
                pltpu.VMEM((rpw * _K,), jnp.float32),
                pltpu.SemaphoreType.DMA((_NBUF,)),
            ],
        )
        return call(wave2)

    def _render_call(g0, gn, vals, freqs):
        vals2 = vals.reshape(gn, 2 * _K)
        freqs2 = freqs.reshape(gn, 2 * _K)
        return pl.pallas_call(
            _render_body,
            grid=(gn // Gb,),
            in_specs=[
                pl.BlockSpec((2, N), lambda i: (0, 0)),
                pl.BlockSpec((Gb, 3), lambda i: (i, 0)),
                pl.BlockSpec((Gb, 2), lambda i: (i, 0)),
                pl.BlockSpec((Gb, 2), lambda i: (i, 0)),
                pl.BlockSpec((Gb, 1), lambda i: (i, 0)),
                pl.BlockSpec((Gb, 2 * _K), lambda i: (i, 0)),
                pl.BlockSpec((Gb, 2 * _K), lambda i: (i, 0)),
            ],
            out_specs=pl.BlockSpec((3, N), lambda i: (0, 0)),
            out_shape=jax.ShapeDtypeStruct((3, N), jnp.float32),
        )(xt, gaussian_colors[g0:g0 + gn], gaussian_positions[g0:g0 + gn],
          gaussian_scales[g0:g0 + gn], gaussian_rotations[g0:g0 + gn],
          vals2, freqs2)

    vals, freqs = _sc_call(0, G)
    out_t = _render_call(0, G, vals, freqs)
    return out_t.T

# --- scband reference (transcript-rebuilt; emitter-appended) ---
"""Pipeline reference for scband-periodic-primitives2-d-7980049236370 (READ-ONLY COPY).

The authoritative reference and input builder live on the scoring server;
editing this copy changes nothing except your own understanding.
"""

import jax, jax.numpy as jnp
import numpy as np

NUM_TOP_FREQS = 8
NUM_RANDOM_FREQS = 8
MAX_FREQUENCY = 1024.0
N_POINTS = 512
N_GAUSSIANS = 10000
N_FREQUENCIES = 1024


def setup_inputs(seed: int = 0) -> dict:
    key = jax.random.key(seed)
    ks = jax.random.split(key, 6)
    x = jax.random.uniform(ks[0], (N_POINTS, 2), dtype=jnp.float32)
    gaussian_colors = 0.1 * jax.random.normal(ks[1], (N_GAUSSIANS, 3), dtype=jnp.float32)
    gaussian_positions = jax.random.uniform(ks[2], (N_GAUSSIANS, 2), dtype=jnp.float32)
    gaussian_scales = 1.0 + 0.5 * jax.random.normal(ks[3], (N_GAUSSIANS, 2), dtype=jnp.float32)
    gaussian_rotations = jnp.pi * jax.random.uniform(ks[4], (N_GAUSSIANS, 1), dtype=jnp.float32)
    wave_coefficients = 0.05 * jax.random.normal(ks[5], (N_GAUSSIANS, 2, N_FREQUENCIES), dtype=jnp.float32)
    wave_coefficients = wave_coefficients.at[:, :, 0].add(1.0)
    return {
        'x': x,
        'gaussian_colors': gaussian_colors,
        'gaussian_positions': gaussian_positions,
        'gaussian_scales': gaussian_scales,
        'gaussian_rotations': gaussian_rotations,
        'wave_coefficients': wave_coefficients,
    }


def reference(x, gaussian_colors, gaussian_positions, gaussian_scales, gaussian_rotations, wave_coefficients):
    # training=True path: top-k masking of wave coefficients per (primitive, dim)
    k = NUM_TOP_FREQS + NUM_RANDOM_FREQS
    F = wave_coefficients.shape[2]
    _, indices = jax.lax.top_k(jnp.abs(wave_coefficients), k)  # [G, 2, k]
    coeffs = jnp.take_along_axis(wave_coefficients, indices, axis=2)  # [G, 2, k]
    freqs = MAX_FREQUENCY * indices.astype(jnp.float32) / float(F)  # [G, 2, k]

    # periodic_primitives.forward reconstruction: anisotropic rotated gaussians
    # modulated by a separable sum-of-cosines along each rotated axis.
    rel = x[:, None, :] - gaussian_positions[None, :, :]  # [N, G, 2]
    c = jnp.cos(gaussian_rotations[:, 0])  # [G]
    s = jnp.sin(gaussian_rotations[:, 0])  # [G]
    tx = c[None, :] * rel[:, :, 0] + s[None, :] * rel[:, :, 1]  # [N, G]
    ty = -s[None, :] * rel[:, :, 0] + c[None, :] * rel[:, :, 1]  # [N, G]
    g_env = jnp.exp(-0.5 * ((tx * gaussian_scales[None, :, 0]) ** 2
                            + (ty * gaussian_scales[None, :, 1]) ** 2))  # [N, G]
    wave_x = jnp.sum(coeffs[None, :, 0, :] * jnp.cos(2.0 * jnp.pi * freqs[None, :, 0, :] * tx[:, :, None]), axis=-1)  # [N, G]
    wave_y = jnp.sum(coeffs[None, :, 1, :] * jnp.cos(2.0 * jnp.pi * freqs[None, :, 1, :] * ty[:, :, None]), axis=-1)  # [N, G]
    w = g_env * wave_x * wave_y  # [N, G]
    out = w @ gaussian_colors  # [N, 3]
    return out

if __name__ == "__main__":
    import jax
    _d = setup_inputs()
    print(jax.jit(kernel)(*tuple(_d.values())))

</pallas_src>

<mosaic_0001>
#map = affine_map<(d0, d1) -> (0, 0)>
#map1 = affine_map<(d0, d1) -> (0)>
module attributes {stable_mosaic.version = 14 : i64} {
  func.func @_sc_topk_body(%arg0: i32, %arg1: i32, %arg2: memref<20000x1024xf32, #tpu.memory_space<hbm>>, %arg3: memref<320000xf32, #tpu.memory_space<hbm>>, %arg4: memref<320000xf32, #tpu.memory_space<hbm>>, %arg5: memref<2x1024xf32, #tpu.memory_space<vmem>>, %arg6: memref<10000xf32, #tpu.memory_space<vmem>>, %arg7: memref<10000xf32, #tpu.memory_space<vmem>>, %arg8: memref<2x!tpu.dma_semaphore, #tpu.memory_space<semaphore_mem>>) attributes {dimension_semantics = [#tpu.dimension_semantics<core_parallel>, #tpu.dimension_semantics<subcore_parallel>], iteration_bounds = array<i64: 2, 16>, scalar_prefetch = 0 : i64, scratch_operands = 4 : i64, tpu.core_type = #tpu.core_type<sc_vector_subcore>, window_params = [{transform_indices = #map}, {transform_indices = #map1}, {transform_indices = #map1}]} {
    %mul3A = arith.constant 2 : i32
    %mul3A_0 = arith.muli %arg1, %mul3A : i32
    %add3A = arith.addi %mul3A_0, %arg0 : i32
    %mul3A_1 = arith.constant 625 : i32
    %mul3A_2 = arith.muli %add3A, %mul3A_1 : i32
    %add3A_3 = arith.constant 0 : i32
    %add3A_4 = arith.addi %add3A_3, %mul3A_2 : i32
    %iota3A = tpu.iota {dimensions = array<i32: 0>} : vector<16xi32>
    %add3A_5 = arith.constant 0 : i32
    %add3A_6 = arith.addi %add3A_4, %add3A_5 : i32
    %dma_start3A = arith.constant 0 : i32
    %dma_start3A_7 = arith.constant 0 : i32
    %dma_start3A_8 = arith.constant 0 : i32
    %dma_start3A_9 = tpu.memref_slice %arg5[%dma_start3A_7, %dma_start3A_8] : memref<2x1024xf32, #tpu.memory_space<vmem>> -> memref<1x1024xf32, #tpu.memory_space<vmem>>
    %dma_start3A_10 = arith.constant 0 : i32
    %dma_start3A_11 = tpu.memref_slice %arg2[%add3A_6, %dma_start3A_10] : memref<20000x1024xf32, #tpu.memory_space<hbm>> -> memref<1x1024xf32, #tpu.memory_space<hbm>>
    %dma_start3A_12 = tpu.memref_slice %arg8[%dma_start3A] : memref<2x!tpu.dma_semaphore, #tpu.memory_space<semaphore_mem>> -> memref<1x!tpu.dma_semaphore, #tpu.memory_space<semaphore_mem>>
    %dma_start3A_13 = tpu.memref_squeeze %dma_start3A_12 : memref<1x!tpu.dma_semaphore, #tpu.memory_space<semaphore_mem>> -> memref<!tpu.dma_semaphore, #tpu.memory_space<semaphore_mem>>
    %dma_start3A_14 = arith.constant 0 : i32
    %dma_start3A_15 = arith.constant 0 : i32
    %dma_start3A_16 = tpu.memref_slice %arg5[%dma_start3A_14, %dma_start3A_15] : memref<2x1024xf32, #tpu.memory_space<vmem>> -> memref<1x1024xf32, #tpu.memory_space<vmem>>
    %dma_start3A_17 = arith.constant 0 : i32
    %dma_start3A_18 = tpu.memref_slice %arg2[%add3A_6, %dma_start3A_17] : memref<20000x1024xf32, #tpu.memory_space<hbm>> -> memref<1x1024xf32, #tpu.memory_space<hbm>>
    tpu.enqueue_dma source(%dma_start3A_18 : memref<1x1024xf32, #tpu.memory_space<hbm>>) target(%dma_start3A_16 : memref<1x1024xf32, #tpu.memory_space<vmem>>) target_semaphore(%dma_start3A_13 : memref<!tpu.dma_semaphore, #tpu.memory_space<semaphore_mem>>)
    %add3A_19 = arith.constant 1 : i32
    %add3A_20 = arith.addi %add3A_4, %add3A_19 : i32
    %dma_start3A_21 = arith.constant 1 : i32
    %dma_start3A_22 = arith.constant 1 : i32
    %dma_start3A_23 = arith.constant 0 : i32
    %dma_start3A_24 = tpu.memref_slice %arg5[%dma_start3A_22, %dma_start3A_23] : memref<2x1024xf32, #tpu.memory_space<vmem>> -> memref<1x1024xf32, #tpu.memory_space<vmem>>
    %dma_start3A_25 = arith.constant 0 : i32
    %dma_start3A_26 = tpu.memref_slice %arg2[%add3A_20, %dma_start3A_25] : memref<20000x1024xf32, #tpu.memory_space<hbm>> -> memref<1x1024xf32, #tpu.memory_space<hbm>>
    %dma_start3A_27 = tpu.memref_slice %arg8[%dma_start3A_21] : memref<2x!tpu.dma_semaphore, #tpu.memory_space<semaphore_mem>> -> memref<1x!tpu.dma_semaphore, #tpu.memory_space<semaphore_mem>>
    %dma_start3A_28 = tpu.memref_squeeze %dma_start3A_27 : memref<1x!tpu.dma_semaphore, #tpu.memory_space<semaphore_mem>> -> memref<!tpu.dma_semaphore, #tpu.memory_space<semaphore_mem>>
    %dma_start3A_29 = arith.constant 1 : i32
    %dma_start3A_30 = arith.constant 0 : i32
    %dma_start3A_31 = tpu.memref_slice %arg5[%dma_start3A_29, %dma_start3A_30] : memref<2x1024xf32, #tpu.memory_space<vmem>> -> memref<1x1024xf32, #tpu.memory_space<vmem>>
    %dma_start3A_32 = arith.constant 0 : i32
    %dma_start3A_33 = tpu.memref_slice %arg2[%add3A_20, %dma_start3A_32] : memref<20000x1024xf32, #tpu.memory_space<hbm>> -> memref<1x1024xf32, #tpu.memory_space<hbm>>
    tpu.enqueue_dma source(%dma_start3A_33 : memref<1x1024xf32, #tpu.memory_space<hbm>>) target(%dma_start3A_31 : memref<1x1024xf32, #tpu.memory_space<vmem>>) target_semaphore(%dma_start3A_28 : memref<!tpu.dma_semaphore, #tpu.memory_space<semaphore_mem>>)
    %scan3A = arith.constant 0 : i32
    %scan3A_34 = arith.constant 0 : i32
    %scan3A_35 = arith.constant 313 : i32
    %scan3A_36 = arith.addi %scan3A_34, %scan3A_35 : i32
    %scan3A_37 = arith.constant 1 : i32
    %scan3A_38 = scf.for %scan3A_42 = %scan3A_34 to %scan3A_36 step %scan3A_37 iter_args(%scan3A_43 = %scan3A) -> (i32)  : i32 {
      %mul3A_44 = arith.constant 2 : i32
      %mul3A_45 = arith.muli %scan3A_42, %mul3A_44 : i32
      %add3A_46 = arith.constant 0 : i32
      %add3A_47 = arith.addi %mul3A_45, %add3A_46 : i32
      %lt3A = arith.constant 625 : i32
      %lt3A_48 = arith.cmpi slt, %add3A_47, %lt3A : i32
      %convert_element_type3A = arith.extui %lt3A_48 : i1 to i32
      %cond3A = arith.constant 0 : i32
      %cond3A_49 = arith.cmpi ne, %convert_element_type3A, %cond3A : i32
      scf.if %cond3A_49 {
        %add3A_60 = arith.addi %add3A_4, %add3A_47 : i32
        %dma_wait3A = arith.constant 0 : i32
        %dma_wait3A_61 = arith.constant 0 : i32
        %dma_wait3A_62 = arith.constant 0 : i32
        %dma_wait3A_63 = tpu.memref_slice %arg5[%dma_wait3A_61, %dma_wait3A_62] : memref<2x1024xf32, #tpu.memory_space<vmem>> -> memref<1x1024xf32, #tpu.memory_space<vmem>>
        %dma_wait3A_64 = arith.constant 0 : i32
        %dma_wait3A_65 = tpu.memref_slice %arg2[%add3A_60, %dma_wait3A_64] : memref<20000x1024xf32, #tpu.memory_space<hbm>> -> memref<1x1024xf32, #tpu.memory_space<hbm>>
        %dma_wait3A_66 = tpu.memref_slice %arg8[%dma_wait3A] : memref<2x!tpu.dma_semaphore, #tpu.memory_space<semaphore_mem>> -> memref<1x!tpu.dma_semaphore, #tpu.memory_space<semaphore_mem>>
        %dma_wait3A_67 = tpu.memref_squeeze %dma_wait3A_66 : memref<1x!tpu.dma_semaphore, #tpu.memory_space<semaphore_mem>> -> memref<!tpu.dma_semaphore, #tpu.memory_space<semaphore_mem>>
        %dma_wait3A_68 = arith.constant 0 : i32
        %dma_wait3A_69 = arith.constant 0 : i32
        %dma_wait3A_70 = tpu.memref_slice %arg5[%dma_wait3A_68, %dma_wait3A_69] : memref<2x1024xf32, #tpu.memory_space<vmem>> -> memref<1x1024xf32, #tpu.memory_space<vmem>>
        %dma_wait3A_71 = arith.constant 0 : i32
        %dma_wait3A_72 = tpu.memref_slice %arg2[%add3A_60, %dma_wait3A_71] : memref<20000x1024xf32, #tpu.memory_space<hbm>> -> memref<1x1024xf32, #tpu.memory_space<hbm>>
        tpu.wait_dma2 semaphore(%dma_wait3A_67 : memref<!tpu.dma_semaphore, #tpu.memory_space<semaphore_mem>>) src(%dma_wait3A_72 : memref<1x1024xf32, #tpu.memory_space<hbm>>) dst(%dma_wait3A_70 : memref<1x1024xf32, #tpu.memory_space<vmem>>)
        %get3A = arith.constant 0 : i32
        %get3A_73 = arith.index_cast %get3A : i32 to index
        %get3A_74 = arith.constant 0 : index
        %get3A_75 = tpu.vector_load %arg5[%get3A_73, %get3A_74] {strides = array<i32>} : memref<2x1024xf32, #tpu.memory_space<vmem>>, vector<16xf32>,
        %abs3A = math.absf %get3A_75 : vector<16xf32>
        %add3A_76 = arith.constant 0 : i32
        %add3A_77 = vector.broadcast %add3A_76 : i32 to vector<16xi32>
        %add3A_78 = arith.addi %iota3A, %add3A_77 : vector<16xi32>
        %masked_sort3A = arith.constant dense<true> : vector<16xi1>
        %masked_sort3A_79, %masked_sort3A_80, %masked_sort3A_81 = tpu.sort %abs3A, %add3A_78 masked %masked_sort3A : (vector<16xf32>, vector<16xi32>, vector<16xi1>) -> (vector<16xi1>, vector<16xf32>, vector<16xi32>)
        %get3A_82 = arith.constant 0 : i32
        %get3A_83 = arith.index_cast %get3A_82 : i32 to index
        %get3A_84 = arith.constant 16 : index
        %get3A_85 = tpu.vector_load %arg5[%get3A_83, %get3A_84] {strides = array<i32>} : memref<2x1024xf32, #tpu.memory_space<vmem>>, vector<16xf32>,
        %abs3A_86 = math.absf %get3A_85 : vector<16xf32>
        %add3A_87 = arith.constant 16 : i32
        %add3A_88 = vector.broadcast %add3A_87 : i32 to vector<16xi32>
        %add3A_89 = arith.addi %iota3A, %add3A_88 : vector<16xi32>
        %masked_sort3A_90 = arith.constant dense<true> : vector<16xi1>
        %masked_sort3A_91, %masked_sort3A_92, %masked_sort3A_93 = tpu.sort %abs3A_86, %add3A_89 masked %masked_sort3A_90 : (vector<16xf32>, vector<16xi32>, vector<16xi1>) -> (vector<16xi1>, vector<16xf32>, vector<16xi32>)
        %rev3A = arith.constant 15 : i32
        %rev3A_94 = vector.broadcast %rev3A : i32 to vector<16xi32>
        %rev3A_95 = tpu.iota {dimensions = array<i32: 0>} : vector<16xi32>
        %rev3A_96 = arith.subi %rev3A_94, %rev3A_95 : vector<16xi32>
        %rev3A_97 = tpu.dynamic_gather %masked_sort3A_92[%rev3A_96] in [0] : vector<16xf32>, vector<16xi32> -> vector<16xf32>
        %rev3A_98 = arith.constant 15 : i32
        %rev3A_99 = vector.broadcast %rev3A_98 : i32 to vector<16xi32>
        %rev3A_100 = tpu.iota {dimensions = array<i32: 0>} : vector<16xi32>
        %rev3A_101 = arith.subi %rev3A_99, %rev3A_100 : vector<16xi32>
        %rev3A_102 = tpu.dynamic_gather %masked_sort3A_93[%rev3A_101] in [0] : vector<16xi32>, vector<16xi32> -> vector<16xi32>
        %gt3A = arith.cmpf ogt, %rev3A_97, %masked_sort3A_80 : vector<16xf32>
        %select_n3A = arith.select %gt3A, %rev3A_97, %masked_sort3A_80 : vector<16xi1>, vector<16xf32>
        %select_n3A_103 = arith.select %gt3A, %rev3A_102, %masked_sort3A_81 : vector<16xi1>, vector<16xi32>
        %masked_sort3A_104 = arith.constant dense<true> : vector<16xi1>
        %masked_sort3A_105, %masked_sort3A_106, %masked_sort3A_107 = tpu.sort %select_n3A, %select_n3A_103 masked %masked_sort3A_104 : (vector<16xf32>, vector<16xi32>, vector<16xi1>) -> (vector<16xi1>, vector<16xf32>, vector<16xi32>)
        %get3A_108 = arith.constant 0 : i32
        %get3A_109 = arith.index_cast %get3A_108 : i32 to index
        %get3A_110 = arith.constant 32 : index
        %get3A_111 = tpu.vector_load %arg5[%get3A_109, %get3A_110] {strides = array<i32>} : memref<2x1024xf32, #tpu.memory_space<vmem>>, vector<16xf32>,
        %abs3A_112 = math.absf %get3A_111 : vector<16xf32>
        %add3A_113 = arith.constant 32 : i32
        %add3A_114 = vector.broadcast %add3A_113 : i32 to vector<16xi32>
        %add3A_115 = arith.addi %iota3A, %add3A_114 : vector<16xi32>
        %masked_sort3A_116 = arith.constant dense<true> : vector<16xi1>
        %masked_sort3A_117, %masked_sort3A_118, %masked_sort3A_119 = tpu.sort %abs3A_112, %add3A_115 masked %masked_sort3A_116 : (vector<16xf32>, vector<16xi32>, vector<16xi1>) -> (vector<16xi1>, vector<16xf32>, vector<16xi32>)
        %get3A_120 = arith.constant 0 : i32
        %get3A_121 = arith.index_cast %get3A_120 : i32 to index
        %get3A_122 = arith.constant 48 : index
        %get3A_123 = tpu.vector_load %arg5[%get3A_121, %get3A_122] {strides = array<i32>} : memref<2x1024xf32, #tpu.memory_space<vmem>>, vector<16xf32>,
        %abs3A_124 = math.absf %get3A_123 : vector<16xf32>
        %add3A_125 = arith.constant 48 : i32
        %add3A_126 = vector.broadcast %add3A_125 : i32 to vector<16xi32>
        %add3A_127 = arith.addi %iota3A, %add3A_126 : vector<16xi32>
        %masked_sort3A_128 = arith.constant dense<true> : vector<16xi1>
        %masked_sort3A_129, %masked_sort3A_130, %masked_sort3A_131 = tpu.sort %abs3A_124, %add3A_127 masked %masked_sort3A_128 : (vector<16xf32>, vector<16xi32>, vector<16xi1>) -> (vector<16xi1>, vector<16xf32>, vector<16xi32>)
        %rev3A_132 = arith.constant 15 : i32
        %rev3A_133 = vector.broadcast %rev3A_132 : i32 to vector<16xi32>
        %rev3A_134 = tpu.iota {dimensions = array<i32: 0>} : vector<16xi32>
        %rev3A_135 = arith.subi %rev3A_133, %rev3A_134 : vector<16xi32>
        %rev3A_136 = tpu.dynamic_gather %masked_sort3A_130[%rev3A_135] in [0] : vector<16xf32>, vector<16xi32> -> vector<16xf32>
        %rev3A_137 = arith.constant 15 : i32
        %rev3A_138 = vector.broadcast %rev3A_137 : i32 to vector<16xi32>
        %rev3A_139 = tpu.iota {dimensions = array<i32: 0>} : vector<16xi32>
        %rev3A_140 = arith.subi %rev3A_138, %rev3A_139 : vector<16xi32>
        %rev3A_141 = tpu.dynamic_gather %masked_sort3A_131[%rev3A_140] in [0] : vector<16xi32>, vector<16xi32> -> vector<16xi32>
        %gt3A_142 = arith.cmpf ogt, %rev3A_136, %masked_sort3A_118 : vector<16xf32>
        %select_n3A_143 = arith.select %gt3A_142, %rev3A_136, %masked_sort3A_118 : vector<16xi1>, vector<16xf32>
        %select_n3A_144 = arith.select %gt3A_142, %rev3A_141, %masked_sort3A_119 : vector<16xi1>, vector<16xi32>
        %masked_sort3A_145 = arith.constant dense<true> : vector<16xi1>
        %masked_sort3A_146, %masked_sort3A_147, %masked_sort3A_148 = tpu.sort %select_n3A_143, %select_n3A_144 masked %masked_sort3A_145 : (vector<16xf32>, vector<16xi32>, vector<16xi1>) -> (vector<16xi1>, vector<16xf32>, vector<16xi32>)
        %rev3A_149 = arith.constant 15 : i32
        %rev3A_150 = vector.broadcast %rev3A_149 : i32 to vector<16xi32>
        %rev3A_151 = tpu.iota {dimensions = array<i32: 0>} : vector<16xi32>
        %rev3A_152 = arith.subi %rev3A_150, %rev3A_151 : vector<16xi32>
        %rev3A_153 = tpu.dynamic_gather %masked_sort3A_147[%rev3A_152] in [0] : vector<16xf32>, vector<16xi32> -> vector<16xf32>
        %rev3A_154 = arith.constant 15 : i32
        %rev3A_155 = vector.broadcast %rev3A_154 : i32 to vector<16xi32>
        %rev3A_156 = tpu.iota {dimensions = array<i32: 0>} : vector<16xi32>
        %rev3A_157 = arith.subi %rev3A_155, %rev3A_156 : vector<16xi32>
        %rev3A_158 = tpu.dynamic_gather %masked_sort3A_148[%rev3A_157] in [0] : vector<16xi32>, vector<16xi32> -> vector<16xi32>
        %gt3A_159 = arith.cmpf ogt, %rev3A_153, %masked_sort3A_106 : vector<16xf32>
        %select_n3A_160 = arith.select %gt3A_159, %rev3A_153, %masked_sort3A_106 : vector<16xi1>, vector<16xf32>
        %select_n3A_161 = arith.select %gt3A_159, %rev3A_158, %masked_sort3A_107 : vector<16xi1>, vector<16xi32>
        %masked_sort3A_162 = arith.constant dense<true> : vector<16xi1>
        %masked_sort3A_163, %masked_sort3A_164, %masked_sort3A_165 = tpu.sort %select_n3A_160, %select_n3A_161 masked %masked_sort3A_162 : (vector<16xf32>, vector<16xi32>, vector<16xi1>) -> (vector<16xi1>, vector<16xf32>, vector<16xi32>)
        %get3A_166 = arith.constant 0 : i32
        %get3A_167 = arith.index_cast %get3A_166 : i32 to index
        %get3A_168 = arith.constant 64 : index
        %get3A_169 = tpu.vector_load %arg5[%get3A_167, %get3A_168] {strides = array<i32>} : memref<2x1024xf32, #tpu.memory_space<vmem>>, vector<16xf32>,
        %abs3A_170 = math.absf %get3A_169 : vector<16xf32>
        %add3A_171 = arith.constant 64 : i32
        %add3A_172 = vector.broadcast %add3A_171 : i32 to vector<16xi32>
        %add3A_173 = arith.addi %iota3A, %add3A_172 : vector<16xi32>
        %masked_sort3A_174 = arith.constant dense<true> : vector<16xi1>
        %masked_sort3A_175, %masked_sort3A_176, %masked_sort3A_177 = tpu.sort %abs3A_170, %add3A_173 masked %masked_sort3A_174 : (vector<16xf32>, vector<16xi32>, vector<16xi1>) -> (vector<16xi1>, vector<16xf32>, vector<16xi32>)
        %get3A_178 = arith.constant 0 : i32
        %get3A_179 = arith.index_cast %get3A_178 : i32 to index
        %get3A_180 = arith.constant 80 : index
        %get3A_181 = tpu.vector_load %arg5[%get3A_179, %get3A_180] {strides = array<i32>} : memref<2x1024xf32, #tpu.memory_space<vmem>>, vector<16xf32>,
        %abs3A_182 = math.absf %get3A_181 : vector<16xf32>
        %add3A_183 = arith.constant 80 : i32
        %add3A_184 = vector.broadcast %add3A_183 : i32 to vector<16xi32>
        %add3A_185 = arith.addi %iota3A, %add3A_184 : vector<16xi32>
        %masked_sort3A_186 = arith.constant dense<true> : vector<16xi1>
        %masked_sort3A_187, %masked_sort3A_188, %masked_sort3A_189 = tpu.sort %abs3A_182, %add3A_185 masked %masked_sort3A_186 : (vector<16xf32>, vector<16xi32>, vector<16xi1>) -> (vector<16xi1>, vector<16xf32>, vector<16xi32>)
        %rev3A_190 = arith.constant 15 : i32
        %rev3A_191 = vector.broadcast %rev3A_190 : i32 to vector<16xi32>
        %rev3A_192 = tpu.iota {dimensions = array<i32: 0>} : vector<16xi32>
        %rev3A_193 = arith.subi %rev3A_191, %rev3A_192 : vector<16xi32>
        %rev3A_194 = tpu.dynamic_gather %masked_sort3A_188[%rev3A_193] in [0] : vector<16xf32>, vector<16xi32> -> vector<16xf32>
        %rev3A_195 = arith.constant 15 : i32
        %rev3A_196 = vector.broadcast %rev3A_195 : i32 to vector<16xi32>
        %rev3A_197 = tpu.iota {dimensions = array<i32: 0>} : vector<16xi32>
        %rev3A_198 = arith.subi %rev3A_196, %rev3A_197 : vector<16xi32>
        %rev3A_199 = tpu.dynamic_gather %masked_sort3A_189[%rev3A_198] in [0] : vector<16xi32>, vector<16xi32> -> vector<16xi32>
        %gt3A_200 = arith.cmpf ogt, %rev3A_194, %masked_sort3A_176 : vector<16xf32>
        %select_n3A_201 = arith.select %gt3A_200, %rev3A_194, %masked_sort3A_176 : vector<16xi1>, vector<16xf32>
        %select_n3A_202 = arith.select %gt3A_200, %rev3A_199, %masked_sort3A_177 : vector<16xi1>, vector<16xi32>
        %masked_sort3A_203 = arith.constant dense<true> : vector<16xi1>
        %masked_sort3A_204, %masked_sort3A_205, %masked_sort3A_206 = tpu.sort %select_n3A_201, %select_n3A_202 masked %masked_sort3A_203 : (vector<16xf32>, vector<16xi32>, vector<16xi1>) -> (vector<16xi1>, vector<16xf32>, vector<16xi32>)
        %get3A_207 = arith.constant 0 : i32
        %get3A_208 = arith.index_cast %get3A_207 : i32 to index
        %get3A_209 = arith.constant 96 : index
        %get3A_210 = tpu.vector_load %arg5[%get3A_208, %get3A_209] {strides = array<i32>} : memref<2x1024xf32, #tpu.memory_space<vmem>>, vector<16xf32>,
        %abs3A_211 = math.absf %get3A_210 : vector<16xf32>
        %add3A_212 = arith.constant 96 : i32
        %add3A_213 = vector.broadcast %add3A_212 : i32 to vector<16xi32>
        %add3A_214 = arith.addi %iota3A, %add3A_213 : vector<16xi32>
        %masked_sort3A_215 = arith.constant dense<true> : vector<16xi1>
        %masked_sort3A_216, %masked_sort3A_217, %masked_sort3A_218 = tpu.sort %abs3A_211, %add3A_214 masked %masked_sort3A_215 : (vector<16xf32>, vector<16xi32>, vector<16xi1>) -> (vector<16xi1>, vector<16xf32>, vector<16xi32>)
        %get3A_219 = arith.constant 0 : i32
        %get3A_220 = arith.index_cast %get3A_219 : i32 to index
        %get3A_221 = arith.constant 112 : index
        %get3A_222 = tpu.vector_load %arg5[%get3A_220, %get3A_221] {strides = array<i32>} : memref<2x1024xf32, #tpu.memory_space<vmem>>, vector<16xf32>,
        %abs3A_223 = math.absf %get3A_222 : vector<16xf32>
        %add3A_224 = arith.constant 112 : i32
        %add3A_225 = vector.broadcast %add3A_224 : i32 to vector<16xi32>
        %add3A_226 = arith.addi %iota3A, %add3A_225 : vector<16xi32>
        %masked_sort3A_227 = arith.constant dense<true> : vector<16xi1>
        %masked_sort3A_228, %masked_sort3A_229, %masked_sort3A_230 = tpu.sort %abs3A_223, %add3A_226 masked %masked_sort3A_227 : (vector<16xf32>, vector<16xi32>, vector<16xi1>) -> (vector<16xi1>, vector<16xf32>, vector<16xi32>)
        %rev3A_231 = arith.constant 15 : i32
        %rev3A_232 = vector.broadcast %rev3A_231 : i32 to vector<16xi32>
        %rev3A_233 = tpu.iota {dimensions = array<i32: 0>} : vector<16xi32>
        %rev3A_234 = arith.subi %rev3A_232, %rev3A_233 : vector<16xi32>
        %rev3A_235 = tpu.dynamic_gather %masked_sort3A_229[%rev3A_234] in [0] : vector<16xf32>, vector<16xi32> -> vector<16xf32>
        %rev3A_236 = arith.constant 15 : i32
        %rev3A_237 = vector.broadcast %rev3A_236 : i32 to vector<16xi32>
        %rev3A_238 = tpu.iota {dimensions = array<i32: 0>} : vector<16xi32>
        %rev3A_239 = arith.subi %rev3A_237, %rev3A_238 : vector<16xi32>
        %rev3A_240 = tpu.dynamic_gather %masked_sort3A_230[%rev3A_239] in [0] : vector<16xi32>, vector<16xi32> -> vector<16xi32>
        %gt3A_241 = arith.cmpf ogt, %rev3A_235, %masked_sort3A_217 : vector<16xf32>
        %select_n3A_242 = arith.select %gt3A_241, %rev3A_235, %masked_sort3A_217 : vector<16xi1>, vector<16xf32>
        %select_n3A_243 = arith.select %gt3A_241, %rev3A_240, %masked_sort3A_218 : vector<16xi1>, vector<16xi32>
        %masked_sort3A_244 = arith.constant dense<true> : vector<16xi1>
        %masked_sort3A_245, %masked_sort3A_246, %masked_sort3A_247 = tpu.sort %select_n3A_242, %select_n3A_243 masked %masked_sort3A_244 : (vector<16xf32>, vector<16xi32>, vector<16xi1>) -> (vector<16xi1>, vector<16xf32>, vector<16xi32>)
        %rev3A_248 = arith.constant 15 : i32
        %rev3A_249 = vector.broadcast %rev3A_248 : i32 to vector<16xi32>
        %rev3A_250 = tpu.iota {dimensions = array<i32: 0>} : vector<16xi32>
        %rev3A_251 = arith.subi %rev3A_249, %rev3A_250 : vector<16xi32>
        %rev3A_252 = tpu.dynamic_gather %masked_sort3A_246[%rev3A_251] in [0] : vector<16xf32>, vector<16xi32> -> vector<16xf32>
        %rev3A_253 = arith.constant 15 : i32
        %rev3A_254 = vector.broadcast %rev3A_253 : i32 to vector<16xi32>
        %rev3A_255 = tpu.iota {dimensions = array<i32: 0>} : vector<16xi32>
        %rev3A_256 = arith.subi %rev3A_254, %rev3A_255 : vector<16xi32>
        %rev3A_257 = tpu.dynamic_gather %masked_sort3A_247[%rev3A_256] in [0] : vector<16xi32>, vector<16xi32> -> vector<16xi32>
        %gt3A_258 = arith.cmpf ogt, %rev3A_252, %masked_sort3A_205 : vector<16xf32>
        %select_n3A_259 = arith.select %gt3A_258, %rev3A_252, %masked_sort3A_205 : vector<16xi1>, vector<16xf32>
        %select_n3A_260 = arith.select %gt3A_258, %rev3A_257, %masked_sort3A_206 : vector<16xi1>, vector<16xi32>
        %masked_sort3A_261 = arith.constant dense<true> : vector<16xi1>
        %masked_sort3A_262, %masked_sort3A_263, %masked_sort3A_264 = tpu.sort %select_n3A_259, %select_n3A_260 masked %masked_sort3A_261 : (vector<16xf32>, vector<16xi32>, vector<16xi1>) -> (vector<16xi1>, vector<16xf32>, vector<16xi32>)
        %rev3A_265 = arith.constant 15 : i32
        %rev3A_266 = vector.broadcast %rev3A_265 : i32 to vector<16xi32>
        %rev3A_267 = tpu.iota {dimensions = array<i32: 0>} : vector<16xi32>
        %rev3A_268 = arith.subi %rev3A_266, %rev3A_267 : vector<16xi32>
        %rev3A_269 = tpu.dynamic_gather %masked_sort3A_263[%rev3A_268] in [0] : vector<16xf32>, vector<16xi32> -> vector<16xf32>
        %rev3A_270 = arith.constant 15 : i32
        %rev3A_271 = vector.broadcast %rev3A_270 : i32 to vector<16xi32>
        %rev3A_272 = tpu.iota {dimensions = array<i32: 0>} : vector<16xi32>
        %rev3A_273 = arith.subi %rev3A_271, %rev3A_272 : vector<16xi32>
        %rev3A_274 = tpu.dynamic_gather %masked_sort3A_264[%rev3A_273] in [0] : vector<16xi32>, vector<16xi32> -> vector<16xi32>
        %gt3A_275 = arith.cmpf ogt, %rev3A_269, %masked_sort3A_164 : vector<16xf32>
        %select_n3A_276 = arith.select %gt3A_275, %rev3A_269, %masked_sort3A_164 : vector<16xi1>, vector<16xf32>
        %select_n3A_277 = arith.select %gt3A_275, %rev3A_274, %masked_sort3A_165 : vector<16xi1>, vector<16xi32>
        %masked_sort3A_278 = arith.constant dense<true> : vector<16xi1>
        %masked_sort3A_279, %masked_sort3A_280, %masked_sort3A_281 = tpu.sort %select_n3A_276, %select_n3A_277 masked %masked_sort3A_278 : (vector<16xf32>, vector<16xi32>, vector<16xi1>) -> (vector<16xi1>, vector<16xf32>, vector<16xi32>)
        %get3A_282 = arith.constant 0 : i32
        %get3A_283 = arith.index_cast %get3A_282 : i32 to index
        %get3A_284 = arith.constant 128 : index
        %get3A_285 = tpu.vector_load %arg5[%get3A_283, %get3A_284] {strides = array<i32>} : memref<2x1024xf32, #tpu.memory_space<vmem>>, vector<16xf32>,
        %abs3A_286 = math.absf %get3A_285 : vector<16xf32>
        %add3A_287 = arith.constant 128 : i32
        %add3A_288 = vector.broadcast %add3A_287 : i32 to vector<16xi32>
        %add3A_289 = arith.addi %iota3A, %add3A_288 : vector<16xi32>
        %masked_sort3A_290 = arith.constant dense<true> : vector<16xi1>
        %masked_sort3A_291, %masked_sort3A_292, %masked_sort3A_293 = tpu.sort %abs3A_286, %add3A_289 masked %masked_sort3A_290 : (vector<16xf32>, vector<16xi32>, vector<16xi1>) -> (vector<16xi1>, vector<16xf32>, vector<16xi32>)
        %get3A_294 = arith.constant 0 : i32
        %get3A_295 = arith.index_cast %get3A_294 : i32 to index
        %get3A_296 = arith.constant 144 : index
        %get3A_297 = tpu.vector_load %arg5[%get3A_295, %get3A_296] {strides = array<i32>} : memref<2x1024xf32, #tpu.memory_space<vmem>>, vector<16xf32>,
        %abs3A_298 = math.absf %get3A_297 : vector<16xf32>
        %add3A_299 = arith.constant 144 : i32
        %add3A_300 = vector.broadcast %add3A_299 : i32 to vector<16xi32>
        %add3A_301 = arith.addi %iota3A, %add3A_300 : vector<16xi32>
        %masked_sort3A_302 = arith.constant dense<true> : vector<16xi1>
        %masked_sort3A_303, %masked_sort3A_304, %masked_sort3A_305 = tpu.sort %abs3A_298, %add3A_301 masked %masked_sort3A_302 : (vector<16xf32>, vector<16xi32>, vector<16xi1>) -> (vector<16xi1>, vector<16xf32>, vector<16xi32>)
        %rev3A_306 = arith.constant 15 : i32
        %rev3A_307 = vector.broadcast %rev3A_306 : i32 to vector<16xi32>
        %rev3A_308 = tpu.iota {dimensions = array<i32: 0>} : vector<16xi32>
        %rev3A_309 = arith.subi %rev3A_307, %rev3A_308 : vector<16xi32>
        %rev3A_310 = tpu.dynamic_gather %masked_sort3A_304[%rev3A_309] in [0] : vector<16xf32>, vector<16xi32> -> vector<16xf32>
        %rev3A_311 = arith.constant 15 : i32
        %rev3A_312 = vector.broadcast %rev3A_311 : i32 to vector<16xi32>
        %rev3A_313 = tpu.iota {dimensions = array<i32: 0>} : vector<16xi32>
        %rev3A_314 = arith.subi %rev3A_312, %rev3A_313 : vector<16xi32>
        %rev3A_315 = tpu.dynamic_gather %masked_sort3A_305[%rev3A_314] in [0] : vector<16xi32>, vector<16xi32> -> vector<16xi32>
        %gt3A_316 = arith.cmpf ogt, %rev3A_310, %masked_sort3A_292 : vector<16xf32>
        %select_n3A_317 = arith.select %gt3A_316, %rev3A_310, %masked_sort3A_292 : vector<16xi1>, vector<16xf32>
        %select_n3A_318 = arith.select %gt3A_316, %rev3A_315, %masked_sort3A_293 : vector<16xi1>, vector<16xi32>
        %masked_sort3A_319 = arith.constant dense<true> : vector<16xi1>
        %masked_sort3A_320, %masked_sort3A_321, %masked_sort3A_322 = tpu.sort %select_n3A_317, %select_n3A_318 masked %masked_sort3A_319 : (vector<16xf32>, vector<16xi32>, vector<16xi1>) -> (vector<16xi1>, vector<16xf32>, vector<16xi32>)
        %get3A_323 = arith.constant 0 : i32
        %get3A_324 = arith.index_cast %get3A_323 : i32 to index
        %get3A_325 = arith.constant 160 : index
        %get3A_326 = tpu.vector_load %arg5[%get3A_324, %get3A_325] {strides = array<i32>} : memref<2x1024xf32, #tpu.memory_space<vmem>>, vector<16xf32>,
        %abs3A_327 = math.absf %get3A_326 : vector<16xf32>
        %add3A_328 = arith.constant 160 : i32
        %add3A_329 = vector.broadcast %add3A_328 : i32 to vector<16xi32>
        %add3A_330 = arith.addi %iota3A, %add3A_329 : vector<16xi32>
        %masked_sort3A_331 = arith.constant dense<true> : vector<16xi1>
        %masked_sort3A_332, %masked_sort3A_333, %masked_sort3A_334 = tpu.sort %abs3A_327, %add3A_330 masked %masked_sort3A_331 : (vector<16xf32>, vector<16xi32>, vector<16xi1>) -> (vector<16xi1>, vector<16xf32>, vector<16xi32>)
        %get3A_335 = arith.constant 0 : i32
        %get3A_336 = arith.index_cast %get3A_335 : i32 to index
        %get3A_337 = arith.constant 176 : index
        %get3A_338 = tpu.vector_load %arg5[%get3A_336, %get3A_337] {strides = array<i32>} : memref<2x1024xf32, #tpu.memory_space<vmem>>, vector<16xf32>,
        %abs3A_339 = math.absf %get3A_338 : vector<16xf32>
        %add3A_340 = arith.constant 176 : i32
        %add3A_341 = vector.broadcast %add3A_340 : i32 to vector<16xi32>
        %add3A_342 = arith.addi %iota3A, %add3A_341 : vector<16xi32>
        %masked_sort3A_343 = arith.constant dense<true> : vector<16xi1>
        %masked_sort3A_344, %masked_sort3A_345, %masked_sort3A_346 = tpu.sort %abs3A_339, %add3A_342 masked %masked_sort3A_343 : (vector<16xf32>, vector<16xi32>, vector<16xi1>) -> (vector<16xi1>, vector<16xf32>, vector<16xi32>)
        %rev3A_347 = arith.constant 15 : i32
        %rev3A_348 = vector.broadcast %rev3A_347 : i32 to vector<16xi32>
        %rev3A_349 = tpu.iota {dimensions = array<i32: 0>} : vector<16xi32>
        %rev3A_350 = arith.subi %rev3A_348, %rev3A_349 : vector<16xi32>
        %rev3A_351 = tpu.dynamic_gather %masked_sort3A_345[%rev3A_350] in [0] : vector<16xf32>, vector<16xi32> -> vector<16xf32>
        %rev3A_352 = arith.constant 15 : i32
        %rev3A_353 = vector.broadcast %rev3A_352 : i32 to vector<16xi32>
        %rev3A_354 = tpu.iota {dimensions = array<i32: 0>} : vector<16xi32>
        %rev3A_355 = arith.subi %rev3A_353, %rev3A_354 : vector<16xi32>
        %rev3A_356 = tpu.dynamic_gather %masked_sort3A_346[%rev3A_355] in [0] : vector<16xi32>, vector<16xi32> -> vector<16xi32>
        %gt3A_357 = arith.cmpf ogt, %rev3A_351, %masked_sort3A_333 : vector<16xf32>
        %select_n3A_358 = arith.select %gt3A_357, %rev3A_351, %masked_sort3A_333 : vector<16xi1>, vector<16xf32>
        %select_n3A_359 = arith.select %gt3A_357, %rev3A_356, %masked_sort3A_334 : vector<16xi1>, vector<16xi32>
        %masked_sort3A_360 = arith.constant dense<true> : vector<16xi1>
        %masked_sort3A_361, %masked_sort3A_362, %masked_sort3A_363 = tpu.sort %select_n3A_358, %select_n3A_359 masked %masked_sort3A_360 : (vector<16xf32>, vector<16xi32>, vector<16xi1>) -> (vector<16xi1>, vector<16xf32>, vector<16xi32>)
        %rev3A_364 = arith.constant 15 : i32
        %rev3A_365 = vector.broadcast %rev3A_364 : i32 to vector<16xi32>
        %rev3A_366 = tpu.iota {dimensions = array<i32: 0>} : vector<16xi32>
        %rev3A_367 = arith.subi %rev3A_365, %rev3A_366 : vector<16xi32>
        %rev3A_368 = tpu.dynamic_gather %masked_sort3A_362[%rev3A_367] in [0] : vector<16xf32>, vector<16xi32> -> vector<16xf32>
        %rev3A_369 = arith.constant 15 : i32
        %rev3A_370 = vector.broadcast %rev3A_369 : i32 to vector<16xi32>
        %rev3A_371 = tpu.iota {dimensions = array<i32: 0>} : vector<16xi32>
        %rev3A_372 = arith.subi %rev3A_370, %rev3A_371 : vector<16xi32>
        %rev3A_373 = tpu.dynamic_gather %masked_sort3A_363[%rev3A_372] in [0] : vector<16xi32>, vector<16xi32> -> vector<16xi32>
        %gt3A_374 = arith.cmpf ogt, %rev3A_368, %masked_sort3A_321 : vector<16xf32>
        %select_n3A_375 = arith.select %gt3A_374, %rev3A_368, %masked_sort3A_321 : vector<16xi1>, vector<16xf32>
        %select_n3A_376 = arith.select %gt3A_374, %rev3A_373, %masked_sort3A_322 : vector<16xi1>, vector<16xi32>
        %masked_sort3A_377 = arith.constant dense<true> : vector<16xi1>
        %masked_sort3A_378, %masked_sort3A_379, %masked_sort3A_380 = tpu.sort %select_n3A_375, %select_n3A_376 masked %masked_sort3A_377 : (vector<16xf32>, vector<16xi32>, vector<16xi1>) -> (vector<16xi1>, vector<16xf32>, vector<16xi32>)
        %get3A_381 = arith.constant 0 : i32
        %get3A_382 = arith.index_cast %get3A_381 : i32 to index
        %get3A_383 = arith.constant 192 : index
        %get3A_384 = tpu.vector_load %arg5[%get3A_382, %get3A_383] {strides = array<i32>} : memref<2x1024xf32, #tpu.memory_space<vmem>>, vector<16xf32>,
        %abs3A_385 = math.absf %get3A_384 : vector<16xf32>
        %add3A_386 = arith.constant 192 : i32
        %add3A_387 = vector.broadcast %add3A_386 : i32 to vector<16xi32>
        %add3A_388 = arith.addi %iota3A, %add3A_387 : vector<16xi32>
        %masked_sort3A_389 = arith.constant dense<true> : vector<16xi1>
        %masked_sort3A_390, %masked_sort3A_391, %masked_sort3A_392 = tpu.sort %abs3A_385, %add3A_388 masked %masked_sort3A_389 : (vector<16xf32>, vector<16xi32>, vector<16xi1>) -> (vector<16xi1>, vector<16xf32>, vector<16xi32>)
        %get3A_393 = arith.constant 0 : i32
        %get3A_394 = arith.index_cast %get3A_393 : i32 to index
        %get3A_395 = arith.constant 208 : index
        %get3A_396 = tpu.vector_load %arg5[%get3A_394, %get3A_395] {strides = array<i32>} : memref<2x1024xf32, #tpu.memory_space<vmem>>, vector<16xf32>,
        %abs3A_397 = math.absf %get3A_396 : vector<16xf32>
        %add3A_398 = arith.constant 208 : i32
        %add3A_399 = vector.broadcast %add3A_398 : i32 to vector<16xi32>
        %add3A_400 = arith.addi %iota3A, %add3A_399 : vector<16xi32>
        %masked_sort3A_401 = arith.constant dense<true> : vector<16xi1>
        %masked_sort3A_402, %masked_sort3A_403, %masked_sort3A_404 = tpu.sort %abs3A_397, %add3A_400 masked %masked_sort3A_401 : (vector<16xf32>, vector<16xi32>, vector<16xi1>) -> (vector<16xi1>, vector<16xf32>, vector<16xi32>)
        %rev3A_405 = arith.constant 15 : i32
        %rev3A_406 = vector.broadcast %rev3A_405 : i32 to vector<16xi32>
        %rev3A_407 = tpu.iota {dimensions = array<i32: 0>} : vector<16xi32>
        %rev3A_408 = arith.subi %rev3A_406, %rev3A_407 : vector<16xi32>
        %rev3A_409 = tpu.dynamic_gather %masked_sort3A_403[%rev3A_408] in [0] : vector<16xf32>, vector<16xi32> -> vector<16xf32>
        %rev3A_410 = arith.constant 15 : i32
        %rev3A_411 = vector.broadcast %rev3A_410 : i32 to vector<16xi32>
        %rev3A_412 = tpu.iota {dimensions = array<i32: 0>} : vector<16xi32>
        %rev3A_413 = arith.subi %rev3A_411, %rev3A_412 : vector<16xi32>
        %rev3A_414 = tpu.dynamic_gather %masked_sort3A_404[%rev3A_413] in [0] : vector<16xi32>, vector<16xi32> -> vector<16xi32>
        %gt3A_415 = arith.cmpf ogt, %rev3A_409, %masked_sort3A_391 : vector<16xf32>
        %select_n3A_416 = arith.select %gt3A_415, %rev3A_409, %masked_sort3A_391 : vector<16xi1>, vector<16xf32>
        %select_n3A_417 = arith.select %gt3A_415, %rev3A_414, %masked_sort3A_392 : vector<16xi1>, vector<16xi32>
        %masked_sort3A_418 = arith.constant dense<true> : vector<16xi1>
        %masked_sort3A_419, %masked_sort3A_420, %masked_sort3A_421 = tpu.sort %select_n3A_416, %select_n3A_417 masked %masked_sort3A_418 : (vector<16xf32>, vector<16xi32>, vector<16xi1>) -> (vector<16xi1>, vector<16xf32>, vector<16xi32>)
        %get3A_422 = arith.constant 0 : i32
        %get3A_423 = arith.index_cast %get3A_422 : i32 to index
        %get3A_424 = arith.constant 224 : index
        %get3A_425 = tpu.vector_load %arg5[%get3A_423, %get3A_424] {strides = array<i32>} : memref<2x1024xf32, #tpu.memory_space<vmem>>, vector<16xf32>,
        %abs3A_426 = math.absf %get3A_425 : vector<16xf32>
        %add3A_427 = arith.constant 224 : i32
        %add3A_428 = vector.broadcast %add3A_427 : i32 to vector<16xi32>
        %add3A_429 = arith.addi %iota3A, %add3A_428 : vector<16xi32>
        %masked_sort3A_430 = arith.constant dense<true> : vector<16xi1>
        %masked_sort3A_431, %masked_sort3A_432, %masked_sort3A_433 = tpu.sort %abs3A_426, %add3A_429 masked %masked_sort3A_430 : (vector<16xf32>, vector<16xi32>, vector<16xi1>) -> (vector<16xi1>, vector<16xf32>, vector<16xi32>)
        %get3A_434 = arith.constant 0 : i32
        %get3A_435 = arith.index_cast %get3A_434 : i32 to index
        %get3A_436 = arith.constant 240 : index
        %get3A_437 = tpu.vector_load %arg5[%get3A_435, %get3A_436] {strides = array<i32>} : memref<2x1024xf32, #tpu.memory_space<vmem>>, vector<16xf32>,
        %abs3A_438 = math.absf %get3A_437 : vector<16xf32>
        %add3A_439 = arith.constant 240 : i32
        %add3A_440 = vector.broadcast %add3A_439 : i32 to vector<16xi32>
        %add3A_441 = arith.addi %iota3A, %add3A_440 : vector<16xi32>
        %masked_sort3A_442 = arith.constant dense<true> : vector<16xi1>
        %masked_sort3A_443, %masked_sort3A_444, %masked_sort3A_445 = tpu.sort %abs3A_438, %add3A_441 masked %masked_sort3A_442 : (vector<16xf32>, vector<16xi32>, vector<16xi1>) -> (vector<16xi1>, vector<16xf32>, vector<16xi32>)
        %rev3A_446 = arith.constant 15 : i32
        %rev3A_447 = vector.broadcast %rev3A_446 : i32 to vector<16xi32>
        %rev3A_448 = tpu.iota {dimensions = array<i32: 0>} : vector<16xi32>
        %rev3A_449 = arith.subi %rev3A_447, %rev3A_448 : vector<16xi32>
        %rev3A_450 = tpu.dynamic_gather %masked_sort3A_444[%rev3A_449] in [0] : vector<16xf32>, vector<16xi32> -> vector<16xf32>
        %rev3A_451 = arith.constant 15 : i32
        %rev3A_452 = vector.broadcast %rev3A_451 : i32 to vector<16xi32>
        %rev3A_453 = tpu.iota {dimensions = array<i32: 0>} : vector<16xi32>
        %rev3A_454 = arith.subi %rev3A_452, %rev3A_453 : vector<16xi32>
        %rev3A_455 = tpu.dynamic_gather %masked_sort3A_445[%rev3A_454] in [0] : vector<16xi32>, vector<16xi32> -> vector<16xi32>
        %gt3A_456 = arith.cmpf ogt, %rev3A_450, %masked_sort3A_432 : vector<16xf32>
        %select_n3A_457 = arith.select %gt3A_456, %rev3A_450, %masked_sort3A_432 : vector<16xi1>, vector<16xf32>
        %select_n3A_458 = arith.select %gt3A_456, %rev3A_455, %masked_sort3A_433 : vector<16xi1>, vector<16xi32>
        %masked_sort3A_459 = arith.constant dense<true> : vector<16xi1>
        %masked_sort3A_460, %masked_sort3A_461, %masked_sort3A_462 = tpu.sort %select_n3A_457, %select_n3A_458 masked %masked_sort3A_459 : (vector<16xf32>, vector<16xi32>, vector<16xi1>) -> (vector<16xi1>, vector<16xf32>, vector<16xi32>)
        %rev3A_463 = arith.constant 15 : i32
        %rev3A_464 = vector.broadcast %rev3A_463 : i32 to vector<16xi32>
        %rev3A_465 = tpu.iota {dimensions = array<i32: 0>} : vector<16xi32>
        %rev3A_466 = arith.subi %rev3A_464, %rev3A_465 : vector<16xi32>
        %rev3A_467 = tpu.dynamic_gather %masked_sort3A_461[%rev3A_466] in [0] : vector<16xf32>, vector<16xi32> -> vector<16xf32>
        %rev3A_468 = arith.constant 15 : i32
        %rev3A_469 = vector.broadcast %rev3A_468 : i32 to vector<16xi32>
        %rev3A_470 = tpu.iota {dimensions = array<i32: 0>} : vector<16xi32>
        %rev3A_471 = arith.subi %rev3A_469, %rev3A_470 : vector<16xi32>
        %rev3A_472 = tpu.dynamic_gather %masked_sort3A_462[%rev3A_471] in [0] : vector<16xi32>, vector<16xi32> -> vector<16xi32>
        %gt3A_473 = arith.cmpf ogt, %rev3A_467, %masked_sort3A_420 : vector<16xf32>
        %select_n3A_474 = arith.select %gt3A_473, %rev3A_467, %masked_sort3A_420 : vector<16xi1>, vector<16xf32>
        %select_n3A_475 = arith.select %gt3A_473, %rev3A_472, %masked_sort3A_421 : vector<16xi1>, vector<16xi32>
        %masked_sort3A_476 = arith.constant dense<true> : vector<16xi1>
        %masked_sort3A_477, %masked_sort3A_478, %masked_sort3A_479 = tpu.sort %select_n3A_474, %select_n3A_475 masked %masked_sort3A_476 : (vector<16xf32>, vector<16xi32>, vector<16xi1>) -> (vector<16xi1>, vector<16xf32>, vector<16xi32>)
        %rev3A_480 = arith.constant 15 : i32
        %rev3A_481 = vector.broadcast %rev3A_480 : i32 to vector<16xi32>
        %rev3A_482 = tpu.iota {dimensions = array<i32: 0>} : vector<16xi32>
        %rev3A_483 = arith.subi %rev3A_481, %rev3A_482 : vector<16xi32>
        %rev3A_484 = tpu.dynamic_gather %masked_sort3A_478[%rev3A_483] in [0] : vector<16xf32>, vector<16xi32> -> vector<16xf32>
        %rev3A_485 = arith.constant 15 : i32
        %rev3A_486 = vector.broadcast %rev3A_485 : i32 to vector<16xi32>
        %rev3A_487 = tpu.iota {dimensions = array<i32: 0>} : vector<16xi32>
        %rev3A_488 = arith.subi %rev3A_486, %rev3A_487 : vector<16xi32>
        %rev3A_489 = tpu.dynamic_gather %masked_sort3A_479[%rev3A_488] in [0] : vector<16xi32>, vector<16xi32> -> vector<16xi32>
        %gt3A_490 = arith.cmpf ogt, %rev3A_484, %masked_sort3A_379 : vector<16xf32>
        %select_n3A_491 = arith.select %gt3A_490, %rev3A_484, %masked_sort3A_379 : vector<16xi1>, vector<16xf32>
        %select_n3A_492 = arith.select %gt3A_490, %rev3A_489, %masked_sort3A_380 : vector<16xi1>, vector<16xi32>
        %masked_sort3A_493 = arith.constant dense<true> : vector<16xi1>
        %masked_sort3A_494, %masked_sort3A_495, %masked_sort3A_496 = tpu.sort %select_n3A_491, %select_n3A_492 masked %masked_sort3A_493 : (vector<16xf32>, vector<16xi32>, vector<16xi1>) -> (vector<16xi1>, vector<16xf32>, vector<16xi32>)
        %rev3A_497 = arith.constant 15 : i32
        %rev3A_498 = vector.broadcast %rev3A_497 : i32 to vector<16xi32>
        %rev3A_499 = tpu.iota {dimensions = array<i32: 0>} : vector<16xi32>
        %rev3A_500 = arith.subi %rev3A_498, %rev3A_499 : vector<16xi32>
        %rev3A_501 = tpu.dynamic_gather %masked_sort3A_495[%rev3A_500] in [0] : vector<16xf32>, vector<16xi32> -> vector<16xf32>
        %rev3A_502 = arith.constant 15 : i32
        %rev3A_503 = vector.broadcast %rev3A_502 : i32 to vector<16xi32>
        %rev3A_504 = tpu.iota {dimensions = array<i32: 0>} : vector<16xi32>
        %rev3A_505 = arith.subi %rev3A_503, %rev3A_504 : vector<16xi32>
        %rev3A_506 = tpu.dynamic_gather %masked_sort3A_496[%rev3A_505] in [0] : vector<16xi32>, vector<16xi32> -> vector<16xi32>
        %gt3A_507 = arith.cmpf ogt, %rev3A_501, %masked_sort3A_280 : vector<16xf32>
        %select_n3A_508 = arith.select %gt3A_507, %rev3A_501, %masked_sort3A_280 : vector<16xi1>, vector<16xf32>
        %select_n3A_509 = arith.select %gt3A_507, %rev3A_506, %masked_sort3A_281 : vector<16xi1>, vector<16xi32>
        %masked_sort3A_510 = arith.constant dense<true> : vector<16xi1>
        %masked_sort3A_511, %masked_sort3A_512, %masked_sort3A_513 = tpu.sort %select_n3A_508, %select_n3A_509 masked %masked_sort3A_510 : (vector<16xf32>, vector<16xi32>, vector<16xi1>) -> (vector<16xi1>, vector<16xf32>, vector<16xi32>)
        %get3A_514 = arith.constant 0 : i32
        %get3A_515 = arith.index_cast %get3A_514 : i32 to index
        %get3A_516 = arith.constant 256 : index
        %get3A_517 = tpu.vector_load %arg5[%get3A_515, %get3A_516] {strides = array<i32>} : memref<2x1024xf32, #tpu.memory_space<vmem>>, vector<16xf32>,
        %abs3A_518 = math.absf %get3A_517 : vector<16xf32>
        %add3A_519 = arith.constant 256 : i32
        %add3A_520 = vector.broadcast %add3A_519 : i32 to vector<16xi32>
        %add3A_521 = arith.addi %iota3A, %add3A_520 : vector<16xi32>
        %masked_sort3A_522 = arith.constant dense<true> : vector<16xi1>
        %masked_sort3A_523, %masked_sort3A_524, %masked_sort3A_525 = tpu.sort %abs3A_518, %add3A_521 masked %masked_sort3A_522 : (vector<16xf32>, vector<16xi32>, vector<16xi1>) -> (vector<16xi1>, vector<16xf32>, vector<16xi32>)
        %get3A_526 = arith.constant 0 : i32
        %get3A_527 = arith.index_cast %get3A_526 : i32 to index
        %get3A_528 = arith.constant 272 : index
        %get3A_529 = tpu.vector_load %arg5[%get3A_527, %get3A_528] {strides = array<i32>} : memref<2x1024xf32, #tpu.memory_space<vmem>>, vector<16xf32>,
        %abs3A_530 = math.absf %get3A_529 : vector<16xf32>
        %add3A_531 = arith.constant 272 : i32
        %add3A_532 = vector.broadcast %add3A_531 : i32 to vector<16xi32>
        %add3A_533 = arith.addi %iota3A, %add3A_532 : vector<16xi32>
        %masked_sort3A_534 = arith.constant dense<true> : vector<16xi1>
        %masked_sort3A_535, %masked_sort3A_536, %masked_sort3A_537 = tpu.sort %abs3A_530, %add3A_533 masked %masked_sort3A_534 : (vector<16xf32>, vector<16xi32>, vector<16xi1>) -> (vector<16xi1>, vector<16xf32>, vector<16xi32>)
        %rev3A_538 = arith.constant 15 : i32
        %rev3A_539 = vector.broadcast %rev3A_538 : i32 to vector<16xi32>
        %rev3A_540 = tpu.iota {dimensions = array<i32: 0>} : vector<16xi32>
        %rev3A_541 = arith.subi %rev3A_539, %rev3A_540 : vector<16xi32>
        %rev3A_542 = tpu.dynamic_gather %masked_sort3A_536[%rev3A_541] in [0] : vector<16xf32>, vector<16xi32> -> vector<16xf32>
        %rev3A_543 = arith.constant 15 : i32
        %rev3A_544 = vector.broadcast %rev3A_543 : i32 to vector<16xi32>
        %rev3A_545 = tpu.iota {dimensions = array<i32: 0>} : vector<16xi32>
        %rev3A_546 = arith.subi %rev3A_544, %rev3A_545 : vector<16xi32>
        %rev3A_547 = tpu.dynamic_gather %masked_sort3A_537[%rev3A_546] in [0] : vector<16xi32>, vector<16xi32> -> vector<16xi32>
        %gt3A_548 = arith.cmpf ogt, %rev3A_542, %masked_sort3A_524 : vector<16xf32>
        %select_n3A_549 = arith.select %gt3A_548, %rev3A_542, %masked_sort3A_524 : vector<16xi1>, vector<16xf32>
        %select_n3A_550 = arith.select %gt3A_548, %rev3A_547, %masked_sort3A_525 : vector<16xi1>, vector<16xi32>
        %masked_sort3A_551 = arith.constant dense<true> : vector<16xi1>
        %masked_sort3A_552, %masked_sort3A_553, %masked_sort3A_554 = tpu.sort %select_n3A_549, %select_n3A_550 masked %masked_sort3A_551 : (vector<16xf32>, vector<16xi32>, vector<16xi1>) -> (vector<16xi1>, vector<16xf32>, vector<16xi32>)
        %get3A_555 = arith.constant 0 : i32
        %get3A_556 = arith.index_cast %get3A_555 : i32 to index
        %get3A_557 = arith.constant 288 : index
        %get3A_558 = tpu.vector_load %arg5[%get3A_556, %get3A_557] {strides = array<i32>} : memref<2x1024xf32, #tpu.memory_space<vmem>>, vector<16xf32>,
        %abs3A_559 = math.absf %get3A_558 : vector<16xf32>
        %add3A_560 = arith.constant 288 : i32
        %add3A_561 = vector.broadcast %add3A_560 : i32 to vector<16xi32>
        %add3A_562 = arith.addi %iota3A, %add3A_561 : vector<16xi32>
        %masked_sort3A_563 = arith.constant dense<true> : vector<16xi1>
        %masked_sort3A_564, %masked_sort3A_565, %masked_sort3A_566 = tpu.sort %abs3A_559, %add3A_562 masked %masked_sort3A_563 : (vector<16xf32>, vector<16xi32>, vector<16xi1>) -> (vector<16xi1>, vector<16xf32>, vector<16xi32>)
        %get3A_567 = arith.constant 0 : i32
        %get3A_568 = arith.index_cast %get3A_567 : i32 to index
        %get3A_569 = arith.constant 304 : index
        %get3A_570 = tpu.vector_load %arg5[%get3A_568, %get3A_569] {strides = array<i32>} : memref<2x1024xf32, #tpu.memory_space<vmem>>, vector<16xf32>,
        %abs3A_571 = math.absf %get3A_570 : vector<16xf32>
        %add3A_572 = arith.constant 304 : i32
        %add3A_573 = vector.broadcast %add3A_572 : i32 to vector<16xi32>
        %add3A_574 = arith.addi %iota3A, %add3A_573 : vector<16xi32>
        %masked_sort3A_575 = arith.constant dense<true> : vector<16xi1>
        %masked_sort3A_576, %masked_sort3A_577, %masked_sort3A_578 = tpu.sort %abs3A_571, %add3A_574 masked %masked_sort3A_575 : (vector<16xf32>, vector<16xi32>, vector<16xi1>) -> (vector<16xi1>, vector<16xf32>, vector<16xi32>)
        %rev3A_579 = arith.constant 15 : i32
        %rev3A_580 = vector.broadcast %rev3A_579 : i32 to vector<16xi32>
        %rev3A_581 = tpu.iota {dimensions = array<i32: 0>} : vector<16xi32>
        %rev3A_582 = arith.subi %rev3A_580, %rev3A_581 : vector<16xi32>
        %rev3A_583 = tpu.dynamic_gather %masked_sort3A_577[%rev3A_582] in [0] : vector<16xf32>, vector<16xi32> -> vector<16xf32>
        %rev3A_584 = arith.constant 15 : i32
        %rev3A_585 = vector.broadcast %rev3A_584 : i32 to vector<16xi32>
        %rev3A_586 = tpu.iota {dimensions = array<i32: 0>} : vector<16xi32>
        %rev3A_587 = arith.subi %rev3A_585, %rev3A_586 : vector<16xi32>
        %rev3A_588 = tpu.dynamic_gather %masked_sort3A_578[%rev3A_587] in [0] : vector<16xi32>, vector<16xi32> -> vector<16xi32>
        %gt3A_589 = arith.cmpf ogt, %rev3A_583, %masked_sort3A_565 : vector<16xf32>
        %select_n3A_590 = arith.select %gt3A_589, %rev3A_583, %masked_sort3A_565 : vector<16xi1>, vector<16xf32>
        %select_n3A_591 = arith.select %gt3A_589, %rev3A_588, %masked_sort3A_566 : vector<16xi1>, vector<16xi32>
        %masked_sort3A_592 = arith.constant dense<true> : vector<16xi1>
        %masked_sort3A_593, %masked_sort3A_594, %masked_sort3A_595 = tpu.sort %select_n3A_590, %select_n3A_591 masked %masked_sort3A_592 : (vector<16xf32>, vector<16xi32>, vector<16xi1>) -> (vector<16xi1>, vector<16xf32>, vector<16xi32>)
        %rev3A_596 = arith.constant 15 : i32
        %rev3A_597 = vector.broadcast %rev3A_596 : i32 to vector<16xi32>
        %rev3A_598 = tpu.iota {dimensions = array<i32: 0>} : vector<16xi32>
        %rev3A_599 = arith.subi %rev3A_597, %rev3A_598 : vector<16xi32>
        %rev3A_600 = tpu.dynamic_gather %masked_sort3A_594[%rev3A_599] in [0] : vector<16xf32>, vector<16xi32> -> vector<16xf32>
        %rev3A_601 = arith.constant 15 : i32
        %rev3A_602 = vector.broadcast %rev3A_601 : i32 to vector<16xi32>
        %rev3A_603 = tpu.iota {dimensions = array<i32: 0>} : vector<16xi32>
        %rev3A_604 = arith.subi %rev3A_602, %rev3A_603 : vector<16xi32>
        %rev3A_605 = tpu.dynamic_gather %masked_sort3A_595[%rev3A_604] in [0] : vector<16xi32>, vector<16xi32> -> vector<16xi32>
        %gt3A_606 = arith.cmpf ogt, %rev3A_600, %masked_sort3A_553 : vector<16xf32>
        %select_n3A_607 = arith.select %gt3A_606, %rev3A_600, %masked_sort3A_553 : vector<16xi1>, vector<16xf32>
        %select_n3A_608 = arith.select %gt3A_606, %rev3A_605, %masked_sort3A_554 : vector<16xi1>, vector<16xi32>
        %masked_sort3A_609 = arith.constant dense<true> : vector<16xi1>
        %masked_sort3A_610, %masked_sort3A_611, %masked_sort3A_612 = tpu.sort %select_n3A_607, %select_n3A_608 masked %masked_sort3A_609 : (vector<16xf32>, vector<16xi32>, vector<16xi1>) -> (vector<16xi1>, vector<16xf32>, vector<16xi32>)
        %get3A_613 = arith.constant 0 : i32
        %get3A_614 = arith.index_cast %get3A_613 : i32 to index
        %get3A_615 = arith.constant 320 : index
        %get3A_616 = tpu.vector_load %arg5[%get3A_614, %get3A_615] {strides = array<i32>} : memref<2x1024xf32, #tpu.memory_space<vmem>>, vector<16xf32>,
        %abs3A_617 = math.absf %get3A_616 : vector<16xf32>
        %add3A_618 = arith.constant 320 : i32
        %add3A_619 = vector.broadcast %add3A_618 : i32 to vector<16xi32>
        %add3A_620 = arith.addi %iota3A, %add3A_619 : vector<16xi32>
        %masked_sort3A_621 = arith.constant dense<true> : vector<16xi1>
        %masked_sort3A_622, %masked_sort3A_623, %masked_sort3A_624 = tpu.sort %abs3A_617, %add3A_620 masked %masked_sort3A_621 : (vector<16xf32>, vector<16xi32>, vector<16xi1>) -> (vector<16xi1>, vector<16xf32>, vector<16xi32>)
        %get3A_625 = arith.constant 0 : i32
        %get3A_626 = arith.index_cast %get3A_625 : i32 to index
        %get3A_627 = arith.constant 336 : index
        %get3A_628 = tpu.vector_load %arg5[%get3A_626, %get3A_627] {strides = array<i32>} : memref<2x1024xf32, #tpu.memory_space<vmem>>, vector<16xf32>,
        %abs3A_629 = math.absf %get3A_628 : vector<16xf32>
        %add3A_630 = arith.constant 336 : i32
        %add3A_631 = vector.broadcast %add3A_630 : i32 to vector<16xi32>
        %add3A_632 = arith.addi %iota3A, %add3A_631 : vector<16xi32>
        %masked_sort3A_633 = arith.constant dense<true> : vector<16xi1>
        %masked_sort3A_634, %masked_sort3A_635, %masked_sort3A_636 = tpu.sort %abs3A_629, %add3A_632 masked %masked_sort3A_633 : (vector<16xf32>, vector<16xi32>, vector<16xi1>) -> (vector<16xi1>, vector<16xf32>, vector<16xi32>)
        %rev3A_637 = arith.constant 15 : i32
        %rev3A_638 = vector.broadcast %rev3A_637 : i32 to vector<16xi32>
        %rev3A_639 = tpu.iota {dimensions = array<i32: 0>} : vector<16xi32>
        %rev3A_640 = arith.subi %rev3A_638, %rev3A_639 : vector<16xi32>
        %rev3A_641 = tpu.dynamic_gather %masked_sort3A_635[%rev3A_640] in [0] : vector<16xf32>, vector<16xi32> -> vector<16xf32>
        %rev3A_642 = arith.constant 15 : i32
        %rev3A_643 = vector.broadcast %rev3A_642 : i32 to vector<16xi32>
        %rev3A_644 = tpu.iota {dimensions = array<i32: 0>} : vector<16xi32>
        %rev3A_645 = arith.subi %rev3A_643, %rev3A_644 : vector<16xi32>
        %rev3A_646 = tpu.dynamic_gather %masked_sort3A_636[%rev3A_645] in [0] : vector<16xi32>, vector<16xi32> -> vector<16xi32>
        %gt3A_647 = arith.cmpf ogt, %rev3A_641, %masked_sort3A_623 : vector<16xf32>
        %select_n3A_648 = arith.select %gt3A_647, %rev3A_641, %masked_sort3A_623 : vector<16xi1>, vector<16xf32>
        %select_n3A_649 = arith.select %gt3A_647, %rev3A_646, %masked_sort3A_624 : vector<16xi1>, vector<16xi32>
        %masked_sort3A_650 = arith.constant dense<true> : vector<16xi1>
        %masked_sort3A_651, %masked_sort3A_652, %masked_sort3A_653 = tpu.sort %select_n3A_648, %select_n3A_649 masked %masked_sort3A_650 : (vector<16xf32>, vector<16xi32>, vector<16xi1>) -> (vector<16xi1>, vector<16xf32>, vector<16xi32>)
        %get3A_654 = arith.constant 0 : i32
        %get3A_655 = arith.index_cast %get3A_654 : i32 to index
        %get3A_656 = arith.constant 352 : index
        %get3A_657 = tpu.vector_load %arg5[%get3A_655, %get3A_656] {strides = array<i32>} : memref<2x1024xf32, #tpu.memory_space<vmem>>, vector<16xf32>,
        %abs3A_658 = math.absf %get3A_657 : vector<16xf32>
        %add3A_659 = arith.constant 352 : i32
        %add3A_660 = vector.broadcast %add3A_659 : i32 to vector<16xi32>
        %add3A_661 = arith.addi %iota3A, %add3A_660 : vector<16xi32>
        %masked_sort3A_662 = arith.constant dense<true> : vector<16xi1>
        %masked_sort3A_663, %masked_sort3A_664, %masked_sort3A_665 = tpu.sort %abs3A_658, %add3A_661 masked %masked_sort3A_662 : (vector<16xf32>, vector<16xi32>, vector<16xi1>) -> (vector<16xi1>, vector<16xf32>, vector<16xi32>)
        %get3A_666 = arith.constant 0 : i32
        %get3A_667 = arith.index_cast %get3A_666 : i32 to index
        %get3A_668 = arith.constant 368 : index
        %get3A_669 = tpu.vector_load %arg5[%get3A_667, %get3A_668] {strides = array<i32>} : memref<2x1024xf32, #tpu.memory_space<vmem>>, vector<16xf32>,
        %abs3A_670 = math.absf %get3A_669 : vector<16xf32>
        %add3A_671 = arith.constant 368 : i32
        %add3A_672 = vector.broadcast %add3A_671 : i32 to vector<16xi32>
        %add3A_673 = arith.addi %iota3A, %add3A_672 : vector<16xi32>
        %masked_sort3A_674 = arith.constant dense<true> : vector<16xi1>
        %masked_sort3A_675, %masked_sort3A_676, %masked_sort3A_677 = tpu.sort %abs3A_670, %add3A_673 masked %masked_sort3A_674 : (vector<16xf32>, vector<16xi32>, vector<16xi1>) -> (vector<16xi1>, vector<16xf32>, vector<16xi32>)
        %rev3A_678 = arith.constant 15 : i32
        %rev3A_679 = vector.broadcast %rev3A_678 : i32 to vector<16xi32>
        %rev3A_680 = tpu.iota {dimensions = array<i32: 0>} : vector<16xi32>
        %rev3A_681 = arith.subi %rev3A_679, %rev3A_680 : vector<16xi32>
        %rev3A_682 = tpu.dynamic_gather %masked_sort3A_676[%rev3A_681] in [0] : vector<16xf32>, vector<16xi32> -> vector<16xf32>
        %rev3A_683 = arith.constant 15 : i32
        %rev3A_684 = vector.broadcast %rev3A_683 : i32 to vector<16xi32>
        %rev3A_685 = tpu.iota {dimensions = array<i32: 0>} : vector<16xi32>
        %rev3A_686 = arith.subi %rev3A_684, %rev3A_685 : vector<16xi32>
        %rev3A_687 = tpu.dynamic_gather %masked_sort3A_677[%rev3A_686] in [0] : vector<16xi32>, vector<16xi32> -> vector<16xi32>
        %gt3A_688 = arith.cmpf ogt, %rev3A_682, %masked_sort3A_664 : vector<16xf32>
        %select_n3A_689 = arith.select %gt3A_688, %rev3A_682, %masked_sort3A_664 : vector<16xi1>, vector<16xf32>
        %select_n3A_690 = arith.select %gt3A_688, %rev3A_687, %masked_sort3A_665 : vector<16xi1>, vector<16xi32>
        %masked_sort3A_691 = arith.constant dense<true> : vector<16xi1>
        %masked_sort3A_692, %masked_sort3A_693, %masked_sort3A_694 = tpu.sort %select_n3A_689, %select_n3A_690 masked %masked_sort3A_691 : (vector<16xf32>, vector<16xi32>, vector<16xi1>) -> (vector<16xi1>, vector<16xf32>, vector<16xi32>)
        %rev3A_695 = arith.constant 15 : i32
        %rev3A_696 = vector.broadcast %rev3A_695 : i32 to vector<16xi32>
        %rev3A_697 = tpu.iota {dimensions = array<i32: 0>} : vector<16xi32>
        %rev3A_698 = arith.subi %rev3A_696, %rev3A_697 : vector<16xi32>
        %rev3A_699 = tpu.dynamic_gather %masked_sort3A_693[%rev3A_698] in [0] : vector<16xf32>, vector<16xi32> -> vector<16xf32>
        %rev3A_700 = arith.constant 15 : i32
        %rev3A_701 = vector.broadcast %rev3A_700 : i32 to vector<16xi32>
        %rev3A_702 = tpu.iota {dimensions = array<i32: 0>} : vector<16xi32>
        %rev3A_703 = arith.subi %rev3A_701, %rev3A_702 : vector<16xi32>
        %rev3A_704 = tpu.dynamic_gather %masked_sort3A_694[%rev3A_703] in [0] : vector<16xi32>, vector<16xi32> -> vector<16xi32>
        %gt3A_705 = arith.cmpf ogt, %rev3A_699, %masked_sort3A_652 : vector<16xf32>
        %select_n3A_706 = arith.select %gt3A_705, %rev3A_699, %masked_sort3A_652 : vector<16xi1>, vector<16xf32>
        %select_n3A_707 = arith.select %gt3A_705, %rev3A_704, %masked_sort3A_653 : vector<16xi1>, vector<16xi32>
        %masked_sort3A_708 = arith.constant dense<true> : vector<16xi1>
        %masked_sort3A_709, %masked_sort3A_710, %masked_sort3A_711 = tpu.sort %select_n3A_706, %select_n3A_707 masked %masked_sort3A_708 : (vector<16xf32>, vector<16xi32>, vector<16xi1>) -> (vector<16xi1>, vector<16xf32>, vector<16xi32>)
        %rev3A_712 = arith.constant 15 : i32
        %rev3A_713 = vector.broadcast %rev3A_712 : i32 to vector<16xi32>
        %rev3A_714 = tpu.iota {dimensions = array<i32: 0>} : vector<16xi32>
        %rev3A_715 = arith.subi %rev3A_713, %rev3A_714 : vector<16xi32>
        %rev3A_716 = tpu.dynamic_gather %masked_sort3A_710[%rev3A_715] in [0] : vector<16xf32>, vector<16xi32> -> vector<16xf32>
        %rev3A_717 = arith.constant 15 : i32
        %rev3A_718 = vector.broadcast %rev3A_717 : i32 to vector<16xi32>
        %rev3A_719 = tpu.iota {dimensions = array<i32: 0>} : vector<16xi32>
        %rev3A_720 = arith.subi %rev3A_718, %rev3A_719 : vector<16xi32>
        %rev3A_721 = tpu.dynamic_gather %masked_sort3A_711[%rev3A_720] in [0] : vector<16xi32>, vector<16xi32> -> vector<16xi32>
        %gt3A_722 = arith.cmpf ogt, %rev3A_716, %masked_sort3A_611 : vector<16xf32>
        %select_n3A_723 = arith.select %gt3A_722, %rev3A_716, %masked_sort3A_611 : vector<16xi1>, vector<16xf32>
        %select_n3A_724 = arith.select %gt3A_722, %rev3A_721, %masked_sort3A_612 : vector<16xi1>, vector<16xi32>
        %masked_sort3A_725 = arith.constant dense<true> : vector<16xi1>
        %masked_sort3A_726, %masked_sort3A_727, %masked_sort3A_728 = tpu.sort %select_n3A_723, %select_n3A_724 masked %masked_sort3A_725 : (vector<16xf32>, vector<16xi32>, vector<16xi1>) -> (vector<16xi1>, vector<16xf32>, vector<16xi32>)
        %get3A_729 = arith.constant 0 : i32
        %get3A_730 = arith.index_cast %get3A_729 : i32 to index
        %get3A_731 = arith.constant 384 : index
        %get3A_732 = tpu.vector_load %arg5[%get3A_730, %get3A_731] {strides = array<i32>} : memref<2x1024xf32, #tpu.memory_space<vmem>>, vector<16xf32>,
        %abs3A_733 = math.absf %get3A_732 : vector<16xf32>
        %add3A_734 = arith.constant 384 : i32
        %add3A_735 = vector.broadcast %add3A_734 : i32 to vector<16xi32>
        %add3A_736 = arith.addi %iota3A, %add3A_735 : vector<16xi32>
        %masked_sort3A_737 = arith.constant dense<true> : vector<16xi1>
        %masked_sort3A_738, %masked_sort3A_739, %masked_sort3A_740 = tpu.sort %abs3A_733, %add3A_736 masked %masked_sort3A_737 : (vector<16xf32>, vector<16xi32>, vector<16xi1>) -> (vector<16xi1>, vector<16xf32>, vector<16xi32>)
        %get3A_741 = arith.constant 0 : i32
        %get3A_742 = arith.index_cast %get3A_741 : i32 to index
        %get3A_743 = arith.constant 400 : index
        %get3A_744 = tpu.vector_load %arg5[%get3A_742, %get3A_743] {strides = array<i32>} : memref<2x1024xf32, #tpu.memory_space<vmem>>, vector<16xf32>,
        %abs3A_745 = math.absf %get3A_744 : vector<16xf32>
        %add3A_746 = arith.constant 400 : i32
        %add3A_747 = vector.broadcast %add3A_746 : i32 to vector<16xi32>
        %add3A_748 = arith.addi %iota3A, %add3A_747 : vector<16xi32>
        %masked_sort3A_749 = arith.constant dense<true> : vector<16xi1>
        %masked_sort3A_750, %masked_sort3A_751, %masked_sort3A_752 = tpu.sort %abs3A_745, %add3A_748 masked %masked_sort3A_749 : (vector<16xf32>, vector<16xi32>, vector<16xi1>) -> (vector<16xi1>, vector<16xf32>, vector<16xi32>)
        %rev3A_753 = arith.constant 15 : i32
        %rev3A_754 = vector.broadcast %rev3A_753 : i32 to vector<16xi32>
        %rev3A_755 = tpu.iota {dimensions = array<i32: 0>} : vector<16xi32>
        %rev3A_756 = arith.subi %rev3A_754, %rev3A_755 : vector<16xi32>
        %rev3A_757 = tpu.dynamic_gather %masked_sort3A_751[%rev3A_756] in [0] : vector<16xf32>, vector<16xi32> -> vector<16xf32>
        %rev3A_758 = arith.constant 15 : i32
        %rev3A_759 = vector.broadcast %rev3A_758 : i32 to vector<16xi32>
        %rev3A_760 = tpu.iota {dimensions = array<i32: 0>} : vector<16xi32>
        %rev3A_761 = arith.subi %rev3A_759, %rev3A_760 : vector<16xi32>
        %rev3A_762 = tpu.dynamic_gather %masked_sort3A_752[%rev3A_761] in [0] : vector<16xi32>, vector<16xi32> -> vector<16xi32>
        %gt3A_763 = arith.cmpf ogt, %rev3A_757, %masked_sort3A_739 : vector<16xf32>
        %select_n3A_764 = arith.select %gt3A_763, %rev3A_757, %masked_sort3A_739 : vector<16xi1>, vector<16xf32>
        %select_n3A_765 = arith.select %gt3A_763, %rev3A_762, %masked_sort3A_740 : vector<16xi1>, vector<16xi32>
        %masked_sort3A_766 = arith.constant dense<true> : vector<16xi1>
        %masked_sort3A_767, %masked_sort3A_768, %masked_sort3A_769 = tpu.sort %select_n3A_764, %select_n3A_765 masked %masked_sort3A_766 : (vector<16xf32>, vector<16xi32>, vector<16xi1>) -> (vector<16xi1>, vector<16xf32>, vector<16xi32>)
        %get3A_770 = arith.constant 0 : i32
        %get3A_771 = arith.index_cast %get3A_770 : i32 to index
        %get3A_772 = arith.constant 416 : index
        %get3A_773 = tpu.vector_load %arg5[%get3A_771, %get3A_772] {strides = array<i32>} : memref<2x1024xf32, #tpu.memory_space<vmem>>, vector<16xf32>,
        %abs3A_774 = math.absf %get3A_773 : vector<16xf32>
        %add3A_775 = arith.constant 416 : i32
        %add3A_776 = vector.broadcast %add3A_775 : i32 to vector<16xi32>
        %add3A_777 = arith.addi %iota3A, %add3A_776 : vector<16xi32>
        %masked_sort3A_778 = arith.constant dense<true> : vector<16xi1>
        %masked_sort3A_779, %masked_sort3A_780, %masked_sort3A_781 = tpu.sort %abs3A_774, %add3A_777 masked %masked_sort3A_778 : (vector<16xf32>, vector<16xi32>, vector<16xi1>) -> (vector<16xi1>, vector<16xf32>, vector<16xi32>)
        %get3A_782 = arith.constant 0 : i32
        %get3A_783 = arith.index_cast %get3A_782 : i32 to index
        %get3A_784 = arith.constant 432 : index
        %get3A_785 = tpu.vector_load %arg5[%get3A_783, %get3A_784] {strides = array<i32>} : memref<2x1024xf32, #tpu.memory_space<vmem>>, vector<16xf32>,
        %abs3A_786 = math.absf %get3A_785 : vector<16xf32>
        %add3A_787 = arith.constant 432 : i32
        %add3A_788 = vector.broadcast %add3A_787 : i32 to vector<16xi32>
        %add3A_789 = arith.addi %iota3A, %add3A_788 : vector<16xi32>
        %masked_sort3A_790 = arith.constant dense<true> : vector<16xi1>
        %masked_sort3A_791, %masked_sort3A_792, %masked_sort3A_793 = tpu.sort %abs3A_786, %add3A_789 masked %masked_sort3A_790 : (vector<16xf32>, vector<16xi32>, vector<16xi1>) -> (vector<16xi1>, vector<16xf32>, vector<16xi32>)
        %rev3A_794 = arith.constant 15 : i32
        %rev3A_795 = vector.broadcast %rev3A_794 : i32 to vector<16xi32>
        %rev3A_796 = tpu.iota {dimensions = array<i32: 0>} : vector<16xi32>
        %rev3A_797 = arith.subi %rev3A_795, %rev3A_796 : vector<16xi32>
        %rev3A_798 = tpu.dynamic_gather %masked_sort3A_792[%rev3A_797] in [0] : vector<16xf32>, vector<16xi32> -> vector<16xf32>
        %rev3A_799 = arith.constant 15 : i32
        %rev3A_800 = vector.broadcast %rev3A_799 : i32 to vector<16xi32>
        %rev3A_801 = tpu.iota {dimensions = array<i32: 0>} : vector<16xi32>
        %rev3A_802 = arith.subi %rev3A_800, %rev3A_801 : vector<16xi32>
        %rev3A_803 = tpu.dynamic_gather %masked_sort3A_793[%rev3A_802] in [0] : vector<16xi32>, vector<16xi32> -> vector<16xi32>
        %gt3A_804 = arith.cmpf ogt, %rev3A_798, %masked_sort3A_780 : vector<16xf32>
        %select_n3A_805 = arith.select %gt3A_804, %rev3A_798, %masked_sort3A_780 : vector<16xi1>, vector<16xf32>
        %select_n3A_806 = arith.select %gt3A_804, %rev3A_803, %masked_sort3A_781 : vector<16xi1>, vector<16xi32>
        %masked_sort3A_807 = arith.constant dense<true> : vector<16xi1>
        %masked_sort3A_808, %masked_sort3A_809, %masked_sort3A_810 = tpu.sort %select_n3A_805, %select_n3A_806 masked %masked_sort3A_807 : (vector<16xf32>, vector<16xi32>, vector<16xi1>) -> (vector<16xi1>, vector<16xf32>, vector<16xi32>)
        %rev3A_811 = arith.constant 15 : i32
        %rev3A_812 = vector.broadcast %rev3A_811 : i32 to vector<16xi32>
        %rev3A_813 = tpu.iota {dimensions = array<i32: 0>} : vector<16xi32>
        %rev3A_814 = arith.subi %rev3A_812, %rev3A_813 : vector<16xi32>
        %rev3A_815 = tpu.dynamic_gather %masked_sort3A_809[%rev3A_814] in [0] : vector<16xf32>, vector<16xi32> -> vector<16xf32>
        %rev3A_816 = arith.constant 15 : i32
        %rev3A_817 = vector.broadcast %rev3A_816 : i32 to vector<16xi32>
        %rev3A_818 = tpu.iota {dimensions = array<i32: 0>} : vector<16xi32>
        %rev3A_819 = arith.subi %rev3A_817, %rev3A_818 : vector<16xi32>
        %rev3A_820 = tpu.dynamic_gather %masked_sort3A_810[%rev3A_819] in [0] : vector<16xi32>, vector<16xi32> -> vector<16xi32>
        %gt3A_821 = arith.cmpf ogt, %rev3A_815, %masked_sort3A_768 : vector<16xf32>
        %select_n3A_822 = arith.select %gt3A_821, %rev3A_815, %masked_sort3A_768 : vector<16xi1>, vector<16xf32>
        %select_n3A_823 = arith.select %gt3A_821, %rev3A_820, %masked_sort3A_769 : vector<16xi1>, vector<16xi32>
        %masked_sort3A_824 = arith.constant dense<true> : vector<16xi1>
        %masked_sort3A_825, %masked_sort3A_826, %masked_sort3A_827 = tpu.sort %select_n3A_822, %select_n3A_823 masked %masked_sort3A_824 : (vector<16xf32>, vector<16xi32>, vector<16xi1>) -> (vector<16xi1>, vector<16xf32>, vector<16xi32>)
        %get3A_828 = arith.constant 0 : i32
        %get3A_829 = arith.index_cast %get3A_828 : i32 to index
        %get3A_830 = arith.constant 448 : index
        %get3A_831 = tpu.vector_load %arg5[%get3A_829, %get3A_830] {strides = array<i32>} : memref<2x1024xf32, #tpu.memory_space<vmem>>, vector<16xf32>,
        %abs3A_832 = math.absf %get3A_831 : vector<16xf32>
        %add3A_833 = arith.constant 448 : i32
        %add3A_834 = vector.broadcast %add3A_833 : i32 to vector<16xi32>
        %add3A_835 = arith.addi %iota3A, %add3A_834 : vector<16xi32>
        %masked_sort3A_836 = arith.constant dense<true> : vector<16xi1>
        %masked_sort3A_837, %masked_sort3A_838, %masked_sort3A_839 = tpu.sort %abs3A_832, %add3A_835 masked %masked_sort3A_836 : (vector<16xf32>, vector<16xi32>, vector<16xi1>) -> (vector<16xi1>, vector<16xf32>, vector<16xi32>)
        %get3A_840 = arith.constant 0 : i32
        %get3A_841 = arith.index_cast %get3A_840 : i32 to index
        %get3A_842 = arith.constant 464 : index
        %get3A_843 = tpu.vector_load %arg5[%get3A_841, %get3A_842] {strides = array<i32>} : memref<2x1024xf32, #tpu.memory_space<vmem>>, vector<16xf32>,
        %abs3A_844 = math.absf %get3A_843 : vector<16xf32>
        %add3A_845 = arith.constant 464 : i32
        %add3A_846 = vector.broadcast %add3A_845 : i32 to vector<16xi32>
        %add3A_847 = arith.addi %iota3A, %add3A_846 : vector<16xi32>
        %masked_sort3A_848 = arith.constant dense<true> : vector<16xi1>
        %masked_sort3A_849, %masked_sort3A_850, %masked_sort3A_851 = tpu.sort %abs3A_844, %add3A_847 masked %masked_sort3A_848 : (vector<16xf32>, vector<16xi32>, vector<16xi1>) -> (vector<16xi1>, vector<16xf32>, vector<16xi32>)
        %rev3A_852 = arith.constant 15 : i32
        %rev3A_853 = vector.broadcast %rev3A_852 : i32 to vector<16xi32>
        %rev3A_854 = tpu.iota {dimensions = array<i32: 0>} : vector<16xi32>
        %rev3A_855 = arith.subi %rev3A_853, %rev3A_854 : vector<16xi32>
        %rev3A_856 = tpu.dynamic_gather %masked_sort3A_850[%rev3A_855] in [0] : vector<16xf32>, vector<16xi32> -> vector<16xf32>
        %rev3A_857 = arith.constant 15 : i32
        %rev3A_858 = vector.broadcast %rev3A_857 : i32 to vector<16xi32>
        %rev3A_859 = tpu.iota {dimensions = array<i32: 0>} : vector<16xi32>
        %rev3A_860 = arith.subi %rev3A_858, %rev3A_859 : vector<16xi32>
        %rev3A_861 = tpu.dynamic_gather %masked_sort3A_851[%rev3A_860] in [0] : vector<16xi32>, vector<16xi32> -> vector<16xi32>
        %gt3A_862 = arith.cmpf ogt, %rev3A_856, %masked_sort3A_838 : vector<16xf32>
        %select_n3A_863 = arith.select %gt3A_862, %rev3A_856, %masked_sort3A_838 : vector<16xi1>, vector<16xf32>
        %select_n3A_864 = arith.select %gt3A_862, %rev3A_861, %masked_sort3A_839 : vector<16xi1>, vector<16xi32>
        %masked_sort3A_865 = arith.constant dense<true> : vector<16xi1>
        %masked_sort3A_866, %masked_sort3A_867, %masked_sort3A_868 = tpu.sort %select_n3A_863, %select_n3A_864 masked %masked_sort3A_865 : (vector<16xf32>, vector<16xi32>, vector<16xi1>) -> (vector<16xi1>, vector<16xf32>, vector<16xi32>)
        %get3A_869 = arith.constant 0 : i32
        %get3A_870 = arith.index_cast %get3A_869 : i32 to index
        %get3A_871 = arith.constant 480 : index
        %get3A_872 = tpu.vector_load %arg5[%get3A_870, %get3A_871] {strides = array<i32>} : memref<2x1024xf32, #tpu.memory_space<vmem>>, vector<16xf32>,
        %abs3A_873 = math.absf %get3A_872 : vector<16xf32>
        %add3A_874 = arith.constant 480 : i32
        %add3A_875 = vector.broadcast %add3A_874 : i32 to vector<16xi32>
        %add3A_876 = arith.addi %iota3A, %add3A_875 : vector<16xi32>
        %masked_sort3A_877 = arith.constant dense<true> : vector<16xi1>
        %masked_sort3A_878, %masked_sort3A_879, %masked_sort3A_880 = tpu.sort %abs3A_873, %add3A_876 masked %masked_sort3A_877 : (vector<16xf32>, vector<16xi32>, vector<16xi1>) -> (vector<16xi1>, vector<16xf32>, vector<16xi32>)
        %get3A_881 = arith.constant 0 : i32
        %get3A_882 = arith.index_cast %get3A_881 : i32 to index
        %get3A_883 = arith.constant 496 : index
        %get3A_884 = tpu.vector_load %arg5[%get3A_882, %get3A_883] {strides = array<i32>} : memref<2x1024xf32, #tpu.memory_space<vmem>>, vector<16xf32>,
        %abs3A_885 = math.absf %get3A_884 : vector<16xf32>
        %add3A_886 = arith.constant 496 : i32
        %add3A_887 = vector.broadcast %add3A_886 : i32 to vector<16xi32>
        %add3A_888 = arith.addi %iota3A, %add3A_887 : vector<16xi32>
        %masked_sort3A_889 = arith.constant dense<true> : vector<16xi1>
        %masked_sort3A_890, %masked_sort3A_891, %masked_sort3A_892 = tpu.sort %abs3A_885, %add3A_888 masked %masked_sort3A_889 : (vector<16xf32>, vector<16xi32>, vector<16xi1>) -> (vector<16xi1>, vector<16xf32>, vector<16xi32>)
        %rev3A_893 = arith.constant 15 : i32
        %rev3A_894 = vector.broadcast %rev3A_893 : i32 to vector<16xi32>
        %rev3A_895 = tpu.iota {dimensions = array<i32: 0>} : vector<16xi32>
        %rev3A_896 = arith.subi %rev3A_894, %rev3A_895 : vector<16xi32>
        %rev3A_897 = tpu.dynamic_gather %masked_sort3A_891[%rev3A_896] in [0] : vector<16xf32>, vector<16xi32> -> vector<16xf32>
        %rev3A_898 = arith.constant 15 : i32
        %rev3A_899 = vector.broadcast %rev3A_898 : i32 to vector<16xi32>
        %rev3A_900 = tpu.iota {dimensions = array<i32: 0>} : vector<16xi32>
        %rev3A_901 = arith.subi %rev3A_899, %rev3A_900 : vector<16xi32>
        %rev3A_902 = tpu.dynamic_gather %masked_sort3A_892[%rev3A_901] in [0] : vector<16xi32>, vector<16xi32> -> vector<16xi32>
        %gt3A_903 = arith.cmpf ogt, %rev3A_897, %masked_sort3A_879 : vector<16xf32>
        %select_n3A_904 = arith.select %gt3A_903, %rev3A_897, %masked_sort3A_879 : vector<16xi1>, vector<16xf32>
        %select_n3A_905 = arith.select %gt3A_903, %rev3A_902, %masked_sort3A_880 : vector<16xi1>, vector<16xi32>
        %masked_sort3A_906 = arith.constant dense<true> : vector<16xi1>
        %masked_sort3A_907, %masked_sort3A_908, %masked_sort3A_909 = tpu.sort %select_n3A_904, %select_n3A_905 masked %masked_sort3A_906 : (vector<16xf32>, vector<16xi32>, vector<16xi1>) -> (vector<16xi1>, vector<16xf32>, vector<16xi32>)
        %rev3A_910 = arith.constant 15 : i32
        %rev3A_911 = vector.broadcast %rev3A_910 : i32 to vector<16xi32>
        %rev3A_912 = tpu.iota {dimensions = array<i32: 0>} : vector<16xi32>
        %rev3A_913 = arith.subi %rev3A_911, %rev3A_912 : vector<16xi32>
        %rev3A_914 = tpu.dynamic_gather %masked_sort3A_908[%rev3A_913] in [0] : vector<16xf32>, vector<16xi32> -> vector<16xf32>
        %rev3A_915 = arith.constant 15 : i32
        %rev3A_916 = vector.broadcast %rev3A_915 : i32 to vector<16xi32>
        %rev3A_917 = tpu.iota {dimensions = array<i32: 0>} : vector<16xi32>
        %rev3A_918 = arith.subi %rev3A_916, %rev3A_917 : vector<16xi32>
        %rev3A_919 = tpu.dynamic_gather %masked_sort3A_909[%rev3A_918] in [0] : vector<16xi32>, vector<16xi32> -> vector<16xi32>
        %gt3A_920 = arith.cmpf ogt, %rev3A_914, %masked_sort3A_867 : vector<16xf32>
        %select_n3A_921 = arith.select %gt3A_920, %rev3A_914, %masked_sort3A_867 : vector<16xi1>, vector<16xf32>
        %select_n3A_922 = arith.select %gt3A_920, %rev3A_919, %masked_sort3A_868 : vector<16xi1>, vector<16xi32>
        %masked_sort3A_923 = arith.constant dense<true> : vector<16xi1>
        %masked_sort3A_924, %masked_sort3A_925, %masked_sort3A_926 = tpu.sort %select_n3A_921, %select_n3A_922 masked %masked_sort3A_923 : (vector<16xf32>, vector<16xi32>, vector<16xi1>) -> (vector<16xi1>, vector<16xf32>, vector<16xi32>)
        %rev3A_927 = arith.constant 15 : i32
        %rev3A_928 = vector.broadcast %rev3A_927 : i32 to vector<16xi32>
        %rev3A_929 = tpu.iota {dimensions = array<i32: 0>} : vector<16xi32>
        %rev3A_930 = arith.subi %rev3A_928, %rev3A_929 : vector<16xi32>
        %rev3A_931 = tpu.dynamic_gather %masked_sort3A_925[%rev3A_930] in [0] : vector<16xf32>, vector<16xi32> -> vector<16xf32>
        %rev3A_932 = arith.constant 15 : i32
        %rev3A_933 = vector.broadcast %rev3A_932 : i32 to vector<16xi32>
        %rev3A_934 = tpu.iota {dimensions = array<i32: 0>} : vector<16xi32>
        %rev3A_935 = arith.subi %rev3A_933, %rev3A_934 : vector<16xi32>
        %rev3A_936 = tpu.dynamic_gather %masked_sort3A_926[%rev3A_935] in [0] : vector<16xi32>, vector<16xi32> -> vector<16xi32>
        %gt3A_937 = arith.cmpf ogt, %rev3A_931, %masked_sort3A_826 : vector<16xf32>
        %select_n3A_938 = arith.select %gt3A_937, %rev3A_931, %masked_sort3A_826 : vector<16xi1>, vector<16xf32>
        %select_n3A_939 = arith.select %gt3A_937, %rev3A_936, %masked_sort3A_827 : vector<16xi1>, vector<16xi32>
        %masked_sort3A_940 = arith.constant dense<true> : vector<16xi1>
        %masked_sort3A_941, %masked_sort3A_942, %masked_sort3A_943 = tpu.sort %select_n3A_938, %select_n3A_939 masked %masked_sort3A_940 : (vector<16xf32>, vector<16xi32>, vector<16xi1>) -> (vector<16xi1>, vector<16xf32>, vector<16xi32>)
        %rev3A_944 = arith.constant 15 : i32
        %rev3A_945 = vector.broadcast %rev3A_944 : i32 to vector<16xi32>
        %rev3A_946 = tpu.iota {dimensions = array<i32: 0>} : vector<16xi32>
        %rev3A_947 = arith.subi %rev3A_945, %rev3A_946 : vector<16xi32>
        %rev3A_948 = tpu.dynamic_gather %masked_sort3A_942[%rev3A_947] in [0] : vector<16xf32>, vector<16xi32> -> vector<16xf32>
        %rev3A_949 = arith.constant 15 : i32
        %rev3A_950 = vector.broadcast %rev3A_949 : i32 to vector<16xi32>
        %rev3A_951 = tpu.iota {dimensions = array<i32: 0>} : vector<16xi32>
        %rev3A_952 = arith.subi %rev3A_950, %rev3A_951 : vector<16xi32>
        %rev3A_953 = tpu.dynamic_gather %masked_sort3A_943[%rev3A_952] in [0] : vector<16xi32>, vector<16xi32> -> vector<16xi32>
        %gt3A_954 = arith.cmpf ogt, %rev3A_948, %masked_sort3A_727 : vector<16xf32>
        %select_n3A_955 = arith.select %gt3A_954, %rev3A_948, %masked_sort3A_727 : vector<16xi1>, vector<16xf32>
        %select_n3A_956 = arith.select %gt3A_954, %rev3A_953, %masked_sort3A_728 : vector<16xi1>, vector<16xi32>
        %masked_sort3A_957 = arith.constant dense<true> : vector<16xi1>
        %masked_sort3A_958, %masked_sort3A_959, %masked_sort3A_960 = tpu.sort %select_n3A_955, %select_n3A_956 masked %masked_sort3A_957 : (vector<16xf32>, vector<16xi32>, vector<16xi1>) -> (vector<16xi1>, vector<16xf32>, vector<16xi32>)
        %rev3A_961 = arith.constant 15 : i32
        %rev3A_962 = vector.broadcast %rev3A_961 : i32 to vector<16xi32>
        %rev3A_963 = tpu.iota {dimensions = array<i32: 0>} : vector<16xi32>
        %rev3A_964 = arith.subi %rev3A_962, %rev3A_963 : vector<16xi32>
        %rev3A_965 = tpu.dynamic_gather %masked_sort3A_959[%rev3A_964] in [0] : vector<16xf32>, vector<16xi32> -> vector<16xf32>
        %rev3A_966 = arith.constant 15 : i32
        %rev3A_967 = vector.broadcast %rev3A_966 : i32 to vector<16xi32>
        %rev3A_968 = tpu.iota {dimensions = array<i32: 0>} : vector<16xi32>
        %rev3A_969 = arith.subi %rev3A_967, %rev3A_968 : vector<16xi32>
        %rev3A_970 = tpu.dynamic_gather %masked_sort3A_960[%rev3A_969] in [0] : vector<16xi32>, vector<16xi32> -> vector<16xi32>
        %gt3A_971 = arith.cmpf ogt, %rev3A_965, %masked_sort3A_512 : vector<16xf32>
        %select_n3A_972 = arith.select %gt3A_971, %rev3A_965, %masked_sort3A_512 : vector<16xi1>, vector<16xf32>
        %select_n3A_973 = arith.select %gt3A_971, %rev3A_970, %masked_sort3A_513 : vector<16xi1>, vector<16xi32>
        %masked_sort3A_974 = arith.constant dense<true> : vector<16xi1>
        %masked_sort3A_975, %masked_sort3A_976, %masked_sort3A_977 = tpu.sort %select_n3A_972, %select_n3A_973 masked %masked_sort3A_974 : (vector<16xf32>, vector<16xi32>, vector<16xi1>) -> (vector<16xi1>, vector<16xf32>, vector<16xi32>)
        %get3A_978 = arith.constant 0 : i32
        %get3A_979 = arith.index_cast %get3A_978 : i32 to index
        %get3A_980 = arith.constant 512 : index
        %get3A_981 = tpu.vector_load %arg5[%get3A_979, %get3A_980] {strides = array<i32>} : memref<2x1024xf32, #tpu.memory_space<vmem>>, vector<16xf32>,
        %abs3A_982 = math.absf %get3A_981 : vector<16xf32>
        %add3A_983 = arith.constant 512 : i32
        %add3A_984 = vector.broadcast %add3A_983 : i32 to vector<16xi32>
        %add3A_985 = arith.addi %iota3A, %add3A_984 : vector<16xi32>
        %masked_sort3A_986 = arith.constant dense<true> : vector<16xi1>
        %masked_sort3A_987, %masked_sort3A_988, %masked_sort3A_989 = tpu.sort %abs3A_982, %add3A_985 masked %masked_sort3A_986 : (vector<16xf32>, vector<16xi32>, vector<16xi1>) -> (vector<16xi1>, vector<16xf32>, vector<16xi32>)
        %get3A_990 = arith.constant 0 : i32
        %get3A_991 = arith.index_cast %get3A_990 : i32 to index
        %get3A_992 = arith.constant 528 : index
        %get3A_993 = tpu.vector_load %arg5[%get3A_991, %get3A_992] {strides = array<i32>} : memref<2x1024xf32, #tpu.memory_space<vmem>>, vector<16xf32>,
        %abs3A_994 = math.absf %get3A_993 : vector<16xf32>
        %add3A_995 = arith.constant 528 : i32
        %add3A_996 = vector.broadcast %add3A_995 : i32 to vector<16xi32>
        %add3A_997 = arith.addi %iota3A, %add3A_996 : vector<16xi32>
        %masked_sort3A_998 = arith.constant dense<true> : vector<16xi1>
        %masked_sort3A_999, %masked_sort3A_1000, %masked_sort3A_1001 = tpu.sort %abs3A_994, %add3A_997 masked %masked_sort3A_998 : (vector<16xf32>, vector<16xi32>, vector<16xi1>) -> (vector<16xi1>, vector<16xf32>, vector<16xi32>)
        %rev3A_1002 = arith.constant 15 : i32
        %rev3A_1003 = vector.broadcast %rev3A_1002 : i32 to vector<16xi32>
        %rev3A_1004 = tpu.iota {dimensions = array<i32: 0>} : vector<16xi32>
        %rev3A_1005 = arith.subi %rev3A_1003, %rev3A_1004 : vector<16xi32>
        %rev3A_1006 = tpu.dynamic_gather %masked_sort3A_1000[%rev3A_1005] in [0] : vector<16xf32>, vector<16xi32> -> vector<16xf32>
        %rev3A_1007 = arith.constant 15 : i32
        %rev3A_1008 = vector.broadcast %rev3A_1007 : i32 to vector<16xi32>
        %rev3A_1009 = tpu.iota {dimensions = array<i32: 0>} : vector<16xi32>
        %rev3A_1010 = arith.subi %rev3A_1008, %rev3A_1009 : vector<16xi32>
        %rev3A_1011 = tpu.dynamic_gather %masked_sort3A_1001[%rev3A_1010] in [0] : vector<16xi32>, vector<16xi32> -> vector<16xi32>
        %gt3A_1012 = arith.cmpf ogt, %rev3A_1006, %masked_sort3A_988 : vector<16xf32>
        %select_n3A_1013 = arith.select %gt3A_1012, %rev3A_1006, %masked_sort3A_988 : vector<16xi1>, vector<16xf32>
        %select_n3A_1014 = arith.select %gt3A_1012, %rev3A_1011, %masked_sort3A_989 : vector<16xi1>, vector<16xi32>
        %masked_sort3A_1015 = arith.constant dense<true> : vector<16xi1>
        %masked_sort3A_1016, %masked_sort3A_1017, %masked_sort3A_1018 = tpu.sort %select_n3A_1013, %select_n3A_1014 masked %masked_sort3A_1015 : (vector<16xf32>, vector<16xi32>, vector<16xi1>) -> (vector<16xi1>, vector<16xf32>, vector<16xi32>)
        %get3A_1019 = arith.constant 0 : i32
        %get3A_1020 = arith.index_cast %get3A_1019 : i32 to index
        %get3A_1021 = arith.constant 544 : index
        %get3A_1022 = tpu.vector_load %arg5[%get3A_1020, %get3A_1021] {strides = array<i32>} : memref<2x1024xf32, #tpu.memory_space<vmem>>, vector<16xf32>,
        %abs3A_1023 = math.absf %get3A_1022 : vector<16xf32>
        %add3A_1024 = arith.constant 544 : i32
        %add3A_1025 = vector.broadcast %add3A_1024 : i32 to vector<16xi32>
        %add3A_1026 = arith.addi %iota3A, %add3A_1025 : vector<16xi32>
        %masked_sort3A_1027 = arith.constant dense<true> : vector<16xi1>
        %masked_sort3A_1028, %masked_sort3A_1029, %masked_sort3A_1030 = tpu.sort %abs3A_1023, %add3A_1026 masked %masked_sort3A_1027 : (vector<16xf32>, vector<16xi32>, vector<16xi1>) -> (vector<16xi1>, vector<16xf32>, vector<16xi32>)
        %get3A_1031 = arith.constant 0 : i32
        %get3A_1032 = arith.index_cast %get3A_1031 : i32 to index
        %get3A_1033 = arith.constant 560 : index
        %get3A_1034 = tpu.vector_load %arg5[%get3A_1032, %get3A_1033] {strides = array<i32>} : memref<2x1024xf32, #tpu.memory_space<vmem>>, vector<16xf32>,
        %abs3A_1035 = math.absf %get3A_1034 : vector<16xf32>
        %add3A_1036 = arith.constant 560 : i32
        %add3A_1037 = vector.broadcast %add3A_1036 : i32 to vector<16xi32>
        %add3A_1038 = arith.addi %iota3A, %add3A_1037 : vector<16xi32>
        %masked_sort3A_1039 = arith.constant dense<true> : vector<16xi1>
        %masked_sort3A_1040, %masked_sort3A_1041, %masked_sort3A_1042 = tpu.sort %abs3A_1035, %add3A_1038 masked %masked_sort3A_1039 : (vector<16xf32>, vector<16xi32>, vector<16xi1>) -> (vector<16xi1>, vector<16xf32>, vector<16xi32>)
        %rev3A_1043 = arith.constant 15 : i32
        %rev3A_1044 = vector.broadcast %rev3A_1043 : i32 to vector<16xi32>
        %rev3A_1045 = tpu.iota {dimensions = array<i32: 0>} : vector<16xi32>
        %rev3A_1046 = arith.subi %rev3A_1044, %rev3A_1045 : vector<16xi32>
        %rev3A_1047 = tpu.dynamic_gather %masked_sort3A_1041[%rev3A_1046] in [0] : vector<16xf32>, vector<16xi32> -> vector<16xf32>
        %rev3A_1048 = arith.constant 15 : i32
        %rev3A_1049 = vector.broadcast %rev3A_1048 : i32 to vector<16xi32>
        %rev3A_1050 = tpu.iota {dimensions = array<i32: 0>} : vector<16xi32>
        %rev3A_1051 = arith.subi %rev3A_1049, %rev3A_1050 : vector<16xi32>
        %rev3A_1052 = tpu.dynamic_gather %masked_sort3A_1042[%rev3A_1051] in [0] : vector<16xi32>, vector<16xi32> -> vector<16xi32>
        %gt3A_1053 = arith.cmpf ogt, %rev3A_1047, %masked_sort3A_1029 : vector<16xf32>
        %select_n3A_1054 = arith.select %gt3A_1053, %rev3A_1047, %masked_sort3A_1029 : vector<16xi1>, vector<16xf32>
        %select_n3A_1055 = arith.select %gt3A_1053, %rev3A_1052, %masked_sort3A_1030 : vector<16xi1>, vector<16xi32>
        %masked_sort3A_1056 = arith.constant dense<true> : vector<16xi1>
        %masked_sort3A_1057, %masked_sort3A_1058, %masked_sort3A_1059 = tpu.sort %select_n3A_1054, %select_n3A_1055 masked %masked_sort3A_1056 : (vector<16xf32>, vector<16xi32>, vector<16xi1>) -> (vector<16xi1>, vector<16xf32>, vector<16xi32>)
        %rev3A_1060 = arith.constant 15 : i32
        %rev3A_1061 = vector.broadcast %rev3A_1060 : i32 to vector<16xi32>
        %rev3A_1062 = tpu.iota {dimensions = array<i32: 0>} : vector<16xi32>
        %rev3A_1063 = arith.subi %rev3A_1061, %rev3A_1062 : vector<16xi32>
        %rev3A_1064 = tpu.dynamic_gather %masked_sort3A_1058[%rev3A_1063] in [0] : vector<16xf32>, vector<16xi32> -> vector<16xf32>
        %rev3A_1065 = arith.constant 15 : i32
        %rev3A_1066 = vector.broadcast %rev3A_1065 : i32 to vector<16xi32>
        %rev3A_1067 = tpu.iota {dimensions = array<i32: 0>} : vector<16xi32>
        %rev3A_1068 = arith.subi %rev3A_1066, %rev3A_1067 : vector<16xi32>
        %rev3A_1069 = tpu.dynamic_gather %masked_sort3A_1059[%rev3A_1068] in [0] : vector<16xi32>, vector<16xi32> -> vector<16xi32>
        %gt3A_1070 = arith.cmpf ogt, %rev3A_1064, %masked_sort3A_1017 : vector<16xf32>
        %select_n3A_1071 = arith.select %gt3A_1070, %rev3A_1064, %masked_sort3A_1017 : vector<16xi1>, vector<16xf32>
        %select_n3A_1072 = arith.select %gt3A_1070, %rev3A_1069, %masked_sort3A_1018 : vector<16xi1>, vector<16xi32>
        %masked_sort3A_1073 = arith.constant dense<true> : vector<16xi1>
        %masked_sort3A_1074, %masked_sort3A_1075, %masked_sort3A_1076 = tpu.sort %select_n3A_1071, %select_n3A_1072 masked %masked_sort3A_1073 : (vector<16xf32>, vector<16xi32>, vector<16xi1>) -> (vector<16xi1>, vector<16xf32>, vector<16xi32>)
        %get3A_1077 = arith.constant 0 : i32
        %get3A_1078 = arith.index_cast %get3A_1077 : i32 to index
        %get3A_1079 = arith.constant 576 : index
        %get3A_1080 = tpu.vector_load %arg5[%get3A_1078, %get3A_1079] {strides = array<i32>} : memref<2x1024xf32, #tpu.memory_space<vmem>>, vector<16xf32>,
        %abs3A_1081 = math.absf %get3A_1080 : vector<16xf32>
        %add3A_1082 = arith.constant 576 : i32
        %add3A_1083 = vector.broadcast %add3A_1082 : i32 to vector<16xi32>
        %add3A_1084 = arith.addi %iota3A, %add3A_1083 : vector<16xi32>
        %masked_sort3A_1085 = arith.constant dense<true> : vector<16xi1>
        %masked_sort3A_1086, %masked_sort3A_1087, %masked_sort3A_1088 = tpu.sort %abs3A_1081, %add3A_1084 masked %masked_sort3A_1085 : (vector<16xf32>, vector<16xi32>, vector<16xi1>) -> (vector<16xi1>, vector<16xf32>, vector<16xi32>)
        %get3A_1089 = arith.constant 0 : i32
        %get3A_1090 = arith.index_cast %get3A_1089 : i32 to index
        %get3A_1091 = arith.constant 592 : index
        %get3A_1092 = tpu.vector_load %arg5[%get3A_1090, %get3A_1091] {strides = array<i32>} : memref<2x1024xf32, #tpu.memory_space<vmem>>, vector<16xf32>,
        %abs3A_1093 = math.absf %get3A_1092 : vector<16xf32>
        %add3A_1094 = arith.constant 592 : i32
        %add3A_1095 = vector.broadcast %add3A_1094 : i32 to vector<16xi32>
        %add3A_1096 = arith.addi %iota3A, %add3A_1095 : vector<16xi32>
        %masked_sort3A_1097 = arith.constant dense<true> : vector<16xi1>
        %masked_sort3A_1098, %masked_sort3A_1099, %masked_sort3A_1100 = tpu.sort %abs3A_1093, %add3A_1096 masked %masked_sort3A_1097 : (vector<16xf32>, vector<16xi32>, vector<16xi1>) -> (vector<16xi1>, vector<16xf32>, vector<16xi32>)
        %rev3A_1101 = arith.constant 15 : i32
        %rev3A_1102 = vector.broadcast %rev3A_1101 : i32 to vector<16xi32>
        %rev3A_1103 = tpu.iota {dimensions = array<i32: 0>} : vector<16xi32>
        %rev3A_1104 = arith.subi %rev3A_1102, %rev3A_1103 : vector<16xi32>
        %rev3A_1105 = tpu.dynamic_gather %masked_sort3A_1099[%rev3A_1104] in [0] : vector<16xf32>, vector<16xi32> -> vector<16xf32>
        %rev3A_1106 = arith.constant 15 : i32
        %rev3A_1107 = vector.broadcast %rev3A_1106 : i32 to vector<16xi32>
        %rev3A_1108 = tpu.iota {dimensions = array<i32: 0>} : vector<16xi32>
        %rev3A_1109 = arith.subi %rev3A_1107, %rev3A_1108 : vector<16xi32>
        %rev3A_1110 = tpu.dynamic_gather %masked_sort3A_1100[%rev3A_1109] in [0] : vector<16xi32>, vector<16xi32> -> vector<16xi32>
        %gt3A_1111 = arith.cmpf ogt, %rev3A_1105, %masked_sort3A_1087 : vector<16xf32>
        %select_n3A_1112 = arith.select %gt3A_1111, %rev3A_1105, %masked_sort3A_1087 : vector<16xi1>, vector<16xf32>
        %select_n3A_1113 = arith.select %gt3A_1111, %rev3A_1110, %masked_sort3A_1088 : vector<16xi1>, vector<16xi32>
        %masked_sort3A_1114 = arith.constant dense<true> : vector<16xi1>
        %masked_sort3A_1115, %masked_sort3A_1116, %masked_sort3A_1117 = tpu.sort %select_n3A_1112, %select_n3A_1113 masked %masked_sort3A_1114 : (vector<16xf32>, vector<16xi32>, vector<16xi1>) -> (vector<16xi1>, vector<16xf32>, vector<16xi32>)
        %get3A_1118 = arith.constant 0 : i32
        %get3A_1119 = arith.index_cast %get3A_1118 : i32 to index
        %get3A_1120 = arith.constant 608 : index
        %get3A_1121 = tpu.vector_load %arg5[%get3A_1119, %get3A_1120] {strides = array<i32>} : memref<2x1024xf32, #tpu.memory_space<vmem>>, vector<16xf32>,
        %abs3A_1122 = math.absf %get3A_1121 : vector<16xf32>
        %add3A_1123 = arith.constant 608 : i32
        %add3A_1124 = vector.broadcast %add3A_1123 : i32 to vector<16xi32>
        %add3A_1125 = arith.addi %iota3A, %add3A_1124 : vector<16xi32>
        %masked_sort3A_1126 = arith.constant dense<true> : vector<16xi1>
        %masked_sort3A_1127, %masked_sort3A_1128, %masked_sort3A_1129 = tpu.sort %abs3A_1122, %add3A_1125 masked %masked_sort3A_1126 : (vector<16xf32>, vector<16xi32>, vector<16xi1>) -> (vector<16xi1>, vector<16xf32>, vector<16xi32>)
        %get3A_1130 = arith.constant 0 : i32
        %get3A_1131 = arith.index_cast %get3A_1130 : i32 to index
        %get3A_1132 = arith.constant 624 : index
        %get3A_1133 = tpu.vector_load %arg5[%get3A_1131, %get3A_1132] {strides = array<i32>} : memref<2x1024xf32, #tpu.memory_space<vmem>>, vector<16xf32>,
        %abs3A_1134 = math.absf %get3A_1133 : vector<16xf32>
        %add3A_1135 = arith.constant 624 : i32
        %add3A_1136 = vector.broadcast %add3A_1135 : i32 to vector<16xi32>
        %add3A_1137 = arith.addi %iota3A, %add3A_1136 : vector<16xi32>
        %masked_sort3A_1138 = arith.constant dense<true> : vector<16xi1>
        %masked_sort3A_1139, %masked_sort3A_1140, %masked_sort3A_1141 = tpu.sort %abs3A_1134, %add3A_1137 masked %masked_sort3A_1138 : (vector<16xf32>, vector<16xi32>, vector<16xi1>) -> (vector<16xi1>, vector<16xf32>, vector<16xi32>)
        %rev3A_1142 = arith.constant 15 : i32
        %rev3A_1143 = vector.broadcast %rev3A_1142 : i32 to vector<16xi32>
        %rev3A_1144 = tpu.iota {dimensions = array<i32: 0>} : vector<16xi32>
        %rev3A_1145 = arith.subi %rev3A_1143, %rev3A_1144 : vector<16xi32>
        %rev3A_1146 = tpu.dynamic_gather %masked_sort3A_1140[%rev3A_1145] in [0] : vector<16xf32>, vector<16xi32> -> vector<16xf32>
        %rev3A_1147 = arith.constant 15 : i32
        %rev3A_1148 = vector.broadcast %rev3A_1147 : i32 to vector<16xi32>
        %rev3A_1149 = tpu.iota {dimensions = array<i32: 0>} : vector<16xi32>
        %rev3A_1150 = arith.subi %rev3A_1148, %rev3A_1149 : vector<16xi32>
        %rev3A_1151 = tpu.dynamic_gather %masked_sort3A_1141[%rev3A_1150] in [0] : vector<16xi32>, vector<16xi32> -> vector<16xi32>
        %gt3A_1152 = arith.cmpf ogt, %rev3A_1146, %masked_sort3A_1128 : vector<16xf32>
        %select_n3A_1153 = arith.select %gt3A_1152, %rev3A_1146, %masked_sort3A_1128 : vector<16xi1>, vector<16xf32>
        %select_n3A_1154 = arith.select %gt3A_1152, %rev3A_1151, %masked_sort3A_1129 : vector<16xi1>, vector<16xi32>
        %masked_sort3A_1155 = arith.constant dense<true> : vector<16xi1>
        %masked_sort3A_1156, %masked_sort3A_1157, %masked_sort3A_1158 = tpu.sort %select_n3A_1153, %select_n3A_1154 masked %masked_sort3A_1155 : (vector<16xf32>, vector<16xi32>, vector<16xi1>) -> (vector<16xi1>, vector<16xf32>, vector<16xi32>)
        %rev3A_1159 = arith.constant 15 : i32
        %rev3A_1160 = vector.broadcast %rev3A_1159 : i32 to vector<16xi32>
        %rev3A_1161 = tpu.iota {dimensions = array<i32: 0>} : vector<16xi32>
        %rev3A_1162 = arith.subi %rev3A_1160, %rev3A_1161 : vector<16xi32>
        %rev3A_1163 = tpu.dynamic_gather %masked_sort3A_1157[%rev3A_1162] in [0] : vector<16xf32>, vector<16xi32> -> vector<16xf32>
        %rev3A_1164 = arith.constant 15 : i32
        %rev3A_1165 = vector.broadcast %rev3A_1164 : i32 to vector<16xi32>
        %rev3A_1166 = tpu.iota {dimensions = array<i32: 0>} : vector<16xi32>
        %rev3A_1167 = arith.subi %rev3A_1165, %rev3A_1166 : vector<16xi32>
        %rev3A_1168 = tpu.dynamic_gather %masked_sort3A_1158[%rev3A_1167] in [0] : vector<16xi32>, vector<16xi32> -> vector<16xi32>
        %gt3A_1169 = arith.cmpf ogt, %rev3A_1163, %masked_sort3A_1116 : vector<16xf32>
        %select_n3A_1170 = arith.select %gt3A_1169, %rev3A_1163, %masked_sort3A_1116 : vector<16xi1>, vector<16xf32>
        %select_n3A_1171 = arith.select %gt3A_1169, %rev3A_1168, %masked_sort3A_1117 : vector<16xi1>, vector<16xi32>
        %masked_sort3A_1172 = arith.constant dense<true> : vector<16xi1>
        %masked_sort3A_1173, %masked_sort3A_1174, %masked_sort3A_1175 = tpu.sort %select_n3A_1170, %select_n3A_1171 masked %masked_sort3A_1172 : (vector<16xf32>, vector<16xi32>, vector<16xi1>) -> (vector<16xi1>, vector<16xf32>, vector<16xi32>)
        %rev3A_1176 = arith.constant 15 : i32
        %rev3A_1177 = vector.broadcast %rev3A_1176 : i32 to vector<16xi32>
        %rev3A_1178 = tpu.iota {dimensions = array<i32: 0>} : vector<16xi32>
        %rev3A_1179 = arith.subi %rev3A_1177, %rev3A_1178 : vector<16xi32>
        %rev3A_1180 = tpu.dynamic_gather %masked_sort3A_1174[%rev3A_1179] in [0] : vector<16xf32>, vector<16xi32> -> vector<16xf32>
        %rev3A_1181 = arith.constant 15 : i32
        %rev3A_1182 = vector.broadcast %rev3A_1181 : i32 to vector<16xi32>
        %rev3A_1183 = tpu.iota {dimensions = array<i32: 0>} : vector<16xi32>
        %rev3A_1184 = arith.subi %rev3A_1182, %rev3A_1183 : vector<16xi32>
        %rev3A_1185 = tpu.dynamic_gather %masked_sort3A_1175[%rev3A_1184] in [0] : vector<16xi32>, vector<16xi32> -> vector<16xi32>
        %gt3A_1186 = arith.cmpf ogt, %rev3A_1180, %masked_sort3A_1075 : vector<16xf32>
        %select_n3A_1187 = arith.select %gt3A_1186, %rev3A_1180, %masked_sort3A_1075 : vector<16xi1>, vector<16xf32>
        %select_n3A_1188 = arith.select %gt3A_1186, %rev3A_1185, %masked_sort3A_1076 : vector<16xi1>, vector<16xi32>
        %masked_sort3A_1189 = arith.constant dense<true> : vector<16xi1>
        %masked_sort3A_1190, %masked_sort3A_1191, %masked_sort3A_1192 = tpu.sort %select_n3A_1187, %select_n3A_1188 masked %masked_sort3A_1189 : (vector<16xf32>, vector<16xi32>, vector<16xi1>) -> (vector<16xi1>, vector<16xf32>, vector<16xi32>)
        %get3A_1193 = arith.constant 0 : i32
        %get3A_1194 = arith.index_cast %get3A_1193 : i32 to index
        %get3A_1195 = arith.constant 640 : index
        %get3A_1196 = tpu.vector_load %arg5[%get3A_1194, %get3A_1195] {strides = array<i32>} : memref<2x1024xf32, #tpu.memory_space<vmem>>, vector<16xf32>,
        %abs3A_1197 = math.absf %get3A_1196 : vector<16xf32>
        %add3A_1198 = arith.constant 640 : i32
        %add3A_1199 = vector.broadcast %add3A_1198 : i32 to vector<16xi32>
        %add3A_1200 = arith.addi %iota3A, %add3A_1199 : vector<16xi32>
        %masked_sort3A_1201 = arith.constant dense<true> : vector<16xi1>
        %masked_sort3A_1202, %masked_sort3A_1203, %masked_sort3A_1204 = tpu.sort %abs3A_1197, %add3A_1200 masked %masked_sort3A_1201 : (vector<16xf32>, vector<16xi32>, vector<16xi1>) -> (vector<16xi1>, vector<16xf32>, vector<16xi32>)
        %get3A_1205 = arith.constant 0 : i32
        %get3A_1206 = arith.index_cast %get3A_1205 : i32 to index
        %get3A_1207 = arith.constant 656 : index
        %get3A_1208 = tpu.vector_load %arg5[%get3A_1206, %get3A_1207] {strides = array<i32>} : memref<2x1024xf32, #tpu.memory_space<vmem>>, vector<16xf32>,
        %abs3A_1209 = math.absf %get3A_1208 : vector<16xf32>
        %add3A_1210 = arith.constant 656 : i32
        %add3A_1211 = vector.broadcast %add3A_1210 : i32 to vector<16xi32>
        %add3A_1212 = arith.addi %iota3A, %add3A_1211 : vector<16xi32>
        %masked_sort3A_1213 = arith.constant dense<true> : vector<16xi1>
        %masked_sort3A_1214, %masked_sort3A_1215, %masked_sort3A_1216 = tpu.sort %abs3A_1209, %add3A_1212 masked %masked_sort3A_1213 : (vector<16xf32>, vector<16xi32>, vector<16xi1>) -> (vector<16xi1>, vector<16xf32>, vector<16xi32>)
        %rev3A_1217 = arith.constant 15 : i32
        %rev3A_1218 = vector.broadcast %rev3A_1217 : i32 to vector<16xi32>
        %rev3A_1219 = tpu.iota {dimensions = array<i32: 0>} : vector<16xi32>
        %rev3A_1220 = arith.subi %rev3A_1218, %rev3A_1219 : vector<16xi32>
        %rev3A_1221 = tpu.dynamic_gather %masked_sort3A_1215[%rev3A_1220] in [0] : vector<16xf32>, vector<16xi32> -> vector<16xf32>
        %rev3A_1222 = arith.constant 15 : i32
        %rev3A_1223 = vector.broadcast %rev3A_1222 : i32 to vector<16xi32>
        %rev3A_1224 = tpu.iota {dimensions = array<i32: 0>} : vector<16xi32>
        %rev3A_1225 = arith.subi %rev3A_1223, %rev3A_1224 : vector<16xi32>
        %rev3A_1226 = tpu.dynamic_gather %masked_sort3A_1216[%rev3A_1225] in [0] : vector<16xi32>, vector<16xi32> -> vector<16xi32>
        %gt3A_1227 = arith.cmpf ogt, %rev3A_1221, %masked_sort3A_1203 : vector<16xf32>
        %select_n3A_1228 = arith.select %gt3A_1227, %rev3A_1221, %masked_sort3A_1203 : vector<16xi1>, vector<16xf32>
        %select_n3A_1229 = arith.select %gt3A_1227, %rev3A_1226, %masked_sort3A_1204 : vector<16xi1>, vector<16xi32>
        %masked_sort3A_1230 = arith.constant dense<true> : vector<16xi1>
        %masked_sort3A_1231, %masked_sort3A_1232, %masked_sort3A_1233 = tpu.sort %select_n3A_1228, %select_n3A_1229 masked %masked_sort3A_1230 : (vector<16xf32>, vector<16xi32>, vector<16xi1>) -> (vector<16xi1>, vector<16xf32>, vector<16xi32>)
        %get3A_1234 = arith.constant 0 : i32
        %get3A_1235 = arith.index_cast %get3A_1234 : i32 to index
        %get3A_1236 = arith.constant 672 : index
        %get3A_1237 = tpu.vector_load %arg5[%get3A_1235, %get3A_1236] {strides = array<i32>} : memref<2x1024xf32, #tpu.memory_space<vmem>>, vector<16xf32>,
        %abs3A_1238 = math.absf %get3A_1237 : vector<16xf32>
        %add3A_1239 = arith.constant 672 : i32
        %add3A_1240 = vector.broadcast %add3A_1239 : i32 to vector<16xi32>
        %add3A_1241 = arith.addi %iota3A, %add3A_1240 : vector<16xi32>
        %masked_sort3A_1242 = arith.constant dense<true> : vector<16xi1>
        %masked_sort3A_1243, %masked_sort3A_1244, %masked_sort3A_1245 = tpu.sort %abs3A_1238, %add3A_1241 masked %masked_sort3A_1242 : (vector<16xf32>, vector<16xi32>, vector<16xi1>) -> (vector<16xi1>, vector<16xf32>, vector<16xi32>)
        %get3A_1246 = arith.constant 0 : i32
        %get3A_1247 = arith.index_cast %get3A_1246 : i32 to index
        %get3A_1248 = arith.constant 688 : index
        %get3A_1249 = tpu.vector_load %arg5[%get3A_1247, %get3A_1248] {strides = array<i32>} : memref<2x1024xf32, #tpu.memory_space<vmem>>, vector<16xf32>,
        %abs3A_1250 = math.absf %get3A_1249 : vector<16xf32>
        %add3A_1251 = arith.constant 688 : i32
        %add3A_1252 = vector.broadcast %add3A_1251 : i32 to vector<16xi32>
        %add3A_1253 = arith.addi %iota3A, %add3A_1252 : vector<16xi32>
        %masked_sort3A_1254 = arith.constant dense<true> : vector<16xi1>
        %masked_sort3A_1255, %masked_sort3A_1256, %masked_sort3A_1257 = tpu.sort %abs3A_1250, %add3A_1253 masked %masked_sort3A_1254 : (vector<16xf32>, vector<16xi32>, vector<16xi1>) -> (vector<16xi1>, vector<16xf32>, vector<16xi32>)
        %rev3A_1258 = arith.constant 15 : i32
        %rev3A_1259 = vector.broadcast %rev3A_1258 : i32 to vector<16xi32>
        %rev3A_1260 = tpu.iota {dimensions = array<i32: 0>} : vector<16xi32>
        %rev3A_1261 = arith.subi %rev3A_1259, %rev3A_1260 : vector<16xi32>
        %rev3A_1262 = tpu.dynamic_gather %masked_sort3A_1256[%rev3A_1261] in [0] : vector<16xf32>, vector<16xi32> -> vector<16xf32>
        %rev3A_1263 = arith.constant 15 : i32
        %rev3A_1264 = vector.broadcast %rev3A_1263 : i32 to vector<16xi32>
        %rev3A_1265 = tpu.iota {dimensions = array<i32: 0>} : vector<16xi32>
        %rev3A_1266 = arith.subi %rev3A_1264, %rev3A_1265 : vector<16xi32>
        %rev3A_1267 = tpu.dynamic_gather %masked_sort3A_1257[%rev3A_1266] in [0] : vector<16xi32>, vector<16xi32> -> vector<16xi32>
        %gt3A_1268 = arith.cmpf ogt, %rev3A_1262, %masked_sort3A_1244 : vector<16xf32>
        %select_n3A_1269 = arith.select %gt3A_1268, %rev3A_1262, %masked_sort3A_1244 : vector<16xi1>, vector<16xf32>
        %select_n3A_1270 = arith.select %gt3A_1268, %rev3A_1267, %masked_sort3A_1245 : vector<16xi1>, vector<16xi32>
        %masked_sort3A_1271 = arith.constant dense<true> : vector<16xi1>
        %masked_sort3A_1272, %masked_sort3A_1273, %masked_sort3A_1274 = tpu.sort %select_n3A_1269, %select_n3A_1270 masked %masked_sort3A_1271 : (vector<16xf32>, vector<16xi32>, vector<16xi1>) -> (vector<16xi1>, vector<16xf32>, vector<16xi32>)
        %rev3A_1275 = arith.constant 15 : i32
        %rev3A_1276 = vector.broadcast %rev3A_1275 : i32 to vector<16xi32>
        %rev3A_1277 = tpu.iota {dimensions = array<i32: 0>} : vector<16xi32>
        %rev3A_1278 = arith.subi %rev3A_1276, %rev3A_1277 : vector<16xi32>
        %rev3A_1279 = tpu.dynamic_gather %masked_sort3A_1273[%rev3A_1278] in [0] : vector<16xf32>, vector<16xi32> -> vector<16xf32>
        %rev3A_1280 = arith.constant 15 : i32
        %rev3A_1281 = vector.broadcast %rev3A_1280 : i32 to vector<16xi32>
        %rev3A_1282 = tpu.iota {dimensions = array<i32: 0>} : vector<16xi32>
        %rev3A_1283 = arith.subi %rev3A_1281, %rev3A_1282 : vector<16xi32>
        %rev3A_1284 = tpu.dynamic_gather %masked_sort3A_1274[%rev3A_1283] in [0] : vector<16xi32>, vector<16xi32> -> vector<16xi32>
        %gt3A_1285 = arith.cmpf ogt, %rev3A_1279, %masked_sort3A_1232 : vector<16xf32>
        %select_n3A_1286 = arith.select %gt3A_1285, %rev3A_1279, %masked_sort3A_1232 : vector<16xi1>, vector<16xf32>
        %select_n3A_1287 = arith.select %gt3A_1285, %rev3A_1284, %masked_sort3A_1233 : vector<16xi1>, vector<16xi32>
        %masked_sort3A_1288 = arith.constant dense<true> : vector<16xi1>
        %masked_sort3A_1289, %masked_sort3A_1290, %masked_sort3A_1291 = tpu.sort %select_n3A_1286, %select_n3A_1287 masked %masked_sort3A_1288 : (vector<16xf32>, vector<16xi32>, vector<16xi1>) -> (vector<16xi1>, vector<16xf32>, vector<16xi32>)
        %get3A_1292 = arith.constant 0 : i32
        %get3A_1293 = arith.index_cast %get3A_1292 : i32 to index
        %get3A_1294 = arith.constant 704 : index
        %get3A_1295 = tpu.vector_load %arg5[%get3A_1293, %get3A_1294] {strides = array<i32>} : memref<2x1024xf32, #tpu.memory_space<vmem>>, vector<16xf32>,
        %abs3A_1296 = math.absf %get3A_1295 : vector<16xf32>
        %add3A_1297 = arith.constant 704 : i32
        %add3A_1298 = vector.broadcast %add3A_1297 : i32 to vector<16xi32>
        %add3A_1299 = arith.addi %iota3A, %add3A_1298 : vector<16xi32>
        %masked_sort3A_1300 = arith.constant dense<true> : vector<16xi1>
        %masked_sort3A_1301, %masked_sort3A_1302, %masked_sort3A_1303 = tpu.sort %abs3A_1296, %add3A_1299 masked %masked_sort3A_1300 : (vector<16xf32>, vector<16xi32>, vector<16xi1>) -> (vector<16xi1>, vector<16xf32>, vector<16xi32>)
        %get3A_1304 = arith.constant 0 : i32
        %get3A_1305 = arith.index_cast %get3A_1304 : i32 to index
        %get3A_1306 = arith.constant 720 : index
        %get3A_1307 = tpu.vector_load %arg5[%get3A_1305, %get3A_1306] {strides = array<i32>} : memref<2x1024xf32, #tpu.memory_space<vmem>>, vector<16xf32>,
        %abs3A_1308 = math.absf %get3A_1307 : vector<16xf32>
        %add3A_1309 = arith.constant 720 : i32
        %add3A_1310 = vector.broadcast %add3A_1309 : i32 to vector<16xi32>
        %add3A_1311 = arith.addi %iota3A, %add3A_1310 : vector<16xi32>
        %masked_sort3A_1312 = arith.constant dense<true> : vector<16xi1>
        %masked_sort3A_1313, %masked_sort3A_1314, %masked_sort3A_1315 = tpu.sort %abs3A_1308, %add3A_1311 masked %masked_sort3A_1312 : (vector<16xf32>, vector<16xi32>, vector<16xi1>) -> (vector<16xi1>, vector<16xf32>, vector<16xi32>)
        %rev3A_1316 = arith.constant 15 : i32
        %rev3A_1317 = vector.broadcast %rev3A_1316 : i32 to vector<16xi32>
        %rev3A_1318 = tpu.iota {dimensions = array<i32: 0>} : vector<16xi32>
        %rev3A_1319 = arith.subi %rev3A_1317, %rev3A_1318 : vector<16xi32>
        %rev3A_1320 = tpu.dynamic_gather %masked_sort3A_1314[%rev3A_1319] in [0] : vector<16xf32>, vector<16xi32> -> vector<16xf32>
        %rev3A_1321 = arith.constant 15 : i32
        %rev3A_1322 = vector.broadcast %rev3A_1321 : i32 to vector<16xi32>
        %rev3A_1323 = tpu.iota {dimensions = array<i32: 0>} : vector<16xi32>
        %rev3A_1324 = arith.subi %rev3A_1322, %rev3A_1323 : vector<16xi32>
        %rev3A_1325 = tpu.dynamic_gather %masked_sort3A_1315[%rev3A_1324] in [0] : vector<16xi32>, vector<16xi32> -> vector<16xi32>
        %gt3A_1326 = arith.cmpf ogt, %rev3A_1320, %masked_sort3A_1302 : vector<16xf32>
        %select_n3A_1327 = arith.select %gt3A_1326, %rev3A_1320, %masked_sort3A_1302 : vector<16xi1>, vector<16xf32>
        %select_n3A_1328 = arith.select %gt3A_1326, %rev3A_1325, %masked_sort3A_1303 : vector<16xi1>, vector<16xi32>
        %masked_sort3A_1329 = arith.constant dense<true> : vector<16xi1>
        %masked_sort3A_1330, %masked_sort3A_1331, %masked_sort3A_1332 = tpu.sort %select_n3A_1327, %select_n3A_1328 masked %masked_sort3A_1329 : (vector<16xf32>, vector<16xi32>, vector<16xi1>) -> (vector<16xi1>, vector<16xf32>, vector<16xi32>)
        %get3A_1333 = arith.constant 0 : i32
        %get3A_1334 = arith.index_cast %get3A_1333 : i32 to index
        %get3A_1335 = arith.constant 736 : index
        %get3A_1336 = tpu.vector_load %arg5[%get3A_1334, %get3A_1335] {strides = array<i32>} : memref<2x1024xf32, #tpu.memory_space<vmem>>, vector<16xf32>,
        %abs3A_1337 = math.absf %get3A_1336 : vector<16xf32>
        %add3A_1338 = arith.constant 736 : i32
        %add3A_1339 = vector.broadcast %add3A_1338 : i32 to vector<16xi32>
        %add3A_1340 = arith.addi %iota3A, %add3A_1339 : vector<16xi32>
        %masked_sort3A_1341 = arith.constant dense<true> : vector<16xi1>
        %masked_sort3A_1342, %masked_sort3A_1343, %masked_sort3A_1344 = tpu.sort %abs3A_1337, %add3A_1340 masked %masked_sort3A_1341 : (vector<16xf32>, vector<16xi32>, vector<16xi1>) -> (vector<16xi1>, vector<16xf32>, vector<16xi32>)
        %get3A_1345 = arith.constant 0 : i32
        %get3A_1346 = arith.index_cast %get3A_1345 : i32 to index
        %get3A_1347 = arith.constant 752 : index
        %get3A_1348 = tpu.vector_load %arg5[%get3A_1346, %get3A_1347] {strides = array<i32>} : memref<2x1024xf32, #tpu.memory_space<vmem>>, vector<16xf32>,
        %abs3A_1349 = math.absf %get3A_1348 : vector<16xf32>
        %add3A_1350 = arith.constant 752 : i32
        %add3A_1351 = vector.broadcast %add3A_1350 : i32 to vector<16xi32>
        %add3A_1352 = arith.addi %iota3A, %add3A_1351 : vector<16xi32>
        %masked_sort3A_1353 = arith.constant dense<true> : vector<16xi1>
        %masked_sort3A_1354, %masked_sort3A_1355, %masked_sort3A_1356 = tpu.sort %abs3A_1349, %add3A_1352 masked %masked_sort3A_1353 : (vector<16xf32>, vector<16xi32>, vector<16xi1>) -> (vector<16xi1>, vector<16xf32>, vector<16xi32>)
        %rev3A_1357 = arith.constant 15 : i32
        %rev3A_1358 = vector.broadcast %rev3A_1357 : i32 to vector<16xi32>
        %rev3A_1359 = tpu.iota {dimensions = array<i32: 0>} : vector<16xi32>
        %rev3A_1360 = arith.subi %rev3A_1358, %rev3A_1359 : vector<16xi32>
        %rev3A_1361 = tpu.dynamic_gather %masked_sort3A_1355[%rev3A_1360] in [0] : vector<16xf32>, vector<16xi32> -> vector<16xf32>
        %rev3A_1362 = arith.constant 15 : i32
        %rev3A_1363 = vector.broadcast %rev3A_1362 : i32 to vector<16xi32>
        %rev3A_1364 = tpu.iota {dimensions = array<i32: 0>} : vector<16xi32>
        %rev3A_1365 = arith.subi %rev3A_1363, %rev3A_1364 : vector<16xi32>
        %rev3A_1366 = tpu.dynamic_gather %masked_sort3A_1356[%rev3A_1365] in [0] : vector<16xi32>, vector<16xi32> -> vector<16xi32>
        %gt3A_1367 = arith.cmpf ogt, %rev3A_1361, %masked_sort3A_1343 : vector<16xf32>
        %select_n3A_1368 = arith.select %gt3A_1367, %rev3A_1361, %masked_sort3A_1343 : vector<16xi1>, vector<16xf32>
        %select_n3A_1369 = arith.select %gt3A_1367, %rev3A_1366, %masked_sort3A_1344 : vector<16xi1>, vector<16xi32>
        %masked_sort3A_1370 = arith.constant dense<true> : vector<16xi1>
        %masked_sort3A_1371, %masked_sort3A_1372, %masked_sort3A_1373 = tpu.sort %select_n3A_1368, %select_n3A_1369 masked %masked_sort3A_1370 : (vector<16xf32>, vector<16xi32>, vector<16xi1>) -> (vector<16xi1>, vector<16xf32>, vector<16xi32>)
        %rev3A_1374 = arith.constant 15 : i32
        %rev3A_1375 = vector.broadcast %rev3A_1374 : i32 to vector<16xi32>
        %rev3A_1376 = tpu.iota {dimensions = array<i32: 0>} : vector<16xi32>
        %rev3A_1377 = arith.subi %rev3A_1375, %rev3A_1376 : vector<16xi32>
        %rev3A_1378 = tpu.dynamic_gather %masked_sort3A_1372[%rev3A_1377] in [0] : vector<16xf32>, vector<16xi32> -> vector<16xf32>
        %rev3A_1379 = arith.constant 15 : i32
        %rev3A_1380 = vector.broadcast %rev3A_1379 : i32 to vector<16xi32>
        %rev3A_1381 = tpu.iota {dimensions = array<i32: 0>} : vector<16xi32>
        %rev3A_1382 = arith.subi %rev3A_1380, %rev3A_1381 : vector<16xi32>
        %rev3A_1383 = tpu.dynamic_gather %masked_sort3A_1373[%rev3A_1382] in [0] : vector<16xi32>, vector<16xi32> -> vector<16xi32>
        %gt3A_1384 = arith.cmpf ogt, %rev3A_1378, %masked_sort3A_1331 : vector<16xf32>
        %select_n3A_1385 = arith.select %gt3A_1384, %rev3A_1378, %masked_sort3A_1331 : vector<16xi1>, vector<16xf32>
        %select_n3A_1386 = arith.select %gt3A_1384, %rev3A_1383, %masked_sort3A_1332 : vector<16xi1>, vector<16xi32>
        %masked_sort3A_1387 = arith.constant dense<true> : vector<16xi1>
        %masked_sort3A_1388, %masked_sort3A_1389, %masked_sort3A_1390 = tpu.sort %select_n3A_1385, %select_n3A_1386 masked %masked_sort3A_1387 : (vector<16xf32>, vector<16xi32>, vector<16xi1>) -> (vector<16xi1>, vector<16xf32>, vector<16xi32>)
        %rev3A_1391 = arith.constant 15 : i32
        %rev3A_1392 = vector.broadcast %rev3A_1391 : i32 to vector<16xi32>
        %rev3A_1393 = tpu.iota {dimensions = array<i32: 0>} : vector<16xi32>
        %rev3A_1394 = arith.subi %rev3A_1392, %rev3A_1393 : vector<16xi32>
        %rev3A_1395 = tpu.dynamic_gather %masked_sort3A_1389[%rev3A_1394] in [0] : vector<16xf32>, vector<16xi32> -> vector<16xf32>
        %rev3A_1396 = arith.constant 15 : i32
        %rev3A_1397 = vector.broadcast %rev3A_1396 : i32 to vector<16xi32>
        %rev3A_1398 = tpu.iota {dimensions = array<i32: 0>} : vector<16xi32>
        %rev3A_1399 = arith.subi %rev3A_1397, %rev3A_1398 : vector<16xi32>
        %rev3A_1400 = tpu.dynamic_gather %masked_sort3A_1390[%rev3A_1399] in [0] : vector<16xi32>, vector<16xi32> -> vector<16xi32>
        %gt3A_1401 = arith.cmpf ogt, %rev3A_1395, %masked_sort3A_1290 : vector<16xf32>
        %select_n3A_1402 = arith.select %gt3A_1401, %rev3A_1395, %masked_sort3A_1290 : vector<16xi1>, vector<16xf32>
        %select_n3A_1403 = arith.select %gt3A_1401, %rev3A_1400, %masked_sort3A_1291 : vector<16xi1>, vector<16xi32>
        %masked_sort3A_1404 = arith.constant dense<true> : vector<16xi1>
        %masked_sort3A_1405, %masked_sort3A_1406, %masked_sort3A_1407 = tpu.sort %select_n3A_1402, %select_n3A_1403 masked %masked_sort3A_1404 : (vector<16xf32>, vector<16xi32>, vector<16xi1>) -> (vector<16xi1>, vector<16xf32>, vector<16xi32>)
        %rev3A_1408 = arith.constant 15 : i32
        %rev3A_1409 = vector.broadcast %rev3A_1408 : i32 to vector<16xi32>
        %rev3A_1410 = tpu.iota {dimensions = array<i32: 0>} : vector<16xi32>
        %rev3A_1411 = arith.subi %rev3A_1409, %rev3A_1410 : vector<16xi32>
        %rev3A_1412 = tpu.dynamic_gather %masked_sort3A_1406[%rev3A_1411] in [0] : vector<16xf32>, vector<16xi32> -> vector<16xf32>
        %rev3A_1413 = arith.constant 15 : i32
        %rev3A_1414 = vector.broadcast %rev3A_1413 : i32 to vector<16xi32>
        %rev3A_1415 = tpu.iota {dimensions = array<i32: 0>} : vector<16xi32>
        %rev3A_1416 = arith.subi %rev3A_1414, %rev3A_1415 : vector<16xi32>
        %rev3A_1417 = tpu.dynamic_gather %masked_sort3A_1407[%rev3A_1416] in [0] : vector<16xi32>, vector<16xi32> -> vector<16xi32>
        %gt3A_1418 = arith.cmpf ogt, %rev3A_1412, %masked_sort3A_1191 : vector<16xf32>
        %select_n3A_1419 = arith.select %gt3A_1418, %rev3A_1412, %masked_sort3A_1191 : vector<16xi1>, vector<16xf32>
        %select_n3A_1420 = arith.select %gt3A_1418, %rev3A_1417, %masked_sort3A_1192 : vector<16xi1>, vector<16xi32>
        %masked_sort3A_1421 = arith.constant dense<true> : vector<16xi1>
        %masked_sort3A_1422, %masked_sort3A_1423, %masked_sort3A_1424 = tpu.sort %select_n3A_1419, %select_n3A_1420 masked %masked_sort3A_1421 : (vector<16xf32>, vector<16xi32>, vector<16xi1>) -> (vector<16xi1>, vector<16xf32>, vector<16xi32>)
        %get3A_1425 = arith.constant 0 : i32
        %get3A_1426 = arith.index_cast %get3A_1425 : i32 to index
        %get3A_1427 = arith.constant 768 : index
        %get3A_1428 = tpu.vector_load %arg5[%get3A_1426, %get3A_1427] {strides = array<i32>} : memref<2x1024xf32, #tpu.memory_space<vmem>>, vector<16xf32>,
        %abs3A_1429 = math.absf %get3A_1428 : vector<16xf32>
        %add3A_1430 = arith.constant 768 : i32
        %add3A_1431 = vector.broadcast %add3A_1430 : i32 to vector<16xi32>
        %add3A_1432 = arith.addi %iota3A, %add3A_1431 : vector<16xi32>
        %masked_sort3A_1433 = arith.constant dense<true> : vector<16xi1>
        %masked_sort3A_1434, %masked_sort3A_1435, %masked_sort3A_1436 = tpu.sort %abs3A_1429, %add3A_1432 masked %masked_sort3A_1433 : (vector<16xf32>, vector<16xi32>, vector<16xi1>) -> (vector<16xi1>, vector<16xf32>, vector<16xi32>)
        %get3A_1437 = arith.constant 0 : i32
        %get3A_1438 = arith.index_cast %get3A_1437 : i32 to index
        %get3A_1439 = arith.constant 784 : index
        %get3A_1440 = tpu.vector_load %arg5[%get3A_1438, %get3A_1439] {strides = array<i32>} : memref<2x1024xf32, #tpu.memory_space<vmem>>, vector<16xf32>,
        %abs3A_1441 = math.absf %get3A_1440 : vector<16xf32>
        %add3A_1442 = arith.constant 784 : i32
        %add3A_1443 = vector.broadcast %add3A_1442 : i32 to vector<16xi32>
        %add3A_1444 = arith.addi %iota3A, %add3A_1443 : vector<16xi32>
        %masked_sort3A_1445 = arith.constant dense<true> : vector<16xi1>
        %masked_sort3A_1446, %masked_sort3A_1447, %masked_sort3A_1448 = tpu.sort %abs3A_1441, %add3A_1444 masked %masked_sort3A_1445 : (vector<16xf32>, vector<16xi32>, vector<16xi1>) -> (vector<16xi1>, vector<16xf32>, vector<16xi32>)
        %rev3A_1449 = arith.constant 15 : i32
        %rev3A_1450 = vector.broadcast %rev3A_1449 : i32 to vector<16xi32>
        %rev3A_1451 = tpu.iota {dimensions = array<i32: 0>} : vector<16xi32>
        %rev3A_1452 = arith.subi %rev3A_1450, %rev3A_1451 : vector<16xi32>
        %rev3A_1453 = tpu.dynamic_gather %masked_sort3A_1447[%rev3A_1452] in [0] : vector<16xf32>, vector<16xi32> -> vector<16xf32>
        %rev3A_1454 = arith.constant 15 : i32
        %rev3A_1455 = vector.broadcast %rev3A_1454 : i32 to vector<16xi32>
        %rev3A_1456 = tpu.iota {dimensions = array<i32: 0>} : vector<16xi32>
        %rev3A_1457 = arith.subi %rev3A_1455, %rev3A_1456 : vector<16xi32>
        %rev3A_1458 = tpu.dynamic_gather %masked_sort3A_1448[%rev3A_1457] in [0] : vector<16xi32>, vector<16xi32> -> vector<16xi32>
        %gt3A_1459 = arith.cmpf ogt, %rev3A_1453, %masked_sort3A_1435 : vector<16xf32>
        %select_n3A_1460 = arith.select %gt3A_1459, %rev3A_1453, %masked_sort3A_1435 : vector<16xi1>, vector<16xf32>
        %select_n3A_1461 = arith.select %gt3A_1459, %rev3A_1458, %masked_sort3A_1436 : vector<16xi1>, vector<16xi32>
        %masked_sort3A_1462 = arith.constant dense<true> : vector<16xi1>
        %masked_sort3A_1463, %masked_sort3A_1464, %masked_sort3A_1465 = tpu.sort %select_n3A_1460, %select_n3A_1461 masked %masked_sort3A_1462 : (vector<16xf32>, vector<16xi32>, vector<16xi1>) -> (vector<16xi1>, vector<16xf32>, vector<16xi32>)
        %get3A_1466 = arith.constant 0 : i32
        %get3A_1467 = arith.index_cast %get3A_1466 : i32 to index
        %get3A_1468 = arith.constant 800 : index
        %get3A_1469 = tpu.vector_load %arg5[%get3A_1467, %get3A_1468] {strides = array<i32>} : memref<2x1024xf32, #tpu.memory_space<vmem>>, vector<16xf32>,
        %abs3A_1470 = math.absf %get3A_1469 : vector<16xf32>
        %add3A_1471 = arith.constant 800 : i32
        %add3A_1472 = vector.broadcast %add3A_1471 : i32 to vector<16xi32>
        %add3A_1473 = arith.addi %iota3A, %add3A_1472 : vector<16xi32>
        %masked_sort3A_1474 = arith.constant dense<true> : vector<16xi1>
        %masked_sort3A_1475, %masked_sort3A_1476, %masked_sort3A_1477 = tpu.sort %abs3A_1470, %add3A_1473 masked %masked_sort3A_1474 : (vector<16xf32>, vector<16xi32>, vector<16xi1>) -> (vector<16xi1>, vector<16xf32>, vector<16xi32>)
        %get3A_1478 = arith.constant 0 : i32
        %get3A_1479 = arith.index_cast %get3A_1478 : i32 to index
        %get3A_1480 = arith.constant 816 : index
        %get3A_1481 = tpu.vector_load %arg5[%get3A_1479, %get3A_1480] {strides = array<i32>} : memref<2x1024xf32, #tpu.memory_space<vmem>>, vector<16xf32>,
        %abs3A_1482 = math.absf %get3A_1481 : vector<16xf32>
        %add3A_1483 = arith.constant 816 : i32
        %add3A_1484 = vector.broadcast %add3A_1483 : i32 to vector<16xi32>
        %add3A_1485 = arith.addi %iota3A, %add3A_1484 : vector<16xi32>
        %masked_sort3A_1486 = arith.constant dense<true> : vector<16xi1>
        %masked_sort3A_1487, %masked_sort3A_1488, %masked_sort3A_1489 = tpu.sort %abs3A_1482, %add3A_1485 masked %masked_sort3A_1486 : (vector<16xf32>, vector<16xi32>, vector<16xi1>) -> (vector<16xi1>, vector<16xf32>, vector<16xi32>)
        %rev3A_1490 = arith.constant 15 : i32
        %rev3A_1491 = vector.broadcast %rev3A_1490 : i32 to vector<16xi32>
        %rev3A_1492 = tpu.iota {dimensions = array<i32: 0>} : vector<16xi32>
        %rev3A_1493 = arith.subi %rev3A_1491, %rev3A_1492 : vector<16xi32>
        %rev3A_1494 = tpu.dynamic_gather %masked_sort3A_1488[%rev3A_1493] in [0] : vector<16xf32>, vector<16xi32> -> vector<16xf32>
        %rev3A_1495 = arith.constant 15 : i32
        %rev3A_1496 = vector.broadcast %rev3A_1495 : i32 to vector<16xi32>
        %rev3A_1497 = tpu.iota {dimensions = array<i32: 0>} : vector<16xi32>
        %rev3A_1498 = arith.subi %rev3A_1496, %rev3A_1497 : vector<16xi32>
        %rev3A_1499 = tpu.dynamic_gather %masked_sort3A_1489[%rev3A_1498] in [0] : vector<16xi32>, vector<16xi32> -> vector<16xi32>
        %gt3A_1500 = arith.cmpf ogt, %rev3A_1494, %masked_sort3A_1476 : vector<16xf32>
        %select_n3A_1501 = arith.select %gt3A_1500, %rev3A_1494, %masked_sort3A_1476 : vector<16xi1>, vector<16xf32>
        %select_n3A_1502 = arith.select %gt3A_1500, %rev3A_1499, %masked_sort3A_1477 : vector<16xi1>, vector<16xi32>
        %masked_sort3A_1503 = arith.constant dense<true> : vector<16xi1>
        %masked_sort3A_1504, %masked_sort3A_1505, %masked_sort3A_1506 = tpu.sort %select_n3A_1501, %select_n3A_1502 masked %masked_sort3A_1503 : (vector<16xf32>, vector<16xi32>, vector<16xi1>) -> (vector<16xi1>, vector<16xf32>, vector<16xi32>)
        %rev3A_1507 = arith.constant 15 : i32
        %rev3A_1508 = vector.broadcast %rev3A_1507 : i32 to vector<16xi32>
        %rev3A_1509 = tpu.iota {dimensions = array<i32: 0>} : vector<16xi32>
        %rev3A_1510 = arith.subi %rev3A_1508, %rev3A_1509 : vector<16xi32>
        %rev3A_1511 = tpu.dynamic_gather %masked_sort3A_1505[%rev3A_1510] in [0] : vector<16xf32>, vector<16xi32> -> vector<16xf32>
        %rev3A_1512 = arith.constant 15 : i32
        %rev3A_1513 = vector.broadcast %rev3A_1512 : i32 to vector<16xi32>
        %rev3A_1514 = tpu.iota {dimensions = array<i32: 0>} : vector<16xi32>
        %rev3A_1515 = arith.subi %rev3A_1513, %rev3A_1514 : vector<16xi32>
        %rev3A_1516 = tpu.dynamic_gather %masked_sort3A_1506[%rev3A_1515] in [0] : vector<16xi32>, vector<16xi32> -> vector<16xi32>
        %gt3A_1517 = arith.cmpf ogt, %rev3A_1511, %masked_sort3A_1464 : vector<16xf32>
        %select_n3A_1518 = arith.select %gt3A_1517, %rev3A_1511, %masked_sort3A_1464 : vector<16xi1>, vector<16xf32>
        %select_n3A_1519 = arith.select %gt3A_1517, %rev3A_1516, %masked_sort3A_1465 : vector<16xi1>, vector<16xi32>
        %masked_sort3A_1520 = arith.constant dense<true> : vector<16xi1>
        %masked_sort3A_1521, %masked_sort3A_1522, %masked_sort3A_1523 = tpu.sort %select_n3A_1518, %select_n3A_1519 masked %masked_sort3A_1520 : (vector<16xf32>, vector<16xi32>, vector<16xi1>) -> (vector<16xi1>, vector<16xf32>, vector<16xi32>)
        %get3A_1524 = arith.constant 0 : i32
        %get3A_1525 = arith.index_cast %get3A_1524 : i32 to index
        %get3A_1526 = arith.constant 832 : index
        %get3A_1527 = tpu.vector_load %arg5[%get3A_1525, %get3A_1526] {strides = array<i32>} : memref<2x1024xf32, #tpu.memory_space<vmem>>, vector<16xf32>,
        %abs3A_1528 = math.absf %get3A_1527 : vector<16xf32>
        %add3A_1529 = arith.constant 832 : i32
        %add3A_1530 = vector.broadcast %add3A_1529 : i32 to vector<16xi32>
        %add3A_1531 = arith.addi %iota3A, %add3A_1530 : vector<16xi32>
        %masked_sort3A_1532 = arith.constant dense<true> : vector<16xi1>
        %masked_sort3A_1533, %masked_sort3A_1534, %masked_sort3A_1535 = tpu.sort %abs3A_1528, %add3A_1531 masked %masked_sort3A_1532 : (vector<16xf32>, vector<16xi32>, vector<16xi1>) -> (vector<16xi1>, vector<16xf32>, vector<16xi32>)
        %get3A_1536 = arith.constant 0 : i32
        %get3A_1537 = arith.index_cast %get3A_1536 : i32 to index
        %get3A_1538 = arith.constant 848 : index
        %get3A_1539 = tpu.vector_load %arg5[%get3A_1537, %get3A_1538] {strides = array<i32>} : memref<2x1024xf32, #tpu.memory_space<vmem>>, vector<16xf32>,
        %abs3A_1540 = math.absf %get3A_1539 : vector<16xf32>
        %add3A_1541 = arith.constant 848 : i32
        %add3A_1542 = vector.broadcast %add3A_1541 : i32 to vector<16xi32>
        %add3A_1543 = arith.addi %iota3A, %add3A_1542 : vector<16xi32>
        %masked_sort3A_1544 = arith.constant dense<true> : vector<16xi1>
        %masked_sort3A_1545, %masked_sort3A_1546, %masked_sort3A_1547 = tpu.sort %abs3A_1540, %add3A_1543 masked %masked_sort3A_1544 : (vector<16xf32>, vector<16xi32>, vector<16xi1>) -> (vector<16xi1>, vector<16xf32>, vector<16xi32>)
        %rev3A_1548 = arith.constant 15 : i32
        %rev3A_1549 = vector.broadcast %rev3A_1548 : i32 to vector<16xi32>
        %rev3A_1550 = tpu.iota {dimensions = array<i32: 0>} : vector<16xi32>
        %rev3A_1551 = arith.subi %rev3A_1549, %rev3A_1550 : vector<16xi32>
        %rev3A_1552 = tpu.dynamic_gather %masked_sort3A_1546[%rev3A_1551] in [0] : vector<16xf32>, vector<16xi32> -> vector<16xf32>
        %rev3A_1553 = arith.constant 15 : i32
        %rev3A_1554 = vector.broadcast %rev3A_1553 : i32 to vector<16xi32>
        %rev3A_1555 = tpu.iota {dimensions = array<i32: 0>} : vector<16xi32>
        %rev3A_1556 = arith.subi %rev3A_1554, %rev3A_1555 : vector<16xi32>
        %rev3A_1557 = tpu.dynamic_gather %masked_sort3A_1547[%rev3A_1556] in [0] : vector<16xi32>, vector<16xi32> -> vector<16xi32>
        %gt3A_1558 = arith.cmpf ogt, %rev3A_1552, %masked_sort3A_1534 : vector<16xf32>
        %select_n3A_1559 = arith.select %gt3A_1558, %rev3A_1552, %masked_sort3A_1534 : vector<16xi1>, vector<16xf32>
        %select_n3A_1560 = arith.select %gt3A_1558, %rev3A_1557, %masked_sort3A_1535 : vector<16xi1>, vector<16xi32>
        %masked_sort3A_1561 = arith.constant dense<true> : vector<16xi1>
        %masked_sort3A_1562, %masked_sort3A_1563, %masked_sort3A_1564 = tpu.sort %select_n3A_1559, %select_n3A_1560 masked %masked_sort3A_1561 : (vector<16xf32>, vector<16xi32>, vector<16xi1>) -> (vector<16xi1>, vector<16xf32>, vector<16xi32>)
        %get3A_1565 = arith.constant 0 : i32
        %get3A_1566 = arith.index_cast %get3A_1565 : i32 to index
        %get3A_1567 = arith.constant 864 : index
        %get3A_1568 = tpu.vector_load %arg5[%get3A_1566, %get3A_1567] {strides = array<i32>} : memref<2x1024xf32, #tpu.memory_space<vmem>>, vector<16xf32>,
        %abs3A_1569 = math.absf %get3A_1568 : vector<16xf32>
        %add3A_1570 = arith.constant 864 : i32
        %add3A_1571 = vector.broadcast %add3A_1570 : i32 to vector<16xi32>
        %add3A_1572 = arith.addi %iota3A, %add3A_1571 : vector<16xi32>
        %masked_sort3A_1573 = arith.constant dense<true> : vector<16xi1>
        %masked_sort3A_1574, %masked_sort3A_1575, %masked_sort3A_1576 = tpu.sort %abs3A_1569, %add3A_1572 masked %masked_sort3A_1573 : (vector<16xf32>, vector<16xi32>, vector<16xi1>) -> (vector<16xi1>, vector<16xf32>, vector<16xi32>)
        %get3A_1577 = arith.constant 0 : i32
        %get3A_1578 = arith.index_cast %get3A_1577 : i32 to index
        %get3A_1579 = arith.constant 880 : index
        %get3A_1580 = tpu.vector_load %arg5[%get3A_1578, %get3A_1579] {strides = array<i32>} : memref<2x1024xf32, #tpu.memory_space<vmem>>, vector<16xf32>,
        %abs3A_1581 = math.absf %get3A_1580 : vector<16xf32>
        %add3A_1582 = arith.constant 880 : i32
        %add3A_1583 = vector.broadcast %add3A_1582 : i32 to vector<16xi32>
        %add3A_1584 = arith.addi %iota3A, %add3A_1583 : vector<16xi32>
        %masked_sort3A_1585 = arith.constant dense<true> : vector<16xi1>
        %masked_sort3A_1586, %masked_sort3A_1587, %masked_sort3A_1588 = tpu.sort %abs3A_1581, %add3A_1584 masked %masked_sort3A_1585 : (vector<16xf32>, vector<16xi32>, vector<16xi1>) -> (vector<16xi1>, vector<16xf32>, vector<16xi32>)
        %rev3A_1589 = arith.constant 15 : i32
        %rev3A_1590 = vector.broadcast %rev3A_1589 : i32 to vector<16xi32>
        %rev3A_1591 = tpu.iota {dimensions = array<i32: 0>} : vector<16xi32>
        %rev3A_1592 = arith.subi %rev3A_1590, %rev3A_1591 : vector<16xi32>
        %rev3A_1593 = tpu.dynamic_gather %masked_sort3A_1587[%rev3A_1592] in [0] : vector<16xf32>, vector<16xi32> -> vector<16xf32>
        %rev3A_1594 = arith.constant 15 : i32
        %rev3A_1595 = vector.broadcast %rev3A_1594 : i32 to vector<16xi32>
        %rev3A_1596 = tpu.iota {dimensions = array<i32: 0>} : vector<16xi32>
        %rev3A_1597 = arith.subi %rev3A_1595, %rev3A_1596 : vector<16xi32>
        %rev3A_1598 = tpu.dynamic_gather %masked_sort3A_1588[%rev3A_1597] in [0] : vector<16xi32>, vector<16xi32> -> vector<16xi32>
        %gt3A_1599 = arith.cmpf ogt, %rev3A_1593, %masked_sort3A_1575 : vector<16xf32>
        %select_n3A_1600 = arith.select %gt3A_1599, %rev3A_1593, %masked_sort3A_1575 : vector<16xi1>, vector<16xf32>
        %select_n3A_1601 = arith.select %gt3A_1599, %rev3A_1598, %masked_sort3A_1576 : vector<16xi1>, vector<16xi32>
        %masked_sort3A_1602 = arith.constant dense<true> : vector<16xi1>
        %masked_sort3A_1603, %masked_sort3A_1604, %masked_sort3A_1605 = tpu.sort %select_n3A_1600, %select_n3A_1601 masked %masked_sort3A_1602 : (vector<16xf32>, vector<16xi32>, vector<16xi1>) -> (vector<16xi1>, vector<16xf32>, vector<16xi32>)
        %rev3A_1606 = arith.constant 15 : i32
        %rev3A_1607 = vector.broadcast %rev3A_1606 : i32 to vector<16xi32>
        %rev3A_1608 = tpu.iota {dimensions = array<i32: 0>} : vector<16xi32>
        %rev3A_1609 = arith.subi %rev3A_1607, %rev3A_1608 : vector<16xi32>
        %rev3A_1610 = tpu.dynamic_gather %masked_sort3A_1604[%rev3A_1609] in [0] : vector<16xf32>, vector<16xi32> -> vector<16xf32>
        %rev3A_1611 = arith.constant 15 : i32
        %rev3A_1612 = vector.broadcast %rev3A_1611 : i32 to vector<16xi32>
        %rev3A_1613 = tpu.iota {dimensions = array<i32: 0>} : vector<16xi32>
        %rev3A_1614 = arith.subi %rev3A_1612, %rev3A_1613 : vector<16xi32>
        %rev3A_1615 = tpu.dynamic_gather %masked_sort3A_1605[%rev3A_1614] in [0] : vector<16xi32>, vector<16xi32> -> vector<16xi32>
        %gt3A_1616 = arith.cmpf ogt, %rev3A_1610, %masked_sort3A_1563 : vector<16xf32>
        %select_n3A_1617 = arith.select %gt3A_1616, %rev3A_1610, %masked_sort3A_1563 : vector<16xi1>, vector<16xf32>
        %select_n3A_1618 = arith.select %gt3A_1616, %rev3A_1615, %masked_sort3A_1564 : vector<16xi1>, vector<16xi32>
        %masked_sort3A_1619 = arith.constant dense<true> : vector<16xi1>
        %masked_sort3A_1620, %masked_sort3A_1621, %masked_sort3A_1622 = tpu.sort %select_n3A_1617, %select_n3A_1618 masked %masked_sort3A_1619 : (vector<16xf32>, vector<16xi32>, vector<16xi1>) -> (vector<16xi1>, vector<16xf32>, vector<16xi32>)
        %rev3A_1623 = arith.constant 15 : i32
        %rev3A_1624 = vector.broadcast %rev3A_1623 : i32 to vector<16xi32>
        %rev3A_1625 = tpu.iota {dimensions = array<i32: 0>} : vector<16xi32>
        %rev3A_1626 = arith.subi %rev3A_1624, %rev3A_1625 : vector<16xi32>
        %rev3A_1627 = tpu.dynamic_gather %masked_sort3A_1621[%rev3A_1626] in [0] : vector<16xf32>, vector<16xi32> -> vector<16xf32>
        %rev3A_1628 = arith.constant 15 : i32
        %rev3A_1629 = vector.broadcast %rev3A_1628 : i32 to vector<16xi32>
        %rev3A_1630 = tpu.iota {dimensions = array<i32: 0>} : vector<16xi32>
        %rev3A_1631 = arith.subi %rev3A_1629, %rev3A_1630 : vector<16xi32>
        %rev3A_1632 = tpu.dynamic_gather %masked_sort3A_1622[%rev3A_1631] in [0] : vector<16xi32>, vector<16xi32> -> vector<16xi32>
        %gt3A_1633 = arith.cmpf ogt, %rev3A_1627, %masked_sort3A_1522 : vector<16xf32>
        %select_n3A_1634 = arith.select %gt3A_1633, %rev3A_1627, %masked_sort3A_1522 : vector<16xi1>, vector<16xf32>
        %select_n3A_1635 = arith.select %gt3A_1633, %rev3A_1632, %masked_sort3A_1523 : vector<16xi1>, vector<16xi32>
        %masked_sort3A_1636 = arith.constant dense<true> : vector<16xi1>
        %masked_sort3A_1637, %masked_sort3A_1638, %masked_sort3A_1639 = tpu.sort %select_n3A_1634, %select_n3A_1635 masked %masked_sort3A_1636 : (vector<16xf32>, vector<16xi32>, vector<16xi1>) -> (vector<16xi1>, vector<16xf32>, vector<16xi32>)
        %get3A_1640 = arith.constant 0 : i32
        %get3A_1641 = arith.index_cast %get3A_1640 : i32 to index
        %get3A_1642 = arith.constant 896 : index
        %get3A_1643 = tpu.vector_load %arg5[%get3A_1641, %get3A_1642] {strides = array<i32>} : memref<2x1024xf32, #tpu.memory_space<vmem>>, vector<16xf32>,
        %abs3A_1644 = math.absf %get3A_1643 : vector<16xf32>
        %add3A_1645 = arith.constant 896 : i32
        %add3A_1646 = vector.broadcast %add3A_1645 : i32 to vector<16xi32>
        %add3A_1647 = arith.addi %iota3A, %add3A_1646 : vector<16xi32>
        %masked_sort3A_1648 = arith.constant dense<true> : vector<16xi1>
        %masked_sort3A_1649, %masked_sort3A_1650, %masked_sort3A_1651 = tpu.sort %abs3A_1644, %add3A_1647 masked %masked_sort3A_1648 : (vector<16xf32>, vector<16xi32>, vector<16xi1>) -> (vector<16xi1>, vector<16xf32>, vector<16xi32>)
        %get3A_1652 = arith.constant 0 : i32
        %get3A_1653 = arith.index_cast %get3A_1652 : i32 to index
        %get3A_1654 = arith.constant 912 : index
        %get3A_1655 = tpu.vector_load %arg5[%get3A_1653, %get3A_1654] {strides = array<i32>} : memref<2x1024xf32, #tpu.memory_space<vmem>>, vector<16xf32>,
        %abs3A_1656 = math.absf %get3A_1655 : vector<16xf32>
        %add3A_1657 = arith.constant 912 : i32
        %add3A_1658 = vector.broadcast %add3A_1657 : i32 to vector<16xi32>
        %add3A_1659 = arith.addi %iota3A, %add3A_1658 : vector<16xi32>
        %masked_sort3A_1660 = arith.constant dense<true> : vector<16xi1>
        %masked_sort3A_1661, %masked_sort3A_1662, %masked_sort3A_1663 = tpu.sort %abs3A_1656, %add3A_1659 masked %masked_sort3A_1660 : (vector<16xf32>, vector<16xi32>, vector<16xi1>) -> (vector<16xi1>, vector<16xf32>, vector<16xi32>)
        %rev3A_1664 = arith.constant 15 : i32
        %rev3A_1665 = vector.broadcast %rev3A_1664 : i32 to vector<16xi32>
        %rev3A_1666 = tpu.iota {dimensions = array<i32: 0>} : vector<16xi32>
        %rev3A_1667 = arith.subi %rev3A_1665, %rev3A_1666 : vector<16xi32>
        %rev3A_1668 = tpu.dynamic_gather %masked_sort3A_1662[%rev3A_1667] in [0] : vector<16xf32>, vector<16xi32> -> vector<16xf32>
        %rev3A_1669 = arith.constant 15 : i32
        %rev3A_1670 = vector.broadcast %rev3A_1669 : i32 to vector<16xi32>
        %rev3A_1671 = tpu.iota {dimensions = array<i32: 0>} : vector<16xi32>
        %rev3A_1672 = arith.subi %rev3A_1670, %rev3A_1671 : vector<16xi32>
        %rev3A_1673 = tpu.dynamic_gather %masked_sort3A_1663[%rev3A_1672] in [0] : vector<16xi32>, vector<16xi32> -> vector<16xi32>
        %gt3A_1674 = arith.cmpf ogt, %rev3A_1668, %masked_sort3A_1650 : vector<16xf32>
        %select_n3A_1675 = arith.select %gt3A_1674, %rev3A_1668, %masked_sort3A_1650 : vector<16xi1>, vector<16xf32>
        %select_n3A_1676 = arith.select %gt3A_1674, %rev3A_1673, %masked_sort3A_1651 : vector<16xi1>, vector<16xi32>
        %masked_sort3A_1677 = arith.constant dense<true> : vector<16xi1>
        %masked_sort3A_1678, %masked_sort3A_1679, %masked_sort3A_1680 = tpu.sort %select_n3A_1675, %select_n3A_1676 masked %masked_sort3A_1677 : (vector<16xf32>, vector<16xi32>, vector<16xi1>) -> (vector<16xi1>, vector<16xf32>, vector<16xi32>)
        %get3A_1681 = arith.constant 0 : i32
        %get3A_1682 = arith.index_cast %get3A_1681 : i32 to index
        %get3A_1683 = arith.constant 928 : index
        %get3A_1684 = tpu.vector_load %arg5[%get3A_1682, %get3A_1683] {strides = array<i32>} : memref<2x1024xf32, #tpu.memory_space<vmem>>, vector<16xf32>,
        %abs3A_1685 = math.absf %get3A_1684 : vector<16xf32>
        %add3A_1686 = arith.constant 928 : i32
        %add3A_1687 = vector.broadcast %add3A_1686 : i32 to vector<16xi32>
        %add3A_1688 = arith.addi %iota3A, %add3A_1687 : vector<16xi32>
        %masked_sort3A_1689 = arith.constant dense<true> : vector<16xi1>
        %masked_sort3A_1690, %masked_sort3A_1691, %masked_sort3A_1692 = tpu.sort %abs3A_1685, %add3A_1688 masked %masked_sort3A_1689 : (vector<16xf32>, vector<16xi32>, vector<16xi1>) -> (vector<16xi1>, vector<16xf32>, vector<16xi32>)
        %get3A_1693 = arith.constant 0 : i32
        %get3A_1694 = arith.index_cast %get3A_1693 : i32 to index
        %get3A_1695 = arith.constant 944 : index
        %get3A_1696 = tpu.vector_load %arg5[%get3A_1694, %get3A_1695] {strides = array<i32>} : memref<2x1024xf32, #tpu.memory_space<vmem>>, vector<16xf32>,
        %abs3A_1697 = math.absf %get3A_1696 : vector<16xf32>
        %add3A_1698 = arith.constant 944 : i32
        %add3A_1699 = vector.broadcast %add3A_1698 : i32 to vector<16xi32>
        %add3A_1700 = arith.addi %iota3A, %add3A_1699 : vector<16xi32>
        %masked_sort3A_1701 = arith.constant dense<true> : vector<16xi1>
        %masked_sort3A_1702, %masked_sort3A_1703, %masked_sort3A_1704 = tpu.sort %abs3A_1697, %add3A_1700 masked %masked_sort3A_1701 : (vector<16xf32>, vector<16xi32>, vector<16xi1>) -> (vector<16xi1>, vector<16xf32>, vector<16xi32>)
        %rev3A_1705 = arith.constant 15 : i32
        %rev3A_1706 = vector.broadcast %rev3A_1705 : i32 to vector<16xi32>
        %rev3A_1707 = tpu.iota {dimensions = array<i32: 0>} : vector<16xi32>
        %rev3A_1708 = arith.subi %rev3A_1706, %rev3A_1707 : vector<16xi32>
        %rev3A_1709 = tpu.dynamic_gather %masked_sort3A_1703[%rev3A_1708] in [0] : vector<16xf32>, vector<16xi32> -> vector<16xf32>
        %rev3A_1710 = arith.constant 15 : i32
        %rev3A_1711 = vector.broadcast %rev3A_1710 : i32 to vector<16xi32>
        %rev3A_1712 = tpu.iota {dimensions = array<i32: 0>} : vector<16xi32>
        %rev3A_1713 = arith.subi %rev3A_1711, %rev3A_1712 : vector<16xi32>
        %rev3A_1714 = tpu.dynamic_gather %masked_sort3A_1704[%rev3A_1713] in [0] : vector<16xi32>, vector<16xi32> -> vector<16xi32>
        %gt3A_1715 = arith.cmpf ogt, %rev3A_1709, %masked_sort3A_1691 : vector<16xf32>
        %select_n3A_1716 = arith.select %gt3A_1715, %rev3A_1709, %masked_sort3A_1691 : vector<16xi1>, vector<16xf32>
        %select_n3A_1717 = arith.select %gt3A_1715, %rev3A_1714, %masked_sort3A_1692 : vector<16xi1>, vector<16xi32>
        %masked_sort3A_1718 = arith.constant dense<true> : vector<16xi1>
        %masked_sort3A_1719, %masked_sort3A_1720, %masked_sort3A_1721 = tpu.sort %select_n3A_1716, %select_n3A_1717 masked %masked_sort3A_1718 : (vector<16xf32>, vector<16xi32>, vector<16xi1>) -> (vector<16xi1>, vector<16xf32>, vector<16xi32>)
        %rev3A_1722 = arith.constant 15 : i32
        %rev3A_1723 = vector.broadcast %rev3A_1722 : i32 to vector<16xi32>
        %rev3A_1724 = tpu.iota {dimensions = array<i32: 0>} : vector<16xi32>
        %rev3A_1725 = arith.subi %rev3A_1723, %rev3A_1724 : vector<16xi32>
        %rev3A_1726 = tpu.dynamic_gather %masked_sort3A_1720[%rev3A_1725] in [0] : vector<16xf32>, vector<16xi32> -> vector<16xf32>
        %rev3A_1727 = arith.constant 15 : i32
        %rev3A_1728 = vector.broadcast %rev3A_1727 : i32 to vector<16xi32>
        %rev3A_1729 = tpu.iota {dimensions = array<i32: 0>} : vector<16xi32>
        %rev3A_1730 = arith.subi %rev3A_1728, %rev3A_1729 : vector<16xi32>
        %rev3A_1731 = tpu.dynamic_gather %masked_sort3A_1721[%rev3A_1730] in [0] : vector<16xi32>, vector<16xi32> -> vector<16xi32>
        %gt3A_1732 = arith.cmpf ogt, %rev3A_1726, %masked_sort3A_1679 : vector<16xf32>
        %select_n3A_1733 = arith.select %gt3A_1732, %rev3A_1726, %masked_sort3A_1679 : vector<16xi1>, vector<16xf32>
        %select_n3A_1734 = arith.select %gt3A_1732, %rev3A_1731, %masked_sort3A_1680 : vector<16xi1>, vector<16xi32>
        %masked_sort3A_1735 = arith.constant dense<true> : vector<16xi1>
        %masked_sort3A_1736, %masked_sort3A_1737, %masked_sort3A_1738 = tpu.sort %select_n3A_1733, %select_n3A_1734 masked %masked_sort3A_1735 : (vector<16xf32>, vector<16xi32>, vector<16xi1>) -> (vector<16xi1>, vector<16xf32>, vector<16xi32>)
        %get3A_1739 = arith.constant 0 : i32
        %get3A_1740 = arith.index_cast %get3A_1739 : i32 to index
        %get3A_1741 = arith.constant 960 : index
        %get3A_1742 = tpu.vector_load %arg5[%get3A_1740, %get3A_1741] {strides = array<i32>} : memref<2x1024xf32, #tpu.memory_space<vmem>>, vector<16xf32>,
        %abs3A_1743 = math.absf %get3A_1742 : vector<16xf32>
        %add3A_1744 = arith.constant 960 : i32
        %add3A_1745 = vector.broadcast %add3A_1744 : i32 to vector<16xi32>
        %add3A_1746 = arith.addi %iota3A, %add3A_1745 : vector<16xi32>
        %masked_sort3A_1747 = arith.constant dense<true> : vector<16xi1>
        %masked_sort3A_1748, %masked_sort3A_1749, %masked_sort3A_1750 = tpu.sort %abs3A_1743, %add3A_1746 masked %masked_sort3A_1747 : (vector<16xf32>, vector<16xi32>, vector<16xi1>) -> (vector<16xi1>, vector<16xf32>, vector<16xi32>)
        %get3A_1751 = arith.constant 0 : i32
        %get3A_1752 = arith.index_cast %get3A_1751 : i32 to index
        %get3A_1753 = arith.constant 976 : index
        %get3A_1754 = tpu.vector_load %arg5[%get3A_1752, %get3A_1753] {strides = array<i32>} : memref<2x1024xf32, #tpu.memory_space<vmem>>, vector<16xf32>,
        %abs3A_1755 = math.absf %get3A_1754 : vector<16xf32>
        %add3A_1756 = arith.constant 976 : i32
        %add3A_1757 = vector.broadcast %add3A_1756 : i32 to vector<16xi32>
        %add3A_1758 = arith.addi %iota3A, %add3A_1757 : vector<16xi32>
        %masked_sort3A_1759 = arith.constant dense<true> : vector<16xi1>
        %masked_sort3A_1760, %masked_sort3A_1761, %masked_sort3A_1762 = tpu.sort %abs3A_1755, %add3A_1758 masked %masked_sort3A_1759 : (vector<16xf32>, vector<16xi32>, vector<16xi1>) -> (vector<16xi1>, vector<16xf32>, vector<16xi32>)
        %rev3A_1763 = arith.constant 15 : i32
        %rev3A_1764 = vector.broadcast %rev3A_1763 : i32 to vector<16xi32>
        %rev3A_1765 = tpu.iota {dimensions = array<i32: 0>} : vector<16xi32>
        %rev3A_1766 = arith.subi %rev3A_1764, %rev3A_1765 : vector<16xi32>
        %rev3A_1767 = tpu.dynamic_gather %masked_sort3A_1761[%rev3A_1766] in [0] : vector<16xf32>, vector<16xi32> -> vector<16xf32>
        %rev3A_1768 = arith.constant 15 : i32
        %rev3A_1769 = vector.broadcast %rev3A_1768 : i32 to vector<16xi32>
        %rev3A_1770 = tpu.iota {dimensions = array<i32: 0>} : vector<16xi32>
        %rev3A_1771 = arith.subi %rev3A_1769, %rev3A_1770 : vector<16xi32>
        %rev3A_1772 = tpu.dynamic_gather %masked_sort3A_1762[%rev3A_1771] in [0] : vector<16xi32>, vector<16xi32> -> vector<16xi32>
        %gt3A_1773 = arith.cmpf ogt, %rev3A_1767, %masked_sort3A_1749 : vector<16xf32>
        %select_n3A_1774 = arith.select %gt3A_1773, %rev3A_1767, %masked_sort3A_1749 : vector<16xi1>, vector<16xf32>
        %select_n3A_1775 = arith.select %gt3A_1773, %rev3A_1772, %masked_sort3A_1750 : vector<16xi1>, vector<16xi32>
        %masked_sort3A_1776 = arith.constant dense<true> : vector<16xi1>
        %masked_sort3A_1777, %masked_sort3A_1778, %masked_sort3A_1779 = tpu.sort %select_n3A_1774, %select_n3A_1775 masked %masked_sort3A_1776 : (vector<16xf32>, vector<16xi32>, vector<16xi1>) -> (vector<16xi1>, vector<16xf32>, vector<16xi32>)
        %get3A_1780 = arith.constant 0 : i32
        %get3A_1781 = arith.index_cast %get3A_1780 : i32 to index
        %get3A_1782 = arith.constant 992 : index
        %get3A_1783 = tpu.vector_load %arg5[%get3A_1781, %get3A_1782] {strides = array<i32>} : memref<2x1024xf32, #tpu.memory_space<vmem>>, vector<16xf32>,
        %abs3A_1784 = math.absf %get3A_1783 : vector<16xf32>
        %add3A_1785 = arith.constant 992 : i32
        %add3A_1786 = vector.broadcast %add3A_1785 : i32 to vector<16xi32>
        %add3A_1787 = arith.addi %iota3A, %add3A_1786 : vector<16xi32>
        %masked_sort3A_1788 = arith.constant dense<true> : vector<16xi1>
        %masked_sort3A_1789, %masked_sort3A_1790, %masked_sort3A_1791 = tpu.sort %abs3A_1784, %add3A_1787 masked %masked_sort3A_1788 : (vector<16xf32>, vector<16xi32>, vector<16xi1>) -> (vector<16xi1>, vector<16xf32>, vector<16xi32>)
        %get3A_1792 = arith.constant 0 : i32
        %get3A_1793 = arith.index_cast %get3A_1792 : i32 to index
        %get3A_1794 = arith.constant 1008 : index
        %get3A_1795 = tpu.vector_load %arg5[%get3A_1793, %get3A_1794] {strides = array<i32>} : memref<2x1024xf32, #tpu.memory_space<vmem>>, vector<16xf32>,
        %abs3A_1796 = math.absf %get3A_1795 : vector<16xf32>
        %add3A_1797 = arith.constant 1008 : i32
        %add3A_1798 = vector.broadcast %add3A_1797 : i32 to vector<16xi32>
        %add3A_1799 = arith.addi %iota3A, %add3A_1798 : vector<16xi32>
        %masked_sort3A_1800 = arith.constant dense<true> : vector<16xi1>
        %masked_sort3A_1801, %masked_sort3A_1802, %masked_sort3A_1803 = tpu.sort %abs3A_1796, %add3A_1799 masked %masked_sort3A_1800 : (vector<16xf32>, vector<16xi32>, vector<16xi1>) -> (vector<16xi1>, vector<16xf32>, vector<16xi32>)
        %rev3A_1804 = arith.constant 15 : i32
        %rev3A_1805 = vector.broadcast %rev3A_1804 : i32 to vector<16xi32>
        %rev3A_1806 = tpu.iota {dimensions = array<i32: 0>} : vector<16xi32>
        %rev3A_1807 = arith.subi %rev3A_1805, %rev3A_1806 : vector<16xi32>
        %rev3A_1808 = tpu.dynamic_gather %masked_sort3A_1802[%rev3A_1807] in [0] : vector<16xf32>, vector<16xi32> -> vector<16xf32>
        %rev3A_1809 = arith.constant 15 : i32
        %rev3A_1810 = vector.broadcast %rev3A_1809 : i32 to vector<16xi32>
        %rev3A_1811 = tpu.iota {dimensions = array<i32: 0>} : vector<16xi32>
        %rev3A_1812 = arith.subi %rev3A_1810, %rev3A_1811 : vector<16xi32>
        %rev3A_1813 = tpu.dynamic_gather %masked_sort3A_1803[%rev3A_1812] in [0] : vector<16xi32>, vector<16xi32> -> vector<16xi32>
        %gt3A_1814 = arith.cmpf ogt, %rev3A_1808, %masked_sort3A_1790 : vector<16xf32>
        %select_n3A_1815 = arith.select %gt3A_1814, %rev3A_1808, %masked_sort3A_1790 : vector<16xi1>, vector<16xf32>
        %select_n3A_1816 = arith.select %gt3A_1814, %rev3A_1813, %masked_sort3A_1791 : vector<16xi1>, vector<16xi32>
        %masked_sort3A_1817 = arith.constant dense<true> : vector<16xi1>
        %masked_sort3A_1818, %masked_sort3A_1819, %masked_sort3A_1820 = tpu.sort %select_n3A_1815, %select_n3A_1816 masked %masked_sort3A_1817 : (vector<16xf32>, vector<16xi32>, vector<16xi1>) -> (vector<16xi1>, vector<16xf32>, vector<16xi32>)
        %rev3A_1821 = arith.constant 15 : i32
        %rev3A_1822 = vector.broadcast %rev3A_1821 : i32 to vector<16xi32>
        %rev3A_1823 = tpu.iota {dimensions = array<i32: 0>} : vector<16xi32>
        %rev3A_1824 = arith.subi %rev3A_1822, %rev3A_1823 : vector<16xi32>
        %rev3A_1825 = tpu.dynamic_gather %masked_sort3A_1819[%rev3A_1824] in [0] : vector<16xf32>, vector<16xi32> -> vector<16xf32>
        %rev3A_1826 = arith.constant 15 : i32
        %rev3A_1827 = vector.broadcast %rev3A_1826 : i32 to vector<16xi32>
        %rev3A_1828 = tpu.iota {dimensions = array<i32: 0>} : vector<16xi32>
        %rev3A_1829 = arith.subi %rev3A_1827, %rev3A_1828 : vector<16xi32>
        %rev3A_1830 = tpu.dynamic_gather %masked_sort3A_1820[%rev3A_1829] in [0] : vector<16xi32>, vector<16xi32> -> vector<16xi32>
        %gt3A_1831 = arith.cmpf ogt, %rev3A_1825, %masked_sort3A_1778 : vector<16xf32>
        %select_n3A_1832 = arith.select %gt3A_1831, %rev3A_1825, %masked_sort3A_1778 : vector<16xi1>, vector<16xf32>
        %select_n3A_1833 = arith.select %gt3A_1831, %rev3A_1830, %masked_sort3A_1779 : vector<16xi1>, vector<16xi32>
        %masked_sort3A_1834 = arith.constant dense<true> : vector<16xi1>
        %masked_sort3A_1835, %masked_sort3A_1836, %masked_sort3A_1837 = tpu.sort %select_n3A_1832, %select_n3A_1833 masked %masked_sort3A_1834 : (vector<16xf32>, vector<16xi32>, vector<16xi1>) -> (vector<16xi1>, vector<16xf32>, vector<16xi32>)
        %rev3A_1838 = arith.constant 15 : i32
        %rev3A_1839 = vector.broadcast %rev3A_1838 : i32 to vector<16xi32>
        %rev3A_1840 = tpu.iota {dimensions = array<i32: 0>} : vector<16xi32>
        %rev3A_1841 = arith.subi %rev3A_1839, %rev3A_1840 : vector<16xi32>
        %rev3A_1842 = tpu.dynamic_gather %masked_sort3A_1836[%rev3A_1841] in [0] : vector<16xf32>, vector<16xi32> -> vector<16xf32>
        %rev3A_1843 = arith.constant 15 : i32
        %rev3A_1844 = vector.broadcast %rev3A_1843 : i32 to vector<16xi32>
        %rev3A_1845 = tpu.iota {dimensions = array<i32: 0>} : vector<16xi32>
        %rev3A_1846 = arith.subi %rev3A_1844, %rev3A_1845 : vector<16xi32>
        %rev3A_1847 = tpu.dynamic_gather %masked_sort3A_1837[%rev3A_1846] in [0] : vector<16xi32>, vector<16xi32> -> vector<16xi32>
        %gt3A_1848 = arith.cmpf ogt, %rev3A_1842, %masked_sort3A_1737 : vector<16xf32>
        %select_n3A_1849 = arith.select %gt3A_1848, %rev3A_1842, %masked_sort3A_1737 : vector<16xi1>, vector<16xf32>
        %select_n3A_1850 = arith.select %gt3A_1848, %rev3A_1847, %masked_sort3A_1738 : vector<16xi1>, vector<16xi32>
        %masked_sort3A_1851 = arith.constant dense<true> : vector<16xi1>
        %masked_sort3A_1852, %masked_sort3A_1853, %masked_sort3A_1854 = tpu.sort %select_n3A_1849, %select_n3A_1850 masked %masked_sort3A_1851 : (vector<16xf32>, vector<16xi32>, vector<16xi1>) -> (vector<16xi1>, vector<16xf32>, vector<16xi32>)
        %rev3A_1855 = arith.constant 15 : i32
        %rev3A_1856 = vector.broadcast %rev3A_1855 : i32 to vector<16xi32>
        %rev3A_1857 = tpu.iota {dimensions = array<i32: 0>} : vector<16xi32>
        %rev3A_1858 = arith.subi %rev3A_1856, %rev3A_1857 : vector<16xi32>
        %rev3A_1859 = tpu.dynamic_gather %masked_sort3A_1853[%rev3A_1858] in [0] : vector<16xf32>, vector<16xi32> -> vector<16xf32>
        %rev3A_1860 = arith.constant 15 : i32
        %rev3A_1861 = vector.broadcast %rev3A_1860 : i32 to vector<16xi32>
        %rev3A_1862 = tpu.iota {dimensions = array<i32: 0>} : vector<16xi32>
        %rev3A_1863 = arith.subi %rev3A_1861, %rev3A_1862 : vector<16xi32>
        %rev3A_1864 = tpu.dynamic_gather %masked_sort3A_1854[%rev3A_1863] in [0] : vector<16xi32>, vector<16xi32> -> vector<16xi32>
        %gt3A_1865 = arith.cmpf ogt, %rev3A_1859, %masked_sort3A_1638 : vector<16xf32>
        %select_n3A_1866 = arith.select %gt3A_1865, %rev3A_1859, %masked_sort3A_1638 : vector<16xi1>, vector<16xf32>
        %select_n3A_1867 = arith.select %gt3A_1865, %rev3A_1864, %masked_sort3A_1639 : vector<16xi1>, vector<16xi32>
        %masked_sort3A_1868 = arith.constant dense<true> : vector<16xi1>
        %masked_sort3A_1869, %masked_sort3A_1870, %masked_sort3A_1871 = tpu.sort %select_n3A_1866, %select_n3A_1867 masked %masked_sort3A_1868 : (vector<16xf32>, vector<16xi32>, vector<16xi1>) -> (vector<16xi1>, vector<16xf32>, vector<16xi32>)
        %rev3A_1872 = arith.constant 15 : i32
        %rev3A_1873 = vector.broadcast %rev3A_1872 : i32 to vector<16xi32>
        %rev3A_1874 = tpu.iota {dimensions = array<i32: 0>} : vector<16xi32>
        %rev3A_1875 = arith.subi %rev3A_1873, %rev3A_1874 : vector<16xi32>
        %rev3A_1876 = tpu.dynamic_gather %masked_sort3A_1870[%rev3A_1875] in [0] : vector<16xf32>, vector<16xi32> -> vector<16xf32>
        %rev3A_1877 = arith.constant 15 : i32
        %rev3A_1878 = vector.broadcast %rev3A_1877 : i32 to vector<16xi32>
        %rev3A_1879 = tpu.iota {dimensions = array<i32: 0>} : vector<16xi32>
        %rev3A_1880 = arith.subi %rev3A_1878, %rev3A_1879 : vector<16xi32>
        %rev3A_1881 = tpu.dynamic_gather %masked_sort3A_1871[%rev3A_1880] in [0] : vector<16xi32>, vector<16xi32> -> vector<16xi32>
        %gt3A_1882 = arith.cmpf ogt, %rev3A_1876, %masked_sort3A_1423 : vector<16xf32>
        %select_n3A_1883 = arith.select %gt3A_1882, %rev3A_1876, %masked_sort3A_1423 : vector<16xi1>, vector<16xf32>
        %select_n3A_1884 = arith.select %gt3A_1882, %rev3A_1881, %masked_sort3A_1424 : vector<16xi1>, vector<16xi32>
        %masked_sort3A_1885 = arith.constant dense<true> : vector<16xi1>
        %masked_sort3A_1886, %masked_sort3A_1887, %masked_sort3A_1888 = tpu.sort %select_n3A_1883, %select_n3A_1884 masked %masked_sort3A_1885 : (vector<16xf32>, vector<16xi32>, vector<16xi1>) -> (vector<16xi1>, vector<16xf32>, vector<16xi32>)
        %rev3A_1889 = arith.constant 15 : i32
        %rev3A_1890 = vector.broadcast %rev3A_1889 : i32 to vector<16xi32>
        %rev3A_1891 = tpu.iota {dimensions = array<i32: 0>} : vector<16xi32>
        %rev3A_1892 = arith.subi %rev3A_1890, %rev3A_1891 : vector<16xi32>
        %rev3A_1893 = tpu.dynamic_gather %masked_sort3A_1887[%rev3A_1892] in [0] : vector<16xf32>, vector<16xi32> -> vector<16xf32>
        %rev3A_1894 = arith.constant 15 : i32
        %rev3A_1895 = vector.broadcast %rev3A_1894 : i32 to vector<16xi32>
        %rev3A_1896 = tpu.iota {dimensions = array<i32: 0>} : vector<16xi32>
        %rev3A_1897 = arith.subi %rev3A_1895, %rev3A_1896 : vector<16xi32>
        %rev3A_1898 = tpu.dynamic_gather %masked_sort3A_1888[%rev3A_1897] in [0] : vector<16xi32>, vector<16xi32> -> vector<16xi32>
        %gt3A_1899 = arith.cmpf ogt, %rev3A_1893, %masked_sort3A_976 : vector<16xf32>
        %select_n3A_1900 = arith.select %gt3A_1899, %rev3A_1893, %masked_sort3A_976 : vector<16xi1>, vector<16xf32>
        %select_n3A_1901 = arith.select %gt3A_1899, %rev3A_1898, %masked_sort3A_977 : vector<16xi1>, vector<16xi32>
        %masked_sort3A_1902 = arith.constant dense<true> : vector<16xi1>
        %masked_sort3A_1903, %masked_sort3A_1904, %masked_sort3A_1905 = tpu.sort %select_n3A_1900, %select_n3A_1901 masked %masked_sort3A_1902 : (vector<16xf32>, vector<16xi32>, vector<16xi1>) -> (vector<16xi1>, vector<16xf32>, vector<16xi32>)
        %broadcast_in_dim3A = arith.constant 0 : i32
        %broadcast_in_dim3A_1906 = vector.broadcast %broadcast_in_dim3A : i32 to vector<16xi32>
        %gather3A = tpu.vector_load_idx %arg5[%broadcast_in_dim3A_1906, %masked_sort3A_1905] : memref<2x1024xf32, #tpu.memory_space<vmem>>[vector<16xi32>, vector<16xi32>], vector<16xf32>,
        %mul3A_1907 = arith.constant 16 : i32
        %mul3A_1908 = arith.muli %add3A_47, %mul3A_1907 : i32
        %add3A_1909 = vector.broadcast %mul3A_1908 : i32 to vector<16xi32>
        %add3A_1910 = arith.addi %add3A_1909, %iota3A : vector<16xi32>
        tpu.vector_store_idx %arg6[%add3A_1910], %gather3A : memref<10000xf32, #tpu.memory_space<vmem>>[vector<16xi32>], vector<16xf32>,
        %add3A_1911 = vector.broadcast %mul3A_1908 : i32 to vector<16xi32>
        %add3A_1912 = arith.addi %add3A_1911, %iota3A : vector<16xi32>
        %convert_element_type3A_1913 = arith.sitofp %masked_sort3A_1905 : vector<16xi32> to vector<16xf32>
        %mul3A_1914 = arith.constant 1.000000e+00 : f32
        %mul3A_1915 = vector.broadcast %mul3A_1914 : f32 to vector<16xf32>
        %mul3A_1916 = arith.mulf %mul3A_1915, %convert_element_type3A_1913 : vector<16xf32>
        tpu.vector_store_idx %arg7[%add3A_1912], %mul3A_1916 : memref<10000xf32, #tpu.memory_space<vmem>>[vector<16xi32>], vector<16xf32>,
        %add3A_1917 = arith.constant 2 : i32
        %add3A_1918 = arith.addi %add3A_47, %add3A_1917 : i32
        %lt3A_1919 = arith.constant 625 : i32
        %lt3A_1920 = arith.cmpi slt, %add3A_1918, %lt3A_1919 : i32
        %convert_element_type3A_1921 = arith.extui %lt3A_1920 : i1 to i32
        %cond3A_1922 = arith.constant 0 : i32
        %cond3A_1923 = arith.cmpi ne, %convert_element_type3A_1921, %cond3A_1922 : i32
        scf.if %cond3A_1923 {
          %add3A_1924 = arith.constant 2 : i32
          %add3A_1925 = arith.addi %add3A_47, %add3A_1924 : i32
          %add3A_1926 = arith.addi %add3A_4, %add3A_1925 : i32
          %dma_start3A_1927 = arith.constant 0 : i32
          %dma_start3A_1928 = arith.constant 0 : i32
          %dma_start3A_1929 = arith.constant 0 : i32
          %dma_start3A_1930 = tpu.memref_slice %arg5[%dma_start3A_1928, %dma_start3A_1929] : memref<2x1024xf32, #tpu.memory_space<vmem>> -> memref<1x1024xf32, #tpu.memory_space<vmem>>
          %dma_start3A_1931 = arith.constant 0 : i32
          %dma_start3A_1932 = tpu.memref_slice %arg2[%add3A_1926, %dma_start3A_1931] : memref<20000x1024xf32, #tpu.memory_space<hbm>> -> memref<1x1024xf32, #tpu.memory_space<hbm>>
          %dma_start3A_1933 = tpu.memref_slice %arg8[%dma_start3A_1927] : memref<2x!tpu.dma_semaphore, #tpu.memory_space<semaphore_mem>> -> memref<1x!tpu.dma_semaphore, #tpu.memory_space<semaphore_mem>>
          %dma_start3A_1934 = tpu.memref_squeeze %dma_start3A_1933 : memref<1x!tpu.dma_semaphore, #tpu.memory_space<semaphore_mem>> -> memref<!tpu.dma_semaphore, #tpu.memory_space<semaphore_mem>>
          %dma_start3A_1935 = arith.constant 0 : i32
          %dma_start3A_1936 = arith.constant 0 : i32
          %dma_start3A_1937 = tpu.memref_slice %arg5[%dma_start3A_1935, %dma_start3A_1936] : memref<2x1024xf32, #tpu.memory_space<vmem>> -> memref<1x1024xf32, #tpu.memory_space<vmem>>
          %dma_start3A_1938 = arith.constant 0 : i32
          %dma_start3A_1939 = tpu.memref_slice %arg2[%add3A_1926, %dma_start3A_1938] : memref<20000x1024xf32, #tpu.memory_space<hbm>> -> memref<1x1024xf32, #tpu.memory_space<hbm>>
          tpu.enqueue_dma source(%dma_start3A_1939 : memref<1x1024xf32, #tpu.memory_space<hbm>>) target(%dma_start3A_1937 : memref<1x1024xf32, #tpu.memory_space<vmem>>) target_semaphore(%dma_start3A_1934 : memref<!tpu.dma_semaphore, #tpu.memory_space<semaphore_mem>>)
        } else {
        }
      } else {
      }
      %mul3A_50 = arith.constant 2 : i32
      %mul3A_51 = arith.muli %scan3A_42, %mul3A_50 : i32
      %add3A_52 = arith.constant 1 : i32
      %add3A_53 = arith.addi %mul3A_51, %add3A_52 : i32
      %lt3A_54 = arith.constant 625 : i32
      %lt3A_55 = arith.cmpi slt, %add3A_53, %lt3A_54 : i32
      %convert_element_type3A_56 = arith.extui %lt3A_55 : i1 to i32
      %cond3A_57 = arith.constant 0 : i32
      %cond3A_58 = arith.cmpi ne, %convert_element_type3A_56, %cond3A_57 : i32
      scf.if %cond3A_58 {
        %add3A_60 = arith.addi %add3A_4, %add3A_53 : i32
        %dma_wait3A = arith.constant 1 : i32
        %dma_wait3A_61 = arith.constant 1 : i32
        %dma_wait3A_62 = arith.constant 0 : i32
        %dma_wait3A_63 = tpu.memref_slice %arg5[%dma_wait3A_61, %dma_wait3A_62] : memref<2x1024xf32, #tpu.memory_space<vmem>> -> memref<1x1024xf32, #tpu.memory_space<vmem>>
        %dma_wait3A_64 = arith.constant 0 : i32
        %dma_wait3A_65 = tpu.memref_slice %arg2[%add3A_60, %dma_wait3A_64] : memref<20000x1024xf32, #tpu.memory_space<hbm>> -> memref<1x1024xf32, #tpu.memory_space<hbm>>
        %dma_wait3A_66 = tpu.memref_slice %arg8[%dma_wait3A] : memref<2x!tpu.dma_semaphore, #tpu.memory_space<semaphore_mem>> -> memref<1x!tpu.dma_semaphore, #tpu.memory_space<semaphore_mem>>
        %dma_wait3A_67 = tpu.memref_squeeze %dma_wait3A_66 : memref<1x!tpu.dma_semaphore, #tpu.memory_space<semaphore_mem>> -> memref<!tpu.dma_semaphore, #tpu.memory_space<semaphore_mem>>
        %dma_wait3A_68 = arith.constant 1 : i32
        %dma_wait3A_69 = arith.constant 0 : i32
        %dma_wait3A_70 = tpu.memref_slice %arg5[%dma_wait3A_68, %dma_wait3A_69] : memref<2x1024xf32, #tpu.memory_space<vmem>> -> memref<1x1024xf32, #tpu.memory_space<vmem>>
        %dma_wait3A_71 = arith.constant 0 : i32
        %dma_wait3A_72 = tpu.memref_slice %arg2[%add3A_60, %dma_wait3A_71] : memref<20000x1024xf32, #tpu.memory_space<hbm>> -> memref<1x1024xf32, #tpu.memory_space<hbm>>
        tpu.wait_dma2 semaphore(%dma_wait3A_67 : memref<!tpu.dma_semaphore, #tpu.memory_space<semaphore_mem>>) src(%dma_wait3A_72 : memref<1x1024xf32, #tpu.memory_space<hbm>>) dst(%dma_wait3A_70 : memref<1x1024xf32, #tpu.memory_space<vmem>>)
        %get3A = arith.constant 1 : i32
        %get3A_73 = arith.index_cast %get3A : i32 to index
        %get3A_74 = arith.constant 0 : index
        %get3A_75 = tpu.vector_load %arg5[%get3A_73, %get3A_74] {strides = array<i32>} : memref<2x1024xf32, #tpu.memory_space<vmem>>, vector<16xf32>,
        %abs3A = math.absf %get3A_75 : vector<16xf32>
        %add3A_76 = arith.constant 0 : i32
        %add3A_77 = vector.broadcast %add3A_76 : i32 to vector<16xi32>
        %add3A_78 = arith.addi %iota3A, %add3A_77 : vector<16xi32>
        %masked_sort3A = arith.constant dense<true> : vector<16xi1>
        %masked_sort3A_79, %masked_sort3A_80, %masked_sort3A_81 = tpu.sort %abs3A, %add3A_78 masked %masked_sort3A : (vector<16xf32>, vector<16xi32>, vector<16xi1>) -> (vector<16xi1>, vector<16xf32>, vector<16xi32>)
        %get3A_82 = arith.constant 1 : i32
        %get3A_83 = arith.index_cast %get3A_82 : i32 to index
        %get3A_84 = arith.constant 16 : index
        %get3A_85 = tpu.vector_load %arg5[%get3A_83, %get3A_84] {strides = array<i32>} : memref<2x1024xf32, #tpu.memory_space<vmem>>, vector<16xf32>,
        %abs3A_86 = math.absf %get3A_85 : vector<16xf32>
        %add3A_87 = arith.constant 16 : i32
        %add3A_88 = vector.broadcast %add3A_87 : i32 to vector<16xi32>
        %add3A_89 = arith.addi %iota3A, %add3A_88 : vector<16xi32>
        %masked_sort3A_90 = arith.constant dense<true> : vector<16xi1>
        %masked_sort3A_91, %masked_sort3A_92, %masked_sort3A_93 = tpu.sort %abs3A_86, %add3A_89 masked %masked_sort3A_90 : (vector<16xf32>, vector<16xi32>, vector<16xi1>) -> (vector<16xi1>, vector<16xf32>, vector<16xi32>)
        %rev3A = arith.constant 15 : i32
        %rev3A_94 = vector.broadcast %rev3A : i32 to vector<16xi32>
        %rev3A_95 = tpu.iota {dimensions = array<i32: 0>} : vector<16xi32>
        %rev3A_96 = arith.subi %rev3A_94, %rev3A_95 : vector<16xi32>
        %rev3A_97 = tpu.dynamic_gather %masked_sort3A_92[%rev3A_96] in [0] : vector<16xf32>, vector<16xi32> -> vector<16xf32>
        %rev3A_98 = arith.constant 15 : i32
        %rev3A_99 = vector.broadcast %rev3A_98 : i32 to vector<16xi32>
        %rev3A_100 = tpu.iota {dimensions = array<i32: 0>} : vector<16xi32>
        %rev3A_101 = arith.subi %rev3A_99, %rev3A_100 : vector<16xi32>
        %rev3A_102 = tpu.dynamic_gather %masked_sort3A_93[%rev3A_101] in [0] : vector<16xi32>, vector<16xi32> -> vector<16xi32>
        %gt3A = arith.cmpf ogt, %rev3A_97, %masked_sort3A_80 : vector<16xf32>
        %select_n3A = arith.select %gt3A, %rev3A_97, %masked_sort3A_80 : vector<16xi1>, vector<16xf32>
        %select_n3A_103 = arith.select %gt3A, %rev3A_102, %masked_sort3A_81 : vector<16xi1>, vector<16xi32>
        %masked_sort3A_104 = arith.constant dense<true> : vector<16xi1>
        %masked_sort3A_105, %masked_sort3A_106, %masked_sort3A_107 = tpu.sort %select_n3A, %select_n3A_103 masked %masked_sort3A_104 : (vector<16xf32>, vector<16xi32>, vector<16xi1>) -> (vector<16xi1>, vector<16xf32>, vector<16xi32>)
        %get3A_108 = arith.constant 1 : i32
        %get3A_109 = arith.index_cast %get3A_108 : i32 to index
        %get3A_110 = arith.constant 32 : index
        %get3A_111 = tpu.vector_load %arg5[%get3A_109, %get3A_110] {strides = array<i32>} : memref<2x1024xf32, #tpu.memory_space<vmem>>, vector<16xf32>,
        %abs3A_112 = math.absf %get3A_111 : vector<16xf32>
        %add3A_113 = arith.constant 32 : i32
        %add3A_114 = vector.broadcast %add3A_113 : i32 to vector<16xi32>
        %add3A_115 = arith.addi %iota3A, %add3A_114 : vector<16xi32>
        %masked_sort3A_116 = arith.constant dense<true> : vector<16xi1>
        %masked_sort3A_117, %masked_sort3A_118, %masked_sort3A_119 = tpu.sort %abs3A_112, %add3A_115 masked %masked_sort3A_116 : (vector<16xf32>, vector<16xi32>, vector<16xi1>) -> (vector<16xi1>, vector<16xf32>, vector<16xi32>)
        %get3A_120 = arith.constant 1 : i32
        %get3A_121 = arith.index_cast %get3A_120 : i32 to index
        %get3A_122 = arith.constant 48 : index
        %get3A_123 = tpu.vector_load %arg5[%get3A_121, %get3A_122] {strides = array<i32>} : memref<2x1024xf32, #tpu.memory_space<vmem>>, vector<16xf32>,
        %abs3A_124 = math.absf %get3A_123 : vector<16xf32>
        %add3A_125 = arith.constant 48 : i32
        %add3A_126 = vector.broadcast %add3A_125 : i32 to vector<16xi32>
        %add3A_127 = arith.addi %iota3A, %add3A_126 : vector<16xi32>
        %masked_sort3A_128 = arith.constant dense<true> : vector<16xi1>
        %masked_sort3A_129, %masked_sort3A_130, %masked_sort3A_131 = tpu.sort %abs3A_124, %add3A_127 masked %masked_sort3A_128 : (vector<16xf32>, vector<16xi32>, vector<16xi1>) -> (vector<16xi1>, vector<16xf32>, vector<16xi32>)
        %rev3A_132 = arith.constant 15 : i32
        %rev3A_133 = vector.broadcast %rev3A_132 : i32 to vector<16xi32>
        %rev3A_134 = tpu.iota {dimensions = array<i32: 0>} : vector<16xi32>
        %rev3A_135 = arith.subi %rev3A_133, %rev3A_134 : vector<16xi32>
        %rev3A_136 = tpu.dynamic_gather %masked_sort3A_130[%rev3A_135] in [0] : vector<16xf32>, vector<16xi32> -> vector<16xf32>
        %rev3A_137 = arith.constant 15 : i32
        %rev3A_138 = vector.broadcast %rev3A_137 : i32 to vector<16xi32>
        %rev3A_139 = tpu.iota {dimensions = array<i32: 0>} : vector<16xi32>
        %rev3A_140 = arith.subi %rev3A_138, %rev3A_139 : vector<16xi32>
        %rev3A_141 = tpu.dynamic_gather %masked_sort3A_131[%rev3A_140] in [0] : vector<16xi32>, vector<16xi32> -> vector<16xi32>
        %gt3A_142 = arith.cmpf ogt, %rev3A_136, %masked_sort3A_118 : vector<16xf32>
        %select_n3A_143 = arith.select %gt3A_142, %rev3A_136, %masked_sort3A_118 : vector<16xi1>, vector<16xf32>
        %select_n3A_144 = arith.select %gt3A_142, %rev3A_141, %masked_sort3A_119 : vector<16xi1>, vector<16xi32>
        %masked_sort3A_145 = arith.constant dense<true> : vector<16xi1>
        %masked_sort3A_146, %masked_sort3A_147, %masked_sort3A_148 = tpu.sort %select_n3A_143, %select_n3A_144 masked %masked_sort3A_145 : (vector<16xf32>, vector<16xi32>, vector<16xi1>) -> (vector<16xi1>, vector<16xf32>, vector<16xi32>)
        %rev3A_149 = arith.constant 15 : i32
        %rev3A_150 = vector.broadcast %rev3A_149 : i32 to vector<16xi32>
        %rev3A_151 = tpu.iota {dimensions = array<i32: 0>} : vector<16xi32>
        %rev3A_152 = arith.subi %rev3A_150, %rev3A_151 : vector<16xi32>
        %rev3A_153 = tpu.dynamic_gather %masked_sort3A_147[%rev3A_152] in [0] : vector<16xf32>, vector<16xi32> -> vector<16xf32>
        %rev3A_154 = arith.constant 15 : i32
        %rev3A_155 = vector.broadcast %rev3A_154 : i32 to vector<16xi32>
        %rev3A_156 = tpu.iota {dimensions = array<i32: 0>} : vector<16xi32>
        %rev3A_157 = arith.subi %rev3A_155, %rev3A_156 : vector<16xi32>
        %rev3A_158 = tpu.dynamic_gather %masked_sort3A_148[%rev3A_157] in [0] : vector<16xi32>, vector<16xi32> -> vector<16xi32>
        %gt3A_159 = arith.cmpf ogt, %rev3A_153, %masked_sort3A_106 : vector<16xf32>
        %select_n3A_160 = arith.select %gt3A_159, %rev3A_153, %masked_sort3A_106 : vector<16xi1>, vector<16xf32>
        %select_n3A_161 = arith.select %gt3A_159, %rev3A_158, %masked_sort3A_107 : vector<16xi1>, vector<16xi32>
        %masked_sort3A_162 = arith.constant dense<true> : vector<16xi1>
        %masked_sort3A_163, %masked_sort3A_164, %masked_sort3A_165 = tpu.sort %select_n3A_160, %select_n3A_161 masked %masked_sort3A_162 : (vector<16xf32>, vector<16xi32>, vector<16xi1>) -> (vector<16xi1>, vector<16xf32>, vector<16xi32>)
        %get3A_166 = arith.constant 1 : i32
        %get3A_167 = arith.index_cast %get3A_166 : i32 to index
        %get3A_168 = arith.constant 64 : index
        %get3A_169 = tpu.vector_load %arg5[%get3A_167, %get3A_168] {strides = array<i32>} : memref<2x1024xf32, #tpu.memory_space<vmem>>, vector<16xf32>,
        %abs3A_170 = math.absf %get3A_169 : vector<16xf32>
        %add3A_171 = arith.constant 64 : i32
        %add3A_172 = vector.broadcast %add3A_171 : i32 to vector<16xi32>
        %add3A_173 = arith.addi %iota3A, %add3A_172 : vector<16xi32>
        %masked_sort3A_174 = arith.constant dense<true> : vector<16xi1>
        %masked_sort3A_175, %masked_sort3A_176, %masked_sort3A_177 = tpu.sort %abs3A_170, %add3A_173 masked %masked_sort3A_174 : (vector<16xf32>, vector<16xi32>, vector<16xi1>) -> (vector<16xi1>, vector<16xf32>, vector<16xi32>)
        %get3A_178 = arith.constant 1 : i32
        %get3A_179 = arith.index_cast %get3A_178 : i32 to index
        %get3A_180 = arith.constant 80 : index
        %get3A_181 = tpu.vector_load %arg5[%get3A_179, %get3A_180] {strides = array<i32>} : memref<2x1024xf32, #tpu.memory_space<vmem>>, vector<16xf32>,
        %abs3A_182 = math.absf %get3A_181 : vector<16xf32>
        %add3A_183 = arith.constant 80 : i32
        %add3A_184 = vector.broadcast %add3A_183 : i32 to vector<16xi32>
        %add3A_185 = arith.addi %iota3A, %add3A_184 : vector<16xi32>
        %masked_sort3A_186 = arith.constant dense<true> : vector<16xi1>
        %masked_sort3A_187, %masked_sort3A_188, %masked_sort3A_189 = tpu.sort %abs3A_182, %add3A_185 masked %masked_sort3A_186 : (vector<16xf32>, vector<16xi32>, vector<16xi1>) -> (vector<16xi1>, vector<16xf32>, vector<16xi32>)
        %rev3A_190 = arith.constant 15 : i32
        %rev3A_191 = vector.broadcast %rev3A_190 : i32 to vector<16xi32>
        %rev3A_192 = tpu.iota {dimensions = array<i32: 0>} : vector<16xi32>
        %rev3A_193 = arith.subi %rev3A_191, %rev3A_192 : vector<16xi32>
        %rev3A_194 = tpu.dynamic_gather %masked_sort3A_188[%rev3A_193] in [0] : vector<16xf32>, vector<16xi32> -> vector<16xf32>
        %rev3A_195 = arith.constant 15 : i32
        %rev3A_196 = vector.broadcast %rev3A_195 : i32 to vector<16xi32>
        %rev3A_197 = tpu.iota {dimensions = array<i32: 0>} : vector<16xi32>
        %rev3A_198 = arith.subi %rev3A_196, %rev3A_197 : vector<16xi32>
        %rev3A_199 = tpu.dynamic_gather %masked_sort3A_189[%rev3A_198] in [0] : vector<16xi32>, vector<16xi32> -> vector<16xi32>
        %gt3A_200 = arith.cmpf ogt, %rev3A_194, %masked_sort3A_176 : vector<16xf32>
        %select_n3A_201 = arith.select %gt3A_200, %rev3A_194, %masked_sort3A_176 : vector<16xi1>, vector<16xf32>
        %select_n3A_202 = arith.select %gt3A_200, %rev3A_199, %masked_sort3A_177 : vector<16xi1>, vector<16xi32>
        %masked_sort3A_203 = arith.constant dense<true> : vector<16xi1>
        %masked_sort3A_204, %masked_sort3A_205, %masked_sort3A_206 = tpu.sort %select_n3A_201, %select_n3A_202 masked %masked_sort3A_203 : (vector<16xf32>, vector<16xi32>, vector<16xi1>) -> (vector<16xi1>, vector<16xf32>, vector<16xi32>)
        %get3A_207 = arith.constant 1 : i32
        %get3A_208 = arith.index_cast %get3A_207 : i32 to index
        %get3A_209 = arith.constant 96 : index
        %get3A_210 = tpu.vector_load %arg5[%get3A_208, %get3A_209] {strides = array<i32>} : memref<2x1024xf32, #tpu.memory_space<vmem>>, vector<16xf32>,
        %abs3A_211 = math.absf %get3A_210 : vector<16xf32>
        %add3A_212 = arith.constant 96 : i32
        %add3A_213 = vector.broadcast %add3A_212 : i32 to vector<16xi32>
        %add3A_214 = arith.addi %iota3A, %add3A_213 : vector<16xi32>
        %masked_sort3A_215 = arith.constant dense<true> : vector<16xi1>
        %masked_sort3A_216, %masked_sort3A_217, %masked_sort3A_218 = tpu.sort %abs3A_211, %add3A_214 masked %masked_sort3A_215 : (vector<16xf32>, vector<16xi32>, vector<16xi1>) -> (vector<16xi1>, vector<16xf32>, vector<16xi32>)
        %get3A_219 = arith.constant 1 : i32
        %get3A_220 = arith.index_cast %get3A_219 : i32 to index
        %get3A_221 = arith.constant 112 : index
        %get3A_222 = tpu.vector_load %arg5[%get3A_220, %get3A_221] {strides = array<i32>} : memref<2x1024xf32, #tpu.memory_space<vmem>>, vector<16xf32>,
        %abs3A_223 = math.absf %get3A_222 : vector<16xf32>
        %add3A_224 = arith.constant 112 : i32
        %add3A_225 = vector.broadcast %add3A_224 : i32 to vector<16xi32>
        %add3A_226 = arith.addi %iota3A, %add3A_225 : vector<16xi32>
        %masked_sort3A_227 = arith.constant dense<true> : vector<16xi1>
        %masked_sort3A_228, %masked_sort3A_229, %masked_sort3A_230 = tpu.sort %abs3A_223, %add3A_226 masked %masked_sort3A_227 : (vector<16xf32>, vector<16xi32>, vector<16xi1>) -> (vector<16xi1>, vector<16xf32>, vector<16xi32>)
        %rev3A_231 = arith.constant 15 : i32
        %rev3A_232 = vector.broadcast %rev3A_231 : i32 to vector<16xi32>
        %rev3A_233 = tpu.iota {dimensions = array<i32: 0>} : vector<16xi32>
        %rev3A_234 = arith.subi %rev3A_232, %rev3A_233 : vector<16xi32>
        %rev3A_235 = tpu.dynamic_gather %masked_sort3A_229[%rev3A_234] in [0] : vector<16xf32>, vector<16xi32> -> vector<16xf32>
        %rev3A_236 = arith.constant 15 : i32
        %rev3A_237 = vector.broadcast %rev3A_236 : i32 to vector<16xi32>
        %rev3A_238 = tpu.iota {dimensions = array<i32: 0>} : vector<16xi32>
        %rev3A_239 = arith.subi %rev3A_237, %rev3A_238 : vector<16xi32>
        %rev3A_240 = tpu.dynamic_gather %masked_sort3A_230[%rev3A_239] in [0] : vector<16xi32>, vector<16xi32> -> vector<16xi32>
        %gt3A_241 = arith.cmpf ogt, %rev3A_235, %masked_sort3A_217 : vector<16xf32>
        %select_n3A_242 = arith.select %gt3A_241, %rev3A_235, %masked_sort3A_217 : vector<16xi1>, vector<16xf32>
        %select_n3A_243 = arith.select %gt3A_241, %rev3A_240, %masked_sort3A_218 : vector<16xi1>, vector<16xi32>
        %masked_sort3A_244 = arith.constant dense<true> : vector<16xi1>
        %masked_sort3A_245, %masked_sort3A_246, %masked_sort3A_247 = tpu.sort %select_n3A_242, %select_n3A_243 masked %masked_sort3A_244 : (vector<16xf32>, vector<16xi32>, vector<16xi1>) -> (vector<16xi1>, vector<16xf32>, vector<16xi32>)
        %rev3A_248 = arith.constant 15 : i32
        %rev3A_249 = vector.broadcast %rev3A_248 : i32 to vector<16xi32>
        %rev3A_250 = tpu.iota {dimensions = array<i32: 0>} : vector<16xi32>
        %rev3A_251 = arith.subi %rev3A_249, %rev3A_250 : vector<16xi32>
        %rev3A_252 = tpu.dynamic_gather %masked_sort3A_246[%rev3A_251] in [0] : vector<16xf32>, vector<16xi32> -> vector<16xf32>
        %rev3A_253 = arith.constant 15 : i32
        %rev3A_254 = vector.broadcast %rev3A_253 : i32 to vector<16xi32>
        %rev3A_255 = tpu.iota {dimensions = array<i32: 0>} : vector<16xi32>
        %rev3A_256 = arith.subi %rev3A_254, %rev3A_255 : vector<16xi32>
        %rev3A_257 = tpu.dynamic_gather %masked_sort3A_247[%rev3A_256] in [0] : vector<16xi32>, vector<16xi32> -> vector<16xi32>
        %gt3A_258 = arith.cmpf ogt, %rev3A_252, %masked_sort3A_205 : vector<16xf32>
        %select_n3A_259 = arith.select %gt3A_258, %rev3A_252, %masked_sort3A_205 : vector<16xi1>, vector<16xf32>
        %select_n3A_260 = arith.select %gt3A_258, %rev3A_257, %masked_sort3A_206 : vector<16xi1>, vector<16xi32>
        %masked_sort3A_261 = arith.constant dense<true> : vector<16xi1>
        %masked_sort3A_262, %masked_sort3A_263, %masked_sort3A_264 = tpu.sort %select_n3A_259, %select_n3A_260 masked %masked_sort3A_261 : (vector<16xf32>, vector<16xi32>, vector<16xi1>) -> (vector<16xi1>, vector<16xf32>, vector<16xi32>)
        %rev3A_265 = arith.constant 15 : i32
        %rev3A_266 = vector.broadcast %rev3A_265 : i32 to vector<16xi32>
        %rev3A_267 = tpu.iota {dimensions = array<i32: 0>} : vector<16xi32>
        %rev3A_268 = arith.subi %rev3A_266, %rev3A_267 : vector<16xi32>
        %rev3A_269 = tpu.dynamic_gather %masked_sort3A_263[%rev3A_268] in [0] : vector<16xf32>, vector<16xi32> -> vector<16xf32>
        %rev3A_270 = arith.constant 15 : i32
        %rev3A_271 = vector.broadcast %rev3A_270 : i32 to vector<16xi32>
        %rev3A_272 = tpu.iota {dimensions = array<i32: 0>} : vector<16xi32>
        %rev3A_273 = arith.subi %rev3A_271, %rev3A_272 : vector<16xi32>
        %rev3A_274 = tpu.dynamic_gather %masked_sort3A_264[%rev3A_273] in [0] : vector<16xi32>, vector<16xi32> -> vector<16xi32>
        %gt3A_275 = arith.cmpf ogt, %rev3A_269, %masked_sort3A_164 : vector<16xf32>
        %select_n3A_276 = arith.select %gt3A_275, %rev3A_269, %masked_sort3A_164 : vector<16xi1>, vector<16xf32>
        %select_n3A_277 = arith.select %gt3A_275, %rev3A_274, %masked_sort3A_165 : vector<16xi1>, vector<16xi32>
        %masked_sort3A_278 = arith.constant dense<true> : vector<16xi1>
        %masked_sort3A_279, %masked_sort3A_280, %masked_sort3A_281 = tpu.sort %select_n3A_276, %select_n3A_277 masked %masked_sort3A_278 : (vector<16xf32>, vector<16xi32>, vector<16xi1>) -> (vector<16xi1>, vector<16xf32>, vector<16xi32>)
        %get3A_282 = arith.constant 1 : i32
        %get3A_283 = arith.index_cast %get3A_282 : i32 to index
        %get3A_284 = arith.constant 128 : index
        %get3A_285 = tpu.vector_load %arg5[%get3A_283, %get3A_284] {strides = array<i32>} : memref<2x1024xf32, #tpu.memory_space<vmem>>, vector<16xf32>,
        %abs3A_286 = math.absf %get3A_285 : vector<16xf32>
        %add3A_287 = arith.constant 128 : i32
        %add3A_288 = vector.broadcast %add3A_287 : i32 to vector<16xi32>
        %add3A_289 = arith.addi %iota3A, %add3A_288 : vector<16xi32>
        %masked_sort3A_290 = arith.constant dense<true> : vector<16xi1>
        %masked_sort3A_291, %masked_sort3A_292, %masked_sort3A_293 = tpu.sort %abs3A_286, %add3A_289 masked %masked_sort3A_290 : (vector<16xf32>, vector<16xi32>, vector<16xi1>) -> (vector<16xi1>, vector<16xf32>, vector<16xi32>)
        %get3A_294 = arith.constant 1 : i32
        %get3A_295 = arith.index_cast %get3A_294 : i32 to index
        %get3A_296 = arith.constant 144 : index
        %get3A_297 = tpu.vector_load %arg5[%get3A_295, %get3A_296] {strides = array<i32>} : memref<2x1024xf32, #tpu.memory_space<vmem>>, vector<16xf32>,
        %abs3A_298 = math.absf %get3A_297 : vector<16xf32>
        %add3A_299 = arith.constant 144 : i32
        %add3A_300 = vector.broadcast %add3A_299 : i32 to vector<16xi32>
        %add3A_301 = arith.addi %iota3A, %add3A_300 : vector<16xi32>
        %masked_sort3A_302 = arith.constant dense<true> : vector<16xi1>
        %masked_sort3A_303, %masked_sort3A_304, %masked_sort3A_305 = tpu.sort %abs3A_298, %add3A_301 masked %masked_sort3A_302 : (vector<16xf32>, vector<16xi32>, vector<16xi1>) -> (vector<16xi1>, vector<16xf32>, vector<16xi32>)
        %rev3A_306 = arith.constant 15 : i32
        %rev3A_307 = vector.broadcast %rev3A_306 : i32 to vector<16xi32>
        %rev3A_308 = tpu.iota {dimensions = array<i32: 0>} : vector<16xi32>
        %rev3A_309 = arith.subi %rev3A_307, %rev3A_308 : vector<16xi32>
        %rev3A_310 = tpu.dynamic_gather %masked_sort3A_304[%rev3A_309] in [0] : vector<16xf32>, vector<16xi32> -> vector<16xf32>
        %rev3A_311 = arith.constant 15 : i32
        %rev3A_312 = vector.broadcast %rev3A_311 : i32 to vector<16xi32>
        %rev3A_313 = tpu.iota {dimensions = array<i32: 0>} : vector<16xi32>
        %rev3A_314 = arith.subi %rev3A_312, %rev3A_313 : vector<16xi32>
        %rev3A_315 = tpu.dynamic_gather %masked_sort3A_305[%rev3A_314] in [0] : vector<16xi32>, vector<16xi32> -> vector<16xi32>
        %gt3A_316 = arith.cmpf ogt, %rev3A_310, %masked_sort3A_292 : vector<16xf32>
        %select_n3A_317 = arith.select %gt3A_316, %rev3A_310, %masked_sort3A_292 : vector<16xi1>, vector<16xf32>
        %select_n3A_318 = arith.select %gt3A_316, %rev3A_315, %masked_sort3A_293 : vector<16xi1>, vector<16xi32>
        %masked_sort3A_319 = arith.constant dense<true> : vector<16xi1>
        %masked_sort3A_320, %masked_sort3A_321, %masked_sort3A_322 = tpu.sort %select_n3A_317, %select_n3A_318 masked %masked_sort3A_319 : (vector<16xf32>, vector<16xi32>, vector<16xi1>) -> (vector<16xi1>, vector<16xf32>, vector<16xi32>)
        %get3A_323 = arith.constant 1 : i32
        %get3A_324 = arith.index_cast %get3A_323 : i32 to index
        %get3A_325 = arith.constant 160 : index
        %get3A_326 = tpu.vector_load %arg5[%get3A_324, %get3A_325] {strides = array<i32>} : memref<2x1024xf32, #tpu.memory_space<vmem>>, vector<16xf32>,
        %abs3A_327 = math.absf %get3A_326 : vector<16xf32>
        %add3A_328 = arith.constant 160 : i32
        %add3A_329 = vector.broadcast %add3A_328 : i32 to vector<16xi32>
        %add3A_330 = arith.addi %iota3A, %add3A_329 : vector<16xi32>
        %masked_sort3A_331 = arith.constant dense<true> : vector<16xi1>
        %masked_sort3A_332, %masked_sort3A_333, %masked_sort3A_334 = tpu.sort %abs3A_327, %add3A_330 masked %masked_sort3A_331 : (vector<16xf32>, vector<16xi32>, vector<16xi1>) -> (vector<16xi1>, vector<16xf32>, vector<16xi32>)
        %get3A_335 = arith.constant 1 : i32
        %get3A_336 = arith.index_cast %get3A_335 : i32 to index
        %get3A_337 = arith.constant 176 : index
        %get3A_338 = tpu.vector_load %arg5[%get3A_336, %get3A_337] {strides = array<i32>} : memref<2x1024xf32, #tpu.memory_space<vmem>>, vector<16xf32>,
        %abs3A_339 = math.absf %get3A_338 : vector<16xf32>
        %add3A_340 = arith.constant 176 : i32
        %add3A_341 = vector.broadcast %add3A_340 : i32 to vector<16xi32>
        %add3A_342 = arith.addi %iota3A, %add3A_341 : vector<16xi32>
        %masked_sort3A_343 = arith.constant dense<true> : vector<16xi1>
        %masked_sort3A_344, %masked_sort3A_345, %masked_sort3A_346 = tpu.sort %abs3A_339, %add3A_342 masked %masked_sort3A_343 : (vector<16xf32>, vector<16xi32>, vector<16xi1>) -> (vector<16xi1>, vector<16xf32>, vector<16xi32>)
        %rev3A_347 = arith.constant 15 : i32
        %rev3A_348 = vector.broadcast %rev3A_347 : i32 to vector<16xi32>
        %rev3A_349 = tpu.iota {dimensions = array<i32: 0>} : vector<16xi32>
        %rev3A_350 = arith.subi %rev3A_348, %rev3A_349 : vector<16xi32>
        %rev3A_351 = tpu.dynamic_gather %masked_sort3A_345[%rev3A_350] in [0] : vector<16xf32>, vector<16xi32> -> vector<16xf32>
        %rev3A_352 = arith.constant 15 : i32
        %rev3A_353 = vector.broadcast %rev3A_352 : i32 to vector<16xi32>
        %rev3A_354 = tpu.iota {dimensions = array<i32: 0>} : vector<16xi32>
        %rev3A_355 = arith.subi %rev3A_353, %rev3A_354 : vector<16xi32>
        %rev3A_356 = tpu.dynamic_gather %masked_sort3A_346[%rev3A_355] in [0] : vector<16xi32>, vector<16xi32> -> vector<16xi32>
        %gt3A_357 = arith.cmpf ogt, %rev3A_351, %masked_sort3A_333 : vector<16xf32>
        %select_n3A_358 = arith.select %gt3A_357, %rev3A_351, %masked_sort3A_333 : vector<16xi1>, vector<16xf32>
        %select_n3A_359 = arith.select %gt3A_357, %rev3A_356, %masked_sort3A_334 : vector<16xi1>, vector<16xi32>
        %masked_sort3A_360 = arith.constant dense<true> : vector<16xi1>
        %masked_sort3A_361, %masked_sort3A_362, %masked_sort3A_363 = tpu.sort %select_n3A_358, %select_n3A_359 masked %masked_sort3A_360 : (vector<16xf32>, vector<16xi32>, vector<16xi1>) -> (vector<16xi1>, vector<16xf32>, vector<16xi32>)
        %rev3A_364 = arith.constant 15 : i32
        %rev3A_365 = vector.broadcast %rev3A_364 : i32 to vector<16xi32>
        %rev3A_366 = tpu.iota {dimensions = array<i32: 0>} : vector<16xi32>
        %rev3A_367 = arith.subi %rev3A_365, %rev3A_366 : vector<16xi32>
        %rev3A_368 = tpu.dynamic_gather %masked_sort3A_362[%rev3A_367] in [0] : vector<16xf32>, vector<16xi32> -> vector<16xf32>
        %rev3A_369 = arith.constant 15 : i32
        %rev3A_370 = vector.broadcast %rev3A_369 : i32 to vector<16xi32>
        %rev3A_371 = tpu.iota {dimensions = array<i32: 0>} : vector<16xi32>
        %rev3A_372 = arith.subi %rev3A_370, %rev3A_371 : vector<16xi32>
        %rev3A_373 = tpu.dynamic_gather %masked_sort3A_363[%rev3A_372] in [0] : vector<16xi32>, vector<16xi32> -> vector<16xi32>
        %gt3A_374 = arith.cmpf ogt, %rev3A_368, %masked_sort3A_321 : vector<16xf32>
        %select_n3A_375 = arith.select %gt3A_374, %rev3A_368, %masked_sort3A_321 : vector<16xi1>, vector<16xf32>
        %select_n3A_376 = arith.select %gt3A_374, %rev3A_373, %masked_sort3A_322 : vector<16xi1>, vector<16xi32>
        %masked_sort3A_377 = arith.constant dense<true> : vector<16xi1>
        %masked_sort3A_378, %masked_sort3A_379, %masked_sort3A_380 = tpu.sort %select_n3A_375, %select_n3A_376 masked %masked_sort3A_377 : (vector<16xf32>, vector<16xi32>, vector<16xi1>) -> (vector<16xi1>, vector<16xf32>, vector<16xi32>)
        %get3A_381 = arith.constant 1 : i32
        %get3A_382 = arith.index_cast %get3A_381 : i32 to index
        %get3A_383 = arith.constant 192 : index
        %get3A_384 = tpu.vector_load %arg5[%get3A_382, %get3A_383] {strides = array<i32>} : memref<2x1024xf32, #tpu.memory_space<vmem>>, vector<16xf32>,
        %abs3A_385 = math.absf %get3A_384 : vector<16xf32>
        %add3A_386 = arith.constant 192 : i32
        %add3A_387 = vector.broadcast %add3A_386 : i32 to vector<16xi32>
        %add3A_388 = arith.addi %iota3A, %add3A_387 : vector<16xi32>
        %masked_sort3A_389 = arith.constant dense<true> : vector<16xi1>
        %masked_sort3A_390, %masked_sort3A_391, %masked_sort3A_392 = tpu.sort %abs3A_385, %add3A_388 masked %masked_sort3A_389 : (vector<16xf32>, vector<16xi32>, vector<16xi1>) -> (vector<16xi1>, vector<16xf32>, vector<16xi32>)
        %get3A_393 = arith.constant 1 : i32
        %get3A_394 = arith.index_cast %get3A_393 : i32 to index
        %get3A_395 = arith.constant 208 : index
        %get3A_396 = tpu.vector_load %arg5[%get3A_394, %get3A_395] {strides = array<i32>} : memref<2x1024xf32, #tpu.memory_space<vmem>>, vector<16xf32>,
        %abs3A_397 = math.absf %get3A_396 : vector<16xf32>
        %add3A_398 = arith.constant 208 : i32
        %add3A_399 = vector.broadcast %add3A_398 : i32 to vector<16xi32>
        %add3A_400 = arith.addi %iota3A, %add3A_399 : vector<16xi32>
        %masked_sort3A_401 = arith.constant dense<true> : vector<16xi1>
        %masked_sort3A_402, %masked_sort3A_403, %masked_sort3A_404 = tpu.sort %abs3A_397, %add3A_400 masked %masked_sort3A_401 : (vector<16xf32>, vector<16xi32>, vector<16xi1>) -> (vector<16xi1>, vector<16xf32>, vector<16xi32>)
        %rev3A_405 = arith.constant 15 : i32
        %rev3A_406 = vector.broadcast %rev3A_405 : i32 to vector<16xi32>
        %rev3A_407 = tpu.iota {dimensions = array<i32: 0>} : vector<16xi32>
        %rev3A_408 = arith.subi %rev3A_406, %rev3A_407 : vector<16xi32>
        %rev3A_409 = tpu.dynamic_gather %masked_sort3A_403[%rev3A_408] in [0] : vector<16xf32>, vector<16xi32> -> vector<16xf32>
        %rev3A_410 = arith.constant 15 : i32
        %rev3A_411 = vector.broadcast %rev3A_410 : i32 to vector<16xi32>
        %rev3A_412 = tpu.iota {dimensions = array<i32: 0>} : vector<16xi32>
        %rev3A_413 = arith.subi %rev3A_411, %rev3A_412 : vector<16xi32>
        %rev3A_414 = tpu.dynamic_gather %masked_sort3A_404[%rev3A_413] in [0] : vector<16xi32>, vector<16xi32> -> vector<16xi32>
        %gt3A_415 = arith.cmpf ogt, %rev3A_409, %masked_sort3A_391 : vector<16xf32>
        %select_n3A_416 = arith.select %gt3A_415, %rev3A_409, %masked_sort3A_391 : vector<16xi1>, vector<16xf32>
        %select_n3A_417 = arith.select %gt3A_415, %rev3A_414, %masked_sort3A_392 : vector<16xi1>, vector<16xi32>
        %masked_sort3A_418 = arith.constant dense<true> : vector<16xi1>
        %masked_sort3A_419, %masked_sort3A_420, %masked_sort3A_421 = tpu.sort %select_n3A_416, %select_n3A_417 masked %masked_sort3A_418 : (vector<16xf32>, vector<16xi32>, vector<16xi1>) -> (vector<16xi1>, vector<16xf32>, vector<16xi32>)
        %get3A_422 = arith.constant 1 : i32
        %get3A_423 = arith.index_cast %get3A_422 : i32 to index
        %get3A_424 = arith.constant 224 : index
        %get3A_425 = tpu.vector_load %arg5[%get3A_423, %get3A_424] {strides = array<i32>} : memref<2x1024xf32, #tpu.memory_space<vmem>>, vector<16xf32>,
        %abs3A_426 = math.absf %get3A_425 : vector<16xf32>
        %add3A_427 = arith.constant 224 : i32
        %add3A_428 = vector.broadcast %add3A_427 : i32 to vector<16xi32>
        %add3A_429 = arith.addi %iota3A, %add3A_428 : vector<16xi32>
        %masked_sort3A_430 = arith.constant dense<true> : vector<16xi1>
        %masked_sort3A_431, %masked_sort3A_432, %masked_sort3A_433 = tpu.sort %abs3A_426, %add3A_429 masked %masked_sort3A_430 : (vector<16xf32>, vector<16xi32>, vector<16xi1>) -> (vector<16xi1>, vector<16xf32>, vector<16xi32>)
        %get3A_434 = arith.constant 1 : i32
        %get3A_435 = arith.index_cast %get3A_434 : i32 to index
        %get3A_436 = arith.constant 240 : index
        %get3A_437 = tpu.vector_load %arg5[%get3A_435, %get3A_436] {strides = array<i32>} : memref<2x1024xf32, #tpu.memory_space<vmem>>, vector<16xf32>,
        %abs3A_438 = math.absf %get3A_437 : vector<16xf32>
        %add3A_439 = arith.constant 240 : i32
        %add3A_440 = vector.broadcast %add3A_439 : i32 to vector<16xi32>
        %add3A_441 = arith.addi %iota3A, %add3A_440 : vector<16xi32>
        %masked_sort3A_442 = arith.constant dense<true> : vector<16xi1>
        %masked_sort3A_443, %masked_sort3A_444, %masked_sort3A_445 = tpu.sort %abs3A_438, %add3A_441 masked %masked_sort3A_442 : (vector<16xf32>, vector<16xi32>, vector<16xi1>) -> (vector<16xi1>, vector<16xf32>, vector<16xi32>)
        %rev3A_446 = arith.constant 15 : i32
        %rev3A_447 = vector.broadcast %rev3A_446 : i32 to vector<16xi32>
        %rev3A_448 = tpu.iota {dimensions = array<i32: 0>} : vector<16xi32>
        %rev3A_449 = arith.subi %rev3A_447, %rev3A_448 : vector<16xi32>
        %rev3A_450 = tpu.dynamic_gather %masked_sort3A_444[%rev3A_449] in [0] : vector<16xf32>, vector<16xi32> -> vector<16xf32>
        %rev3A_451 = arith.constant 15 : i32
        %rev3A_452 = vector.broadcast %rev3A_451 : i32 to vector<16xi32>
        %rev3A_453 = tpu.iota {dimensions = array<i32: 0>} : vector<16xi32>
        %rev3A_454 = arith.subi %rev3A_452, %rev3A_453 : vector<16xi32>
        %rev3A_455 = tpu.dynamic_gather %masked_sort3A_445[%rev3A_454] in [0] : vector<16xi32>, vector<16xi32> -> vector<16xi32>
        %gt3A_456 = arith.cmpf ogt, %rev3A_450, %masked_sort3A_432 : vector<16xf32>
        %select_n3A_457 = arith.select %gt3A_456, %rev3A_450, %masked_sort3A_432 : vector<16xi1>, vector<16xf32>
        %select_n3A_458 = arith.select %gt3A_456, %rev3A_455, %masked_sort3A_433 : vector<16xi1>, vector<16xi32>
        %masked_sort3A_459 = arith.constant dense<true> : vector<16xi1>
        %masked_sort3A_460, %masked_sort3A_461, %masked_sort3A_462 = tpu.sort %select_n3A_457, %select_n3A_458 masked %masked_sort3A_459 : (vector<16xf32>, vector<16xi32>, vector<16xi1>) -> (vector<16xi1>, vector<16xf32>, vector<16xi32>)
        %rev3A_463 = arith.constant 15 : i32
        %rev3A_464 = vector.broadcast %rev3A_463 : i32 to vector<16xi32>
        %rev3A_465 = tpu.iota {dimensions = array<i32: 0>} : vector<16xi32>
        %rev3A_466 = arith.subi %rev3A_464, %rev3A_465 : vector<16xi32>
        %rev3A_467 = tpu.dynamic_gather %masked_sort3A_461[%rev3A_466] in [0] : vector<16xf32>, vector<16xi32> -> vector<16xf32>
        %rev3A_468 = arith.constant 15 : i32
        %rev3A_469 = vector.broadcast %rev3A_468 : i32 to vector<16xi32>
        %rev3A_470 = tpu.iota {dimensions = array<i32: 0>} : vector<16xi32>
        %rev3A_471 = arith.subi %rev3A_469, %rev3A_470 : vector<16xi32>
        %rev3A_472 = tpu.dynamic_gather %masked_sort3A_462[%rev3A_471] in [0] : vector<16xi32>, vector<16xi32> -> vector<16xi32>
        %gt3A_473 = arith.cmpf ogt, %rev3A_467, %masked_sort3A_420 : vector<16xf32>
        %select_n3A_474 = arith.select %gt3A_473, %rev3A_467, %masked_sort3A_420 : vector<16xi1>, vector<16xf32>
        %select_n3A_475 = arith.select %gt3A_473, %rev3A_472, %masked_sort3A_421 : vector<16xi1>, vector<16xi32>
        %masked_sort3A_476 = arith.constant dense<true> : vector<16xi1>
        %masked_sort3A_477, %masked_sort3A_478, %masked_sort3A_479 = tpu.sort %select_n3A_474, %select_n3A_475 masked %masked_sort3A_476 : (vector<16xf32>, vector<16xi32>, vector<16xi1>) -> (vector<16xi1>, vector<16xf32>, vector<16xi32>)
        %rev3A_480 = arith.constant 15 : i32
        %rev3A_481 = vector.broadcast %rev3A_480 : i32 to vector<16xi32>
        %rev3A_482 = tpu.iota {dimensions = array<i32: 0>} : vector<16xi32>
        %rev3A_483 = arith.subi %rev3A_481, %rev3A_482 : vector<16xi32>
        %rev3A_484 = tpu.dynamic_gather %masked_sort3A_478[%rev3A_483] in [0] : vector<16xf32>, vector<16xi32> -> vector<16xf32>
        %rev3A_485 = arith.constant 15 : i32
        %rev3A_486 = vector.broadcast %rev3A_485 : i32 to vector<16xi32>
        %rev3A_487 = tpu.iota {dimensions = array<i32: 0>} : vector<16xi32>
        %rev3A_488 = arith.subi %rev3A_486, %rev3A_487 : vector<16xi32>
        %rev3A_489 = tpu.dynamic_gather %masked_sort3A_479[%rev3A_488] in [0] : vector<16xi32>, vector<16xi32> -> vector<16xi32>
        %gt3A_490 = arith.cmpf ogt, %rev3A_484, %masked_sort3A_379 : vector<16xf32>
        %select_n3A_491 = arith.select %gt3A_490, %rev3A_484, %masked_sort3A_379 : vector<16xi1>, vector<16xf32>
        %select_n3A_492 = arith.select %gt3A_490, %rev3A_489, %masked_sort3A_380 : vector<16xi1>, vector<16xi32>
        %masked_sort3A_493 = arith.constant dense<true> : vector<16xi1>
        %masked_sort3A_494, %masked_sort3A_495, %masked_sort3A_496 = tpu.sort %select_n3A_491, %select_n3A_492 masked %masked_sort3A_493 : (vector<16xf32>, vector<16xi32>, vector<16xi1>) -> (vector<16xi1>, vector<16xf32>, vector<16xi32>)
        %rev3A_497 = arith.constant 15 : i32
        %rev3A_498 = vector.broadcast %rev3A_497 : i32 to vector<16xi32>
        %rev3A_499 = tpu.iota {dimensions = array<i32: 0>} : vector<16xi32>
        %rev3A_500 = arith.subi %rev3A_498, %rev3A_499 : vector<16xi32>
        %rev3A_501 = tpu.dynamic_gather %masked_sort3A_495[%rev3A_500] in [0] : vector<16xf32>, vector<16xi32> -> vector<16xf32>
        %rev3A_502 = arith.constant 15 : i32
        %rev3A_503 = vector.broadcast %rev3A_502 : i32 to vector<16xi32>
        %rev3A_504 = tpu.iota {dimensions = array<i32: 0>} : vector<16xi32>
        %rev3A_505 = arith.subi %rev3A_503, %rev3A_504 : vector<16xi32>
        %rev3A_506 = tpu.dynamic_gather %masked_sort3A_496[%rev3A_505] in [0] : vector<16xi32>, vector<16xi32> -> vector<16xi32>
        %gt3A_507 = arith.cmpf ogt, %rev3A_501, %masked_sort3A_280 : vector<16xf32>
        %select_n3A_508 = arith.select %gt3A_507, %rev3A_501, %masked_sort3A_280 : vector<16xi1>, vector<16xf32>
        %select_n3A_509 = arith.select %gt3A_507, %rev3A_506, %masked_sort3A_281 : vector<16xi1>, vector<16xi32>
        %masked_sort3A_510 = arith.constant dense<true> : vector<16xi1>
        %masked_sort3A_511, %masked_sort3A_512, %masked_sort3A_513 = tpu.sort %select_n3A_508, %select_n3A_509 masked %masked_sort3A_510 : (vector<16xf32>, vector<16xi32>, vector<16xi1>) -> (vector<16xi1>, vector<16xf32>, vector<16xi32>)
        %get3A_514 = arith.constant 1 : i32
        %get3A_515 = arith.index_cast %get3A_514 : i32 to index
        %get3A_516 = arith.constant 256 : index
        %get3A_517 = tpu.vector_load %arg5[%get3A_515, %get3A_516] {strides = array<i32>} : memref<2x1024xf32, #tpu.memory_space<vmem>>, vector<16xf32>,
        %abs3A_518 = math.absf %get3A_517 : vector<16xf32>
        %add3A_519 = arith.constant 256 : i32
        %add3A_520 = vector.broadcast %add3A_519 : i32 to vector<16xi32>
        %add3A_521 = arith.addi %iota3A, %add3A_520 : vector<16xi32>
        %masked_sort3A_522 = arith.constant dense<true> : vector<16xi1>
        %masked_sort3A_523, %masked_sort3A_524, %masked_sort3A_525 = tpu.sort %abs3A_518, %add3A_521 masked %masked_sort3A_522 : (vector<16xf32>, vector<16xi32>, vector<16xi1>) -> (vector<16xi1>, vector<16xf32>, vector<16xi32>)
        %get3A_526 = arith.constant 1 : i32
        %get3A_527 = arith.index_cast %get3A_526 : i32 to index
        %get3A_528 = arith.constant 272 : index
        %get3A_529 = tpu.vector_load %arg5[%get3A_527, %get3A_528] {strides = array<i32>} : memref<2x1024xf32, #tpu.memory_space<vmem>>, vector<16xf32>,
        %abs3A_530 = math.absf %get3A_529 : vector<16xf32>
        %add3A_531 = arith.constant 272 : i32
        %add3A_532 = vector.broadcast %add3A_531 : i32 to vector<16xi32>
        %add3A_533 = arith.addi %iota3A, %add3A_532 : vector<16xi32>
        %masked_sort3A_534 = arith.constant dense<true> : vector<16xi1>
        %masked_sort3A_535, %masked_sort3A_536, %masked_sort3A_537 = tpu.sort %abs3A_530, %add3A_533 masked %masked_sort3A_534 : (vector<16xf32>, vector<16xi32>, vector<16xi1>) -> (vector<16xi1>, vector<16xf32>, vector<16xi32>)
        %rev3A_538 = arith.constant 15 : i32
        %rev3A_539 = vector.broadcast %rev3A_538 : i32 to vector<16xi32>
        %rev3A_540 = tpu.iota {dimensions = array<i32: 0>} : vector<16xi32>
        %rev3A_541 = arith.subi %rev3A_539, %rev3A_540 : vector<16xi32>
        %rev3A_542 = tpu.dynamic_gather %masked_sort3A_536[%rev3A_541] in [0] : vector<16xf32>, vector<16xi32> -> vector<16xf32>
        %rev3A_543 = arith.constant 15 : i32
        %rev3A_544 = vector.broadcast %rev3A_543 : i32 to vector<16xi32>
        %rev3A_545 = tpu.iota {dimensions = array<i32: 0>} : vector<16xi32>
        %rev3A_546 = arith.subi %rev3A_544, %rev3A_545 : vector<16xi32>
        %rev3A_547 = tpu.dynamic_gather %masked_sort3A_537[%rev3A_546] in [0] : vector<16xi32>, vector<16xi32> -> vector<16xi32>
        %gt3A_548 = arith.cmpf ogt, %rev3A_542, %masked_sort3A_524 : vector<16xf32>
        %select_n3A_549 = arith.select %gt3A_548, %rev3A_542, %masked_sort3A_524 : vector<16xi1>, vector<16xf32>
        %select_n3A_550 = arith.select %gt3A_548, %rev3A_547, %masked_sort3A_525 : vector<16xi1>, vector<16xi32>
        %masked_sort3A_551 = arith.constant dense<true> : vector<16xi1>
        %masked_sort3A_552, %masked_sort3A_553, %masked_sort3A_554 = tpu.sort %select_n3A_549, %select_n3A_550 masked %masked_sort3A_551 : (vector<16xf32>, vector<16xi32>, vector<16xi1>) -> (vector<16xi1>, vector<16xf32>, vector<16xi32>)
        %get3A_555 = arith.constant 1 : i32
        %get3A_556 = arith.index_cast %get3A_555 : i32 to index
        %get3A_557 = arith.constant 288 : index
        %get3A_558 = tpu.vector_load %arg5[%get3A_556, %get3A_557] {strides = array<i32>} : memref<2x1024xf32, #tpu.memory_space<vmem>>, vector<16xf32>,
        %abs3A_559 = math.absf %get3A_558 : vector<16xf32>
        %add3A_560 = arith.constant 288 : i32
        %add3A_561 = vector.broadcast %add3A_560 : i32 to vector<16xi32>
        %add3A_562 = arith.addi %iota3A, %add3A_561 : vector<16xi32>
        %masked_sort3A_563 = arith.constant dense<true> : vector<16xi1>
        %masked_sort3A_564, %masked_sort3A_565, %masked_sort3A_566 = tpu.sort %abs3A_559, %add3A_562 masked %masked_sort3A_563 : (vector<16xf32>, vector<16xi32>, vector<16xi1>) -> (vector<16xi1>, vector<16xf32>, vector<16xi32>)
        %get3A_567 = arith.constant 1 : i32
        %get3A_568 = arith.index_cast %get3A_567 : i32 to index
        %get3A_569 = arith.constant 304 : index
        %get3A_570 = tpu.vector_load %arg5[%get3A_568, %get3A_569] {strides = array<i32>} : memref<2x1024xf32, #tpu.memory_space<vmem>>, vector<16xf32>,
        %abs3A_571 = math.absf %get3A_570 : vector<16xf32>
        %add3A_572 = arith.constant 304 : i32
        %add3A_573 = vector.broadcast %add3A_572 : i32 to vector<16xi32>
        %add3A_574 = arith.addi %iota3A, %add3A_573 : vector<16xi32>
        %masked_sort3A_575 = arith.constant dense<true> : vector<16xi1>
        %masked_sort3A_576, %masked_sort3A_577, %masked_sort3A_578 = tpu.sort %abs3A_571, %add3A_574 masked %masked_sort3A_575 : (vector<16xf32>, vector<16xi32>, vector<16xi1>) -> (vector<16xi1>, vector<16xf32>, vector<16xi32>)
        %rev3A_579 = arith.constant 15 : i32
        %rev3A_580 = vector.broadcast %rev3A_579 : i32 to vector<16xi32>
        %rev3A_581 = tpu.iota {dimensions = array<i32: 0>} : vector<16xi32>
        %rev3A_582 = arith.subi %rev3A_580, %rev3A_581 : vector<16xi32>
        %rev3A_583 = tpu.dynamic_gather %masked_sort3A_577[%rev3A_582] in [0] : vector<16xf32>, vector<16xi32> -> vector<16xf32>
        %rev3A_584 = arith.constant 15 : i32
        %rev3A_585 = vector.broadcast %rev3A_584 : i32 to vector<16xi32>
        %rev3A_586 = tpu.iota {dimensions = array<i32: 0>} : vector<16xi32>
        %rev3A_587 = arith.subi %rev3A_585, %rev3A_586 : vector<16xi32>
        %rev3A_588 = tpu.dynamic_gather %masked_sort3A_578[%rev3A_587] in [0] : vector<16xi32>, vector<16xi32> -> vector<16xi32>
        %gt3A_589 = arith.cmpf ogt, %rev3A_583, %masked_sort3A_565 : vector<16xf32>
        %select_n3A_590 = arith.select %gt3A_589, %rev3A_583, %masked_sort3A_565 : vector<16xi1>, vector<16xf32>
        %select_n3A_591 = arith.select %gt3A_589, %rev3A_588, %masked_sort3A_566 : vector<16xi1>, vector<16xi32>
        %masked_sort3A_592 = arith.constant dense<true> : vector<16xi1>
        %masked_sort3A_593, %masked_sort3A_594, %masked_sort3A_595 = tpu.sort %select_n3A_590, %select_n3A_591 masked %masked_sort3A_592 : (vector<16xf32>, vector<16xi32>, vector<16xi1>) -> (vector<16xi1>, vector<16xf32>, vector<16xi32>)
        %rev3A_596 = arith.constant 15 : i32
        %rev3A_597 = vector.broadcast %rev3A_596 : i32 to vector<16xi32>
        %rev3A_598 = tpu.iota {dimensions = array<i32: 0>} : vector<16xi32>
        %rev3A_599 = arith.subi %rev3A_597, %rev3A_598 : vector<16xi32>
        %rev3A_600 = tpu.dynamic_gather %masked_sort3A_594[%rev3A_599] in [0] : vector<16xf32>, vector<16xi32> -> vector<16xf32>
        %rev3A_601 = arith.constant 15 : i32
        %rev3A_602 = vector.broadcast %rev3A_601 : i32 to vector<16xi32>
        %rev3A_603 = tpu.iota {dimensions = array<i32: 0>} : vector<16xi32>
        %rev3A_604 = arith.subi %rev3A_602, %rev3A_603 : vector<16xi32>
        %rev3A_605 = tpu.dynamic_gather %masked_sort3A_595[%rev3A_604] in [0] : vector<16xi32>, vector<16xi32> -> vector<16xi32>
        %gt3A_606 = arith.cmpf ogt, %rev3A_600, %masked_sort3A_553 : vector<16xf32>
        %select_n3A_607 = arith.select %gt3A_606, %rev3A_600, %masked_sort3A_553 : vector<16xi1>, vector<16xf32>
        %select_n3A_608 = arith.select %gt3A_606, %rev3A_605, %masked_sort3A_554 : vector<16xi1>, vector<16xi32>
        %masked_sort3A_609 = arith.constant dense<true> : vector<16xi1>
        %masked_sort3A_610, %masked_sort3A_611, %masked_sort3A_612 = tpu.sort %select_n3A_607, %select_n3A_608 masked %masked_sort3A_609 : (vector<16xf32>, vector<16xi32>, vector<16xi1>) -> (vector<16xi1>, vector<16xf32>, vector<16xi32>)
        %get3A_613 = arith.constant 1 : i32
        %get3A_614 = arith.index_cast %get3A_613 : i32 to index
        %get3A_615 = arith.constant 320 : index
        %get3A_616 = tpu.vector_load %arg5[%get3A_614, %get3A_615] {strides = array<i32>} : memref<2x1024xf32, #tpu.memory_space<vmem>>, vector<16xf32>,
        %abs3A_617 = math.absf %get3A_616 : vector<16xf32>
        %add3A_618 = arith.constant 320 : i32
        %add3A_619 = vector.broadcast %add3A_618 : i32 to vector<16xi32>
        %add3A_620 = arith.addi %iota3A, %add3A_619 : vector<16xi32>
        %masked_sort3A_621 = arith.constant dense<true> : vector<16xi1>
        %masked_sort3A_622, %masked_sort3A_623, %masked_sort3A_624 = tpu.sort %abs3A_617, %add3A_620 masked %masked_sort3A_621 : (vector<16xf32>, vector<16xi32>, vector<16xi1>) -> (vector<16xi1>, vector<16xf32>, vector<16xi32>)
        %get3A_625 = arith.constant 1 : i32
        %get3A_626 = arith.index_cast %get3A_625 : i32 to index
        %get3A_627 = arith.constant 336 : index
        %get3A_628 = tpu.vector_load %arg5[%get3A_626, %get3A_627] {strides = array<i32>} : memref<2x1024xf32, #tpu.memory_space<vmem>>, vector<16xf32>,
        %abs3A_629 = math.absf %get3A_628 : vector<16xf32>
        %add3A_630 = arith.constant 336 : i32
        %add3A_631 = vector.broadcast %add3A_630 : i32 to vector<16xi32>
        %add3A_632 = arith.addi %iota3A, %add3A_631 : vector<16xi32>
        %masked_sort3A_633 = arith.constant dense<true> : vector<16xi1>
        %masked_sort3A_634, %masked_sort3A_635, %masked_sort3A_636 = tpu.sort %abs3A_629, %add3A_632 masked %masked_sort3A_633 : (vector<16xf32>, vector<16xi32>, vector<16xi1>) -> (vector<16xi1>, vector<16xf32>, vector<16xi32>)
        %rev3A_637 = arith.constant 15 : i32
        %rev3A_638 = vector.broadcast %rev3A_637 : i32 to vector<16xi32>
        %rev3A_639 = tpu.iota {dimensions = array<i32: 0>} : vector<16xi32>
        %rev3A_640 = arith.subi %rev3A_638, %rev3A_639 : vector<16xi32>
        %rev3A_641 = tpu.dynamic_gather %masked_sort3A_635[%rev3A_640] in [0] : vector<16xf32>, vector<16xi32> -> vector<16xf32>
        %rev3A_642 = arith.constant 15 : i32
        %rev3A_643 = vector.broadcast %rev3A_642 : i32 to vector<16xi32>
        %rev3A_644 = tpu.iota {dimensions = array<i32: 0>} : vector<16xi32>
        %rev3A_645 = arith.subi %rev3A_643, %rev3A_644 : vector<16xi32>
        %rev3A_646 = tpu.dynamic_gather %masked_sort3A_636[%rev3A_645] in [0] : vector<16xi32>, vector<16xi32> -> vector<16xi32>
        %gt3A_647 = arith.cmpf ogt, %rev3A_641, %masked_sort3A_623 : vector<16xf32>
        %select_n3A_648 = arith.select %gt3A_647, %rev3A_641, %masked_sort3A_623 : vector<16xi1>, vector<16xf32>
        %select_n3A_649 = arith.select %gt3A_647, %rev3A_646, %masked_sort3A_624 : vector<16xi1>, vector<16xi32>
        %masked_sort3A_650 = arith.constant dense<true> : vector<16xi1>
        %masked_sort3A_651, %masked_sort3A_652, %masked_sort3A_653 = tpu.sort %select_n3A_648, %select_n3A_649 masked %masked_sort3A_650 : (vector<16xf32>, vector<16xi32>, vector<16xi1>) -> (vector<16xi1>, vector<16xf32>, vector<16xi32>)
        %get3A_654 = arith.constant 1 : i32
        %get3A_655 = arith.index_cast %get3A_654 : i32 to index
        %get3A_656 = arith.constant 352 : index
        %get3A_657 = tpu.vector_load %arg5[%get3A_655, %get3A_656] {strides = array<i32>} : memref<2x1024xf32, #tpu.memory_space<vmem>>, vector<16xf32>,
        %abs3A_658 = math.absf %get3A_657 : vector<16xf32>
        %add3A_659 = arith.constant 352 : i32
        %add3A_660 = vector.broadcast %add3A_659 : i32 to vector<16xi32>
        %add3A_661 = arith.addi %iota3A, %add3A_660 : vector<16xi32>
        %masked_sort3A_662 = arith.constant dense<true> : vector<16xi1>
        %masked_sort3A_663, %masked_sort3A_664, %masked_sort3A_665 = tpu.sort %abs3A_658, %add3A_661 masked %masked_sort3A_662 : (vector<16xf32>, vector<16xi32>, vector<16xi1>) -> (vector<16xi1>, vector<16xf32>, vector<16xi32>)
        %get3A_666 = arith.constant 1 : i32
        %get3A_667 = arith.index_cast %get3A_666 : i32 to index
        %get3A_668 = arith.constant 368 : index
        %get3A_669 = tpu.vector_load %arg5[%get3A_667, %get3A_668] {strides = array<i32>} : memref<2x1024xf32, #tpu.memory_space<vmem>>, vector<16xf32>,
        %abs3A_670 = math.absf %get3A_669 : vector<16xf32>
        %add3A_671 = arith.constant 368 : i32
        %add3A_672 = vector.broadcast %add3A_671 : i32 to vector<16xi32>
        %add3A_673 = arith.addi %iota3A, %add3A_672 : vector<16xi32>
        %masked_sort3A_674 = arith.constant dense<true> : vector<16xi1>
        %masked_sort3A_675, %masked_sort3A_676, %masked_sort3A_677 = tpu.sort %abs3A_670, %add3A_673 masked %masked_sort3A_674 : (vector<16xf32>, vector<16xi32>, vector<16xi1>) -> (vector<16xi1>, vector<16xf32>, vector<16xi32>)
        %rev3A_678 = arith.constant 15 : i32
        %rev3A_679 = vector.broadcast %rev3A_678 : i32 to vector<16xi32>
        %rev3A_680 = tpu.iota {dimensions = array<i32: 0>} : vector<16xi32>
        %rev3A_681 = arith.subi %rev3A_679, %rev3A_680 : vector<16xi32>
        %rev3A_682 = tpu.dynamic_gather %masked_sort3A_676[%rev3A_681] in [0] : vector<16xf32>, vector<16xi32> -> vector<16xf32>
        %rev3A_683 = arith.constant 15 : i32
        %rev3A_684 = vector.broadcast %rev3A_683 : i32 to vector<16xi32>
        %rev3A_685 = tpu.iota {dimensions = array<i32: 0>} : vector<16xi32>
        %rev3A_686 = arith.subi %rev3A_684, %rev3A_685 : vector<16xi32>
        %rev3A_687 = tpu.dynamic_gather %masked_sort3A_677[%rev3A_686] in [0] : vector<16xi32>, vector<16xi32> -> vector<16xi32>
        %gt3A_688 = arith.cmpf ogt, %rev3A_682, %masked_sort3A_664 : vector<16xf32>
        %select_n3A_689 = arith.select %gt3A_688, %rev3A_682, %masked_sort3A_664 : vector<16xi1>, vector<16xf32>
        %select_n3A_690 = arith.select %gt3A_688, %rev3A_687, %masked_sort3A_665 : vector<16xi1>, vector<16xi32>
        %masked_sort3A_691 = arith.constant dense<true> : vector<16xi1>
        %masked_sort3A_692, %masked_sort3A_693, %masked_sort3A_694 = tpu.sort %select_n3A_689, %select_n3A_690 masked %masked_sort3A_691 : (vector<16xf32>, vector<16xi32>, vector<16xi1>) -> (vector<16xi1>, vector<16xf32>, vector<16xi32>)
        %rev3A_695 = arith.constant 15 : i32
        %rev3A_696 = vector.broadcast %rev3A_695 : i32 to vector<16xi32>
        %rev3A_697 = tpu.iota {dimensions = array<i32: 0>} : vector<16xi32>
        %rev3A_698 = arith.subi %rev3A_696, %rev3A_697 : vector<16xi32>
        %rev3A_699 = tpu.dynamic_gather %masked_sort3A_693[%rev3A_698] in [0] : vector<16xf32>, vector<16xi32> -> vector<16xf32>
        %rev3A_700 = arith.constant 15 : i32
        %rev3A_701 = vector.broadcast %rev3A_700 : i32 to vector<16xi32>
        %rev3A_702 = tpu.iota {dimensions = array<i32: 0>} : vector<16xi32>
        %rev3A_703 = arith.subi %rev3A_701, %rev3A_702 : vector<16xi32>
        %rev3A_704 = tpu.dynamic_gather %masked_sort3A_694[%rev3A_703] in [0] : vector<16xi32>, vector<16xi32> -> vector<16xi32>
        %gt3A_705 = arith.cmpf ogt, %rev3A_699, %masked_sort3A_652 : vector<16xf32>
        %select_n3A_706 = arith.select %gt3A_705, %rev3A_699, %masked_sort3A_652 : vector<16xi1>, vector<16xf32>
        %select_n3A_707 = arith.select %gt3A_705, %rev3A_704, %masked_sort3A_653 : vector<16xi1>, vector<16xi32>
        %masked_sort3A_708 = arith.constant dense<true> : vector<16xi1>
        %masked_sort3A_709, %masked_sort3A_710, %masked_sort3A_711 = tpu.sort %select_n3A_706, %select_n3A_707 masked %masked_sort3A_708 : (vector<16xf32>, vector<16xi32>, vector<16xi1>) -> (vector<16xi1>, vector<16xf32>, vector<16xi32>)
        %rev3A_712 = arith.constant 15 : i32
        %rev3A_713 = vector.broadcast %rev3A_712 : i32 to vector<16xi32>
        %rev3A_714 = tpu.iota {dimensions = array<i32: 0>} : vector<16xi32>
        %rev3A_715 = arith.subi %rev3A_713, %rev3A_714 : vector<16xi32>
        %rev3A_716 = tpu.dynamic_gather %masked_sort3A_710[%rev3A_715] in [0] : vector<16xf32>, vector<16xi32> -> vector<16xf32>
        %rev3A_717 = arith.constant 15 : i32
        %rev3A_718 = vector.broadcast %rev3A_717 : i32 to vector<16xi32>
        %rev3A_719 = tpu.iota {dimensions = array<i32: 0>} : vector<16xi32>
        %rev3A_720 = arith.subi %rev3A_718, %rev3A_719 : vector<16xi32>
        %rev3A_721 = tpu.dynamic_gather %masked_sort3A_711[%rev3A_720] in [0] : vector<16xi32>, vector<16xi32> -> vector<16xi32>
        %gt3A_722 = arith.cmpf ogt, %rev3A_716, %masked_sort3A_611 : vector<16xf32>
        %select_n3A_723 = arith.select %gt3A_722, %rev3A_716, %masked_sort3A_611 : vector<16xi1>, vector<16xf32>
        %select_n3A_724 = arith.select %gt3A_722, %rev3A_721, %masked_sort3A_612 : vector<16xi1>, vector<16xi32>
        %masked_sort3A_725 = arith.constant dense<true> : vector<16xi1>
        %masked_sort3A_726, %masked_sort3A_727, %masked_sort3A_728 = tpu.sort %select_n3A_723, %select_n3A_724 masked %masked_sort3A_725 : (vector<16xf32>, vector<16xi32>, vector<16xi1>) -> (vector<16xi1>, vector<16xf32>, vector<16xi32>)
        %get3A_729 = arith.constant 1 : i32
        %get3A_730 = arith.index_cast %get3A_729 : i32 to index
        %get3A_731 = arith.constant 384 : index
        %get3A_732 = tpu.vector_load %arg5[%get3A_730, %get3A_731] {strides = array<i32>} : memref<2x1024xf32, #tpu.memory_space<vmem>>, vector<16xf32>,
        %abs3A_733 = math.absf %get3A_732 : vector<16xf32>
        %add3A_734 = arith.constant 384 : i32
        %add3A_735 = vector.broadcast %add3A_734 : i32 to vector<16xi32>
        %add3A_736 = arith.addi %iota3A, %add3A_735 : vector<16xi32>
        %masked_sort3A_737 = arith.constant dense<true> : vector<16xi1>
        %masked_sort3A_738, %masked_sort3A_739, %masked_sort3A_740 = tpu.sort %abs3A_733, %add3A_736 masked %masked_sort3A_737 : (vector<16xf32>, vector<16xi32>, vector<16xi1>) -> (vector<16xi1>, vector<16xf32>, vector<16xi32>)
        %get3A_741 = arith.constant 1 : i32
        %get3A_742 = arith.index_cast %get3A_741 : i32 to index
        %get3A_743 = arith.constant 400 : index
        %get3A_744 = tpu.vector_load %arg5[%get3A_742, %get3A_743] {strides = array<i32>} : memref<2x1024xf32, #tpu.memory_space<vmem>>, vector<16xf32>,
        %abs3A_745 = math.absf %get3A_744 : vector<16xf32>
        %add3A_746 = arith.constant 400 : i32
        %add3A_747 = vector.broadcast %add3A_746 : i32 to vector<16xi32>
        %add3A_748 = arith.addi %iota3A, %add3A_747 : vector<16xi32>
        %masked_sort3A_749 = arith.constant dense<true> : vector<16xi1>
        %masked_sort3A_750, %masked_sort3A_751, %masked_sort3A_752 = tpu.sort %abs3A_745, %add3A_748 masked %masked_sort3A_749 : (vector<16xf32>, vector<16xi32>, vector<16xi1>) -> (vector<16xi1>, vector<16xf32>, vector<16xi32>)
        %rev3A_753 = arith.constant 15 : i32
        %rev3A_754 = vector.broadcast %rev3A_753 : i32 to vector<16xi32>
        %rev3A_755 = tpu.iota {dimensions = array<i32: 0>} : vector<16xi32>
        %rev3A_756 = arith.subi %rev3A_754, %rev3A_755 : vector<16xi32>
        %rev3A_757 = tpu.dynamic_gather %masked_sort3A_751[%rev3A_756] in [0] : vector<16xf32>, vector<16xi32> -> vector<16xf32>
        %rev3A_758 = arith.constant 15 : i32
        %rev3A_759 = vector.broadcast %rev3A_758 : i32 to vector<16xi32>
        %rev3A_760 = tpu.iota {dimensions = array<i32: 0>} : vector<16xi32>
        %rev3A_761 = arith.subi %rev3A_759, %rev3A_760 : vector<16xi32>
        %rev3A_762 = tpu.dynamic_gather %masked_sort3A_752[%rev3A_761] in [0] : vector<16xi32>, vector<16xi32> -> vector<16xi32>
        %gt3A_763 = arith.cmpf ogt, %rev3A_757, %masked_sort3A_739 : vector<16xf32>
        %select_n3A_764 = arith.select %gt3A_763, %rev3A_757, %masked_sort3A_739 : vector<16xi1>, vector<16xf32>
        %select_n3A_765 = arith.select %gt3A_763, %rev3A_762, %masked_sort3A_740 : vector<16xi1>, vector<16xi32>
        %masked_sort3A_766 = arith.constant dense<true> : vector<16xi1>
        %masked_sort3A_767, %masked_sort3A_768, %masked_sort3A_769 = tpu.sort %select_n3A_764, %select_n3A_765 masked %masked_sort3A_766 : (vector<16xf32>, vector<16xi32>, vector<16xi1>) -> (vector<16xi1>, vector<16xf32>, vector<16xi32>)
        %get3A_770 = arith.constant 1 : i32
        %get3A_771 = arith.index_cast %get3A_770 : i32 to index
        %get3A_772 = arith.constant 416 : index
        %get3A_773 = tpu.vector_load %arg5[%get3A_771, %get3A_772] {strides = array<i32>} : memref<2x1024xf32, #tpu.memory_space<vmem>>, vector<16xf32>,
        %abs3A_774 = math.absf %get3A_773 : vector<16xf32>
        %add3A_775 = arith.constant 416 : i32
        %add3A_776 = vector.broadcast %add3A_775 : i32 to vector<16xi32>
        %add3A_777 = arith.addi %iota3A, %add3A_776 : vector<16xi32>
        %masked_sort3A_778 = arith.constant dense<true> : vector<16xi1>
        %masked_sort3A_779, %masked_sort3A_780, %masked_sort3A_781 = tpu.sort %abs3A_774, %add3A_777 masked %masked_sort3A_778 : (vector<16xf32>, vector<16xi32>, vector<16xi1>) -> (vector<16xi1>, vector<16xf32>, vector<16xi32>)
        %get3A_782 = arith.constant 1 : i32
        %get3A_783 = arith.index_cast %get3A_782 : i32 to index
        %get3A_784 = arith.constant 432 : index
        %get3A_785 = tpu.vector_load %arg5[%get3A_783, %get3A_784] {strides = array<i32>} : memref<2x1024xf32, #tpu.memory_space<vmem>>, vector<16xf32>,
        %abs3A_786 = math.absf %get3A_785 : vector<16xf32>
        %add3A_787 = arith.constant 432 : i32
        %add3A_788 = vector.broadcast %add3A_787 : i32 to vector<16xi32>
        %add3A_789 = arith.addi %iota3A, %add3A_788 : vector<16xi32>
        %masked_sort3A_790 = arith.constant dense<true> : vector<16xi1>
        %masked_sort3A_791, %masked_sort3A_792, %masked_sort3A_793 = tpu.sort %abs3A_786, %add3A_789 masked %masked_sort3A_790 : (vector<16xf32>, vector<16xi32>, vector<16xi1>) -> (vector<16xi1>, vector<16xf32>, vector<16xi32>)
        %rev3A_794 = arith.constant 15 : i32
        %rev3A_795 = vector.broadcast %rev3A_794 : i32 to vector<16xi32>
        %rev3A_796 = tpu.iota {dimensions = array<i32: 0>} : vector<16xi32>
        %rev3A_797 = arith.subi %rev3A_795, %rev3A_796 : vector<16xi32>
        %rev3A_798 = tpu.dynamic_gather %masked_sort3A_792[%rev3A_797] in [0] : vector<16xf32>, vector<16xi32> -> vector<16xf32>
        %rev3A_799 = arith.constant 15 : i32
        %rev3A_800 = vector.broadcast %rev3A_799 : i32 to vector<16xi32>
        %rev3A_801 = tpu.iota {dimensions = array<i32: 0>} : vector<16xi32>
        %rev3A_802 = arith.subi %rev3A_800, %rev3A_801 : vector<16xi32>
        %rev3A_803 = tpu.dynamic_gather %masked_sort3A_793[%rev3A_802] in [0] : vector<16xi32>, vector<16xi32> -> vector<16xi32>
        %gt3A_804 = arith.cmpf ogt, %rev3A_798, %masked_sort3A_780 : vector<16xf32>
        %select_n3A_805 = arith.select %gt3A_804, %rev3A_798, %masked_sort3A_780 : vector<16xi1>, vector<16xf32>
        %select_n3A_806 = arith.select %gt3A_804, %rev3A_803, %masked_sort3A_781 : vector<16xi1>, vector<16xi32>
        %masked_sort3A_807 = arith.constant dense<true> : vector<16xi1>
        %masked_sort3A_808, %masked_sort3A_809, %masked_sort3A_810 = tpu.sort %select_n3A_805, %select_n3A_806 masked %masked_sort3A_807 : (vector<16xf32>, vector<16xi32>, vector<16xi1>) -> (vector<16xi1>, vector<16xf32>, vector<16xi32>)
        %rev3A_811 = arith.constant 15 : i32
        %rev3A_812 = vector.broadcast %rev3A_811 : i32 to vector<16xi32>
        %rev3A_813 = tpu.iota {dimensions = array<i32: 0>} : vector<16xi32>
        %rev3A_814 = arith.subi %rev3A_812, %rev3A_813 : vector<16xi32>
        %rev3A_815 = tpu.dynamic_gather %masked_sort3A_809[%rev3A_814] in [0] : vector<16xf32>, vector<16xi32> -> vector<16xf32>
        %rev3A_816 = arith.constant 15 : i32
        %rev3A_817 = vector.broadcast %rev3A_816 : i32 to vector<16xi32>
        %rev3A_818 = tpu.iota {dimensions = array<i32: 0>} : vector<16xi32>
        %rev3A_819 = arith.subi %rev3A_817, %rev3A_818 : vector<16xi32>
        %rev3A_820 = tpu.dynamic_gather %masked_sort3A_810[%rev3A_819] in [0] : vector<16xi32>, vector<16xi32> -> vector<16xi32>
        %gt3A_821 = arith.cmpf ogt, %rev3A_815, %masked_sort3A_768 : vector<16xf32>
        %select_n3A_822 = arith.select %gt3A_821, %rev3A_815, %masked_sort3A_768 : vector<16xi1>, vector<16xf32>
        %select_n3A_823 = arith.select %gt3A_821, %rev3A_820, %masked_sort3A_769 : vector<16xi1>, vector<16xi32>
        %masked_sort3A_824 = arith.constant dense<true> : vector<16xi1>
        %masked_sort3A_825, %masked_sort3A_826, %masked_sort3A_827 = tpu.sort %select_n3A_822, %select_n3A_823 masked %masked_sort3A_824 : (vector<16xf32>, vector<16xi32>, vector<16xi1>) -> (vector<16xi1>, vector<16xf32>, vector<16xi32>)
        %get3A_828 = arith.constant 1 : i32
        %get3A_829 = arith.index_cast %get3A_828 : i32 to index
        %get3A_830 = arith.constant 448 : index
        %get3A_831 = tpu.vector_load %arg5[%get3A_829, %get3A_830] {strides = array<i32>} : memref<2x1024xf32, #tpu.memory_space<vmem>>, vector<16xf32>,
        %abs3A_832 = math.absf %get3A_831 : vector<16xf32>
        %add3A_833 = arith.constant 448 : i32
        %add3A_834 = vector.broadcast %add3A_833 : i32 to vector<16xi32>
        %add3A_835 = arith.addi %iota3A, %add3A_834 : vector<16xi32>
        %masked_sort3A_836 = arith.constant dense<true> : vector<16xi1>
        %masked_sort3A_837, %masked_sort3A_838, %masked_sort3A_839 = tpu.sort %abs3A_832, %add3A_835 masked %masked_sort3A_836 : (vector<16xf32>, vector<16xi32>, vector<16xi1>) -> (vector<16xi1>, vector<16xf32>, vector<16xi32>)
        %get3A_840 = arith.constant 1 : i32
        %get3A_841 = arith.index_cast %get3A_840 : i32 to index
        %get3A_842 = arith.constant 464 : index
        %get3A_843 = tpu.vector_load %arg5[%get3A_841, %get3A_842] {strides = array<i32>} : memref<2x1024xf32, #tpu.memory_space<vmem>>, vector<16xf32>,
        %abs3A_844 = math.absf %get3A_843 : vector<16xf32>
        %add3A_845 = arith.constant 464 : i32
        %add3A_846 = vector.broadcast %add3A_845 : i32 to vector<16xi32>
        %add3A_847 = arith.addi %iota3A, %add3A_846 : vector<16xi32>
        %masked_sort3A_848 = arith.constant dense<true> : vector<16xi1>
        %masked_sort3A_849, %masked_sort3A_850, %masked_sort3A_851 = tpu.sort %abs3A_844, %add3A_847 masked %masked_sort3A_848 : (vector<16xf32>, vector<16xi32>, vector<16xi1>) -> (vector<16xi1>, vector<16xf32>, vector<16xi32>)
        %rev3A_852 = arith.constant 15 : i32
        %rev3A_853 = vector.broadcast %rev3A_852 : i32 to vector<16xi32>
        %rev3A_854 = tpu.iota {dimensions = array<i32: 0>} : vector<16xi32>
        %rev3A_855 = arith.subi %rev3A_853, %rev3A_854 : vector<16xi32>
        %rev3A_856 = tpu.dynamic_gather %masked_sort3A_850[%rev3A_855] in [0] : vector<16xf32>, vector<16xi32> -> vector<16xf32>
        %rev3A_857 = arith.constant 15 : i32
        %rev3A_858 = vector.broadcast %rev3A_857 : i32 to vector<16xi32>
        %rev3A_859 = tpu.iota {dimensions = array<i32: 0>} : vector<16xi32>
        %rev3A_860 = arith.subi %rev3A_858, %rev3A_859 : vector<16xi32>
        %rev3A_861 = tpu.dynamic_gather %masked_sort3A_851[%rev3A_860] in [0] : vector<16xi32>, vector<16xi32> -> vector<16xi32>
        %gt3A_862 = arith.cmpf ogt, %rev3A_856, %masked_sort3A_838 : vector<16xf32>
        %select_n3A_863 = arith.select %gt3A_862, %rev3A_856, %masked_sort3A_838 : vector<16xi1>, vector<16xf32>
        %select_n3A_864 = arith.select %gt3A_862, %rev3A_861, %masked_sort3A_839 : vector<16xi1>, vector<16xi32>
        %masked_sort3A_865 = arith.constant dense<true> : vector<16xi1>
        %masked_sort3A_866, %masked_sort3A_867, %masked_sort3A_868 = tpu.sort %select_n3A_863, %select_n3A_864 masked %masked_sort3A_865 : (vector<16xf32>, vector<16xi32>, vector<16xi1>) -> (vector<16xi1>, vector<16xf32>, vector<16xi32>)
        %get3A_869 = arith.constant 1 : i32
        %get3A_870 = arith.index_cast %get3A_869 : i32 to index
        %get3A_871 = arith.constant 480 : index
        %get3A_872 = tpu.vector_load %arg5[%get3A_870, %get3A_871] {strides = array<i32>} : memref<2x1024xf32, #tpu.memory_space<vmem>>, vector<16xf32>,
        %abs3A_873 = math.absf %get3A_872 : vector<16xf32>
        %add3A_874 = arith.constant 480 : i32
        %add3A_875 = vector.broadcast %add3A_874 : i32 to vector<16xi32>
        %add3A_876 = arith.addi %iota3A, %add3A_875 : vector<16xi32>
        %masked_sort3A_877 = arith.constant dense<true> : vector<16xi1>
        %masked_sort3A_878, %masked_sort3A_879, %masked_sort3A_880 = tpu.sort %abs3A_873, %add3A_876 masked %masked_sort3A_877 : (vector<16xf32>, vector<16xi32>, vector<16xi1>) -> (vector<16xi1>, vector<16xf32>, vector<16xi32>)
        %get3A_881 = arith.constant 1 : i32
        %get3A_882 = arith.index_cast %get3A_881 : i32 to index
        %get3A_883 = arith.constant 496 : index
        %get3A_884 = tpu.vector_load %arg5[%get3A_882, %get3A_883] {strides = array<i32>} : memref<2x1024xf32, #tpu.memory_space<vmem>>, vector<16xf32>,
        %abs3A_885 = math.absf %get3A_884 : vector<16xf32>
        %add3A_886 = arith.constant 496 : i32
        %add3A_887 = vector.broadcast %add3A_886 : i32 to vector<16xi32>
        %add3A_888 = arith.addi %iota3A, %add3A_887 : vector<16xi32>
        %masked_sort3A_889 = arith.constant dense<true> : vector<16xi1>
        %masked_sort3A_890, %masked_sort3A_891, %masked_sort3A_892 = tpu.sort %abs3A_885, %add3A_888 masked %masked_sort3A_889 : (vector<16xf32>, vector<16xi32>, vector<16xi1>) -> (vector<16xi1>, vector<16xf32>, vector<16xi32>)
        %rev3A_893 = arith.constant 15 : i32
        %rev3A_894 = vector.broadcast %rev3A_893 : i32 to vector<16xi32>
        %rev3A_895 = tpu.iota {dimensions = array<i32: 0>} : vector<16xi32>
        %rev3A_896 = arith.subi %rev3A_894, %rev3A_895 : vector<16xi32>
        %rev3A_897 = tpu.dynamic_gather %masked_sort3A_891[%rev3A_896] in [0] : vector<16xf32>, vector<16xi32> -> vector<16xf32>
        %rev3A_898 = arith.constant 15 : i32
        %rev3A_899 = vector.broadcast %rev3A_898 : i32 to vector<16xi32>
        %rev3A_900 = tpu.iota {dimensions = array<i32: 0>} : vector<16xi32>
        %rev3A_901 = arith.subi %rev3A_899, %rev3A_900 : vector<16xi32>
        %rev3A_902 = tpu.dynamic_gather %masked_sort3A_892[%rev3A_901] in [0] : vector<16xi32>, vector<16xi32> -> vector<16xi32>
        %gt3A_903 = arith.cmpf ogt, %rev3A_897, %masked_sort3A_879 : vector<16xf32>
        %select_n3A_904 = arith.select %gt3A_903, %rev3A_897, %masked_sort3A_879 : vector<16xi1>, vector<16xf32>
        %select_n3A_905 = arith.select %gt3A_903, %rev3A_902, %masked_sort3A_880 : vector<16xi1>, vector<16xi32>
        %masked_sort3A_906 = arith.constant dense<true> : vector<16xi1>
        %masked_sort3A_907, %masked_sort3A_908, %masked_sort3A_909 = tpu.sort %select_n3A_904, %select_n3A_905 masked %masked_sort3A_906 : (vector<16xf32>, vector<16xi32>, vector<16xi1>) -> (vector<16xi1>, vector<16xf32>, vector<16xi32>)
        %rev3A_910 = arith.constant 15 : i32
        %rev3A_911 = vector.broadcast %rev3A_910 : i32 to vector<16xi32>
        %rev3A_912 = tpu.iota {dimensions = array<i32: 0>} : vector<16xi32>
        %rev3A_913 = arith.subi %rev3A_911, %rev3A_912 : vector<16xi32>
        %rev3A_914 = tpu.dynamic_gather %masked_sort3A_908[%rev3A_913] in [0] : vector<16xf32>, vector<16xi32> -> vector<16xf32>
        %rev3A_915 = arith.constant 15 : i32
        %rev3A_916 = vector.broadcast %rev3A_915 : i32 to vector<16xi32>
        %rev3A_917 = tpu.iota {dimensions = array<i32: 0>} : vector<16xi32>
        %rev3A_918 = arith.subi %rev3A_916, %rev3A_917 : vector<16xi32>
        %rev3A_919 = tpu.dynamic_gather %masked_sort3A_909[%rev3A_918] in [0] : vector<16xi32>, vector<16xi32> -> vector<16xi32>
        %gt3A_920 = arith.cmpf ogt, %rev3A_914, %masked_sort3A_867 : vector<16xf32>
        %select_n3A_921 = arith.select %gt3A_920, %rev3A_914, %masked_sort3A_867 : vector<16xi1>, vector<16xf32>
        %select_n3A_922 = arith.select %gt3A_920, %rev3A_919, %masked_sort3A_868 : vector<16xi1>, vector<16xi32>
        %masked_sort3A_923 = arith.constant dense<true> : vector<16xi1>
        %masked_sort3A_924, %masked_sort3A_925, %masked_sort3A_926 = tpu.sort %select_n3A_921, %select_n3A_922 masked %masked_sort3A_923 : (vector<16xf32>, vector<16xi32>, vector<16xi1>) -> (vector<16xi1>, vector<16xf32>, vector<16xi32>)
        %rev3A_927 = arith.constant 15 : i32
        %rev3A_928 = vector.broadcast %rev3A_927 : i32 to vector<16xi32>
        %rev3A_929 = tpu.iota {dimensions = array<i32: 0>} : vector<16xi32>
        %rev3A_930 = arith.subi %rev3A_928, %rev3A_929 : vector<16xi32>
        %rev3A_931 = tpu.dynamic_gather %masked_sort3A_925[%rev3A_930] in [0] : vector<16xf32>, vector<16xi32> -> vector<16xf32>
        %rev3A_932 = arith.constant 15 : i32
        %rev3A_933 = vector.broadcast %rev3A_932 : i32 to vector<16xi32>
        %rev3A_934 = tpu.iota {dimensions = array<i32: 0>} : vector<16xi32>
        %rev3A_935 = arith.subi %rev3A_933, %rev3A_934 : vector<16xi32>
        %rev3A_936 = tpu.dynamic_gather %masked_sort3A_926[%rev3A_935] in [0] : vector<16xi32>, vector<16xi32> -> vector<16xi32>
        %gt3A_937 = arith.cmpf ogt, %rev3A_931, %masked_sort3A_826 : vector<16xf32>
        %select_n3A_938 = arith.select %gt3A_937, %rev3A_931, %masked_sort3A_826 : vector<16xi1>, vector<16xf32>
        %select_n3A_939 = arith.select %gt3A_937, %rev3A_936, %masked_sort3A_827 : vector<16xi1>, vector<16xi32>
        %masked_sort3A_940 = arith.constant dense<true> : vector<16xi1>
        %masked_sort3A_941, %masked_sort3A_942, %masked_sort3A_943 = tpu.sort %select_n3A_938, %select_n3A_939 masked %masked_sort3A_940 : (vector<16xf32>, vector<16xi32>, vector<16xi1>) -> (vector<16xi1>, vector<16xf32>, vector<16xi32>)
        %rev3A_944 = arith.constant 15 : i32
        %rev3A_945 = vector.broadcast %rev3A_944 : i32 to vector<16xi32>
        %rev3A_946 = tpu.iota {dimensions = array<i32: 0>} : vector<16xi32>
        %rev3A_947 = arith.subi %rev3A_945, %rev3A_946 : vector<16xi32>
        %rev3A_948 = tpu.dynamic_gather %masked_sort3A_942[%rev3A_947] in [0] : vector<16xf32>, vector<16xi32> -> vector<16xf32>
        %rev3A_949 = arith.constant 15 : i32
        %rev3A_950 = vector.broadcast %rev3A_949 : i32 to vector<16xi32>
        %rev3A_951 = tpu.iota {dimensions = array<i32: 0>} : vector<16xi32>
        %rev3A_952 = arith.subi %rev3A_950, %rev3A_951 : vector<16xi32>
        %rev3A_953 = tpu.dynamic_gather %masked_sort3A_943[%rev3A_952] in [0] : vector<16xi32>, vector<16xi32> -> vector<16xi32>
        %gt3A_954 = arith.cmpf ogt, %rev3A_948, %masked_sort3A_727 : vector<16xf32>
        %select_n3A_955 = arith.select %gt3A_954, %rev3A_948, %masked_sort3A_727 : vector<16xi1>, vector<16xf32>
        %select_n3A_956 = arith.select %gt3A_954, %rev3A_953, %masked_sort3A_728 : vector<16xi1>, vector<16xi32>
        %masked_sort3A_957 = arith.constant dense<true> : vector<16xi1>
        %masked_sort3A_958, %masked_sort3A_959, %masked_sort3A_960 = tpu.sort %select_n3A_955, %select_n3A_956 masked %masked_sort3A_957 : (vector<16xf32>, vector<16xi32>, vector<16xi1>) -> (vector<16xi1>, vector<16xf32>, vector<16xi32>)
        %rev3A_961 = arith.constant 15 : i32
        %rev3A_962 = vector.broadcast %rev3A_961 : i32 to vector<16xi32>
        %rev3A_963 = tpu.iota {dimensions = array<i32: 0>} : vector<16xi32>
        %rev3A_964 = arith.subi %rev3A_962, %rev3A_963 : vector<16xi32>
        %rev3A_965 = tpu.dynamic_gather %masked_sort3A_959[%rev3A_964] in [0] : vector<16xf32>, vector<16xi32> -> vector<16xf32>
        %rev3A_966 = arith.constant 15 : i32
        %rev3A_967 = vector.broadcast %rev3A_966 : i32 to vector<16xi32>
        %rev3A_968 = tpu.iota {dimensions = array<i32: 0>} : vector<16xi32>
        %rev3A_969 = arith.subi %rev3A_967, %rev3A_968 : vector<16xi32>
        %rev3A_970 = tpu.dynamic_gather %masked_sort3A_960[%rev3A_969] in [0] : vector<16xi32>, vector<16xi32> -> vector<16xi32>
        %gt3A_971 = arith.cmpf ogt, %rev3A_965, %masked_sort3A_512 : vector<16xf32>
        %select_n3A_972 = arith.select %gt3A_971, %rev3A_965, %masked_sort3A_512 : vector<16xi1>, vector<16xf32>
        %select_n3A_973 = arith.select %gt3A_971, %rev3A_970, %masked_sort3A_513 : vector<16xi1>, vector<16xi32>
        %masked_sort3A_974 = arith.constant dense<true> : vector<16xi1>
        %masked_sort3A_975, %masked_sort3A_976, %masked_sort3A_977 = tpu.sort %select_n3A_972, %select_n3A_973 masked %masked_sort3A_974 : (vector<16xf32>, vector<16xi32>, vector<16xi1>) -> (vector<16xi1>, vector<16xf32>, vector<16xi32>)
        %get3A_978 = arith.constant 1 : i32
        %get3A_979 = arith.index_cast %get3A_978 : i32 to index
        %get3A_980 = arith.constant 512 : index
        %get3A_981 = tpu.vector_load %arg5[%get3A_979, %get3A_980] {strides = array<i32>} : memref<2x1024xf32, #tpu.memory_space<vmem>>, vector<16xf32>,
        %abs3A_982 = math.absf %get3A_981 : vector<16xf32>
        %add3A_983 = arith.constant 512 : i32
        %add3A_984 = vector.broadcast %add3A_983 : i32 to vector<16xi32>
        %add3A_985 = arith.addi %iota3A, %add3A_984 : vector<16xi32>
        %masked_sort3A_986 = arith.constant dense<true> : vector<16xi1>
        %masked_sort3A_987, %masked_sort3A_988, %masked_sort3A_989 = tpu.sort %abs3A_982, %add3A_985 masked %masked_sort3A_986 : (vector<16xf32>, vector<16xi32>, vector<16xi1>) -> (vector<16xi1>, vector<16xf32>, vector<16xi32>)
        %get3A_990 = arith.constant 1 : i32
        %get3A_991 = arith.index_cast %get3A_990 : i32 to index
        %get3A_992 = arith.constant 528 : index
        %get3A_993 = tpu.vector_load %arg5[%get3A_991, %get3A_992] {strides = array<i32>} : memref<2x1024xf32, #tpu.memory_space<vmem>>, vector<16xf32>,
        %abs3A_994 = math.absf %get3A_993 : vector<16xf32>
        %add3A_995 = arith.constant 528 : i32
        %add3A_996 = vector.broadcast %add3A_995 : i32 to vector<16xi32>
        %add3A_997 = arith.addi %iota3A, %add3A_996 : vector<16xi32>
        %masked_sort3A_998 = arith.constant dense<true> : vector<16xi1>
        %masked_sort3A_999, %masked_sort3A_1000, %masked_sort3A_1001 = tpu.sort %abs3A_994, %add3A_997 masked %masked_sort3A_998 : (vector<16xf32>, vector<16xi32>, vector<16xi1>) -> (vector<16xi1>, vector<16xf32>, vector<16xi32>)
        %rev3A_1002 = arith.constant 15 : i32
        %rev3A_1003 = vector.broadcast %rev3A_1002 : i32 to vector<16xi32>
        %rev3A_1004 = tpu.iota {dimensions = array<i32: 0>} : vector<16xi32>
        %rev3A_1005 = arith.subi %rev3A_1003, %rev3A_1004 : vector<16xi32>
        %rev3A_1006 = tpu.dynamic_gather %masked_sort3A_1000[%rev3A_1005] in [0] : vector<16xf32>, vector<16xi32> -> vector<16xf32>
        %rev3A_1007 = arith.constant 15 : i32
        %rev3A_1008 = vector.broadcast %rev3A_1007 : i32 to vector<16xi32>
        %rev3A_1009 = tpu.iota {dimensions = array<i32: 0>} : vector<16xi32>
        %rev3A_1010 = arith.subi %rev3A_1008, %rev3A_1009 : vector<16xi32>
        %rev3A_1011 = tpu.dynamic_gather %masked_sort3A_1001[%rev3A_1010] in [0] : vector<16xi32>, vector<16xi32> -> vector<16xi32>
        %gt3A_1012 = arith.cmpf ogt, %rev3A_1006, %masked_sort3A_988 : vector<16xf32>
        %select_n3A_1013 = arith.select %gt3A_1012, %rev3A_1006, %masked_sort3A_988 : vector<16xi1>, vector<16xf32>
        %select_n3A_1014 = arith.select %gt3A_1012, %rev3A_1011, %masked_sort3A_989 : vector<16xi1>, vector<16xi32>
        %masked_sort3A_1015 = arith.constant dense<true> : vector<16xi1>
        %masked_sort3A_1016, %masked_sort3A_1017, %masked_sort3A_1018 = tpu.sort %select_n3A_1013, %select_n3A_1014 masked %masked_sort3A_1015 : (vector<16xf32>, vector<16xi32>, vector<16xi1>) -> (vector<16xi1>, vector<16xf32>, vector<16xi32>)
        %get3A_1019 = arith.constant 1 : i32
        %get3A_1020 = arith.index_cast %get3A_1019 : i32 to index
        %get3A_1021 = arith.constant 544 : index
        %get3A_1022 = tpu.vector_load %arg5[%get3A_1020, %get3A_1021] {strides = array<i32>} : memref<2x1024xf32, #tpu.memory_space<vmem>>, vector<16xf32>,
        %abs3A_1023 = math.absf %get3A_1022 : vector<16xf32>
        %add3A_1024 = arith.constant 544 : i32
        %add3A_1025 = vector.broadcast %add3A_1024 : i32 to vector<16xi32>
        %add3A_1026 = arith.addi %iota3A, %add3A_1025 : vector<16xi32>
        %masked_sort3A_1027 = arith.constant dense<true> : vector<16xi1>
        %masked_sort3A_1028, %masked_sort3A_1029, %masked_sort3A_1030 = tpu.sort %abs3A_1023, %add3A_1026 masked %masked_sort3A_1027 : (vector<16xf32>, vector<16xi32>, vector<16xi1>) -> (vector<16xi1>, vector<16xf32>, vector<16xi32>)
        %get3A_1031 = arith.constant 1 : i32
        %get3A_1032 = arith.index_cast %get3A_1031 : i32 to index
        %get3A_1033 = arith.constant 560 : index
        %get3A_1034 = tpu.vector_load %arg5[%get3A_1032, %get3A_1033] {strides = array<i32>} : memref<2x1024xf32, #tpu.memory_space<vmem>>, vector<16xf32>,
        %abs3A_1035 = math.absf %get3A_1034 : vector<16xf32>
        %add3A_1036 = arith.constant 560 : i32
        %add3A_1037 = vector.broadcast %add3A_1036 : i32 to vector<16xi32>
        %add3A_1038 = arith.addi %iota3A, %add3A_1037 : vector<16xi32>
        %masked_sort3A_1039 = arith.constant dense<true> : vector<16xi1>
        %masked_sort3A_1040, %masked_sort3A_1041, %masked_sort3A_1042 = tpu.sort %abs3A_1035, %add3A_1038 masked %masked_sort3A_1039 : (vector<16xf32>, vector<16xi32>, vector<16xi1>) -> (vector<16xi1>, vector<16xf32>, vector<16xi32>)
        %rev3A_1043 = arith.constant 15 : i32
        %rev3A_1044 = vector.broadcast %rev3A_1043 : i32 to vector<16xi32>
        %rev3A_1045 = tpu.iota {dimensions = array<i32: 0>} : vector<16xi32>
        %rev3A_1046 = arith.subi %rev3A_1044, %rev3A_1045 : vector<16xi32>
        %rev3A_1047 = tpu.dynamic_gather %masked_sort3A_1041[%rev3A_1046] in [0] : vector<16xf32>, vector<16xi32> -> vector<16xf32>
        %rev3A_1048 = arith.constant 15 : i32
        %rev3A_1049 = vector.broadcast %rev3A_1048 : i32 to vector<16xi32>
        %rev3A_1050 = tpu.iota {dimensions = array<i32: 0>} : vector<16xi32>
        %rev3A_1051 = arith.subi %rev3A_1049, %rev3A_1050 : vector<16xi32>
        %rev3A_1052 = tpu.dynamic_gather %masked_sort3A_1042[%rev3A_1051] in [0] : vector<16xi32>, vector<16xi32> -> vector<16xi32>
        %gt3A_1053 = arith.cmpf ogt, %rev3A_1047, %masked_sort3A_1029 : vector<16xf32>
        %select_n3A_1054 = arith.select %gt3A_1053, %rev3A_1047, %masked_sort3A_1029 : vector<16xi1>, vector<16xf32>
        %select_n3A_1055 = arith.select %gt3A_1053, %rev3A_1052, %masked_sort3A_1030 : vector<16xi1>, vector<16xi32>
        %masked_sort3A_1056 = arith.constant dense<true> : vector<16xi1>
        %masked_sort3A_1057, %masked_sort3A_1058, %masked_sort3A_1059 = tpu.sort %select_n3A_1054, %select_n3A_1055 masked %masked_sort3A_1056 : (vector<16xf32>, vector<16xi32>, vector<16xi1>) -> (vector<16xi1>, vector<16xf32>, vector<16xi32>)
        %rev3A_1060 = arith.constant 15 : i32
        %rev3A_1061 = vector.broadcast %rev3A_1060 : i32 to vector<16xi32>
        %rev3A_1062 = tpu.iota {dimensions = array<i32: 0>} : vector<16xi32>
        %rev3A_1063 = arith.subi %rev3A_1061, %rev3A_1062 : vector<16xi32>
        %rev3A_1064 = tpu.dynamic_gather %masked_sort3A_1058[%rev3A_1063] in [0] : vector<16xf32>, vector<16xi32> -> vector<16xf32>
        %rev3A_1065 = arith.constant 15 : i32
        %rev3A_1066 = vector.broadcast %rev3A_1065 : i32 to vector<16xi32>
        %rev3A_1067 = tpu.iota {dimensions = array<i32: 0>} : vector<16xi32>
        %rev3A_1068 = arith.subi %rev3A_1066, %rev3A_1067 : vector<16xi32>
        %rev3A_1069 = tpu.dynamic_gather %masked_sort3A_1059[%rev3A_1068] in [0] : vector<16xi32>, vector<16xi32> -> vector<16xi32>
        %gt3A_1070 = arith.cmpf ogt, %rev3A_1064, %masked_sort3A_1017 : vector<16xf32>
        %select_n3A_1071 = arith.select %gt3A_1070, %rev3A_1064, %masked_sort3A_1017 : vector<16xi1>, vector<16xf32>
        %select_n3A_1072 = arith.select %gt3A_1070, %rev3A_1069, %masked_sort3A_1018 : vector<16xi1>, vector<16xi32>
        %masked_sort3A_1073 = arith.constant dense<true> : vector<16xi1>
        %masked_sort3A_1074, %masked_sort3A_1075, %masked_sort3A_1076 = tpu.sort %select_n3A_1071, %select_n3A_1072 masked %masked_sort3A_1073 : (vector<16xf32>, vector<16xi32>, vector<16xi1>) -> (vector<16xi1>, vector<16xf32>, vector<16xi32>)
        %get3A_1077 = arith.constant 1 : i32
        %get3A_1078 = arith.index_cast %get3A_1077 : i32 to index
        %get3A_1079 = arith.constant 576 : index
        %get3A_1080 = tpu.vector_load %arg5[%get3A_1078, %get3A_1079] {strides = array<i32>} : memref<2x1024xf32, #tpu.memory_space<vmem>>, vector<16xf32>,
        %abs3A_1081 = math.absf %get3A_1080 : vector<16xf32>
        %add3A_1082 = arith.constant 576 : i32
        %add3A_1083 = vector.broadcast %add3A_1082 : i32 to vector<16xi32>
        %add3A_1084 = arith.addi %iota3A, %add3A_1083 : vector<16xi32>
        %masked_sort3A_1085 = arith.constant dense<true> : vector<16xi1>
        %masked_sort3A_1086, %masked_sort3A_1087, %masked_sort3A_1088 = tpu.sort %abs3A_1081, %add3A_1084 masked %masked_sort3A_1085 : (vector<16xf32>, vector<16xi32>, vector<16xi1>) -> (vector<16xi1>, vector<16xf32>, vector<16xi32>)
        %get3A_1089 = arith.constant 1 : i32
        %get3A_1090 = arith.index_cast %get3A_1089 : i32 to index
        %get3A_1091 = arith.constant 592 : index
        %get3A_1092 = tpu.vector_load %arg5[%get3A_1090, %get3A_1091] {strides = array<i32>} : memref<2x1024xf32, #tpu.memory_space<vmem>>, vector<16xf32>,
        %abs3A_1093 = math.absf %get3A_1092 : vector<16xf32>
        %add3A_1094 = arith.constant 592 : i32
        %add3A_1095 = vector.broadcast %add3A_1094 : i32 to vector<16xi32>
        %add3A_1096 = arith.addi %iota3A, %add3A_1095 : vector<16xi32>
        %masked_sort3A_1097 = arith.constant dense<true> : vector<16xi1>
        %masked_sort3A_1098, %masked_sort3A_1099, %masked_sort3A_1100 = tpu.sort %abs3A_1093, %add3A_1096 masked %masked_sort3A_1097 : (vector<16xf32>, vector<16xi32>, vector<16xi1>) -> (vector<16xi1>, vector<16xf32>, vector<16xi32>)
        %rev3A_1101 = arith.constant 15 : i32
        %rev3A_1102 = vector.broadcast %rev3A_1101 : i32 to vector<16xi32>
        %rev3A_1103 = tpu.iota {dimensions = array<i32: 0>} : vector<16xi32>
        %rev3A_1104 = arith.subi %rev3A_1102, %rev3A_1103 : vector<16xi32>
        %rev3A_1105 = tpu.dynamic_gather %masked_sort3A_1099[%rev3A_1104] in [0] : vector<16xf32>, vector<16xi32> -> vector<16xf32>
        %rev3A_1106 = arith.constant 15 : i32
        %rev3A_1107 = vector.broadcast %rev3A_1106 : i32 to vector<16xi32>
        %rev3A_1108 = tpu.iota {dimensions = array<i32: 0>} : vector<16xi32>
        %rev3A_1109 = arith.subi %rev3A_1107, %rev3A_1108 : vector<16xi32>
        %rev3A_1110 = tpu.dynamic_gather %masked_sort3A_1100[%rev3A_1109] in [0] : vector<16xi32>, vector<16xi32> -> vector<16xi32>
        %gt3A_1111 = arith.cmpf ogt, %rev3A_1105, %masked_sort3A_1087 : vector<16xf32>
        %select_n3A_1112 = arith.select %gt3A_1111, %rev3A_1105, %masked_sort3A_1087 : vector<16xi1>, vector<16xf32>
        %select_n3A_1113 = arith.select %gt3A_1111, %rev3A_1110, %masked_sort3A_1088 : vector<16xi1>, vector<16xi32>
        %masked_sort3A_1114 = arith.constant dense<true> : vector<16xi1>
        %masked_sort3A_1115, %masked_sort3A_1116, %masked_sort3A_1117 = tpu.sort %select_n3A_1112, %select_n3A_1113 masked %masked_sort3A_1114 : (vector<16xf32>, vector<16xi32>, vector<16xi1>) -> (vector<16xi1>, vector<16xf32>, vector<16xi32>)
        %get3A_1118 = arith.constant 1 : i32
        %get3A_1119 = arith.index_cast %get3A_1118 : i32 to index
        %get3A_1120 = arith.constant 608 : index
        %get3A_1121 = tpu.vector_load %arg5[%get3A_1119, %get3A_1120] {strides = array<i32>} : memref<2x1024xf32, #tpu.memory_space<vmem>>, vector<16xf32>,
        %abs3A_1122 = math.absf %get3A_1121 : vector<16xf32>
        %add3A_1123 = arith.constant 608 : i32
        %add3A_1124 = vector.broadcast %add3A_1123 : i32 to vector<16xi32>
        %add3A_1125 = arith.addi %iota3A, %add3A_1124 : vector<16xi32>
        %masked_sort3A_1126 = arith.constant dense<true> : vector<16xi1>
        %masked_sort3A_1127, %masked_sort3A_1128, %masked_sort3A_1129 = tpu.sort %abs3A_1122, %add3A_1125 masked %masked_sort3A_1126 : (vector<16xf32>, vector<16xi32>, vector<16xi1>) -> (vector<16xi1>, vector<16xf32>, vector<16xi32>)
        %get3A_1130 = arith.constant 1 : i32
        %get3A_1131 = arith.index_cast %get3A_1130 : i32 to index
        %get3A_1132 = arith.constant 624 : index
        %get3A_1133 = tpu.vector_load %arg5[%get3A_1131, %get3A_1132] {strides = array<i32>} : memref<2x1024xf32, #tpu.memory_space<vmem>>, vector<16xf32>,
        %abs3A_1134 = math.absf %get3A_1133 : vector<16xf32>
        %add3A_1135 = arith.constant 624 : i32
        %add3A_1136 = vector.broadcast %add3A_1135 : i32 to vector<16xi32>
        %add3A_1137 = arith.addi %iota3A, %add3A_1136 : vector<16xi32>
        %masked_sort3A_1138 = arith.constant dense<true> : vector<16xi1>
        %masked_sort3A_1139, %masked_sort3A_1140, %masked_sort3A_1141 = tpu.sort %abs3A_1134, %add3A_1137 masked %masked_sort3A_1138 : (vector<16xf32>, vector<16xi32>, vector<16xi1>) -> (vector<16xi1>, vector<16xf32>, vector<16xi32>)
        %rev3A_1142 = arith.constant 15 : i32
        %rev3A_1143 = vector.broadcast %rev3A_1142 : i32 to vector<16xi32>
        %rev3A_1144 = tpu.iota {dimensions = array<i32: 0>} : vector<16xi32>
        %rev3A_1145 = arith.subi %rev3A_1143, %rev3A_1144 : vector<16xi32>
        %rev3A_1146 = tpu.dynamic_gather %masked_sort3A_1140[%rev3A_1145] in [0] : vector<16xf32>, vector<16xi32> -> vector<16xf32>
        %rev3A_1147 = arith.constant 15 : i32
        %rev3A_1148 = vector.broadcast %rev3A_1147 : i32 to vector<16xi32>
        %rev3A_1149 = tpu.iota {dimensions = array<i32: 0>} : vector<16xi32>
        %rev3A_1150 = arith.subi %rev3A_1148, %rev3A_1149 : vector<16xi32>
        %rev3A_1151 = tpu.dynamic_gather %masked_sort3A_1141[%rev3A_1150] in [0] : vector<16xi32>, vector<16xi32> -> vector<16xi32>
        %gt3A_1152 = arith.cmpf ogt, %rev3A_1146, %masked_sort3A_1128 : vector<16xf32>
        %select_n3A_1153 = arith.select %gt3A_1152, %rev3A_1146, %masked_sort3A_1128 : vector<16xi1>, vector<16xf32>
        %select_n3A_1154 = arith.select %gt3A_1152, %rev3A_1151, %masked_sort3A_1129 : vector<16xi1>, vector<16xi32>
        %masked_sort3A_1155 = arith.constant dense<true> : vector<16xi1>
        %masked_sort3A_1156, %masked_sort3A_1157, %masked_sort3A_1158 = tpu.sort %select_n3A_1153, %select_n3A_1154 masked %masked_sort3A_1155 : (vector<16xf32>, vector<16xi32>, vector<16xi1>) -> (vector<16xi1>, vector<16xf32>, vector<16xi32>)
        %rev3A_1159 = arith.constant 15 : i32
        %rev3A_1160 = vector.broadcast %rev3A_1159 : i32 to vector<16xi32>
        %rev3A_1161 = tpu.iota {dimensions = array<i32: 0>} : vector<16xi32>
        %rev3A_1162 = arith.subi %rev3A_1160, %rev3A_1161 : vector<16xi32>
        %rev3A_1163 = tpu.dynamic_gather %masked_sort3A_1157[%rev3A_1162] in [0] : vector<16xf32>, vector<16xi32> -> vector<16xf32>
        %rev3A_1164 = arith.constant 15 : i32
        %rev3A_1165 = vector.broadcast %rev3A_1164 : i32 to vector<16xi32>
        %rev3A_1166 = tpu.iota {dimensions = array<i32: 0>} : vector<16xi32>
        %rev3A_1167 = arith.subi %rev3A_1165, %rev3A_1166 : vector<16xi32>
        %rev3A_1168 = tpu.dynamic_gather %masked_sort3A_1158[%rev3A_1167] in [0] : vector<16xi32>, vector<16xi32> -> vector<16xi32>
        %gt3A_1169 = arith.cmpf ogt, %rev3A_1163, %masked_sort3A_1116 : vector<16xf32>
        %select_n3A_1170 = arith.select %gt3A_1169, %rev3A_1163, %masked_sort3A_1116 : vector<16xi1>, vector<16xf32>
        %select_n3A_1171 = arith.select %gt3A_1169, %rev3A_1168, %masked_sort3A_1117 : vector<16xi1>, vector<16xi32>
        %masked_sort3A_1172 = arith.constant dense<true> : vector<16xi1>
        %masked_sort3A_1173, %masked_sort3A_1174, %masked_sort3A_1175 = tpu.sort %select_n3A_1170, %select_n3A_1171 masked %masked_sort3A_1172 : (vector<16xf32>, vector<16xi32>, vector<16xi1>) -> (vector<16xi1>, vector<16xf32>, vector<16xi32>)
        %rev3A_1176 = arith.constant 15 : i32
        %rev3A_1177 = vector.broadcast %rev3A_1176 : i32 to vector<16xi32>
        %rev3A_1178 = tpu.iota {dimensions = array<i32: 0>} : vector<16xi32>
        %rev3A_1179 = arith.subi %rev3A_1177, %rev3A_1178 : vector<16xi32>
        %rev3A_1180 = tpu.dynamic_gather %masked_sort3A_1174[%rev3A_1179] in [0] : vector<16xf32>, vector<16xi32> -> vector<16xf32>
        %rev3A_1181 = arith.constant 15 : i32
        %rev3A_1182 = vector.broadcast %rev3A_1181 : i32 to vector<16xi32>
        %rev3A_1183 = tpu.iota {dimensions = array<i32: 0>} : vector<16xi32>
        %rev3A_1184 = arith.subi %rev3A_1182, %rev3A_1183 : vector<16xi32>
        %rev3A_1185 = tpu.dynamic_gather %masked_sort3A_1175[%rev3A_1184] in [0] : vector<16xi32>, vector<16xi32> -> vector<16xi32>
        %gt3A_1186 = arith.cmpf ogt, %rev3A_1180, %masked_sort3A_1075 : vector<16xf32>
        %select_n3A_1187 = arith.select %gt3A_1186, %rev3A_1180, %masked_sort3A_1075 : vector<16xi1>, vector<16xf32>
        %select_n3A_1188 = arith.select %gt3A_1186, %rev3A_1185, %masked_sort3A_1076 : vector<16xi1>, vector<16xi32>
        %masked_sort3A_1189 = arith.constant dense<true> : vector<16xi1>
        %masked_sort3A_1190, %masked_sort3A_1191, %masked_sort3A_1192 = tpu.sort %select_n3A_1187, %select_n3A_1188 masked %masked_sort3A_1189 : (vector<16xf32>, vector<16xi32>, vector<16xi1>) -> (vector<16xi1>, vector<16xf32>, vector<16xi32>)
        %get3A_1193 = arith.constant 1 : i32
        %get3A_1194 = arith.index_cast %get3A_1193 : i32 to index
        %get3A_1195 = arith.constant 640 : index
        %get3A_1196 = tpu.vector_load %arg5[%get3A_1194, %get3A_1195] {strides = array<i32>} : memref<2x1024xf32, #tpu.memory_space<vmem>>, vector<16xf32>,
        %abs3A_1197 = math.absf %get3A_1196 : vector<16xf32>
        %add3A_1198 = arith.constant 640 : i32
        %add3A_1199 = vector.broadcast %add3A_1198 : i32 to vector<16xi32>
        %add3A_1200 = arith.addi %iota3A, %add3A_1199 : vector<16xi32>
        %masked_sort3A_1201 = arith.constant dense<true> : vector<16xi1>
        %masked_sort3A_1202, %masked_sort3A_1203, %masked_sort3A_1204 = tpu.sort %abs3A_1197, %add3A_1200 masked %masked_sort3A_1201 : (vector<16xf32>, vector<16xi32>, vector<16xi1>) -> (vector<16xi1>, vector<16xf32>, vector<16xi32>)
        %get3A_1205 = arith.constant 1 : i32
        %get3A_1206 = arith.index_cast %get3A_1205 : i32 to index
        %get3A_1207 = arith.constant 656 : index
        %get3A_1208 = tpu.vector_load %arg5[%get3A_1206, %get3A_1207] {strides = array<i32>} : memref<2x1024xf32, #tpu.memory_space<vmem>>, vector<16xf32>,
        %abs3A_1209 = math.absf %get3A_1208 : vector<16xf32>
        %add3A_1210 = arith.constant 656 : i32
        %add3A_1211 = vector.broadcast %add3A_1210 : i32 to vector<16xi32>
        %add3A_1212 = arith.addi %iota3A, %add3A_1211 : vector<16xi32>
        %masked_sort3A_1213 = arith.constant dense<true> : vector<16xi1>
        %masked_sort3A_1214, %masked_sort3A_1215, %masked_sort3A_1216 = tpu.sort %abs3A_1209, %add3A_1212 masked %masked_sort3A_1213 : (vector<16xf32>, vector<16xi32>, vector<16xi1>) -> (vector<16xi1>, vector<16xf32>, vector<16xi32>)
        %rev3A_1217 = arith.constant 15 : i32
        %rev3A_1218 = vector.broadcast %rev3A_1217 : i32 to vector<16xi32>
        %rev3A_1219 = tpu.iota {dimensions = array<i32: 0>} : vector<16xi32>
        %rev3A_1220 = arith.subi %rev3A_1218, %rev3A_1219 : vector<16xi32>
        %rev3A_1221 = tpu.dynamic_gather %masked_sort3A_1215[%rev3A_1220] in [0] : vector<16xf32>, vector<16xi32> -> vector<16xf32>
        %rev3A_1222 = arith.constant 15 : i32
        %rev3A_1223 = vector.broadcast %rev3A_1222 : i32 to vector<16xi32>
        %rev3A_1224 = tpu.iota {dimensions = array<i32: 0>} : vector<16xi32>
        %rev3A_1225 = arith.subi %rev3A_1223, %rev3A_1224 : vector<16xi32>
        %rev3A_1226 = tpu.dynamic_gather %masked_sort3A_1216[%rev3A_1225] in [0] : vector<16xi32>, vector<16xi32> -> vector<16xi32>
        %gt3A_1227 = arith.cmpf ogt, %rev3A_1221, %masked_sort3A_1203 : vector<16xf32>
        %select_n3A_1228 = arith.select %gt3A_1227, %rev3A_1221, %masked_sort3A_1203 : vector<16xi1>, vector<16xf32>
        %select_n3A_1229 = arith.select %gt3A_1227, %rev3A_1226, %masked_sort3A_1204 : vector<16xi1>, vector<16xi32>
        %masked_sort3A_1230 = arith.constant dense<true> : vector<16xi1>
        %masked_sort3A_1231, %masked_sort3A_1232, %masked_sort3A_1233 = tpu.sort %select_n3A_1228, %select_n3A_1229 masked %masked_sort3A_1230 : (vector<16xf32>, vector<16xi32>, vector<16xi1>) -> (vector<16xi1>, vector<16xf32>, vector<16xi32>)
        %get3A_1234 = arith.constant 1 : i32
        %get3A_1235 = arith.index_cast %get3A_1234 : i32 to index
        %get3A_1236 = arith.constant 672 : index
        %get3A_1237 = tpu.vector_load %arg5[%get3A_1235, %get3A_1236] {strides = array<i32>} : memref<2x1024xf32, #tpu.memory_space<vmem>>, vector<16xf32>,
        %abs3A_1238 = math.absf %get3A_1237 : vector<16xf32>
        %add3A_1239 = arith.constant 672 : i32
        %add3A_1240 = vector.broadcast %add3A_1239 : i32 to vector<16xi32>
        %add3A_1241 = arith.addi %iota3A, %add3A_1240 : vector<16xi32>
        %masked_sort3A_1242 = arith.constant dense<true> : vector<16xi1>
        %masked_sort3A_1243, %masked_sort3A_1244, %masked_sort3A_1245 = tpu.sort %abs3A_1238, %add3A_1241 masked %masked_sort3A_1242 : (vector<16xf32>, vector<16xi32>, vector<16xi1>) -> (vector<16xi1>, vector<16xf32>, vector<16xi32>)
        %get3A_1246 = arith.constant 1 : i32
        %get3A_1247 = arith.index_cast %get3A_1246 : i32 to index
        %get3A_1248 = arith.constant 688 : index
        %get3A_1249 = tpu.vector_load %arg5[%get3A_1247, %get3A_1248] {strides = array<i32>} : memref<2x1024xf32, #tpu.memory_space<vmem>>, vector<16xf32>,
        %abs3A_1250 = math.absf %get3A_1249 : vector<16xf32>
        %add3A_1251 = arith.constant 688 : i32
        %add3A_1252 = vector.broadcast %add3A_1251 : i32 to vector<16xi32>
        %add3A_1253 = arith.addi %iota3A, %add3A_1252 : vector<16xi32>
        %masked_sort3A_1254 = arith.constant dense<true> : vector<16xi1>
        %masked_sort3A_1255, %masked_sort3A_1256, %masked_sort3A_1257 = tpu.sort %abs3A_1250, %add3A_1253 masked %masked_sort3A_1254 : (vector<16xf32>, vector<16xi32>, vector<16xi1>) -> (vector<16xi1>, vector<16xf32>, vector<16xi32>)
        %rev3A_1258 = arith.constant 15 : i32
        %rev3A_1259 = vector.broadcast %rev3A_1258 : i32 to vector<16xi32>
        %rev3A_1260 = tpu.iota {dimensions = array<i32: 0>} : vector<16xi32>
        %rev3A_1261 = arith.subi %rev3A_1259, %rev3A_1260 : vector<16xi32>
        %rev3A_1262 = tpu.dynamic_gather %masked_sort3A_1256[%rev3A_1261] in [0] : vector<16xf32>, vector<16xi32> -> vector<16xf32>
        %rev3A_1263 = arith.constant 15 : i32
        %rev3A_1264 = vector.broadcast %rev3A_1263 : i32 to vector<16xi32>
        %rev3A_1265 = tpu.iota {dimensions = array<i32: 0>} : vector<16xi32>
        %rev3A_1266 = arith.subi %rev3A_1264, %rev3A_1265 : vector<16xi32>
        %rev3A_1267 = tpu.dynamic_gather %masked_sort3A_1257[%rev3A_1266] in [0] : vector<16xi32>, vector<16xi32> -> vector<16xi32>
        %gt3A_1268 = arith.cmpf ogt, %rev3A_1262, %masked_sort3A_1244 : vector<16xf32>
        %select_n3A_1269 = arith.select %gt3A_1268, %rev3A_1262, %masked_sort3A_1244 : vector<16xi1>, vector<16xf32>
        %select_n3A_1270 = arith.select %gt3A_1268, %rev3A_1267, %masked_sort3A_1245 : vector<16xi1>, vector<16xi32>
        %masked_sort3A_1271 = arith.constant dense<true> : vector<16xi1>
        %masked_sort3A_1272, %masked_sort3A_1273, %masked_sort3A_1274 = tpu.sort %select_n3A_1269, %select_n3A_1270 masked %masked_sort3A_1271 : (vector<16xf32>, vector<16xi32>, vector<16xi1>) -> (vector<16xi1>, vector<16xf32>, vector<16xi32>)
        %rev3A_1275 = arith.constant 15 : i32
        %rev3A_1276 = vector.broadcast %rev3A_1275 : i32 to vector<16xi32>
        %rev3A_1277 = tpu.iota {dimensions = array<i32: 0>} : vector<16xi32>
        %rev3A_1278 = arith.subi %rev3A_1276, %rev3A_1277 : vector<16xi32>
        %rev3A_1279 = tpu.dynamic_gather %masked_sort3A_1273[%rev3A_1278] in [0] : vector<16xf32>, vector<16xi32> -> vector<16xf32>
        %rev3A_1280 = arith.constant 15 : i32
        %rev3A_1281 = vector.broadcast %rev3A_1280 : i32 to vector<16xi32>
        %rev3A_1282 = tpu.iota {dimensions = array<i32: 0>} : vector<16xi32>
        %rev3A_1283 = arith.subi %rev3A_1281, %rev3A_1282 : vector<16xi32>
        %rev3A_1284 = tpu.dynamic_gather %masked_sort3A_1274[%rev3A_1283] in [0] : vector<16xi32>, vector<16xi32> -> vector<16xi32>
        %gt3A_1285 = arith.cmpf ogt, %rev3A_1279, %masked_sort3A_1232 : vector<16xf32>
        %select_n3A_1286 = arith.select %gt3A_1285, %rev3A_1279, %masked_sort3A_1232 : vector<16xi1>, vector<16xf32>
        %select_n3A_1287 = arith.select %gt3A_1285, %rev3A_1284, %masked_sort3A_1233 : vector<16xi1>, vector<16xi32>
        %masked_sort3A_1288 = arith.constant dense<true> : vector<16xi1>
        %masked_sort3A_1289, %masked_sort3A_1290, %masked_sort3A_1291 = tpu.sort %select_n3A_1286, %select_n3A_1287 masked %masked_sort3A_1288 : (vector<16xf32>, vector<16xi32>, vector<16xi1>) -> (vector<16xi1>, vector<16xf32>, vector<16xi32>)
        %get3A_1292 = arith.constant 1 : i32
        %get3A_1293 = arith.index_cast %get3A_1292 : i32 to index
        %get3A_1294 = arith.constant 704 : index
        %get3A_1295 = tpu.vector_load %arg5[%get3A_1293, %get3A_1294] {strides = array<i32>} : memref<2x1024xf32, #tpu.memory_space<vmem>>, vector<16xf32>,
        %abs3A_1296 = math.absf %get3A_1295 : vector<16xf32>
        %add3A_1297 = arith.constant 704 : i32
        %add3A_1298 = vector.broadcast %add3A_1297 : i32 to vector<16xi32>
        %add3A_1299 = arith.addi %iota3A, %add3A_1298 : vector<16xi32>
        %masked_sort3A_1300 = arith.constant dense<true> : vector<16xi1>
        %masked_sort3A_1301, %masked_sort3A_1302, %masked_sort3A_1303 = tpu.sort %abs3A_1296, %add3A_1299 masked %masked_sort3A_1300 : (vector<16xf32>, vector<16xi32>, vector<16xi1>) -> (vector<16xi1>, vector<16xf32>, vector<16xi32>)
        %get3A_1304 = arith.constant 1 : i32
        %get3A_1305 = arith.index_cast %get3A_1304 : i32 to index
        %get3A_1306 = arith.constant 720 : index
        %get3A_1307 = tpu.vector_load %arg5[%get3A_1305, %get3A_1306] {strides = array<i32>} : memref<2x1024xf32, #tpu.memory_space<vmem>>, vector<16xf32>,
        %abs3A_1308 = math.absf %get3A_1307 : vector<16xf32>
        %add3A_1309 = arith.constant 720 : i32
        %add3A_1310 = vector.broadcast %add3A_1309 : i32 to vector<16xi32>
        %add3A_1311 = arith.addi %iota3A, %add3A_1310 : vector<16xi32>
        %masked_sort3A_1312 = arith.constant dense<true> : vector<16xi1>
        %masked_sort3A_1313, %masked_sort3A_1314, %masked_sort3A_1315 = tpu.sort %abs3A_1308, %add3A_1311 masked %masked_sort3A_1312 : (vector<16xf32>, vector<16xi32>, vector<16xi1>) -> (vector<16xi1>, vector<16xf32>, vector<16xi32>)
        %rev3A_1316 = arith.constant 15 : i32
        %rev3A_1317 = vector.broadcast %rev3A_1316 : i32 to vector<16xi32>
        %rev3A_1318 = tpu.iota {dimensions = array<i32: 0>} : vector<16xi32>
        %rev3A_1319 = arith.subi %rev3A_1317, %rev3A_1318 : vector<16xi32>
        %rev3A_1320 = tpu.dynamic_gather %masked_sort3A_1314[%rev3A_1319] in [0] : vector<16xf32>, vector<16xi32> -> vector<16xf32>
        %rev3A_1321 = arith.constant 15 : i32
        %rev3A_1322 = vector.broadcast %rev3A_1321 : i32 to vector<16xi32>
        %rev3A_1323 = tpu.iota {dimensions = array<i32: 0>} : vector<16xi32>
        %rev3A_1324 = arith.subi %rev3A_1322, %rev3A_1323 : vector<16xi32>
        %rev3A_1325 = tpu.dynamic_gather %masked_sort3A_1315[%rev3A_1324] in [0] : vector<16xi32>, vector<16xi32> -> vector<16xi32>
        %gt3A_1326 = arith.cmpf ogt, %rev3A_1320, %masked_sort3A_1302 : vector<16xf32>
        %select_n3A_1327 = arith.select %gt3A_1326, %rev3A_1320, %masked_sort3A_1302 : vector<16xi1>, vector<16xf32>
        %select_n3A_1328 = arith.select %gt3A_1326, %rev3A_1325, %masked_sort3A_1303 : vector<16xi1>, vector<16xi32>
        %masked_sort3A_1329 = arith.constant dense<true> : vector<16xi1>
        %masked_sort3A_1330, %masked_sort3A_1331, %masked_sort3A_1332 = tpu.sort %select_n3A_1327, %select_n3A_1328 masked %masked_sort3A_1329 : (vector<16xf32>, vector<16xi32>, vector<16xi1>) -> (vector<16xi1>, vector<16xf32>, vector<16xi32>)
        %get3A_1333 = arith.constant 1 : i32
        %get3A_1334 = arith.index_cast %get3A_1333 : i32 to index
        %get3A_1335 = arith.constant 736 : index
        %get3A_1336 = tpu.vector_load %arg5[%get3A_1334, %get3A_1335] {strides = array<i32>} : memref<2x1024xf32, #tpu.memory_space<vmem>>, vector<16xf32>,
        %abs3A_1337 = math.absf %get3A_1336 : vector<16xf32>
        %add3A_1338 = arith.constant 736 : i32
        %add3A_1339 = vector.broadcast %add3A_1338 : i32 to vector<16xi32>
        %add3A_1340 = arith.addi %iota3A, %add3A_1339 : vector<16xi32>
        %masked_sort3A_1341 = arith.constant dense<true> : vector<16xi1>
        %masked_sort3A_1342, %masked_sort3A_1343, %masked_sort3A_1344 = tpu.sort %abs3A_1337, %add3A_1340 masked %masked_sort3A_1341 : (vector<16xf32>, vector<16xi32>, vector<16xi1>) -> (vector<16xi1>, vector<16xf32>, vector<16xi32>)
        %get3A_1345 = arith.constant 1 : i32
        %get3A_1346 = arith.index_cast %get3A_1345 : i32 to index
        %get3A_1347 = arith.constant 752 : index
        %get3A_1348 = tpu.vector_load %arg5[%get3A_1346, %get3A_1347] {strides = array<i32>} : memref<2x1024xf32, #tpu.memory_space<vmem>>, vector<16xf32>,
        %abs3A_1349 = math.absf %get3A_1348 : vector<16xf32>
        %add3A_1350 = arith.constant 752 : i32
        %add3A_1351 = vector.broadcast %add3A_1350 : i32 to vector<16xi32>
        %add3A_1352 = arith.addi %iota3A, %add3A_1351 : vector<16xi32>
        %masked_sort3A_1353 = arith.constant dense<true> : vector<16xi1>
        %masked_sort3A_1354, %masked_sort3A_1355, %masked_sort3A_1356 = tpu.sort %abs3A_1349, %add3A_1352 masked %masked_sort3A_1353 : (vector<16xf32>, vector<16xi32>, vector<16xi1>) -> (vector<16xi1>, vector<16xf32>, vector<16xi32>)
        %rev3A_1357 = arith.constant 15 : i32
        %rev3A_1358 = vector.broadcast %rev3A_1357 : i32 to vector<16xi32>
        %rev3A_1359 = tpu.iota {dimensions = array<i32: 0>} : vector<16xi32>
        %rev3A_1360 = arith.subi %rev3A_1358, %rev3A_1359 : vector<16xi32>
        %rev3A_1361 = tpu.dynamic_gather %masked_sort3A_1355[%rev3A_1360] in [0] : vector<16xf32>, vector<16xi32> -> vector<16xf32>
        %rev3A_1362 = arith.constant 15 : i32
        %rev3A_1363 = vector.broadcast %rev3A_1362 : i32 to vector<16xi32>
        %rev3A_1364 = tpu.iota {dimensions = array<i32: 0>} : vector<16xi32>
        %rev3A_1365 = arith.subi %rev3A_1363, %rev3A_1364 : vector<16xi32>
        %rev3A_1366 = tpu.dynamic_gather %masked_sort3A_1356[%rev3A_1365] in [0] : vector<16xi32>, vector<16xi32> -> vector<16xi32>
        %gt3A_1367 = arith.cmpf ogt, %rev3A_1361, %masked_sort3A_1343 : vector<16xf32>
        %select_n3A_1368 = arith.select %gt3A_1367, %rev3A_1361, %masked_sort3A_1343 : vector<16xi1>, vector<16xf32>
        %select_n3A_1369 = arith.select %gt3A_1367, %rev3A_1366, %masked_sort3A_1344 : vector<16xi1>, vector<16xi32>
        %masked_sort3A_1370 = arith.constant dense<true> : vector<16xi1>
        %masked_sort3A_1371, %masked_sort3A_1372, %masked_sort3A_1373 = tpu.sort %select_n3A_1368, %select_n3A_1369 masked %masked_sort3A_1370 : (vector<16xf32>, vector<16xi32>, vector<16xi1>) -> (vector<16xi1>, vector<16xf32>, vector<16xi32>)
        %rev3A_1374 = arith.constant 15 : i32
        %rev3A_1375 = vector.broadcast %rev3A_1374 : i32 to vector<16xi32>
        %rev3A_1376 = tpu.iota {dimensions = array<i32: 0>} : vector<16xi32>
        %rev3A_1377 = arith.subi %rev3A_1375, %rev3A_1376 : vector<16xi32>
        %rev3A_1378 = tpu.dynamic_gather %masked_sort3A_1372[%rev3A_1377] in [0] : vector<16xf32>, vector<16xi32> -> vector<16xf32>
        %rev3A_1379 = arith.constant 15 : i32
        %rev3A_1380 = vector.broadcast %rev3A_1379 : i32 to vector<16xi32>
        %rev3A_1381 = tpu.iota {dimensions = array<i32: 0>} : vector<16xi32>
        %rev3A_1382 = arith.subi %rev3A_1380, %rev3A_1381 : vector<16xi32>
        %rev3A_1383 = tpu.dynamic_gather %masked_sort3A_1373[%rev3A_1382] in [0] : vector<16xi32>, vector<16xi32> -> vector<16xi32>
        %gt3A_1384 = arith.cmpf ogt, %rev3A_1378, %masked_sort3A_1331 : vector<16xf32>
        %select_n3A_1385 = arith.select %gt3A_1384, %rev3A_1378, %masked_sort3A_1331 : vector<16xi1>, vector<16xf32>
        %select_n3A_1386 = arith.select %gt3A_1384, %rev3A_1383, %masked_sort3A_1332 : vector<16xi1>, vector<16xi32>
        %masked_sort3A_1387 = arith.constant dense<true> : vector<16xi1>
        %masked_sort3A_1388, %masked_sort3A_1389, %masked_sort3A_1390 = tpu.sort %select_n3A_1385, %select_n3A_1386 masked %masked_sort3A_1387 : (vector<16xf32>, vector<16xi32>, vector<16xi1>) -> (vector<16xi1>, vector<16xf32>, vector<16xi32>)
        %rev3A_1391 = arith.constant 15 : i32
        %rev3A_1392 = vector.broadcast %rev3A_1391 : i32 to vector<16xi32>
        %rev3A_1393 = tpu.iota {dimensions = array<i32: 0>} : vector<16xi32>
        %rev3A_1394 = arith.subi %rev3A_1392, %rev3A_1393 : vector<16xi32>
        %rev3A_1395 = tpu.dynamic_gather %masked_sort3A_1389[%rev3A_1394] in [0] : vector<16xf32>, vector<16xi32> -> vector<16xf32>
        %rev3A_1396 = arith.constant 15 : i32
        %rev3A_1397 = vector.broadcast %rev3A_1396 : i32 to vector<16xi32>
        %rev3A_1398 = tpu.iota {dimensions = array<i32: 0>} : vector<16xi32>
        %rev3A_1399 = arith.subi %rev3A_1397, %rev3A_1398 : vector<16xi32>
        %rev3A_1400 = tpu.dynamic_gather %masked_sort3A_1390[%rev3A_1399] in [0] : vector<16xi32>, vector<16xi32> -> vector<16xi32>
        %gt3A_1401 = arith.cmpf ogt, %rev3A_1395, %masked_sort3A_1290 : vector<16xf32>
        %select_n3A_1402 = arith.select %gt3A_1401, %rev3A_1395, %masked_sort3A_1290 : vector<16xi1>, vector<16xf32>
        %select_n3A_1403 = arith.select %gt3A_1401, %rev3A_1400, %masked_sort3A_1291 : vector<16xi1>, vector<16xi32>
        %masked_sort3A_1404 = arith.constant dense<true> : vector<16xi1>
        %masked_sort3A_1405, %masked_sort3A_1406, %masked_sort3A_1407 = tpu.sort %select_n3A_1402, %select_n3A_1403 masked %masked_sort3A_1404 : (vector<16xf32>, vector<16xi32>, vector<16xi1>) -> (vector<16xi1>, vector<16xf32>, vector<16xi32>)
        %rev3A_1408 = arith.constant 15 : i32
        %rev3A_1409 = vector.broadcast %rev3A_1408 : i32 to vector<16xi32>
        %rev3A_1410 = tpu.iota {dimensions = array<i32: 0>} : vector<16xi32>
        %rev3A_1411 = arith.subi %rev3A_1409, %rev3A_1410 : vector<16xi32>
        %rev3A_1412 = tpu.dynamic_gather %masked_sort3A_1406[%rev3A_1411] in [0] : vector<16xf32>, vector<16xi32> -> vector<16xf32>
        %rev3A_1413 = arith.constant 15 : i32
        %rev3A_1414 = vector.broadcast %rev3A_1413 : i32 to vector<16xi32>
        %rev3A_1415 = tpu.iota {dimensions = array<i32: 0>} : vector<16xi32>
        %rev3A_1416 = arith.subi %rev3A_1414, %rev3A_1415 : vector<16xi32>
        %rev3A_1417 = tpu.dynamic_gather %masked_sort3A_1407[%rev3A_1416] in [0] : vector<16xi32>, vector<16xi32> -> vector<16xi32>
        %gt3A_1418 = arith.cmpf ogt, %rev3A_1412, %masked_sort3A_1191 : vector<16xf32>
        %select_n3A_1419 = arith.select %gt3A_1418, %rev3A_1412, %masked_sort3A_1191 : vector<16xi1>, vector<16xf32>
        %select_n3A_1420 = arith.select %gt3A_1418, %rev3A_1417, %masked_sort3A_1192 : vector<16xi1>, vector<16xi32>
        %masked_sort3A_1421 = arith.constant dense<true> : vector<16xi1>
        %masked_sort3A_1422, %masked_sort3A_1423, %masked_sort3A_1424 = tpu.sort %select_n3A_1419, %select_n3A_1420 masked %masked_sort3A_1421 : (vector<16xf32>, vector<16xi32>, vector<16xi1>) -> (vector<16xi1>, vector<16xf32>, vector<16xi32>)
        %get3A_1425 = arith.constant 1 : i32
        %get3A_1426 = arith.index_cast %get3A_1425 : i32 to index
        %get3A_1427 = arith.constant 768 : index
        %get3A_1428 = tpu.vector_load %arg5[%get3A_1426, %get3A_1427] {strides = array<i32>} : memref<2x1024xf32, #tpu.memory_space<vmem>>, vector<16xf32>,
        %abs3A_1429 = math.absf %get3A_1428 : vector<16xf32>
        %add3A_1430 = arith.constant 768 : i32
        %add3A_1431 = vector.broadcast %add3A_1430 : i32 to vector<16xi32>
        %add3A_1432 = arith.addi %iota3A, %add3A_1431 : vector<16xi32>
        %masked_sort3A_1433 = arith.constant dense<true> : vector<16xi1>
        %masked_sort3A_1434, %masked_sort3A_1435, %masked_sort3A_1436 = tpu.sort %abs3A_1429, %add3A_1432 masked %masked_sort3A_1433 : (vector<16xf32>, vector<16xi32>, vector<16xi1>) -> (vector<16xi1>, vector<16xf32>, vector<16xi32>)
        %get3A_1437 = arith.constant 1 : i32
        %get3A_1438 = arith.index_cast %get3A_1437 : i32 to index
        %get3A_1439 = arith.constant 784 : index
        %get3A_1440 = tpu.vector_load %arg5[%get3A_1438, %get3A_1439] {strides = array<i32>} : memref<2x1024xf32, #tpu.memory_space<vmem>>, vector<16xf32>,
        %abs3A_1441 = math.absf %get3A_1440 : vector<16xf32>
        %add3A_1442 = arith.constant 784 : i32
        %add3A_1443 = vector.broadcast %add3A_1442 : i32 to vector<16xi32>
        %add3A_1444 = arith.addi %iota3A, %add3A_1443 : vector<16xi32>
        %masked_sort3A_1445 = arith.constant dense<true> : vector<16xi1>
        %masked_sort3A_1446, %masked_sort3A_1447, %masked_sort3A_1448 = tpu.sort %abs3A_1441, %add3A_1444 masked %masked_sort3A_1445 : (vector<16xf32>, vector<16xi32>, vector<16xi1>) -> (vector<16xi1>, vector<16xf32>, vector<16xi32>)
        %rev3A_1449 = arith.constant 15 : i32
        %rev3A_1450 = vector.broadcast %rev3A_1449 : i32 to vector<16xi32>
        %rev3A_1451 = tpu.iota {dimensions = array<i32: 0>} : vector<16xi32>
        %rev3A_1452 = arith.subi %rev3A_1450, %rev3A_1451 : vector<16xi32>
        %rev3A_1453 = tpu.dynamic_gather %masked_sort3A_1447[%rev3A_1452] in [0] : vector<16xf32>, vector<16xi32> -> vector<16xf32>
        %rev3A_1454 = arith.constant 15 : i32
        %rev3A_1455 = vector.broadcast %rev3A_1454 : i32 to vector<16xi32>
        %rev3A_1456 = tpu.iota {dimensions = array<i32: 0>} : vector<16xi32>
        %rev3A_1457 = arith.subi %rev3A_1455, %rev3A_1456 : vector<16xi32>
        %rev3A_1458 = tpu.dynamic_gather %masked_sort3A_1448[%rev3A_1457] in [0] : vector<16xi32>, vector<16xi32> -> vector<16xi32>
        %gt3A_1459 = arith.cmpf ogt, %rev3A_1453, %masked_sort3A_1435 : vector<16xf32>
        %select_n3A_1460 = arith.select %gt3A_1459, %rev3A_1453, %masked_sort3A_1435 : vector<16xi1>, vector<16xf32>
        %select_n3A_1461 = arith.select %gt3A_1459, %rev3A_1458, %masked_sort3A_1436 : vector<16xi1>, vector<16xi32>
        %masked_sort3A_1462 = arith.constant dense<true> : vector<16xi1>
        %masked_sort3A_1463, %masked_sort3A_1464, %masked_sort3A_1465 = tpu.sort %select_n3A_1460, %select_n3A_1461 masked %masked_sort3A_1462 : (vector<16xf32>, vector<16xi32>, vector<16xi1>) -> (vector<16xi1>, vector<16xf32>, vector<16xi32>)
        %get3A_1466 = arith.constant 1 : i32
        %get3A_1467 = arith.index_cast %get3A_1466 : i32 to index
        %get3A_1468 = arith.constant 800 : index
        %get3A_1469 = tpu.vector_load %arg5[%get3A_1467, %get3A_1468] {strides = array<i32>} : memref<2x1024xf32, #tpu.memory_space<vmem>>, vector<16xf32>,
        %abs3A_1470 = math.absf %get3A_1469 : vector<16xf32>
        %add3A_1471 = arith.constant 800 : i32
        %add3A_1472 = vector.broadcast %add3A_1471 : i32 to vector<16xi32>
        %add3A_1473 = arith.addi %iota3A, %add3A_1472 : vector<16xi32>
        %masked_sort3A_1474 = arith.constant dense<true> : vector<16xi1>
        %masked_sort3A_1475, %masked_sort3A_1476, %masked_sort3A_1477 = tpu.sort %abs3A_1470, %add3A_1473 masked %masked_sort3A_1474 : (vector<16xf32>, vector<16xi32>, vector<16xi1>) -> (vector<16xi1>, vector<16xf32>, vector<16xi32>)
        %get3A_1478 = arith.constant 1 : i32
        %get3A_1479 = arith.index_cast %get3A_1478 : i32 to index
        %get3A_1480 = arith.constant 816 : index
        %get3A_1481 = tpu.vector_load %arg5[%get3A_1479, %get3A_1480] {strides = array<i32>} : memref<2x1024xf32, #tpu.memory_space<vmem>>, vector<16xf32>,
        %abs3A_1482 = math.absf %get3A_1481 : vector<16xf32>
        %add3A_1483 = arith.constant 816 : i32
        %add3A_1484 = vector.broadcast %add3A_1483 : i32 to vector<16xi32>
        %add3A_1485 = arith.addi %iota3A, %add3A_1484 : vector<16xi32>
        %masked_sort3A_1486 = arith.constant dense<true> : vector<16xi1>
        %masked_sort3A_1487, %masked_sort3A_1488, %masked_sort3A_1489 = tpu.sort %abs3A_1482, %add3A_1485 masked %masked_sort3A_1486 : (vector<16xf32>, vector<16xi32>, vector<16xi1>) -> (vector<16xi1>, vector<16xf32>, vector<16xi32>)
        %rev3A_1490 = arith.constant 15 : i32
        %rev3A_1491 = vector.broadcast %rev3A_1490 : i32 to vector<16xi32>
        %rev3A_1492 = tpu.iota {dimensions = array<i32: 0>} : vector<16xi32>
        %rev3A_1493 = arith.subi %rev3A_1491, %rev3A_1492 : vector<16xi32>
        %rev3A_1494 = tpu.dynamic_gather %masked_sort3A_1488[%rev3A_1493] in [0] : vector<16xf32>, vector<16xi32> -> vector<16xf32>
        %rev3A_1495 = arith.constant 15 : i32
        %rev3A_1496 = vector.broadcast %rev3A_1495 : i32 to vector<16xi32>
        %rev3A_1497 = tpu.iota {dimensions = array<i32: 0>} : vector<16xi32>
        %rev3A_1498 = arith.subi %rev3A_1496, %rev3A_1497 : vector<16xi32>
        %rev3A_1499 = tpu.dynamic_gather %masked_sort3A_1489[%rev3A_1498] in [0] : vector<16xi32>, vector<16xi32> -> vector<16xi32>
        %gt3A_1500 = arith.cmpf ogt, %rev3A_1494, %masked_sort3A_1476 : vector<16xf32>
        %select_n3A_1501 = arith.select %gt3A_1500, %rev3A_1494, %masked_sort3A_1476 : vector<16xi1>, vector<16xf32>
        %select_n3A_1502 = arith.select %gt3A_1500, %rev3A_1499, %masked_sort3A_1477 : vector<16xi1>, vector<16xi32>
        %masked_sort3A_1503 = arith.constant dense<true> : vector<16xi1>
        %masked_sort3A_1504, %masked_sort3A_1505, %masked_sort3A_1506 = tpu.sort %select_n3A_1501, %select_n3A_1502 masked %masked_sort3A_1503 : (vector<16xf32>, vector<16xi32>, vector<16xi1>) -> (vector<16xi1>, vector<16xf32>, vector<16xi32>)
        %rev3A_1507 = arith.constant 15 : i32
        %rev3A_1508 = vector.broadcast %rev3A_1507 : i32 to vector<16xi32>
        %rev3A_1509 = tpu.iota {dimensions = array<i32: 0>} : vector<16xi32>
        %rev3A_1510 = arith.subi %rev3A_1508, %rev3A_1509 : vector<16xi32>
        %rev3A_1511 = tpu.dynamic_gather %masked_sort3A_1505[%rev3A_1510] in [0] : vector<16xf32>, vector<16xi32> -> vector<16xf32>
        %rev3A_1512 = arith.constant 15 : i32
        %rev3A_1513 = vector.broadcast %rev3A_1512 : i32 to vector<16xi32>
        %rev3A_1514 = tpu.iota {dimensions = array<i32: 0>} : vector<16xi32>
        %rev3A_1515 = arith.subi %rev3A_1513, %rev3A_1514 : vector<16xi32>
        %rev3A_1516 = tpu.dynamic_gather %masked_sort3A_1506[%rev3A_1515] in [0] : vector<16xi32>, vector<16xi32> -> vector<16xi32>
        %gt3A_1517 = arith.cmpf ogt, %rev3A_1511, %masked_sort3A_1464 : vector<16xf32>
        %select_n3A_1518 = arith.select %gt3A_1517, %rev3A_1511, %masked_sort3A_1464 : vector<16xi1>, vector<16xf32>
        %select_n3A_1519 = arith.select %gt3A_1517, %rev3A_1516, %masked_sort3A_1465 : vector<16xi1>, vector<16xi32>
        %masked_sort3A_1520 = arith.constant dense<true> : vector<16xi1>
        %masked_sort3A_1521, %masked_sort3A_1522, %masked_sort3A_1523 = tpu.sort %select_n3A_1518, %select_n3A_1519 masked %masked_sort3A_1520 : (vector<16xf32>, vector<16xi32>, vector<16xi1>) -> (vector<16xi1>, vector<16xf32>, vector<16xi32>)
        %get3A_1524 = arith.constant 1 : i32
        %get3A_1525 = arith.index_cast %get3A_1524 : i32 to index
        %get3A_1526 = arith.constant 832 : index
        %get3A_1527 = tpu.vector_load %arg5[%get3A_1525, %get3A_1526] {strides = array<i32>} : memref<2x1024xf32, #tpu.memory_space<vmem>>, vector<16xf32>,
        %abs3A_1528 = math.absf %get3A_1527 : vector<16xf32>
        %add3A_1529 = arith.constant 832 : i32
        %add3A_1530 = vector.broadcast %add3A_1529 : i32 to vector<16xi32>
        %add3A_1531 = arith.addi %iota3A, %add3A_1530 : vector<16xi32>
        %masked_sort3A_1532 = arith.constant dense<true> : vector<16xi1>
        %masked_sort3A_1533, %masked_sort3A_1534, %masked_sort3A_1535 = tpu.sort %abs3A_1528, %add3A_1531 masked %masked_sort3A_1532 : (vector<16xf32>, vector<16xi32>, vector<16xi1>) -> (vector<16xi1>, vector<16xf32>, vector<16xi32>)
        %get3A_1536 = arith.constant 1 : i32
        %get3A_1537 = arith.index_cast %get3A_1536 : i32 to index
        %get3A_1538 = arith.constant 848 : index
        %get3A_1539 = tpu.vector_load %arg5[%get3A_1537, %get3A_1538] {strides = array<i32>} : memref<2x1024xf32, #tpu.memory_space<vmem>>, vector<16xf32>,
        %abs3A_1540 = math.absf %get3A_1539 : vector<16xf32>
        %add3A_1541 = arith.constant 848 : i32
        %add3A_1542 = vector.broadcast %add3A_1541 : i32 to vector<16xi32>
        %add3A_1543 = arith.addi %iota3A, %add3A_1542 : vector<16xi32>
        %masked_sort3A_1544 = arith.constant dense<true> : vector<16xi1>
        %masked_sort3A_1545, %masked_sort3A_1546, %masked_sort3A_1547 = tpu.sort %abs3A_1540, %add3A_1543 masked %masked_sort3A_1544 : (vector<16xf32>, vector<16xi32>, vector<16xi1>) -> (vector<16xi1>, vector<16xf32>, vector<16xi32>)
        %rev3A_1548 = arith.constant 15 : i32
        %rev3A_1549 = vector.broadcast %rev3A_1548 : i32 to vector<16xi32>
        %rev3A_1550 = tpu.iota {dimensions = array<i32: 0>} : vector<16xi32>
        %rev3A_1551 = arith.subi %rev3A_1549, %rev3A_1550 : vector<16xi32>
        %rev3A_1552 = tpu.dynamic_gather %masked_sort3A_1546[%rev3A_1551] in [0] : vector<16xf32>, vector<16xi32> -> vector<16xf32>
        %rev3A_1553 = arith.constant 15 : i32
        %rev3A_1554 = vector.broadcast %rev3A_1553 : i32 to vector<16xi32>
        %rev3A_1555 = tpu.iota {dimensions = array<i32: 0>} : vector<16xi32>
        %rev3A_1556 = arith.subi %rev3A_1554, %rev3A_1555 : vector<16xi32>
        %rev3A_1557 = tpu.dynamic_gather %masked_sort3A_1547[%rev3A_1556] in [0] : vector<16xi32>, vector<16xi32> -> vector<16xi32>
        %gt3A_1558 = arith.cmpf ogt, %rev3A_1552, %masked_sort3A_1534 : vector<16xf32>
        %select_n3A_1559 = arith.select %gt3A_1558, %rev3A_1552, %masked_sort3A_1534 : vector<16xi1>, vector<16xf32>
        %select_n3A_1560 = arith.select %gt3A_1558, %rev3A_1557, %masked_sort3A_1535 : vector<16xi1>, vector<16xi32>
        %masked_sort3A_1561 = arith.constant dense<true> : vector<16xi1>
        %masked_sort3A_1562, %masked_sort3A_1563, %masked_sort3A_1564 = tpu.sort %select_n3A_1559, %select_n3A_1560 masked %masked_sort3A_1561 : (vector<16xf32>, vector<16xi32>, vector<16xi1>) -> (vector<16xi1>, vector<16xf32>, vector<16xi32>)
        %get3A_1565 = arith.constant 1 : i32
        %get3A_1566 = arith.index_cast %get3A_1565 : i32 to index
        %get3A_1567 = arith.constant 864 : index
        %get3A_1568 = tpu.vector_load %arg5[%get3A_1566, %get3A_1567] {strides = array<i32>} : memref<2x1024xf32, #tpu.memory_space<vmem>>, vector<16xf32>,
        %abs3A_1569 = math.absf %get3A_1568 : vector<16xf32>
        %add3A_1570 = arith.constant 864 : i32
        %add3A_1571 = vector.broadcast %add3A_1570 : i32 to vector<16xi32>
        %add3A_1572 = arith.addi %iota3A, %add3A_1571 : vector<16xi32>
        %masked_sort3A_1573 = arith.constant dense<true> : vector<16xi1>
        %masked_sort3A_1574, %masked_sort3A_1575, %masked_sort3A_1576 = tpu.sort %abs3A_1569, %add3A_1572 masked %masked_sort3A_1573 : (vector<16xf32>, vector<16xi32>, vector<16xi1>) -> (vector<16xi1>, vector<16xf32>, vector<16xi32>)
        %get3A_1577 = arith.constant 1 : i32
        %get3A_1578 = arith.index_cast %get3A_1577 : i32 to index
        %get3A_1579 = arith.constant 880 : index
        %get3A_1580 = tpu.vector_load %arg5[%get3A_1578, %get3A_1579] {strides = array<i32>} : memref<2x1024xf32, #tpu.memory_space<vmem>>, vector<16xf32>,
        %abs3A_1581 = math.absf %get3A_1580 : vector<16xf32>
        %add3A_1582 = arith.constant 880 : i32
        %add3A_1583 = vector.broadcast %add3A_1582 : i32 to vector<16xi32>
        %add3A_1584 = arith.addi %iota3A, %add3A_1583 : vector<16xi32>
        %masked_sort3A_1585 = arith.constant dense<true> : vector<16xi1>
        %masked_sort3A_1586, %masked_sort3A_1587, %masked_sort3A_1588 = tpu.sort %abs3A_1581, %add3A_1584 masked %masked_sort3A_1585 : (vector<16xf32>, vector<16xi32>, vector<16xi1>) -> (vector<16xi1>, vector<16xf32>, vector<16xi32>)
        %rev3A_1589 = arith.constant 15 : i32
        %rev3A_1590 = vector.broadcast %rev3A_1589 : i32 to vector<16xi32>
        %rev3A_1591 = tpu.iota {dimensions = array<i32: 0>} : vector<16xi32>
        %rev3A_1592 = arith.subi %rev3A_1590, %rev3A_1591 : vector<16xi32>
        %rev3A_1593 = tpu.dynamic_gather %masked_sort3A_1587[%rev3A_1592] in [0] : vector<16xf32>, vector<16xi32> -> vector<16xf32>
        %rev3A_1594 = arith.constant 15 : i32
        %rev3A_1595 = vector.broadcast %rev3A_1594 : i32 to vector<16xi32>
        %rev3A_1596 = tpu.iota {dimensions = array<i32: 0>} : vector<16xi32>
        %rev3A_1597 = arith.subi %rev3A_1595, %rev3A_1596 : vector<16xi32>
        %rev3A_1598 = tpu.dynamic_gather %masked_sort3A_1588[%rev3A_1597] in [0] : vector<16xi32>, vector<16xi32> -> vector<16xi32>
        %gt3A_1599 = arith.cmpf ogt, %rev3A_1593, %masked_sort3A_1575 : vector<16xf32>
        %select_n3A_1600 = arith.select %gt3A_1599, %rev3A_1593, %masked_sort3A_1575 : vector<16xi1>, vector<16xf32>
        %select_n3A_1601 = arith.select %gt3A_1599, %rev3A_1598, %masked_sort3A_1576 : vector<16xi1>, vector<16xi32>
        %masked_sort3A_1602 = arith.constant dense<true> : vector<16xi1>
        %masked_sort3A_1603, %masked_sort3A_1604, %masked_sort3A_1605 = tpu.sort %select_n3A_1600, %select_n3A_1601 masked %masked_sort3A_1602 : (vector<16xf32>, vector<16xi32>, vector<16xi1>) -> (vector<16xi1>, vector<16xf32>, vector<16xi32>)
        %rev3A_1606 = arith.constant 15 : i32
        %rev3A_1607 = vector.broadcast %rev3A_1606 : i32 to vector<16xi32>
        %rev3A_1608 = tpu.iota {dimensions = array<i32: 0>} : vector<16xi32>
        %rev3A_1609 = arith.subi %rev3A_1607, %rev3A_1608 : vector<16xi32>
        %rev3A_1610 = tpu.dynamic_gather %masked_sort3A_1604[%rev3A_1609] in [0] : vector<16xf32>, vector<16xi32> -> vector<16xf32>
        %rev3A_1611 = arith.constant 15 : i32
        %rev3A_1612 = vector.broadcast %rev3A_1611 : i32 to vector<16xi32>
        %rev3A_1613 = tpu.iota {dimensions = array<i32: 0>} : vector<16xi32>
        %rev3A_1614 = arith.subi %rev3A_1612, %rev3A_1613 : vector<16xi32>
        %rev3A_1615 = tpu.dynamic_gather %masked_sort3A_1605[%rev3A_1614] in [0] : vector<16xi32>, vector<16xi32> -> vector<16xi32>
        %gt3A_1616 = arith.cmpf ogt, %rev3A_1610, %masked_sort3A_1563 : vector<16xf32>
        %select_n3A_1617 = arith.select %gt3A_1616, %rev3A_1610, %masked_sort3A_1563 : vector<16xi1>, vector<16xf32>
        %select_n3A_1618 = arith.select %gt3A_1616, %rev3A_1615, %masked_sort3A_1564 : vector<16xi1>, vector<16xi32>
        %masked_sort3A_1619 = arith.constant dense<true> : vector<16xi1>
        %masked_sort3A_1620, %masked_sort3A_1621, %masked_sort3A_1622 = tpu.sort %select_n3A_1617, %select_n3A_1618 masked %masked_sort3A_1619 : (vector<16xf32>, vector<16xi32>, vector<16xi1>) -> (vector<16xi1>, vector<16xf32>, vector<16xi32>)
        %rev3A_1623 = arith.constant 15 : i32
        %rev3A_1624 = vector.broadcast %rev3A_1623 : i32 to vector<16xi32>
        %rev3A_1625 = tpu.iota {dimensions = array<i32: 0>} : vector<16xi32>
        %rev3A_1626 = arith.subi %rev3A_1624, %rev3A_1625 : vector<16xi32>
        %rev3A_1627 = tpu.dynamic_gather %masked_sort3A_1621[%rev3A_1626] in [0] : vector<16xf32>, vector<16xi32> -> vector<16xf32>
        %rev3A_1628 = arith.constant 15 : i32
        %rev3A_1629 = vector.broadcast %rev3A_1628 : i32 to vector<16xi32>
        %rev3A_1630 = tpu.iota {dimensions = array<i32: 0>} : vector<16xi32>
        %rev3A_1631 = arith.subi %rev3A_1629, %rev3A_1630 : vector<16xi32>
        %rev3A_1632 = tpu.dynamic_gather %masked_sort3A_1622[%rev3A_1631] in [0] : vector<16xi32>, vector<16xi32> -> vector<16xi32>
        %gt3A_1633 = arith.cmpf ogt, %rev3A_1627, %masked_sort3A_1522 : vector<16xf32>
        %select_n3A_1634 = arith.select %gt3A_1633, %rev3A_1627, %masked_sort3A_1522 : vector<16xi1>, vector<16xf32>
        %select_n3A_1635 = arith.select %gt3A_1633, %rev3A_1632, %masked_sort3A_1523 : vector<16xi1>, vector<16xi32>
        %masked_sort3A_1636 = arith.constant dense<true> : vector<16xi1>
        %masked_sort3A_1637, %masked_sort3A_1638, %masked_sort3A_1639 = tpu.sort %select_n3A_1634, %select_n3A_1635 masked %masked_sort3A_1636 : (vector<16xf32>, vector<16xi32>, vector<16xi1>) -> (vector<16xi1>, vector<16xf32>, vector<16xi32>)
        %get3A_1640 = arith.constant 1 : i32
        %get3A_1641 = arith.index_cast %get3A_1640 : i32 to index
        %get3A_1642 = arith.constant 896 : index
        %get3A_1643 = tpu.vector_load %arg5[%get3A_1641, %get3A_1642] {strides = array<i32>} : memref<2x1024xf32, #tpu.memory_space<vmem>>, vector<16xf32>,
        %abs3A_1644 = math.absf %get3A_1643 : vector<16xf32>
        %add3A_1645 = arith.constant 896 : i32
        %add3A_1646 = vector.broadcast %add3A_1645 : i32 to vector<16xi32>
        %add3A_1647 = arith.addi %iota3A, %add3A_1646 : vector<16xi32>
        %masked_sort3A_1648 = arith.constant dense<true> : vector<16xi1>
        %masked_sort3A_1649, %masked_sort3A_1650, %masked_sort3A_1651 = tpu.sort %abs3A_1644, %add3A_1647 masked %masked_sort3A_1648 : (vector<16xf32>, vector<16xi32>, vector<16xi1>) -> (vector<16xi1>, vector<16xf32>, vector<16xi32>)
        %get3A_1652 = arith.constant 1 : i32
        %get3A_1653 = arith.index_cast %get3A_1652 : i32 to index
        %get3A_1654 = arith.constant 912 : index
        %get3A_1655 = tpu.vector_load %arg5[%get3A_1653, %get3A_1654] {strides = array<i32>} : memref<2x1024xf32, #tpu.memory_space<vmem>>, vector<16xf32>,
        %abs3A_1656 = math.absf %get3A_1655 : vector<16xf32>
        %add3A_1657 = arith.constant 912 : i32
        %add3A_1658 = vector.broadcast %add3A_1657 : i32 to vector<16xi32>
        %add3A_1659 = arith.addi %iota3A, %add3A_1658 : vector<16xi32>
        %masked_sort3A_1660 = arith.constant dense<true> : vector<16xi1>
        %masked_sort3A_1661, %masked_sort3A_1662, %masked_sort3A_1663 = tpu.sort %abs3A_1656, %add3A_1659 masked %masked_sort3A_1660 : (vector<16xf32>, vector<16xi32>, vector<16xi1>) -> (vector<16xi1>, vector<16xf32>, vector<16xi32>)
        %rev3A_1664 = arith.constant 15 : i32
        %rev3A_1665 = vector.broadcast %rev3A_1664 : i32 to vector<16xi32>
        %rev3A_1666 = tpu.iota {dimensions = array<i32: 0>} : vector<16xi32>
        %rev3A_1667 = arith.subi %rev3A_1665, %rev3A_1666 : vector<16xi32>
        %rev3A_1668 = tpu.dynamic_gather %masked_sort3A_1662[%rev3A_1667] in [0] : vector<16xf32>, vector<16xi32> -> vector<16xf32>
        %rev3A_1669 = arith.constant 15 : i32
        %rev3A_1670 = vector.broadcast %rev3A_1669 : i32 to vector<16xi32>
        %rev3A_1671 = tpu.iota {dimensions = array<i32: 0>} : vector<16xi32>
        %rev3A_1672 = arith.subi %rev3A_1670, %rev3A_1671 : vector<16xi32>
        %rev3A_1673 = tpu.dynamic_gather %masked_sort3A_1663[%rev3A_1672] in [0] : vector<16xi32>, vector<16xi32> -> vector<16xi32>
        %gt3A_1674 = arith.cmpf ogt, %rev3A_1668, %masked_sort3A_1650 : vector<16xf32>
        %select_n3A_1675 = arith.select %gt3A_1674, %rev3A_1668, %masked_sort3A_1650 : vector<16xi1>, vector<16xf32>
        %select_n3A_1676 = arith.select %gt3A_1674, %rev3A_1673, %masked_sort3A_1651 : vector<16xi1>, vector<16xi32>
        %masked_sort3A_1677 = arith.constant dense<true> : vector<16xi1>
        %masked_sort3A_1678, %masked_sort3A_1679, %masked_sort3A_1680 = tpu.sort %select_n3A_1675, %select_n3A_1676 masked %masked_sort3A_1677 : (vector<16xf32>, vector<16xi32>, vector<16xi1>) -> (vector<16xi1>, vector<16xf32>, vector<16xi32>)
        %get3A_1681 = arith.constant 1 : i32
        %get3A_1682 = arith.index_cast %get3A_1681 : i32 to index
        %get3A_1683 = arith.constant 928 : index
        %get3A_1684 = tpu.vector_load %arg5[%get3A_1682, %get3A_1683] {strides = array<i32>} : memref<2x1024xf32, #tpu.memory_space<vmem>>, vector<16xf32>,
        %abs3A_1685 = math.absf %get3A_1684 : vector<16xf32>
        %add3A_1686 = arith.constant 928 : i32
        %add3A_1687 = vector.broadcast %add3A_1686 : i32 to vector<16xi32>
        %add3A_1688 = arith.addi %iota3A, %add3A_1687 : vector<16xi32>
        %masked_sort3A_1689 = arith.constant dense<true> : vector<16xi1>
        %masked_sort3A_1690, %masked_sort3A_1691, %masked_sort3A_1692 = tpu.sort %abs3A_1685, %add3A_1688 masked %masked_sort3A_1689 : (vector<16xf32>, vector<16xi32>, vector<16xi1>) -> (vector<16xi1>, vector<16xf32>, vector<16xi32>)
        %get3A_1693 = arith.constant 1 : i32
        %get3A_1694 = arith.index_cast %get3A_1693 : i32 to index
        %get3A_1695 = arith.constant 944 : index
        %get3A_1696 = tpu.vector_load %arg5[%get3A_1694, %get3A_1695] {strides = array<i32>} : memref<2x1024xf32, #tpu.memory_space<vmem>>, vector<16xf32>,
        %abs3A_1697 = math.absf %get3A_1696 : vector<16xf32>
        %add3A_1698 = arith.constant 944 : i32
        %add3A_1699 = vector.broadcast %add3A_1698 : i32 to vector<16xi32>
        %add3A_1700 = arith.addi %iota3A, %add3A_1699 : vector<16xi32>
        %masked_sort3A_1701 = arith.constant dense<true> : vector<16xi1>
        %masked_sort3A_1702, %masked_sort3A_1703, %masked_sort3A_1704 = tpu.sort %abs3A_1697, %add3A_1700 masked %masked_sort3A_1701 : (vector<16xf32>, vector<16xi32>, vector<16xi1>) -> (vector<16xi1>, vector<16xf32>, vector<16xi32>)
        %rev3A_1705 = arith.constant 15 : i32
        %rev3A_1706 = vector.broadcast %rev3A_1705 : i32 to vector<16xi32>
        %rev3A_1707 = tpu.iota {dimensions = array<i32: 0>} : vector<16xi32>
        %rev3A_1708 = arith.subi %rev3A_1706, %rev3A_1707 : vector<16xi32>
        %rev3A_1709 = tpu.dynamic_gather %masked_sort3A_1703[%rev3A_1708] in [0] : vector<16xf32>, vector<16xi32> -> vector<16xf32>
        %rev3A_1710 = arith.constant 15 : i32
        %rev3A_1711 = vector.broadcast %rev3A_1710 : i32 to vector<16xi32>
        %rev3A_1712 = tpu.iota {dimensions = array<i32: 0>} : vector<16xi32>
        %rev3A_1713 = arith.subi %rev3A_1711, %rev3A_1712 : vector<16xi32>
        %rev3A_1714 = tpu.dynamic_gather %masked_sort3A_1704[%rev3A_1713] in [0] : vector<16xi32>, vector<16xi32> -> vector<16xi32>
        %gt3A_1715 = arith.cmpf ogt, %rev3A_1709, %masked_sort3A_1691 : vector<16xf32>
        %select_n3A_1716 = arith.select %gt3A_1715, %rev3A_1709, %masked_sort3A_1691 : vector<16xi1>, vector<16xf32>
        %select_n3A_1717 = arith.select %gt3A_1715, %rev3A_1714, %masked_sort3A_1692 : vector<16xi1>, vector<16xi32>
        %masked_sort3A_1718 = arith.constant dense<true> : vector<16xi1>
        %masked_sort3A_1719, %masked_sort3A_1720, %masked_sort3A_1721 = tpu.sort %select_n3A_1716, %select_n3A_1717 masked %masked_sort3A_1718 : (vector<16xf32>, vector<16xi32>, vector<16xi1>) -> (vector<16xi1>, vector<16xf32>, vector<16xi32>)
        %rev3A_1722 = arith.constant 15 : i32
        %rev3A_1723 = vector.broadcast %rev3A_1722 : i32 to vector<16xi32>
        %rev3A_1724 = tpu.iota {dimensions = array<i32: 0>} : vector<16xi32>
        %rev3A_1725 = arith.subi %rev3A_1723, %rev3A_1724 : vector<16xi32>
        %rev3A_1726 = tpu.dynamic_gather %masked_sort3A_1720[%rev3A_1725] in [0] : vector<16xf32>, vector<16xi32> -> vector<16xf32>
        %rev3A_1727 = arith.constant 15 : i32
        %rev3A_1728 = vector.broadcast %rev3A_1727 : i32 to vector<16xi32>
        %rev3A_1729 = tpu.iota {dimensions = array<i32: 0>} : vector<16xi32>
        %rev3A_1730 = arith.subi %rev3A_1728, %rev3A_1729 : vector<16xi32>
        %rev3A_1731 = tpu.dynamic_gather %masked_sort3A_1721[%rev3A_1730] in [0] : vector<16xi32>, vector<16xi32> -> vector<16xi32>
        %gt3A_1732 = arith.cmpf ogt, %rev3A_1726, %masked_sort3A_1679 : vector<16xf32>
        %select_n3A_1733 = arith.select %gt3A_1732, %rev3A_1726, %masked_sort3A_1679 : vector<16xi1>, vector<16xf32>
        %select_n3A_1734 = arith.select %gt3A_1732, %rev3A_1731, %masked_sort3A_1680 : vector<16xi1>, vector<16xi32>
        %masked_sort3A_1735 = arith.constant dense<true> : vector<16xi1>
        %masked_sort3A_1736, %masked_sort3A_1737, %masked_sort3A_1738 = tpu.sort %select_n3A_1733, %select_n3A_1734 masked %masked_sort3A_1735 : (vector<16xf32>, vector<16xi32>, vector<16xi1>) -> (vector<16xi1>, vector<16xf32>, vector<16xi32>)
        %get3A_1739 = arith.constant 1 : i32
        %get3A_1740 = arith.index_cast %get3A_1739 : i32 to index
        %get3A_1741 = arith.constant 960 : index
        %get3A_1742 = tpu.vector_load %arg5[%get3A_1740, %get3A_1741] {strides = array<i32>} : memref<2x1024xf32, #tpu.memory_space<vmem>>, vector<16xf32>,
        %abs3A_1743 = math.absf %get3A_1742 : vector<16xf32>
        %add3A_1744 = arith.constant 960 : i32
        %add3A_1745 = vector.broadcast %add3A_1744 : i32 to vector<16xi32>
        %add3A_1746 = arith.addi %iota3A, %add3A_1745 : vector<16xi32>
        %masked_sort3A_1747 = arith.constant dense<true> : vector<16xi1>
        %masked_sort3A_1748, %masked_sort3A_1749, %masked_sort3A_1750 = tpu.sort %abs3A_1743, %add3A_1746 masked %masked_sort3A_1747 : (vector<16xf32>, vector<16xi32>, vector<16xi1>) -> (vector<16xi1>, vector<16xf32>, vector<16xi32>)
        %get3A_1751 = arith.constant 1 : i32
        %get3A_1752 = arith.index_cast %get3A_1751 : i32 to index
        %get3A_1753 = arith.constant 976 : index
        %get3A_1754 = tpu.vector_load %arg5[%get3A_1752, %get3A_1753] {strides = array<i32>} : memref<2x1024xf32, #tpu.memory_space<vmem>>, vector<16xf32>,
        %abs3A_1755 = math.absf %get3A_1754 : vector<16xf32>
        %add3A_1756 = arith.constant 976 : i32
        %add3A_1757 = vector.broadcast %add3A_1756 : i32 to vector<16xi32>
        %add3A_1758 = arith.addi %iota3A, %add3A_1757 : vector<16xi32>
        %masked_sort3A_1759 = arith.constant dense<true> : vector<16xi1>
        %masked_sort3A_1760, %masked_sort3A_1761, %masked_sort3A_1762 = tpu.sort %abs3A_1755, %add3A_1758 masked %masked_sort3A_1759 : (vector<16xf32>, vector<16xi32>, vector<16xi1>) -> (vector<16xi1>, vector<16xf32>, vector<16xi32>)
        %rev3A_1763 = arith.constant 15 : i32
        %rev3A_1764 = vector.broadcast %rev3A_1763 : i32 to vector<16xi32>
        %rev3A_1765 = tpu.iota {dimensions = array<i32: 0>} : vector<16xi32>
        %rev3A_1766 = arith.subi %rev3A_1764, %rev3A_1765 : vector<16xi32>
        %rev3A_1767 = tpu.dynamic_gather %masked_sort3A_1761[%rev3A_1766] in [0] : vector<16xf32>, vector<16xi32> -> vector<16xf32>
        %rev3A_1768 = arith.constant 15 : i32
        %rev3A_1769 = vector.broadcast %rev3A_1768 : i32 to vector<16xi32>
        %rev3A_1770 = tpu.iota {dimensions = array<i32: 0>} : vector<16xi32>
        %rev3A_1771 = arith.subi %rev3A_1769, %rev3A_1770 : vector<16xi32>
        %rev3A_1772 = tpu.dynamic_gather %masked_sort3A_1762[%rev3A_1771] in [0] : vector<16xi32>, vector<16xi32> -> vector<16xi32>
        %gt3A_1773 = arith.cmpf ogt, %rev3A_1767, %masked_sort3A_1749 : vector<16xf32>
        %select_n3A_1774 = arith.select %gt3A_1773, %rev3A_1767, %masked_sort3A_1749 : vector<16xi1>, vector<16xf32>
        %select_n3A_1775 = arith.select %gt3A_1773, %rev3A_1772, %masked_sort3A_1750 : vector<16xi1>, vector<16xi32>
        %masked_sort3A_1776 = arith.constant dense<true> : vector<16xi1>
        %masked_sort3A_1777, %masked_sort3A_1778, %masked_sort3A_1779 = tpu.sort %select_n3A_1774, %select_n3A_1775 masked %masked_sort3A_1776 : (vector<16xf32>, vector<16xi32>, vector<16xi1>) -> (vector<16xi1>, vector<16xf32>, vector<16xi32>)
        %get3A_1780 = arith.constant 1 : i32
        %get3A_1781 = arith.index_cast %get3A_1780 : i32 to index
        %get3A_1782 = arith.constant 992 : index
        %get3A_1783 = tpu.vector_load %arg5[%get3A_1781, %get3A_1782] {strides = array<i32>} : memref<2x1024xf32, #tpu.memory_space<vmem>>, vector<16xf32>,
        %abs3A_1784 = math.absf %get3A_1783 : vector<16xf32>
        %add3A_1785 = arith.constant 992 : i32
        %add3A_1786 = vector.broadcast %add3A_1785 : i32 to vector<16xi32>
        %add3A_1787 = arith.addi %iota3A, %add3A_1786 : vector<16xi32>
        %masked_sort3A_1788 = arith.constant dense<true> : vector<16xi1>
        %masked_sort3A_1789, %masked_sort3A_1790, %masked_sort3A_1791 = tpu.sort %abs3A_1784, %add3A_1787 masked %masked_sort3A_1788 : (vector<16xf32>, vector<16xi32>, vector<16xi1>) -> (vector<16xi1>, vector<16xf32>, vector<16xi32>)
        %get3A_1792 = arith.constant 1 : i32
        %get3A_1793 = arith.index_cast %get3A_1792 : i32 to index
        %get3A_1794 = arith.constant 1008 : index
        %get3A_1795 = tpu.vector_load %arg5[%get3A_1793, %get3A_1794] {strides = array<i32>} : memref<2x1024xf32, #tpu.memory_space<vmem>>, vector<16xf32>,
        %abs3A_1796 = math.absf %get3A_1795 : vector<16xf32>
        %add3A_1797 = arith.constant 1008 : i32
        %add3A_1798 = vector.broadcast %add3A_1797 : i32 to vector<16xi32>
        %add3A_1799 = arith.addi %iota3A, %add3A_1798 : vector<16xi32>
        %masked_sort3A_1800 = arith.constant dense<true> : vector<16xi1>
        %masked_sort3A_1801, %masked_sort3A_1802, %masked_sort3A_1803 = tpu.sort %abs3A_1796, %add3A_1799 masked %masked_sort3A_1800 : (vector<16xf32>, vector<16xi32>, vector<16xi1>) -> (vector<16xi1>, vector<16xf32>, vector<16xi32>)
        %rev3A_1804 = arith.constant 15 : i32
        %rev3A_1805 = vector.broadcast %rev3A_1804 : i32 to vector<16xi32>
        %rev3A_1806 = tpu.iota {dimensions = array<i32: 0>} : vector<16xi32>
        %rev3A_1807 = arith.subi %rev3A_1805, %rev3A_1806 : vector<16xi32>
        %rev3A_1808 = tpu.dynamic_gather %masked_sort3A_1802[%rev3A_1807] in [0] : vector<16xf32>, vector<16xi32> -> vector<16xf32>
        %rev3A_1809 = arith.constant 15 : i32
        %rev3A_1810 = vector.broadcast %rev3A_1809 : i32 to vector<16xi32>
        %rev3A_1811 = tpu.iota {dimensions = array<i32: 0>} : vector<16xi32>
        %rev3A_1812 = arith.subi %rev3A_1810, %rev3A_1811 : vector<16xi32>
        %rev3A_1813 = tpu.dynamic_gather %masked_sort3A_1803[%rev3A_1812] in [0] : vector<16xi32>, vector<16xi32> -> vector<16xi32>
        %gt3A_1814 = arith.cmpf ogt, %rev3A_1808, %masked_sort3A_1790 : vector<16xf32>
        %select_n3A_1815 = arith.select %gt3A_1814, %rev3A_1808, %masked_sort3A_1790 : vector<16xi1>, vector<16xf32>
        %select_n3A_1816 = arith.select %gt3A_1814, %rev3A_1813, %masked_sort3A_1791 : vector<16xi1>, vector<16xi32>
        %masked_sort3A_1817 = arith.constant dense<true> : vector<16xi1>
        %masked_sort3A_1818, %masked_sort3A_1819, %masked_sort3A_1820 = tpu.sort %select_n3A_1815, %select_n3A_1816 masked %masked_sort3A_1817 : (vector<16xf32>, vector<16xi32>, vector<16xi1>) -> (vector<16xi1>, vector<16xf32>, vector<16xi32>)
        %rev3A_1821 = arith.constant 15 : i32
        %rev3A_1822 = vector.broadcast %rev3A_1821 : i32 to vector<16xi32>
        %rev3A_1823 = tpu.iota {dimensions = array<i32: 0>} : vector<16xi32>
        %rev3A_1824 = arith.subi %rev3A_1822, %rev3A_1823 : vector<16xi32>
        %rev3A_1825 = tpu.dynamic_gather %masked_sort3A_1819[%rev3A_1824] in [0] : vector<16xf32>, vector<16xi32> -> vector<16xf32>
        %rev3A_1826 = arith.constant 15 : i32
        %rev3A_1827 = vector.broadcast %rev3A_1826 : i32 to vector<16xi32>
        %rev3A_1828 = tpu.iota {dimensions = array<i32: 0>} : vector<16xi32>
        %rev3A_1829 = arith.subi %rev3A_1827, %rev3A_1828 : vector<16xi32>
        %rev3A_1830 = tpu.dynamic_gather %masked_sort3A_1820[%rev3A_1829] in [0] : vector<16xi32>, vector<16xi32> -> vector<16xi32>
        %gt3A_1831 = arith.cmpf ogt, %rev3A_1825, %masked_sort3A_1778 : vector<16xf32>
        %select_n3A_1832 = arith.select %gt3A_1831, %rev3A_1825, %masked_sort3A_1778 : vector<16xi1>, vector<16xf32>
        %select_n3A_1833 = arith.select %gt3A_1831, %rev3A_1830, %masked_sort3A_1779 : vector<16xi1>, vector<16xi32>
        %masked_sort3A_1834 = arith.constant dense<true> : vector<16xi1>
        %masked_sort3A_1835, %masked_sort3A_1836, %masked_sort3A_1837 = tpu.sort %select_n3A_1832, %select_n3A_1833 masked %masked_sort3A_1834 : (vector<16xf32>, vector<16xi32>, vector<16xi1>) -> (vector<16xi1>, vector<16xf32>, vector<16xi32>)
        %rev3A_1838 = arith.constant 15 : i32
        %rev3A_1839 = vector.broadcast %rev3A_1838 : i32 to vector<16xi32>
        %rev3A_1840 = tpu.iota {dimensions = array<i32: 0>} : vector<16xi32>
        %rev3A_1841 = arith.subi %rev3A_1839, %rev3A_1840 : vector<16xi32>
        %rev3A_1842 = tpu.dynamic_gather %masked_sort3A_1836[%rev3A_1841] in [0] : vector<16xf32>, vector<16xi32> -> vector<16xf32>
        %rev3A_1843 = arith.constant 15 : i32
        %rev3A_1844 = vector.broadcast %rev3A_1843 : i32 to vector<16xi32>
        %rev3A_1845 = tpu.iota {dimensions = array<i32: 0>} : vector<16xi32>
        %rev3A_1846 = arith.subi %rev3A_1844, %rev3A_1845 : vector<16xi32>
        %rev3A_1847 = tpu.dynamic_gather %masked_sort3A_1837[%rev3A_1846] in [0] : vector<16xi32>, vector<16xi32> -> vector<16xi32>
        %gt3A_1848 = arith.cmpf ogt, %rev3A_1842, %masked_sort3A_1737 : vector<16xf32>
        %select_n3A_1849 = arith.select %gt3A_1848, %rev3A_1842, %masked_sort3A_1737 : vector<16xi1>, vector<16xf32>
        %select_n3A_1850 = arith.select %gt3A_1848, %rev3A_1847, %masked_sort3A_1738 : vector<16xi1>, vector<16xi32>
        %masked_sort3A_1851 = arith.constant dense<true> : vector<16xi1>
        %masked_sort3A_1852, %masked_sort3A_1853, %masked_sort3A_1854 = tpu.sort %select_n3A_1849, %select_n3A_1850 masked %masked_sort3A_1851 : (vector<16xf32>, vector<16xi32>, vector<16xi1>) -> (vector<16xi1>, vector<16xf32>, vector<16xi32>)
        %rev3A_1855 = arith.constant 15 : i32
        %rev3A_1856 = vector.broadcast %rev3A_1855 : i32 to vector<16xi32>
        %rev3A_1857 = tpu.iota {dimensions = array<i32: 0>} : vector<16xi32>
        %rev3A_1858 = arith.subi %rev3A_1856, %rev3A_1857 : vector<16xi32>
        %rev3A_1859 = tpu.dynamic_gather %masked_sort3A_1853[%rev3A_1858] in [0] : vector<16xf32>, vector<16xi32> -> vector<16xf32>
        %rev3A_1860 = arith.constant 15 : i32
        %rev3A_1861 = vector.broadcast %rev3A_1860 : i32 to vector<16xi32>
        %rev3A_1862 = tpu.iota {dimensions = array<i32: 0>} : vector<16xi32>
        %rev3A_1863 = arith.subi %rev3A_1861, %rev3A_1862 : vector<16xi32>
        %rev3A_1864 = tpu.dynamic_gather %masked_sort3A_1854[%rev3A_1863] in [0] : vector<16xi32>, vector<16xi32> -> vector<16xi32>
        %gt3A_1865 = arith.cmpf ogt, %rev3A_1859, %masked_sort3A_1638 : vector<16xf32>
        %select_n3A_1866 = arith.select %gt3A_1865, %rev3A_1859, %masked_sort3A_1638 : vector<16xi1>, vector<16xf32>
        %select_n3A_1867 = arith.select %gt3A_1865, %rev3A_1864, %masked_sort3A_1639 : vector<16xi1>, vector<16xi32>
        %masked_sort3A_1868 = arith.constant dense<true> : vector<16xi1>
        %masked_sort3A_1869, %masked_sort3A_1870, %masked_sort3A_1871 = tpu.sort %select_n3A_1866, %select_n3A_1867 masked %masked_sort3A_1868 : (vector<16xf32>, vector<16xi32>, vector<16xi1>) -> (vector<16xi1>, vector<16xf32>, vector<16xi32>)
        %rev3A_1872 = arith.constant 15 : i32
        %rev3A_1873 = vector.broadcast %rev3A_1872 : i32 to vector<16xi32>
        %rev3A_1874 = tpu.iota {dimensions = array<i32: 0>} : vector<16xi32>
        %rev3A_1875 = arith.subi %rev3A_1873, %rev3A_1874 : vector<16xi32>
        %rev3A_1876 = tpu.dynamic_gather %masked_sort3A_1870[%rev3A_1875] in [0] : vector<16xf32>, vector<16xi32> -> vector<16xf32>
        %rev3A_1877 = arith.constant 15 : i32
        %rev3A_1878 = vector.broadcast %rev3A_1877 : i32 to vector<16xi32>
        %rev3A_1879 = tpu.iota {dimensions = array<i32: 0>} : vector<16xi32>
        %rev3A_1880 = arith.subi %rev3A_1878, %rev3A_1879 : vector<16xi32>
        %rev3A_1881 = tpu.dynamic_gather %masked_sort3A_1871[%rev3A_1880] in [0] : vector<16xi32>, vector<16xi32> -> vector<16xi32>
        %gt3A_1882 = arith.cmpf ogt, %rev3A_1876, %masked_sort3A_1423 : vector<16xf32>
        %select_n3A_1883 = arith.select %gt3A_1882, %rev3A_1876, %masked_sort3A_1423 : vector<16xi1>, vector<16xf32>
        %select_n3A_1884 = arith.select %gt3A_1882, %rev3A_1881, %masked_sort3A_1424 : vector<16xi1>, vector<16xi32>
        %masked_sort3A_1885 = arith.constant dense<true> : vector<16xi1>
        %masked_sort3A_1886, %masked_sort3A_1887, %masked_sort3A_1888 = tpu.sort %select_n3A_1883, %select_n3A_1884 masked %masked_sort3A_1885 : (vector<16xf32>, vector<16xi32>, vector<16xi1>) -> (vector<16xi1>, vector<16xf32>, vector<16xi32>)
        %rev3A_1889 = arith.constant 15 : i32
        %rev3A_1890 = vector.broadcast %rev3A_1889 : i32 to vector<16xi32>
        %rev3A_1891 = tpu.iota {dimensions = array<i32: 0>} : vector<16xi32>
        %rev3A_1892 = arith.subi %rev3A_1890, %rev3A_1891 : vector<16xi32>
        %rev3A_1893 = tpu.dynamic_gather %masked_sort3A_1887[%rev3A_1892] in [0] : vector<16xf32>, vector<16xi32> -> vector<16xf32>
        %rev3A_1894 = arith.constant 15 : i32
        %rev3A_1895 = vector.broadcast %rev3A_1894 : i32 to vector<16xi32>
        %rev3A_1896 = tpu.iota {dimensions = array<i32: 0>} : vector<16xi32>
        %rev3A_1897 = arith.subi %rev3A_1895, %rev3A_1896 : vector<16xi32>
        %rev3A_1898 = tpu.dynamic_gather %masked_sort3A_1888[%rev3A_1897] in [0] : vector<16xi32>, vector<16xi32> -> vector<16xi32>
        %gt3A_1899 = arith.cmpf ogt, %rev3A_1893, %masked_sort3A_976 : vector<16xf32>
        %select_n3A_1900 = arith.select %gt3A_1899, %rev3A_1893, %masked_sort3A_976 : vector<16xi1>, vector<16xf32>
        %select_n3A_1901 = arith.select %gt3A_1899, %rev3A_1898, %masked_sort3A_977 : vector<16xi1>, vector<16xi32>
        %masked_sort3A_1902 = arith.constant dense<true> : vector<16xi1>
        %masked_sort3A_1903, %masked_sort3A_1904, %masked_sort3A_1905 = tpu.sort %select_n3A_1900, %select_n3A_1901 masked %masked_sort3A_1902 : (vector<16xf32>, vector<16xi32>, vector<16xi1>) -> (vector<16xi1>, vector<16xf32>, vector<16xi32>)
        %broadcast_in_dim3A = arith.constant 1 : i32
        %broadcast_in_dim3A_1906 = vector.broadcast %broadcast_in_dim3A : i32 to vector<16xi32>
        %gather3A = tpu.vector_load_idx %arg5[%broadcast_in_dim3A_1906, %masked_sort3A_1905] : memref<2x1024xf32, #tpu.memory_space<vmem>>[vector<16xi32>, vector<16xi32>], vector<16xf32>,
        %mul3A_1907 = arith.constant 16 : i32
        %mul3A_1908 = arith.muli %add3A_53, %mul3A_1907 : i32
        %add3A_1909 = vector.broadcast %mul3A_1908 : i32 to vector<16xi32>
        %add3A_1910 = arith.addi %add3A_1909, %iota3A : vector<16xi32>
        tpu.vector_store_idx %arg6[%add3A_1910], %gather3A : memref<10000xf32, #tpu.memory_space<vmem>>[vector<16xi32>], vector<16xf32>,
        %add3A_1911 = vector.broadcast %mul3A_1908 : i32 to vector<16xi32>
        %add3A_1912 = arith.addi %add3A_1911, %iota3A : vector<16xi32>
        %convert_element_type3A_1913 = arith.sitofp %masked_sort3A_1905 : vector<16xi32> to vector<16xf32>
        %mul3A_1914 = arith.constant 1.000000e+00 : f32
        %mul3A_1915 = vector.broadcast %mul3A_1914 : f32 to vector<16xf32>
        %mul3A_1916 = arith.mulf %mul3A_1915, %convert_element_type3A_1913 : vector<16xf32>
        tpu.vector_store_idx %arg7[%add3A_1912], %mul3A_1916 : memref<10000xf32, #tpu.memory_space<vmem>>[vector<16xi32>], vector<16xf32>,
        %add3A_1917 = arith.constant 2 : i32
        %add3A_1918 = arith.addi %add3A_53, %add3A_1917 : i32
        %lt3A_1919 = arith.constant 625 : i32
        %lt3A_1920 = arith.cmpi slt, %add3A_1918, %lt3A_1919 : i32
        %convert_element_type3A_1921 = arith.extui %lt3A_1920 : i1 to i32
        %cond3A_1922 = arith.constant 0 : i32
        %cond3A_1923 = arith.cmpi ne, %convert_element_type3A_1921, %cond3A_1922 : i32
        scf.if %cond3A_1923 {
          %add3A_1924 = arith.constant 2 : i32
          %add3A_1925 = arith.addi %add3A_53, %add3A_1924 : i32
          %add3A_1926 = arith.addi %add3A_4, %add3A_1925 : i32
          %dma_start3A_1927 = arith.constant 1 : i32
          %dma_start3A_1928 = arith.constant 1 : i32
          %dma_start3A_1929 = arith.constant 0 : i32
          %dma_start3A_1930 = tpu.memref_slice %arg5[%dma_start3A_1928, %dma_start3A_1929] : memref<2x1024xf32, #tpu.memory_space<vmem>> -> memref<1x1024xf32, #tpu.memory_space<vmem>>
          %dma_start3A_1931 = arith.constant 0 : i32
          %dma_start3A_1932 = tpu.memref_slice %arg2[%add3A_1926, %dma_start3A_1931] : memref<20000x1024xf32, #tpu.memory_space<hbm>> -> memref<1x1024xf32, #tpu.memory_space<hbm>>
          %dma_start3A_1933 = tpu.memref_slice %arg8[%dma_start3A_1927] : memref<2x!tpu.dma_semaphore, #tpu.memory_space<semaphore_mem>> -> memref<1x!tpu.dma_semaphore, #tpu.memory_space<semaphore_mem>>
          %dma_start3A_1934 = tpu.memref_squeeze %dma_start3A_1933 : memref<1x!tpu.dma_semaphore, #tpu.memory_space<semaphore_mem>> -> memref<!tpu.dma_semaphore, #tpu.memory_space<semaphore_mem>>
          %dma_start3A_1935 = arith.constant 1 : i32
          %dma_start3A_1936 = arith.constant 0 : i32
          %dma_start3A_1937 = tpu.memref_slice %arg5[%dma_start3A_1935, %dma_start3A_1936] : memref<2x1024xf32, #tpu.memory_space<vmem>> -> memref<1x1024xf32, #tpu.memory_space<vmem>>
          %dma_start3A_1938 = arith.constant 0 : i32
          %dma_start3A_1939 = tpu.memref_slice %arg2[%add3A_1926, %dma_start3A_1938] : memref<20000x1024xf32, #tpu.memory_space<hbm>> -> memref<1x1024xf32, #tpu.memory_space<hbm>>
          tpu.enqueue_dma source(%dma_start3A_1939 : memref<1x1024xf32, #tpu.memory_space<hbm>>) target(%dma_start3A_1937 : memref<1x1024xf32, #tpu.memory_space<vmem>>) target_semaphore(%dma_start3A_1934 : memref<!tpu.dma_semaphore, #tpu.memory_space<semaphore_mem>>)
        } else {
        }
      } else {
      }
      %scan3A_59 = arith.constant 0 : i32
      scf.yield %scan3A_59 : i32
    }
    %scan3A_39 = arith.constant 313 : i32
    %mul3A_40 = arith.constant 10000 : i32
    %mul3A_41 = arith.muli %add3A, %mul3A_40 : i32
    "tpu.region"() ({
      %run_scoped3A = tpu.sem_alloc : memref<!tpu.dma_semaphore, #tpu.memory_space<semaphore_mem>>
      %dma_start3A_42 = tpu.memref_slice %arg3[%mul3A_41] : memref<320000xf32, #tpu.memory_space<hbm>> -> memref<10000xf32, #tpu.memory_space<hbm>>
      %dma_start3A_43 = tpu.memref_slice %arg3[%mul3A_41] : memref<320000xf32, #tpu.memory_space<hbm>> -> memref<10000xf32, #tpu.memory_space<hbm>>
      tpu.enqueue_dma source(%arg6 : memref<10000xf32, #tpu.memory_space<vmem>>) target(%dma_start3A_43 : memref<10000xf32, #tpu.memory_space<hbm>>) target_semaphore(%run_scoped3A : memref<!tpu.dma_semaphore, #tpu.memory_space<semaphore_mem>>)
      %dma_wait3A = tpu.memref_slice %arg3[%mul3A_41] : memref<320000xf32, #tpu.memory_space<hbm>> -> memref<10000xf32, #tpu.memory_space<hbm>>
      %dma_wait3A_44 = tpu.memref_slice %arg3[%mul3A_41] : memref<320000xf32, #tpu.memory_space<hbm>> -> memref<10000xf32, #tpu.memory_space<hbm>>
      tpu.wait_dma2 semaphore(%run_scoped3A : memref<!tpu.dma_semaphore, #tpu.memory_space<semaphore_mem>>) src(%arg6 : memref<10000xf32, #tpu.memory_space<vmem>>) dst(%dma_wait3A_44 : memref<10000xf32, #tpu.memory_space<hbm>>)
      tpu.yield
    }) : () -> ()
    "tpu.region"() ({
      %run_scoped3A = tpu.sem_alloc : memref<!tpu.dma_semaphore, #tpu.memory_space<semaphore_mem>>
      %dma_start3A_42 = tpu.memref_slice %arg4[%mul3A_41] : memref<320000xf32, #tpu.memory_space<hbm>> -> memref<10000xf32, #tpu.memory_space<hbm>>
      %dma_start3A_43 = tpu.memref_slice %arg4[%mul3A_41] : memref<320000xf32, #tpu.memory_space<hbm>> -> memref<10000xf32, #tpu.memory_space<hbm>>
      tpu.enqueue_dma source(%arg7 : memref<10000xf32, #tpu.memory_space<vmem>>) target(%dma_start3A_43 : memref<10000xf32, #tpu.memory_space<hbm>>) target_semaphore(%run_scoped3A : memref<!tpu.dma_semaphore, #tpu.memory_space<semaphore_mem>>)
      %dma_wait3A = tpu.memref_slice %arg4[%mul3A_41] : memref<320000xf32, #tpu.memory_space<hbm>> -> memref<10000xf32, #tpu.memory_space<hbm>>
      %dma_wait3A_44 = tpu.memref_slice %arg4[%mul3A_41] : memref<320000xf32, #tpu.memory_space<hbm>> -> memref<10000xf32, #tpu.memory_space<hbm>>
      tpu.wait_dma2 semaphore(%run_scoped3A : memref<!tpu.dma_semaphore, #tpu.memory_space<semaphore_mem>>) src(%arg7 : memref<10000xf32, #tpu.memory_space<vmem>>) dst(%dma_wait3A_44 : memref<10000xf32, #tpu.memory_space<hbm>>)
      tpu.yield
    }) : () -> ()
    return
  }
}

module attributes {stable_mosaic.version = 14 : i64} {
  func.func @_render_body(%arg0: i32, %arg1: memref<2x512xf32, #tpu.memory_space<vmem>>, %arg2: memref<200x3xf32, #tpu.memory_space<vmem>>, %arg3: memref<200x2xf32, #tpu.memory_space<vmem>>, %arg4: memref<200x2xf32, #tpu.memory_space<vmem>>, %arg5: memref<200x1xf32, #tpu.memory_space<vmem>>, %arg6: memref<200x32xf32, #tpu.memory_space<vmem>>, %arg7: memref<200x32xf32, #tpu.memory_space<vmem>>, %arg8: memref<3x512xf32, #tpu.memory_space<vmem>>) attributes {dimension_semantics = [#tpu.dimension_semantics<arbitrary>], iteration_bounds = array<i64: 50>, scalar_prefetch = 0 : i64, scratch_operands = 0 : i64, tpu.core_type = #tpu.core_type<tc>, window_params = [{pipeline_mode = #tpu.pipeline_mode<synchronous>, transform_indices = @transform_0, window_bounds = array<i64: 2, 512>}, {transform_indices = @transform_1, window_bounds = array<i64: 200, 3>}, {transform_indices = @transform_2, window_bounds = array<i64: 200, 2>}, {transform_indices = @transform_3, window_bounds = array<i64: 200, 2>}, {transform_indices = @transform_4, window_bounds = array<i64: 200, 1>}, {transform_indices = @transform_5, window_bounds = array<i64: 200, 32>}, {transform_indices = @transform_6, window_bounds = array<i64: 200, 32>}, {pipeline_mode = #tpu.pipeline_mode<synchronous>, transform_indices = @transform_7, window_bounds = array<i64: 3, 512>}]} {
    %get3A = arith.constant 0 : index
    %get3A_0 = arith.constant 0 : index
    %get3A_1 = vector.load %arg1[%get3A, %get3A_0] : memref<2x512xf32, #tpu.memory_space<vmem>>, vector<1x512xf32>
    %get3A_2 = arith.constant 1 : index
    %get3A_3 = arith.constant 0 : index
    %get3A_4 = vector.load %arg1[%get3A_2, %get3A_3] : memref<2x512xf32, #tpu.memory_space<vmem>>, vector<1x512xf32>
    %get3A_5 = arith.constant 0 : index
    %get3A_6 = arith.constant 0 : index
    %get3A_7 = vector.load %arg3[%get3A_5, %get3A_6] : memref<200x2xf32, #tpu.memory_space<vmem>>, vector<200x1xf32>
    %get3A_8 = arith.constant 0 : index
    %get3A_9 = arith.constant 1 : index
    %get3A_10 = vector.load %arg3[%get3A_8, %get3A_9] : memref<200x2xf32, #tpu.memory_space<vmem>>, vector<200x1xf32>
    %sub3A = vector.broadcast %get3A_1 : vector<1x512xf32> to vector<200x512xf32>
    %sub3A_11 = vector.broadcast %get3A_7 : vector<200x1xf32> to vector<200x512xf32>
    %sub3A_12 = arith.subf %sub3A, %sub3A_11 : vector<200x512xf32>
    %sub3A_13 = vector.broadcast %get3A_4 : vector<1x512xf32> to vector<200x512xf32>
    %sub3A_14 = vector.broadcast %get3A_10 : vector<200x1xf32> to vector<200x512xf32>
    %sub3A_15 = arith.subf %sub3A_13, %sub3A_14 : vector<200x512xf32>
    %get3A_16 = arith.constant 0 : index
    %get3A_17 = arith.constant 0 : index
    %get3A_18 = vector.load %arg5[%get3A_16, %get3A_17] : memref<200x1xf32, #tpu.memory_space<vmem>>, vector<200x1xf32>
    %cos3A = math.cos %get3A_18 : vector<200x1xf32>
    %sin3A = math.sin %get3A_18 : vector<200x1xf32>
    %mul3A = vector.broadcast %cos3A : vector<200x1xf32> to vector<200x512xf32>
    %mul3A_19 = arith.mulf %mul3A, %sub3A_12 : vector<200x512xf32>
    %mul3A_20 = vector.broadcast %sin3A : vector<200x1xf32> to vector<200x512xf32>
    %mul3A_21 = arith.mulf %mul3A_20, %sub3A_15 : vector<200x512xf32>
    %add3A = arith.addf %mul3A_19, %mul3A_21 : vector<200x512xf32>
    %neg3A = arith.constant 0.000000e+00 : f32
    %neg3A_22 = vector.broadcast %neg3A : f32 to vector<200x1xf32>
    %neg3A_23 = arith.subf %neg3A_22, %sin3A : vector<200x1xf32>
    %mul3A_24 = vector.broadcast %neg3A_23 : vector<200x1xf32> to vector<200x512xf32>
    %mul3A_25 = arith.mulf %mul3A_24, %sub3A_12 : vector<200x512xf32>
    %mul3A_26 = vector.broadcast %cos3A : vector<200x1xf32> to vector<200x512xf32>
    %mul3A_27 = arith.mulf %mul3A_26, %sub3A_15 : vector<200x512xf32>
    %add3A_28 = arith.addf %mul3A_25, %mul3A_27 : vector<200x512xf32>
    %get3A_29 = arith.constant 0 : index
    %get3A_30 = arith.constant 0 : index
    %get3A_31 = vector.load %arg4[%get3A_29, %get3A_30] : memref<200x2xf32, #tpu.memory_space<vmem>>, vector<200x1xf32>
    %get3A_32 = arith.constant 0 : index
    %get3A_33 = arith.constant 1 : index
    %get3A_34 = vector.load %arg4[%get3A_32, %get3A_33] : memref<200x2xf32, #tpu.memory_space<vmem>>, vector<200x1xf32>
    %mul3A_35 = vector.broadcast %get3A_31 : vector<200x1xf32> to vector<200x512xf32>
    %mul3A_36 = arith.mulf %add3A, %mul3A_35 : vector<200x512xf32>
    %integer_pow3A = arith.mulf %mul3A_36, %mul3A_36 : vector<200x512xf32>
    %mul3A_37 = vector.broadcast %get3A_34 : vector<200x1xf32> to vector<200x512xf32>
    %mul3A_38 = arith.mulf %add3A_28, %mul3A_37 : vector<200x512xf32>
    %integer_pow3A_39 = arith.mulf %mul3A_38, %mul3A_38 : vector<200x512xf32>
    %add3A_40 = arith.addf %integer_pow3A, %integer_pow3A_39 : vector<200x512xf32>
    %mul3A_41 = arith.constant -5.000000e-01 : f32
    %mul3A_42 = vector.broadcast %mul3A_41 : f32 to vector<200x512xf32>
    %mul3A_43 = arith.mulf %mul3A_42, %add3A_40 : vector<200x512xf32>
    %exp3A = math.exp %mul3A_43 : vector<200x512xf32>
    %get3A_44 = arith.constant 0 : index
    %get3A_45 = arith.constant 0 : index
    %get3A_46 = vector.load %arg6[%get3A_44, %get3A_45] : memref<200x32xf32, #tpu.memory_space<vmem>>, vector<200x32xf32>
    %get3A_47 = arith.constant 0 : index
    %get3A_48 = arith.constant 0 : index
    %get3A_49 = vector.load %arg7[%get3A_47, %get3A_48] : memref<200x32xf32, #tpu.memory_space<vmem>>, vector<200x32xf32>
    %broadcast_in_dim3A = arith.constant 0.000000e+00 : f32
    %broadcast_in_dim3A_50 = vector.broadcast %broadcast_in_dim3A : f32 to vector<200x512xf32>
    %broadcast_in_dim3A_51 = arith.constant 0.000000e+00 : f32
    %broadcast_in_dim3A_52 = vector.broadcast %broadcast_in_dim3A_51 : f32 to vector<200x512xf32>
    %slice3A = vector.extract_strided_slice %get3A_46 {offsets = [0, 0], sizes = [200, 1], strides = [1, 1]} : vector<200x32xf32> to vector<200x1xf32>
    %slice3A_53 = vector.extract_strided_slice %get3A_49 {offsets = [0, 0], sizes = [200, 1], strides = [1, 1]} : vector<200x32xf32> to vector<200x1xf32>
    %mul3A_54 = vector.broadcast %slice3A_53 : vector<200x1xf32> to vector<200x512xf32>
    %mul3A_55 = arith.mulf %mul3A_54, %add3A : vector<200x512xf32>
    %round3A = math.roundeven %mul3A_55 : vector<200x512xf32>
    %sub3A_56 = arith.subf %mul3A_55, %round3A : vector<200x512xf32>
    %mul3A_57 = arith.mulf %sub3A_56, %sub3A_56 : vector<200x512xf32>
    %mul3A_58 = arith.constant -21.071106 : f32
    %mul3A_59 = vector.broadcast %mul3A_58 : f32 to vector<200x512xf32>
    %mul3A_60 = arith.mulf %mul3A_59, %mul3A_57 : vector<200x512xf32>
    %add3A_61 = arith.constant 58.7904968 : f32
    %add3A_62 = vector.broadcast %add3A_61 : f32 to vector<200x512xf32>
    %add3A_63 = arith.addf %mul3A_60, %add3A_62 : vector<200x512xf32>
    %mul3A_64 = arith.mulf %add3A_63, %mul3A_57 : vector<200x512xf32>
    %add3A_65 = arith.constant -85.2716217 : f32
    %add3A_66 = vector.broadcast %add3A_65 : f32 to vector<200x512xf32>
    %add3A_67 = arith.addf %mul3A_64, %add3A_66 : vector<200x512xf32>
    %mul3A_68 = arith.mulf %add3A_67, %mul3A_57 : vector<200x512xf32>
    %add3A_69 = arith.constant 64.9286575 : f32
    %add3A_70 = vector.broadcast %add3A_69 : f32 to vector<200x512xf32>
    %add3A_71 = arith.addf %mul3A_68, %add3A_70 : vector<200x512xf32>
    %mul3A_72 = arith.mulf %add3A_71, %mul3A_57 : vector<200x512xf32>
    %add3A_73 = arith.constant -19.7389812 : f32
    %add3A_74 = vector.broadcast %add3A_73 : f32 to vector<200x512xf32>
    %add3A_75 = arith.addf %mul3A_72, %add3A_74 : vector<200x512xf32>
    %mul3A_76 = arith.mulf %add3A_75, %mul3A_57 : vector<200x512xf32>
    %add3A_77 = arith.constant 0.999999225 : f32
    %add3A_78 = vector.broadcast %add3A_77 : f32 to vector<200x512xf32>
    %add3A_79 = arith.addf %mul3A_76, %add3A_78 : vector<200x512xf32>
    %mul3A_80 = vector.broadcast %slice3A : vector<200x1xf32> to vector<200x512xf32>
    %mul3A_81 = arith.mulf %mul3A_80, %add3A_79 : vector<200x512xf32>
    %add3A_82 = arith.addf %broadcast_in_dim3A_50, %mul3A_81 : vector<200x512xf32>
    %slice3A_83 = vector.extract_strided_slice %get3A_46 {offsets = [0, 16], sizes = [200, 1], strides = [1, 1]} : vector<200x32xf32> to vector<200x1xf32>
    %slice3A_84 = vector.extract_strided_slice %get3A_49 {offsets = [0, 16], sizes = [200, 1], strides = [1, 1]} : vector<200x32xf32> to vector<200x1xf32>
    %mul3A_85 = vector.broadcast %slice3A_84 : vector<200x1xf32> to vector<200x512xf32>
    %mul3A_86 = arith.mulf %mul3A_85, %add3A_28 : vector<200x512xf32>
    %round3A_87 = math.roundeven %mul3A_86 : vector<200x512xf32>
    %sub3A_88 = arith.subf %mul3A_86, %round3A_87 : vector<200x512xf32>
    %mul3A_89 = arith.mulf %sub3A_88, %sub3A_88 : vector<200x512xf32>
    %mul3A_90 = arith.constant -21.071106 : f32
    %mul3A_91 = vector.broadcast %mul3A_90 : f32 to vector<200x512xf32>
    %mul3A_92 = arith.mulf %mul3A_91, %mul3A_89 : vector<200x512xf32>
    %add3A_93 = arith.constant 58.7904968 : f32
    %add3A_94 = vector.broadcast %add3A_93 : f32 to vector<200x512xf32>
    %add3A_95 = arith.addf %mul3A_92, %add3A_94 : vector<200x512xf32>
    %mul3A_96 = arith.mulf %add3A_95, %mul3A_89 : vector<200x512xf32>
    %add3A_97 = arith.constant -85.2716217 : f32
    %add3A_98 = vector.broadcast %add3A_97 : f32 to vector<200x512xf32>
    %add3A_99 = arith.addf %mul3A_96, %add3A_98 : vector<200x512xf32>
    %mul3A_100 = arith.mulf %add3A_99, %mul3A_89 : vector<200x512xf32>
    %add3A_101 = arith.constant 64.9286575 : f32
    %add3A_102 = vector.broadcast %add3A_101 : f32 to vector<200x512xf32>
    %add3A_103 = arith.addf %mul3A_100, %add3A_102 : vector<200x512xf32>
    %mul3A_104 = arith.mulf %add3A_103, %mul3A_89 : vector<200x512xf32>
    %add3A_105 = arith.constant -19.7389812 : f32
    %add3A_106 = vector.broadcast %add3A_105 : f32 to vector<200x512xf32>
    %add3A_107 = arith.addf %mul3A_104, %add3A_106 : vector<200x512xf32>
    %mul3A_108 = arith.mulf %add3A_107, %mul3A_89 : vector<200x512xf32>
    %add3A_109 = arith.constant 0.999999225 : f32
    %add3A_110 = vector.broadcast %add3A_109 : f32 to vector<200x512xf32>
    %add3A_111 = arith.addf %mul3A_108, %add3A_110 : vector<200x512xf32>
    %mul3A_112 = vector.broadcast %slice3A_83 : vector<200x1xf32> to vector<200x512xf32>
    %mul3A_113 = arith.mulf %mul3A_112, %add3A_111 : vector<200x512xf32>
    %add3A_114 = arith.addf %broadcast_in_dim3A_52, %mul3A_113 : vector<200x512xf32>
    %slice3A_115 = vector.extract_strided_slice %get3A_46 {offsets = [0, 1], sizes = [200, 1], strides = [1, 1]} : vector<200x32xf32> to vector<200x1xf32>
    %slice3A_116 = vector.extract_strided_slice %get3A_49 {offsets = [0, 1], sizes = [200, 1], strides = [1, 1]} : vector<200x32xf32> to vector<200x1xf32>
    %mul3A_117 = vector.broadcast %slice3A_116 : vector<200x1xf32> to vector<200x512xf32>
    %mul3A_118 = arith.mulf %mul3A_117, %add3A : vector<200x512xf32>
    %round3A_119 = math.roundeven %mul3A_118 : vector<200x512xf32>
    %sub3A_120 = arith.subf %mul3A_118, %round3A_119 : vector<200x512xf32>
    %mul3A_121 = arith.mulf %sub3A_120, %sub3A_120 : vector<200x512xf32>
    %mul3A_122 = arith.constant -21.071106 : f32
    %mul3A_123 = vector.broadcast %mul3A_122 : f32 to vector<200x512xf32>
    %mul3A_124 = arith.mulf %mul3A_123, %mul3A_121 : vector<200x512xf32>
    %add3A_125 = arith.constant 58.7904968 : f32
    %add3A_126 = vector.broadcast %add3A_125 : f32 to vector<200x512xf32>
    %add3A_127 = arith.addf %mul3A_124, %add3A_126 : vector<200x512xf32>
    %mul3A_128 = arith.mulf %add3A_127, %mul3A_121 : vector<200x512xf32>
    %add3A_129 = arith.constant -85.2716217 : f32
    %add3A_130 = vector.broadcast %add3A_129 : f32 to vector<200x512xf32>
    %add3A_131 = arith.addf %mul3A_128, %add3A_130 : vector<200x512xf32>
    %mul3A_132 = arith.mulf %add3A_131, %mul3A_121 : vector<200x512xf32>
    %add3A_133 = arith.constant 64.9286575 : f32
    %add3A_134 = vector.broadcast %add3A_133 : f32 to vector<200x512xf32>
    %add3A_135 = arith.addf %mul3A_132, %add3A_134 : vector<200x512xf32>
    %mul3A_136 = arith.mulf %add3A_135, %mul3A_121 : vector<200x512xf32>
    %add3A_137 = arith.constant -19.7389812 : f32
    %add3A_138 = vector.broadcast %add3A_137 : f32 to vector<200x512xf32>
    %add3A_139 = arith.addf %mul3A_136, %add3A_138 : vector<200x512xf32>
    %mul3A_140 = arith.mulf %add3A_139, %mul3A_121 : vector<200x512xf32>
    %add3A_141 = arith.constant 0.999999225 : f32
    %add3A_142 = vector.broadcast %add3A_141 : f32 to vector<200x512xf32>
    %add3A_143 = arith.addf %mul3A_140, %add3A_142 : vector<200x512xf32>
    %mul3A_144 = vector.broadcast %slice3A_115 : vector<200x1xf32> to vector<200x512xf32>
    %mul3A_145 = arith.mulf %mul3A_144, %add3A_143 : vector<200x512xf32>
    %add3A_146 = arith.addf %add3A_82, %mul3A_145 : vector<200x512xf32>
    %slice3A_147 = vector.extract_strided_slice %get3A_46 {offsets = [0, 17], sizes = [200, 1], strides = [1, 1]} : vector<200x32xf32> to vector<200x1xf32>
    %slice3A_148 = vector.extract_strided_slice %get3A_49 {offsets = [0, 17], sizes = [200, 1], strides = [1, 1]} : vector<200x32xf32> to vector<200x1xf32>
    %mul3A_149 = vector.broadcast %slice3A_148 : vector<200x1xf32> to vector<200x512xf32>
    %mul3A_150 = arith.mulf %mul3A_149, %add3A_28 : vector<200x512xf32>
    %round3A_151 = math.roundeven %mul3A_150 : vector<200x512xf32>
    %sub3A_152 = arith.subf %mul3A_150, %round3A_151 : vector<200x512xf32>
    %mul3A_153 = arith.mulf %sub3A_152, %sub3A_152 : vector<200x512xf32>
    %mul3A_154 = arith.constant -21.071106 : f32
    %mul3A_155 = vector.broadcast %mul3A_154 : f32 to vector<200x512xf32>
    %mul3A_156 = arith.mulf %mul3A_155, %mul3A_153 : vector<200x512xf32>
    %add3A_157 = arith.constant 58.7904968 : f32
    %add3A_158 = vector.broadcast %add3A_157 : f32 to vector<200x512xf32>
    %add3A_159 = arith.addf %mul3A_156, %add3A_158 : vector<200x512xf32>
    %mul3A_160 = arith.mulf %add3A_159, %mul3A_153 : vector<200x512xf32>
    %add3A_161 = arith.constant -85.2716217 : f32
    %add3A_162 = vector.broadcast %add3A_161 : f32 to vector<200x512xf32>
    %add3A_163 = arith.addf %mul3A_160, %add3A_162 : vector<200x512xf32>
    %mul3A_164 = arith.mulf %add3A_163, %mul3A_153 : vector<200x512xf32>
    %add3A_165 = arith.constant 64.9286575 : f32
    %add3A_166 = vector.broadcast %add3A_165 : f32 to vector<200x512xf32>
    %add3A_167 = arith.addf %mul3A_164, %add3A_166 : vector<200x512xf32>
    %mul3A_168 = arith.mulf %add3A_167, %mul3A_153 : vector<200x512xf32>
    %add3A_169 = arith.constant -19.7389812 : f32
    %add3A_170 = vector.broadcast %add3A_169 : f32 to vector<200x512xf32>
    %add3A_171 = arith.addf %mul3A_168, %add3A_170 : vector<200x512xf32>
    %mul3A_172 = arith.mulf %add3A_171, %mul3A_153 : vector<200x512xf32>
    %add3A_173 = arith.constant 0.999999225 : f32
    %add3A_174 = vector.broadcast %add3A_173 : f32 to vector<200x512xf32>
    %add3A_175 = arith.addf %mul3A_172, %add3A_174 : vector<200x512xf32>
    %mul3A_176 = vector.broadcast %slice3A_147 : vector<200x1xf32> to vector<200x512xf32>
    %mul3A_177 = arith.mulf %mul3A_176, %add3A_175 : vector<200x512xf32>
    %add3A_178 = arith.addf %add3A_114, %mul3A_177 : vector<200x512xf32>
    %slice3A_179 = vector.extract_strided_slice %get3A_46 {offsets = [0, 2], sizes = [200, 1], strides = [1, 1]} : vector<200x32xf32> to vector<200x1xf32>
    %slice3A_180 = vector.extract_strided_slice %get3A_49 {offsets = [0, 2], sizes = [200, 1], strides = [1, 1]} : vector<200x32xf32> to vector<200x1xf32>
    %mul3A_181 = vector.broadcast %slice3A_180 : vector<200x1xf32> to vector<200x512xf32>
    %mul3A_182 = arith.mulf %mul3A_181, %add3A : vector<200x512xf32>
    %round3A_183 = math.roundeven %mul3A_182 : vector<200x512xf32>
    %sub3A_184 = arith.subf %mul3A_182, %round3A_183 : vector<200x512xf32>
    %mul3A_185 = arith.mulf %sub3A_184, %sub3A_184 : vector<200x512xf32>
    %mul3A_186 = arith.constant -21.071106 : f32
    %mul3A_187 = vector.broadcast %mul3A_186 : f32 to vector<200x512xf32>
    %mul3A_188 = arith.mulf %mul3A_187, %mul3A_185 : vector<200x512xf32>
    %add3A_189 = arith.constant 58.7904968 : f32
    %add3A_190 = vector.broadcast %add3A_189 : f32 to vector<200x512xf32>
    %add3A_191 = arith.addf %mul3A_188, %add3A_190 : vector<200x512xf32>
    %mul3A_192 = arith.mulf %add3A_191, %mul3A_185 : vector<200x512xf32>
    %add3A_193 = arith.constant -85.2716217 : f32
    %add3A_194 = vector.broadcast %add3A_193 : f32 to vector<200x512xf32>
    %add3A_195 = arith.addf %mul3A_192, %add3A_194 : vector<200x512xf32>
    %mul3A_196 = arith.mulf %add3A_195, %mul3A_185 : vector<200x512xf32>
    %add3A_197 = arith.constant 64.9286575 : f32
    %add3A_198 = vector.broadcast %add3A_197 : f32 to vector<200x512xf32>
    %add3A_199 = arith.addf %mul3A_196, %add3A_198 : vector<200x512xf32>
    %mul3A_200 = arith.mulf %add3A_199, %mul3A_185 : vector<200x512xf32>
    %add3A_201 = arith.constant -19.7389812 : f32
    %add3A_202 = vector.broadcast %add3A_201 : f32 to vector<200x512xf32>
    %add3A_203 = arith.addf %mul3A_200, %add3A_202 : vector<200x512xf32>
    %mul3A_204 = arith.mulf %add3A_203, %mul3A_185 : vector<200x512xf32>
    %add3A_205 = arith.constant 0.999999225 : f32
    %add3A_206 = vector.broadcast %add3A_205 : f32 to vector<200x512xf32>
    %add3A_207 = arith.addf %mul3A_204, %add3A_206 : vector<200x512xf32>
    %mul3A_208 = vector.broadcast %slice3A_179 : vector<200x1xf32> to vector<200x512xf32>
    %mul3A_209 = arith.mulf %mul3A_208, %add3A_207 : vector<200x512xf32>
    %add3A_210 = arith.addf %add3A_146, %mul3A_209 : vector<200x512xf32>
    %slice3A_211 = vector.extract_strided_slice %get3A_46 {offsets = [0, 18], sizes = [200, 1], strides = [1, 1]} : vector<200x32xf32> to vector<200x1xf32>
    %slice3A_212 = vector.extract_strided_slice %get3A_49 {offsets = [0, 18], sizes = [200, 1], strides = [1, 1]} : vector<200x32xf32> to vector<200x1xf32>
    %mul3A_213 = vector.broadcast %slice3A_212 : vector<200x1xf32> to vector<200x512xf32>
    %mul3A_214 = arith.mulf %mul3A_213, %add3A_28 : vector<200x512xf32>
    %round3A_215 = math.roundeven %mul3A_214 : vector<200x512xf32>
    %sub3A_216 = arith.subf %mul3A_214, %round3A_215 : vector<200x512xf32>
    %mul3A_217 = arith.mulf %sub3A_216, %sub3A_216 : vector<200x512xf32>
    %mul3A_218 = arith.constant -21.071106 : f32
    %mul3A_219 = vector.broadcast %mul3A_218 : f32 to vector<200x512xf32>
    %mul3A_220 = arith.mulf %mul3A_219, %mul3A_217 : vector<200x512xf32>
    %add3A_221 = arith.constant 58.7904968 : f32
    %add3A_222 = vector.broadcast %add3A_221 : f32 to vector<200x512xf32>
    %add3A_223 = arith.addf %mul3A_220, %add3A_222 : vector<200x512xf32>
    %mul3A_224 = arith.mulf %add3A_223, %mul3A_217 : vector<200x512xf32>
    %add3A_225 = arith.constant -85.2716217 : f32
    %add3A_226 = vector.broadcast %add3A_225 : f32 to vector<200x512xf32>
    %add3A_227 = arith.addf %mul3A_224, %add3A_226 : vector<200x512xf32>
    %mul3A_228 = arith.mulf %add3A_227, %mul3A_217 : vector<200x512xf32>
    %add3A_229 = arith.constant 64.9286575 : f32
    %add3A_230 = vector.broadcast %add3A_229 : f32 to vector<200x512xf32>
    %add3A_231 = arith.addf %mul3A_228, %add3A_230 : vector<200x512xf32>
    %mul3A_232 = arith.mulf %add3A_231, %mul3A_217 : vector<200x512xf32>
    %add3A_233 = arith.constant -19.7389812 : f32
    %add3A_234 = vector.broadcast %add3A_233 : f32 to vector<200x512xf32>
    %add3A_235 = arith.addf %mul3A_232, %add3A_234 : vector<200x512xf32>
    %mul3A_236 = arith.mulf %add3A_235, %mul3A_217 : vector<200x512xf32>
    %add3A_237 = arith.constant 0.999999225 : f32
    %add3A_238 = vector.broadcast %add3A_237 : f32 to vector<200x512xf32>
    %add3A_239 = arith.addf %mul3A_236, %add3A_238 : vector<200x512xf32>
    %mul3A_240 = vector.broadcast %slice3A_211 : vector<200x1xf32> to vector<200x512xf32>
    %mul3A_241 = arith.mulf %mul3A_240, %add3A_239 : vector<200x512xf32>
    %add3A_242 = arith.addf %add3A_178, %mul3A_241 : vector<200x512xf32>
    %slice3A_243 = vector.extract_strided_slice %get3A_46 {offsets = [0, 3], sizes = [200, 1], strides = [1, 1]} : vector<200x32xf32> to vector<200x1xf32>
    %slice3A_244 = vector.extract_strided_slice %get3A_49 {offsets = [0, 3], sizes = [200, 1], strides = [1, 1]} : vector<200x32xf32> to vector<200x1xf32>
    %mul3A_245 = vector.broadcast %slice3A_244 : vector<200x1xf32> to vector<200x512xf32>
    %mul3A_246 = arith.mulf %mul3A_245, %add3A : vector<200x512xf32>
    %round3A_247 = math.roundeven %mul3A_246 : vector<200x512xf32>
    %sub3A_248 = arith.subf %mul3A_246, %round3A_247 : vector<200x512xf32>
    %mul3A_249 = arith.mulf %sub3A_248, %sub3A_248 : vector<200x512xf32>
    %mul3A_250 = arith.constant -21.071106 : f32
    %mul3A_251 = vector.broadcast %mul3A_250 : f32 to vector<200x512xf32>
    %mul3A_252 = arith.mulf %mul3A_251, %mul3A_249 : vector<200x512xf32>
    %add3A_253 = arith.constant 58.7904968 : f32
    %add3A_254 = vector.broadcast %add3A_253 : f32 to vector<200x512xf32>
    %add3A_255 = arith.addf %mul3A_252, %add3A_254 : vector<200x512xf32>
    %mul3A_256 = arith.mulf %add3A_255, %mul3A_249 : vector<200x512xf32>
    %add3A_257 = arith.constant -85.2716217 : f32
    %add3A_258 = vector.broadcast %add3A_257 : f32 to vector<200x512xf32>
    %add3A_259 = arith.addf %mul3A_256, %add3A_258 : vector<200x512xf32>
    %mul3A_260 = arith.mulf %add3A_259, %mul3A_249 : vector<200x512xf32>
    %add3A_261 = arith.constant 64.9286575 : f32
    %add3A_262 = vector.broadcast %add3A_261 : f32 to vector<200x512xf32>
    %add3A_263 = arith.addf %mul3A_260, %add3A_262 : vector<200x512xf32>
    %mul3A_264 = arith.mulf %add3A_263, %mul3A_249 : vector<200x512xf32>
    %add3A_265 = arith.constant -19.7389812 : f32
    %add3A_266 = vector.broadcast %add3A_265 : f32 to vector<200x512xf32>
    %add3A_267 = arith.addf %mul3A_264, %add3A_266 : vector<200x512xf32>
    %mul3A_268 = arith.mulf %add3A_267, %mul3A_249 : vector<200x512xf32>
    %add3A_269 = arith.constant 0.999999225 : f32
    %add3A_270 = vector.broadcast %add3A_269 : f32 to vector<200x512xf32>
    %add3A_271 = arith.addf %mul3A_268, %add3A_270 : vector<200x512xf32>
    %mul3A_272 = vector.broadcast %slice3A_243 : vector<200x1xf32> to vector<200x512xf32>
    %mul3A_273 = arith.mulf %mul3A_272, %add3A_271 : vector<200x512xf32>
    %add3A_274 = arith.addf %add3A_210, %mul3A_273 : vector<200x512xf32>
    %slice3A_275 = vector.extract_strided_slice %get3A_46 {offsets = [0, 19], sizes = [200, 1], strides = [1, 1]} : vector<200x32xf32> to vector<200x1xf32>
    %slice3A_276 = vector.extract_strided_slice %get3A_49 {offsets = [0, 19], sizes = [200, 1], strides = [1, 1]} : vector<200x32xf32> to vector<200x1xf32>
    %mul3A_277 = vector.broadcast %slice3A_276 : vector<200x1xf32> to vector<200x512xf32>
    %mul3A_278 = arith.mulf %mul3A_277, %add3A_28 : vector<200x512xf32>
    %round3A_279 = math.roundeven %mul3A_278 : vector<200x512xf32>
    %sub3A_280 = arith.subf %mul3A_278, %round3A_279 : vector<200x512xf32>
    %mul3A_281 = arith.mulf %sub3A_280, %sub3A_280 : vector<200x512xf32>
    %mul3A_282 = arith.constant -21.071106 : f32
    %mul3A_283 = vector.broadcast %mul3A_282 : f32 to vector<200x512xf32>
    %mul3A_284 = arith.mulf %mul3A_283, %mul3A_281 : vector<200x512xf32>
    %add3A_285 = arith.constant 58.7904968 : f32
    %add3A_286 = vector.broadcast %add3A_285 : f32 to vector<200x512xf32>
    %add3A_287 = arith.addf %mul3A_284, %add3A_286 : vector<200x512xf32>
    %mul3A_288 = arith.mulf %add3A_287, %mul3A_281 : vector<200x512xf32>
    %add3A_289 = arith.constant -85.2716217 : f32
    %add3A_290 = vector.broadcast %add3A_289 : f32 to vector<200x512xf32>
    %add3A_291 = arith.addf %mul3A_288, %add3A_290 : vector<200x512xf32>
    %mul3A_292 = arith.mulf %add3A_291, %mul3A_281 : vector<200x512xf32>
    %add3A_293 = arith.constant 64.9286575 : f32
    %add3A_294 = vector.broadcast %add3A_293 : f32 to vector<200x512xf32>
    %add3A_295 = arith.addf %mul3A_292, %add3A_294 : vector<200x512xf32>
    %mul3A_296 = arith.mulf %add3A_295, %mul3A_281 : vector<200x512xf32>
    %add3A_297 = arith.constant -19.7389812 : f32
    %add3A_298 = vector.broadcast %add3A_297 : f32 to vector<200x512xf32>
    %add3A_299 = arith.addf %mul3A_296, %add3A_298 : vector<200x512xf32>
    %mul3A_300 = arith.mulf %add3A_299, %mul3A_281 : vector<200x512xf32>
    %add3A_301 = arith.constant 0.999999225 : f32
    %add3A_302 = vector.broadcast %add3A_301 : f32 to vector<200x512xf32>
    %add3A_303 = arith.addf %mul3A_300, %add3A_302 : vector<200x512xf32>
    %mul3A_304 = vector.broadcast %slice3A_275 : vector<200x1xf32> to vector<200x512xf32>
    %mul3A_305 = arith.mulf %mul3A_304, %add3A_303 : vector<200x512xf32>
    %add3A_306 = arith.addf %add3A_242, %mul3A_305 : vector<200x512xf32>
    %slice3A_307 = vector.extract_strided_slice %get3A_46 {offsets = [0, 4], sizes = [200, 1], strides = [1, 1]} : vector<200x32xf32> to vector<200x1xf32>
    %slice3A_308 = vector.extract_strided_slice %get3A_49 {offsets = [0, 4], sizes = [200, 1], strides = [1, 1]} : vector<200x32xf32> to vector<200x1xf32>
    %mul3A_309 = vector.broadcast %slice3A_308 : vector<200x1xf32> to vector<200x512xf32>
    %mul3A_310 = arith.mulf %mul3A_309, %add3A : vector<200x512xf32>
    %round3A_311 = math.roundeven %mul3A_310 : vector<200x512xf32>
    %sub3A_312 = arith.subf %mul3A_310, %round3A_311 : vector<200x512xf32>
    %mul3A_313 = arith.mulf %sub3A_312, %sub3A_312 : vector<200x512xf32>
    %mul3A_314 = arith.constant -21.071106 : f32
    %mul3A_315 = vector.broadcast %mul3A_314 : f32 to vector<200x512xf32>
    %mul3A_316 = arith.mulf %mul3A_315, %mul3A_313 : vector<200x512xf32>
    %add3A_317 = arith.constant 58.7904968 : f32
    %add3A_318 = vector.broadcast %add3A_317 : f32 to vector<200x512xf32>
    %add3A_319 = arith.addf %mul3A_316, %add3A_318 : vector<200x512xf32>
    %mul3A_320 = arith.mulf %add3A_319, %mul3A_313 : vector<200x512xf32>
    %add3A_321 = arith.constant -85.2716217 : f32
    %add3A_322 = vector.broadcast %add3A_321 : f32 to vector<200x512xf32>
    %add3A_323 = arith.addf %mul3A_320, %add3A_322 : vector<200x512xf32>
    %mul3A_324 = arith.mulf %add3A_323, %mul3A_313 : vector<200x512xf32>
    %add3A_325 = arith.constant 64.9286575 : f32
    %add3A_326 = vector.broadcast %add3A_325 : f32 to vector<200x512xf32>
    %add3A_327 = arith.addf %mul3A_324, %add3A_326 : vector<200x512xf32>
    %mul3A_328 = arith.mulf %add3A_327, %mul3A_313 : vector<200x512xf32>
    %add3A_329 = arith.constant -19.7389812 : f32
    %add3A_330 = vector.broadcast %add3A_329 : f32 to vector<200x512xf32>
    %add3A_331 = arith.addf %mul3A_328, %add3A_330 : vector<200x512xf32>
    %mul3A_332 = arith.mulf %add3A_331, %mul3A_313 : vector<200x512xf32>
    %add3A_333 = arith.constant 0.999999225 : f32
    %add3A_334 = vector.broadcast %add3A_333 : f32 to vector<200x512xf32>
    %add3A_335 = arith.addf %mul3A_332, %add3A_334 : vector<200x512xf32>
    %mul3A_336 = vector.broadcast %slice3A_307 : vector<200x1xf32> to vector<200x512xf32>
    %mul3A_337 = arith.mulf %mul3A_336, %add3A_335 : vector<200x512xf32>
    %add3A_338 = arith.addf %add3A_274, %mul3A_337 : vector<200x512xf32>
    %slice3A_339 = vector.extract_strided_slice %get3A_46 {offsets = [0, 20], sizes = [200, 1], strides = [1, 1]} : vector<200x32xf32> to vector<200x1xf32>
    %slice3A_340 = vector.extract_strided_slice %get3A_49 {offsets = [0, 20], sizes = [200, 1], strides = [1, 1]} : vector<200x32xf32> to vector<200x1xf32>
    %mul3A_341 = vector.broadcast %slice3A_340 : vector<200x1xf32> to vector<200x512xf32>
    %mul3A_342 = arith.mulf %mul3A_341, %add3A_28 : vector<200x512xf32>
    %round3A_343 = math.roundeven %mul3A_342 : vector<200x512xf32>
    %sub3A_344 = arith.subf %mul3A_342, %round3A_343 : vector<200x512xf32>
    %mul3A_345 = arith.mulf %sub3A_344, %sub3A_344 : vector<200x512xf32>
    %mul3A_346 = arith.constant -21.071106 : f32
    %mul3A_347 = vector.broadcast %mul3A_346 : f32 to vector<200x512xf32>
    %mul3A_348 = arith.mulf %mul3A_347, %mul3A_345 : vector<200x512xf32>
    %add3A_349 = arith.constant 58.7904968 : f32
    %add3A_350 = vector.broadcast %add3A_349 : f32 to vector<200x512xf32>
    %add3A_351 = arith.addf %mul3A_348, %add3A_350 : vector<200x512xf32>
    %mul3A_352 = arith.mulf %add3A_351, %mul3A_345 : vector<200x512xf32>
    %add3A_353 = arith.constant -85.2716217 : f32
    %add3A_354 = vector.broadcast %add3A_353 : f32 to vector<200x512xf32>
    %add3A_355 = arith.addf %mul3A_352, %add3A_354 : vector<200x512xf32>
    %mul3A_356 = arith.mulf %add3A_355, %mul3A_345 : vector<200x512xf32>
    %add3A_357 = arith.constant 64.9286575 : f32
    %add3A_358 = vector.broadcast %add3A_357 : f32 to vector<200x512xf32>
    %add3A_359 = arith.addf %mul3A_356, %add3A_358 : vector<200x512xf32>
    %mul3A_360 = arith.mulf %add3A_359, %mul3A_345 : vector<200x512xf32>
    %add3A_361 = arith.constant -19.7389812 : f32
    %add3A_362 = vector.broadcast %add3A_361 : f32 to vector<200x512xf32>
    %add3A_363 = arith.addf %mul3A_360, %add3A_362 : vector<200x512xf32>
    %mul3A_364 = arith.mulf %add3A_363, %mul3A_345 : vector<200x512xf32>
    %add3A_365 = arith.constant 0.999999225 : f32
    %add3A_366 = vector.broadcast %add3A_365 : f32 to vector<200x512xf32>
    %add3A_367 = arith.addf %mul3A_364, %add3A_366 : vector<200x512xf32>
    %mul3A_368 = vector.broadcast %slice3A_339 : vector<200x1xf32> to vector<200x512xf32>
    %mul3A_369 = arith.mulf %mul3A_368, %add3A_367 : vector<200x512xf32>
    %add3A_370 = arith.addf %add3A_306, %mul3A_369 : vector<200x512xf32>
    %slice3A_371 = vector.extract_strided_slice %get3A_46 {offsets = [0, 5], sizes = [200, 1], strides = [1, 1]} : vector<200x32xf32> to vector<200x1xf32>
    %slice3A_372 = vector.extract_strided_slice %get3A_49 {offsets = [0, 5], sizes = [200, 1], strides = [1, 1]} : vector<200x32xf32> to vector<200x1xf32>
    %mul3A_373 = vector.broadcast %slice3A_372 : vector<200x1xf32> to vector<200x512xf32>
    %mul3A_374 = arith.mulf %mul3A_373, %add3A : vector<200x512xf32>
    %round3A_375 = math.roundeven %mul3A_374 : vector<200x512xf32>
    %sub3A_376 = arith.subf %mul3A_374, %round3A_375 : vector<200x512xf32>
    %mul3A_377 = arith.mulf %sub3A_376, %sub3A_376 : vector<200x512xf32>
    %mul3A_378 = arith.constant -21.071106 : f32
    %mul3A_379 = vector.broadcast %mul3A_378 : f32 to vector<200x512xf32>
    %mul3A_380 = arith.mulf %mul3A_379, %mul3A_377 : vector<200x512xf32>
    %add3A_381 = arith.constant 58.7904968 : f32
    %add3A_382 = vector.broadcast %add3A_381 : f32 to vector<200x512xf32>
    %add3A_383 = arith.addf %mul3A_380, %add3A_382 : vector<200x512xf32>
    %mul3A_384 = arith.mulf %add3A_383, %mul3A_377 : vector<200x512xf32>
    %add3A_385 = arith.constant -85.2716217 : f32
    %add3A_386 = vector.broadcast %add3A_385 : f32 to vector<200x512xf32>
    %add3A_387 = arith.addf %mul3A_384, %add3A_386 : vector<200x512xf32>
    %mul3A_388 = arith.mulf %add3A_387, %mul3A_377 : vector<200x512xf32>
    %add3A_389 = arith.constant 64.9286575 : f32
    %add3A_390 = vector.broadcast %add3A_389 : f32 to vector<200x512xf32>
    %add3A_391 = arith.addf %mul3A_388, %add3A_390 : vector<200x512xf32>
    %mul3A_392 = arith.mulf %add3A_391, %mul3A_377 : vector<200x512xf32>
    %add3A_393 = arith.constant -19.7389812 : f32
    %add3A_394 = vector.broadcast %add3A_393 : f32 to vector<200x512xf32>
    %add3A_395 = arith.addf %mul3A_392, %add3A_394 : vector<200x512xf32>
    %mul3A_396 = arith.mulf %add3A_395, %mul3A_377 : vector<200x512xf32>
    %add3A_397 = arith.constant 0.999999225 : f32
    %add3A_398 = vector.broadcast %add3A_397 : f32 to vector<200x512xf32>
    %add3A_399 = arith.addf %mul3A_396, %add3A_398 : vector<200x512xf32>
    %mul3A_400 = vector.broadcast %slice3A_371 : vector<200x1xf32> to vector<200x512xf32>
    %mul3A_401 = arith.mulf %mul3A_400, %add3A_399 : vector<200x512xf32>
    %add3A_402 = arith.addf %add3A_338, %mul3A_401 : vector<200x512xf32>
    %slice3A_403 = vector.extract_strided_slice %get3A_46 {offsets = [0, 21], sizes = [200, 1], strides = [1, 1]} : vector<200x32xf32> to vector<200x1xf32>
    %slice3A_404 = vector.extract_strided_slice %get3A_49 {offsets = [0, 21], sizes = [200, 1], strides = [1, 1]} : vector<200x32xf32> to vector<200x1xf32>
    %mul3A_405 = vector.broadcast %slice3A_404 : vector<200x1xf32> to vector<200x512xf32>
    %mul3A_406 = arith.mulf %mul3A_405, %add3A_28 : vector<200x512xf32>
    %round3A_407 = math.roundeven %mul3A_406 : vector<200x512xf32>
    %sub3A_408 = arith.subf %mul3A_406, %round3A_407 : vector<200x512xf32>
    %mul3A_409 = arith.mulf %sub3A_408, %sub3A_408 : vector<200x512xf32>
    %mul3A_410 = arith.constant -21.071106 : f32
    %mul3A_411 = vector.broadcast %mul3A_410 : f32 to vector<200x512xf32>
    %mul3A_412 = arith.mulf %mul3A_411, %mul3A_409 : vector<200x512xf32>
    %add3A_413 = arith.constant 58.7904968 : f32
    %add3A_414 = vector.broadcast %add3A_413 : f32 to vector<200x512xf32>
    %add3A_415 = arith.addf %mul3A_412, %add3A_414 : vector<200x512xf32>
    %mul3A_416 = arith.mulf %add3A_415, %mul3A_409 : vector<200x512xf32>
    %add3A_417 = arith.constant -85.2716217 : f32
    %add3A_418 = vector.broadcast %add3A_417 : f32 to vector<200x512xf32>
    %add3A_419 = arith.addf %mul3A_416, %add3A_418 : vector<200x512xf32>
    %mul3A_420 = arith.mulf %add3A_419, %mul3A_409 : vector<200x512xf32>
    %add3A_421 = arith.constant 64.9286575 : f32
    %add3A_422 = vector.broadcast %add3A_421 : f32 to vector<200x512xf32>
    %add3A_423 = arith.addf %mul3A_420, %add3A_422 : vector<200x512xf32>
    %mul3A_424 = arith.mulf %add3A_423, %mul3A_409 : vector<200x512xf32>
    %add3A_425 = arith.constant -19.7389812 : f32
    %add3A_426 = vector.broadcast %add3A_425 : f32 to vector<200x512xf32>
    %add3A_427 = arith.addf %mul3A_424, %add3A_426 : vector<200x512xf32>
    %mul3A_428 = arith.mulf %add3A_427, %mul3A_409 : vector<200x512xf32>
    %add3A_429 = arith.constant 0.999999225 : f32
    %add3A_430 = vector.broadcast %add3A_429 : f32 to vector<200x512xf32>
    %add3A_431 = arith.addf %mul3A_428, %add3A_430 : vector<200x512xf32>
    %mul3A_432 = vector.broadcast %slice3A_403 : vector<200x1xf32> to vector<200x512xf32>
    %mul3A_433 = arith.mulf %mul3A_432, %add3A_431 : vector<200x512xf32>
    %add3A_434 = arith.addf %add3A_370, %mul3A_433 : vector<200x512xf32>
    %slice3A_435 = vector.extract_strided_slice %get3A_46 {offsets = [0, 6], sizes = [200, 1], strides = [1, 1]} : vector<200x32xf32> to vector<200x1xf32>
    %slice3A_436 = vector.extract_strided_slice %get3A_49 {offsets = [0, 6], sizes = [200, 1], strides = [1, 1]} : vector<200x32xf32> to vector<200x1xf32>
    %mul3A_437 = vector.broadcast %slice3A_436 : vector<200x1xf32> to vector<200x512xf32>
    %mul3A_438 = arith.mulf %mul3A_437, %add3A : vector<200x512xf32>
    %round3A_439 = math.roundeven %mul3A_438 : vector<200x512xf32>
    %sub3A_440 = arith.subf %mul3A_438, %round3A_439 : vector<200x512xf32>
    %mul3A_441 = arith.mulf %sub3A_440, %sub3A_440 : vector<200x512xf32>
    %mul3A_442 = arith.constant -21.071106 : f32
    %mul3A_443 = vector.broadcast %mul3A_442 : f32 to vector<200x512xf32>
    %mul3A_444 = arith.mulf %mul3A_443, %mul3A_441 : vector<200x512xf32>
    %add3A_445 = arith.constant 58.7904968 : f32
    %add3A_446 = vector.broadcast %add3A_445 : f32 to vector<200x512xf32>
    %add3A_447 = arith.addf %mul3A_444, %add3A_446 : vector<200x512xf32>
    %mul3A_448 = arith.mulf %add3A_447, %mul3A_441 : vector<200x512xf32>
    %add3A_449 = arith.constant -85.2716217 : f32
    %add3A_450 = vector.broadcast %add3A_449 : f32 to vector<200x512xf32>
    %add3A_451 = arith.addf %mul3A_448, %add3A_450 : vector<200x512xf32>
    %mul3A_452 = arith.mulf %add3A_451, %mul3A_441 : vector<200x512xf32>
    %add3A_453 = arith.constant 64.9286575 : f32
    %add3A_454 = vector.broadcast %add3A_453 : f32 to vector<200x512xf32>
    %add3A_455 = arith.addf %mul3A_452, %add3A_454 : vector<200x512xf32>
    %mul3A_456 = arith.mulf %add3A_455, %mul3A_441 : vector<200x512xf32>
    %add3A_457 = arith.constant -19.7389812 : f32
    %add3A_458 = vector.broadcast %add3A_457 : f32 to vector<200x512xf32>
    %add3A_459 = arith.addf %mul3A_456, %add3A_458 : vector<200x512xf32>
    %mul3A_460 = arith.mulf %add3A_459, %mul3A_441 : vector<200x512xf32>
    %add3A_461 = arith.constant 0.999999225 : f32
    %add3A_462 = vector.broadcast %add3A_461 : f32 to vector<200x512xf32>
    %add3A_463 = arith.addf %mul3A_460, %add3A_462 : vector<200x512xf32>
    %mul3A_464 = vector.broadcast %slice3A_435 : vector<200x1xf32> to vector<200x512xf32>
    %mul3A_465 = arith.mulf %mul3A_464, %add3A_463 : vector<200x512xf32>
    %add3A_466 = arith.addf %add3A_402, %mul3A_465 : vector<200x512xf32>
    %slice3A_467 = vector.extract_strided_slice %get3A_46 {offsets = [0, 22], sizes = [200, 1], strides = [1, 1]} : vector<200x32xf32> to vector<200x1xf32>
    %slice3A_468 = vector.extract_strided_slice %get3A_49 {offsets = [0, 22], sizes = [200, 1], strides = [1, 1]} : vector<200x32xf32> to vector<200x1xf32>
    %mul3A_469 = vector.broadcast %slice3A_468 : vector<200x1xf32> to vector<200x512xf32>
    %mul3A_470 = arith.mulf %mul3A_469, %add3A_28 : vector<200x512xf32>
    %round3A_471 = math.roundeven %mul3A_470 : vector<200x512xf32>
    %sub3A_472 = arith.subf %mul3A_470, %round3A_471 : vector<200x512xf32>
    %mul3A_473 = arith.mulf %sub3A_472, %sub3A_472 : vector<200x512xf32>
    %mul3A_474 = arith.constant -21.071106 : f32
    %mul3A_475 = vector.broadcast %mul3A_474 : f32 to vector<200x512xf32>
    %mul3A_476 = arith.mulf %mul3A_475, %mul3A_473 : vector<200x512xf32>
    %add3A_477 = arith.constant 58.7904968 : f32
    %add3A_478 = vector.broadcast %add3A_477 : f32 to vector<200x512xf32>
    %add3A_479 = arith.addf %mul3A_476, %add3A_478 : vector<200x512xf32>
    %mul3A_480 = arith.mulf %add3A_479, %mul3A_473 : vector<200x512xf32>
    %add3A_481 = arith.constant -85.2716217 : f32
    %add3A_482 = vector.broadcast %add3A_481 : f32 to vector<200x512xf32>
    %add3A_483 = arith.addf %mul3A_480, %add3A_482 : vector<200x512xf32>
    %mul3A_484 = arith.mulf %add3A_483, %mul3A_473 : vector<200x512xf32>
    %add3A_485 = arith.constant 64.9286575 : f32
    %add3A_486 = vector.broadcast %add3A_485 : f32 to vector<200x512xf32>
    %add3A_487 = arith.addf %mul3A_484, %add3A_486 : vector<200x512xf32>
    %mul3A_488 = arith.mulf %add3A_487, %mul3A_473 : vector<200x512xf32>
    %add3A_489 = arith.constant -19.7389812 : f32
    %add3A_490 = vector.broadcast %add3A_489 : f32 to vector<200x512xf32>
    %add3A_491 = arith.addf %mul3A_488, %add3A_490 : vector<200x512xf32>
    %mul3A_492 = arith.mulf %add3A_491, %mul3A_473 : vector<200x512xf32>
    %add3A_493 = arith.constant 0.999999225 : f32
    %add3A_494 = vector.broadcast %add3A_493 : f32 to vector<200x512xf32>
    %add3A_495 = arith.addf %mul3A_492, %add3A_494 : vector<200x512xf32>
    %mul3A_496 = vector.broadcast %slice3A_467 : vector<200x1xf32> to vector<200x512xf32>
    %mul3A_497 = arith.mulf %mul3A_496, %add3A_495 : vector<200x512xf32>
    %add3A_498 = arith.addf %add3A_434, %mul3A_497 : vector<200x512xf32>
    %slice3A_499 = vector.extract_strided_slice %get3A_46 {offsets = [0, 7], sizes = [200, 1], strides = [1, 1]} : vector<200x32xf32> to vector<200x1xf32>
    %slice3A_500 = vector.extract_strided_slice %get3A_49 {offsets = [0, 7], sizes = [200, 1], strides = [1, 1]} : vector<200x32xf32> to vector<200x1xf32>
    %mul3A_501 = vector.broadcast %slice3A_500 : vector<200x1xf32> to vector<200x512xf32>
    %mul3A_502 = arith.mulf %mul3A_501, %add3A : vector<200x512xf32>
    %round3A_503 = math.roundeven %mul3A_502 : vector<200x512xf32>
    %sub3A_504 = arith.subf %mul3A_502, %round3A_503 : vector<200x512xf32>
    %mul3A_505 = arith.mulf %sub3A_504, %sub3A_504 : vector<200x512xf32>
    %mul3A_506 = arith.constant -21.071106 : f32
    %mul3A_507 = vector.broadcast %mul3A_506 : f32 to vector<200x512xf32>
    %mul3A_508 = arith.mulf %mul3A_507, %mul3A_505 : vector<200x512xf32>
    %add3A_509 = arith.constant 58.7904968 : f32
    %add3A_510 = vector.broadcast %add3A_509 : f32 to vector<200x512xf32>
    %add3A_511 = arith.addf %mul3A_508, %add3A_510 : vector<200x512xf32>
    %mul3A_512 = arith.mulf %add3A_511, %mul3A_505 : vector<200x512xf32>
    %add3A_513 = arith.constant -85.2716217 : f32
    %add3A_514 = vector.broadcast %add3A_513 : f32 to vector<200x512xf32>
    %add3A_515 = arith.addf %mul3A_512, %add3A_514 : vector<200x512xf32>
    %mul3A_516 = arith.mulf %add3A_515, %mul3A_505 : vector<200x512xf32>
    %add3A_517 = arith.constant 64.9286575 : f32
    %add3A_518 = vector.broadcast %add3A_517 : f32 to vector<200x512xf32>
    %add3A_519 = arith.addf %mul3A_516, %add3A_518 : vector<200x512xf32>
    %mul3A_520 = arith.mulf %add3A_519, %mul3A_505 : vector<200x512xf32>
    %add3A_521 = arith.constant -19.7389812 : f32
    %add3A_522 = vector.broadcast %add3A_521 : f32 to vector<200x512xf32>
    %add3A_523 = arith.addf %mul3A_520, %add3A_522 : vector<200x512xf32>
    %mul3A_524 = arith.mulf %add3A_523, %mul3A_505 : vector<200x512xf32>
    %add3A_525 = arith.constant 0.999999225 : f32
    %add3A_526 = vector.broadcast %add3A_525 : f32 to vector<200x512xf32>
    %add3A_527 = arith.addf %mul3A_524, %add3A_526 : vector<200x512xf32>
    %mul3A_528 = vector.broadcast %slice3A_499 : vector<200x1xf32> to vector<200x512xf32>
    %mul3A_529 = arith.mulf %mul3A_528, %add3A_527 : vector<200x512xf32>
    %add3A_530 = arith.addf %add3A_466, %mul3A_529 : vector<200x512xf32>
    %slice3A_531 = vector.extract_strided_slice %get3A_46 {offsets = [0, 23], sizes = [200, 1], strides = [1, 1]} : vector<200x32xf32> to vector<200x1xf32>
    %slice3A_532 = vector.extract_strided_slice %get3A_49 {offsets = [0, 23], sizes = [200, 1], strides = [1, 1]} : vector<200x32xf32> to vector<200x1xf32>
    %mul3A_533 = vector.broadcast %slice3A_532 : vector<200x1xf32> to vector<200x512xf32>
    %mul3A_534 = arith.mulf %mul3A_533, %add3A_28 : vector<200x512xf32>
    %round3A_535 = math.roundeven %mul3A_534 : vector<200x512xf32>
    %sub3A_536 = arith.subf %mul3A_534, %round3A_535 : vector<200x512xf32>
    %mul3A_537 = arith.mulf %sub3A_536, %sub3A_536 : vector<200x512xf32>
    %mul3A_538 = arith.constant -21.071106 : f32
    %mul3A_539 = vector.broadcast %mul3A_538 : f32 to vector<200x512xf32>
    %mul3A_540 = arith.mulf %mul3A_539, %mul3A_537 : vector<200x512xf32>
    %add3A_541 = arith.constant 58.7904968 : f32
    %add3A_542 = vector.broadcast %add3A_541 : f32 to vector<200x512xf32>
    %add3A_543 = arith.addf %mul3A_540, %add3A_542 : vector<200x512xf32>
    %mul3A_544 = arith.mulf %add3A_543, %mul3A_537 : vector<200x512xf32>
    %add3A_545 = arith.constant -85.2716217 : f32
    %add3A_546 = vector.broadcast %add3A_545 : f32 to vector<200x512xf32>
    %add3A_547 = arith.addf %mul3A_544, %add3A_546 : vector<200x512xf32>
    %mul3A_548 = arith.mulf %add3A_547, %mul3A_537 : vector<200x512xf32>
    %add3A_549 = arith.constant 64.9286575 : f32
    %add3A_550 = vector.broadcast %add3A_549 : f32 to vector<200x512xf32>
    %add3A_551 = arith.addf %mul3A_548, %add3A_550 : vector<200x512xf32>
    %mul3A_552 = arith.mulf %add3A_551, %mul3A_537 : vector<200x512xf32>
    %add3A_553 = arith.constant -19.7389812 : f32
    %add3A_554 = vector.broadcast %add3A_553 : f32 to vector<200x512xf32>
    %add3A_555 = arith.addf %mul3A_552, %add3A_554 : vector<200x512xf32>
    %mul3A_556 = arith.mulf %add3A_555, %mul3A_537 : vector<200x512xf32>
    %add3A_557 = arith.constant 0.999999225 : f32
    %add3A_558 = vector.broadcast %add3A_557 : f32 to vector<200x512xf32>
    %add3A_559 = arith.addf %mul3A_556, %add3A_558 : vector<200x512xf32>
    %mul3A_560 = vector.broadcast %slice3A_531 : vector<200x1xf32> to vector<200x512xf32>
    %mul3A_561 = arith.mulf %mul3A_560, %add3A_559 : vector<200x512xf32>
    %add3A_562 = arith.addf %add3A_498, %mul3A_561 : vector<200x512xf32>
    %slice3A_563 = vector.extract_strided_slice %get3A_46 {offsets = [0, 8], sizes = [200, 1], strides = [1, 1]} : vector<200x32xf32> to vector<200x1xf32>
    %slice3A_564 = vector.extract_strided_slice %get3A_49 {offsets = [0, 8], sizes = [200, 1], strides = [1, 1]} : vector<200x32xf32> to vector<200x1xf32>
    %mul3A_565 = vector.broadcast %slice3A_564 : vector<200x1xf32> to vector<200x512xf32>
    %mul3A_566 = arith.mulf %mul3A_565, %add3A : vector<200x512xf32>
    %round3A_567 = math.roundeven %mul3A_566 : vector<200x512xf32>
    %sub3A_568 = arith.subf %mul3A_566, %round3A_567 : vector<200x512xf32>
    %mul3A_569 = arith.mulf %sub3A_568, %sub3A_568 : vector<200x512xf32>
    %mul3A_570 = arith.constant -21.071106 : f32
    %mul3A_571 = vector.broadcast %mul3A_570 : f32 to vector<200x512xf32>
    %mul3A_572 = arith.mulf %mul3A_571, %mul3A_569 : vector<200x512xf32>
    %add3A_573 = arith.constant 58.7904968 : f32
    %add3A_574 = vector.broadcast %add3A_573 : f32 to vector<200x512xf32>
    %add3A_575 = arith.addf %mul3A_572, %add3A_574 : vector<200x512xf32>
    %mul3A_576 = arith.mulf %add3A_575, %mul3A_569 : vector<200x512xf32>
    %add3A_577 = arith.constant -85.2716217 : f32
    %add3A_578 = vector.broadcast %add3A_577 : f32 to vector<200x512xf32>
    %add3A_579 = arith.addf %mul3A_576, %add3A_578 : vector<200x512xf32>
    %mul3A_580 = arith.mulf %add3A_579, %mul3A_569 : vector<200x512xf32>
    %add3A_581 = arith.constant 64.9286575 : f32
    %add3A_582 = vector.broadcast %add3A_581 : f32 to vector<200x512xf32>
    %add3A_583 = arith.addf %mul3A_580, %add3A_582 : vector<200x512xf32>
    %mul3A_584 = arith.mulf %add3A_583, %mul3A_569 : vector<200x512xf32>
    %add3A_585 = arith.constant -19.7389812 : f32
    %add3A_586 = vector.broadcast %add3A_585 : f32 to vector<200x512xf32>
    %add3A_587 = arith.addf %mul3A_584, %add3A_586 : vector<200x512xf32>
    %mul3A_588 = arith.mulf %add3A_587, %mul3A_569 : vector<200x512xf32>
    %add3A_589 = arith.constant 0.999999225 : f32
    %add3A_590 = vector.broadcast %add3A_589 : f32 to vector<200x512xf32>
    %add3A_591 = arith.addf %mul3A_588, %add3A_590 : vector<200x512xf32>
    %mul3A_592 = vector.broadcast %slice3A_563 : vector<200x1xf32> to vector<200x512xf32>
    %mul3A_593 = arith.mulf %mul3A_592, %add3A_591 : vector<200x512xf32>
    %add3A_594 = arith.addf %add3A_530, %mul3A_593 : vector<200x512xf32>
    %slice3A_595 = vector.extract_strided_slice %get3A_46 {offsets = [0, 24], sizes = [200, 1], strides = [1, 1]} : vector<200x32xf32> to vector<200x1xf32>
    %slice3A_596 = vector.extract_strided_slice %get3A_49 {offsets = [0, 24], sizes = [200, 1], strides = [1, 1]} : vector<200x32xf32> to vector<200x1xf32>
    %mul3A_597 = vector.broadcast %slice3A_596 : vector<200x1xf32> to vector<200x512xf32>
    %mul3A_598 = arith.mulf %mul3A_597, %add3A_28 : vector<200x512xf32>
    %round3A_599 = math.roundeven %mul3A_598 : vector<200x512xf32>
    %sub3A_600 = arith.subf %mul3A_598, %round3A_599 : vector<200x512xf32>
    %mul3A_601 = arith.mulf %sub3A_600, %sub3A_600 : vector<200x512xf32>
    %mul3A_602 = arith.constant -21.071106 : f32
    %mul3A_603 = vector.broadcast %mul3A_602 : f32 to vector<200x512xf32>
    %mul3A_604 = arith.mulf %mul3A_603, %mul3A_601 : vector<200x512xf32>
    %add3A_605 = arith.constant 58.7904968 : f32
    %add3A_606 = vector.broadcast %add3A_605 : f32 to vector<200x512xf32>
    %add3A_607 = arith.addf %mul3A_604, %add3A_606 : vector<200x512xf32>
    %mul3A_608 = arith.mulf %add3A_607, %mul3A_601 : vector<200x512xf32>
    %add3A_609 = arith.constant -85.2716217 : f32
    %add3A_610 = vector.broadcast %add3A_609 : f32 to vector<200x512xf32>
    %add3A_611 = arith.addf %mul3A_608, %add3A_610 : vector<200x512xf32>
    %mul3A_612 = arith.mulf %add3A_611, %mul3A_601 : vector<200x512xf32>
    %add3A_613 = arith.constant 64.9286575 : f32
    %add3A_614 = vector.broadcast %add3A_613 : f32 to vector<200x512xf32>
    %add3A_615 = arith.addf %mul3A_612, %add3A_614 : vector<200x512xf32>
    %mul3A_616 = arith.mulf %add3A_615, %mul3A_601 : vector<200x512xf32>
    %add3A_617 = arith.constant -19.7389812 : f32
    %add3A_618 = vector.broadcast %add3A_617 : f32 to vector<200x512xf32>
    %add3A_619 = arith.addf %mul3A_616, %add3A_618 : vector<200x512xf32>
    %mul3A_620 = arith.mulf %add3A_619, %mul3A_601 : vector<200x512xf32>
    %add3A_621 = arith.constant 0.999999225 : f32
    %add3A_622 = vector.broadcast %add3A_621 : f32 to vector<200x512xf32>
    %add3A_623 = arith.addf %mul3A_620, %add3A_622 : vector<200x512xf32>
    %mul3A_624 = vector.broadcast %slice3A_595 : vector<200x1xf32> to vector<200x512xf32>
    %mul3A_625 = arith.mulf %mul3A_624, %add3A_623 : vector<200x512xf32>
    %add3A_626 = arith.addf %add3A_562, %mul3A_625 : vector<200x512xf32>
    %slice3A_627 = vector.extract_strided_slice %get3A_46 {offsets = [0, 9], sizes = [200, 1], strides = [1, 1]} : vector<200x32xf32> to vector<200x1xf32>
    %slice3A_628 = vector.extract_strided_slice %get3A_49 {offsets = [0, 9], sizes = [200, 1], strides = [1, 1]} : vector<200x32xf32> to vector<200x1xf32>
    %mul3A_629 = vector.broadcast %slice3A_628 : vector<200x1xf32> to vector<200x512xf32>
    %mul3A_630 = arith.mulf %mul3A_629, %add3A : vector<200x512xf32>
    %round3A_631 = math.roundeven %mul3A_630 : vector<200x512xf32>
    %sub3A_632 = arith.subf %mul3A_630, %round3A_631 : vector<200x512xf32>
    %mul3A_633 = arith.mulf %sub3A_632, %sub3A_632 : vector<200x512xf32>
    %mul3A_634 = arith.constant -21.071106 : f32
    %mul3A_635 = vector.broadcast %mul3A_634 : f32 to vector<200x512xf32>
    %mul3A_636 = arith.mulf %mul3A_635, %mul3A_633 : vector<200x512xf32>
    %add3A_637 = arith.constant 58.7904968 : f32
    %add3A_638 = vector.broadcast %add3A_637 : f32 to vector<200x512xf32>
    %add3A_639 = arith.addf %mul3A_636, %add3A_638 : vector<200x512xf32>
    %mul3A_640 = arith.mulf %add3A_639, %mul3A_633 : vector<200x512xf32>
    %add3A_641 = arith.constant -85.2716217 : f32
    %add3A_642 = vector.broadcast %add3A_641 : f32 to vector<200x512xf32>
    %add3A_643 = arith.addf %mul3A_640, %add3A_642 : vector<200x512xf32>
    %mul3A_644 = arith.mulf %add3A_643, %mul3A_633 : vector<200x512xf32>
    %add3A_645 = arith.constant 64.9286575 : f32
    %add3A_646 = vector.broadcast %add3A_645 : f32 to vector<200x512xf32>
    %add3A_647 = arith.addf %mul3A_644, %add3A_646 : vector<200x512xf32>
    %mul3A_648 = arith.mulf %add3A_647, %mul3A_633 : vector<200x512xf32>
    %add3A_649 = arith.constant -19.7389812 : f32
    %add3A_650 = vector.broadcast %add3A_649 : f32 to vector<200x512xf32>
    %add3A_651 = arith.addf %mul3A_648, %add3A_650 : vector<200x512xf32>
    %mul3A_652 = arith.mulf %add3A_651, %mul3A_633 : vector<200x512xf32>
    %add3A_653 = arith.constant 0.999999225 : f32
    %add3A_654 = vector.broadcast %add3A_653 : f32 to vector<200x512xf32>
    %add3A_655 = arith.addf %mul3A_652, %add3A_654 : vector<200x512xf32>
    %mul3A_656 = vector.broadcast %slice3A_627 : vector<200x1xf32> to vector<200x512xf32>
    %mul3A_657 = arith.mulf %mul3A_656, %add3A_655 : vector<200x512xf32>
    %add3A_658 = arith.addf %add3A_594, %mul3A_657 : vector<200x512xf32>
    %slice3A_659 = vector.extract_strided_slice %get3A_46 {offsets = [0, 25], sizes = [200, 1], strides = [1, 1]} : vector<200x32xf32> to vector<200x1xf32>
    %slice3A_660 = vector.extract_strided_slice %get3A_49 {offsets = [0, 25], sizes = [200, 1], strides = [1, 1]} : vector<200x32xf32> to vector<200x1xf32>
    %mul3A_661 = vector.broadcast %slice3A_660 : vector<200x1xf32> to vector<200x512xf32>
    %mul3A_662 = arith.mulf %mul3A_661, %add3A_28 : vector<200x512xf32>
    %round3A_663 = math.roundeven %mul3A_662 : vector<200x512xf32>
    %sub3A_664 = arith.subf %mul3A_662, %round3A_663 : vector<200x512xf32>
    %mul3A_665 = arith.mulf %sub3A_664, %sub3A_664 : vector<200x512xf32>
    %mul3A_666 = arith.constant -21.071106 : f32
    %mul3A_667 = vector.broadcast %mul3A_666 : f32 to vector<200x512xf32>
    %mul3A_668 = arith.mulf %mul3A_667, %mul3A_665 : vector<200x512xf32>
    %add3A_669 = arith.constant 58.7904968 : f32
    %add3A_670 = vector.broadcast %add3A_669 : f32 to vector<200x512xf32>
    %add3A_671 = arith.addf %mul3A_668, %add3A_670 : vector<200x512xf32>
    %mul3A_672 = arith.mulf %add3A_671, %mul3A_665 : vector<200x512xf32>
    %add3A_673 = arith.constant -85.2716217 : f32
    %add3A_674 = vector.broadcast %add3A_673 : f32 to vector<200x512xf32>
    %add3A_675 = arith.addf %mul3A_672, %add3A_674 : vector<200x512xf32>
    %mul3A_676 = arith.mulf %add3A_675, %mul3A_665 : vector<200x512xf32>
    %add3A_677 = arith.constant 64.9286575 : f32
    %add3A_678 = vector.broadcast %add3A_677 : f32 to vector<200x512xf32>
    %add3A_679 = arith.addf %mul3A_676, %add3A_678 : vector<200x512xf32>
    %mul3A_680 = arith.mulf %add3A_679, %mul3A_665 : vector<200x512xf32>
    %add3A_681 = arith.constant -19.7389812 : f32
    %add3A_682 = vector.broadcast %add3A_681 : f32 to vector<200x512xf32>
    %add3A_683 = arith.addf %mul3A_680, %add3A_682 : vector<200x512xf32>
    %mul3A_684 = arith.mulf %add3A_683, %mul3A_665 : vector<200x512xf32>
    %add3A_685 = arith.constant 0.999999225 : f32
    %add3A_686 = vector.broadcast %add3A_685 : f32 to vector<200x512xf32>
    %add3A_687 = arith.addf %mul3A_684, %add3A_686 : vector<200x512xf32>
    %mul3A_688 = vector.broadcast %slice3A_659 : vector<200x1xf32> to vector<200x512xf32>
    %mul3A_689 = arith.mulf %mul3A_688, %add3A_687 : vector<200x512xf32>
    %add3A_690 = arith.addf %add3A_626, %mul3A_689 : vector<200x512xf32>
    %slice3A_691 = vector.extract_strided_slice %get3A_46 {offsets = [0, 10], sizes = [200, 1], strides = [1, 1]} : vector<200x32xf32> to vector<200x1xf32>
    %slice3A_692 = vector.extract_strided_slice %get3A_49 {offsets = [0, 10], sizes = [200, 1], strides = [1, 1]} : vector<200x32xf32> to vector<200x1xf32>
    %mul3A_693 = vector.broadcast %slice3A_692 : vector<200x1xf32> to vector<200x512xf32>
    %mul3A_694 = arith.mulf %mul3A_693, %add3A : vector<200x512xf32>
    %round3A_695 = math.roundeven %mul3A_694 : vector<200x512xf32>
    %sub3A_696 = arith.subf %mul3A_694, %round3A_695 : vector<200x512xf32>
    %mul3A_697 = arith.mulf %sub3A_696, %sub3A_696 : vector<200x512xf32>
    %mul3A_698 = arith.constant -21.071106 : f32
    %mul3A_699 = vector.broadcast %mul3A_698 : f32 to vector<200x512xf32>
    %mul3A_700 = arith.mulf %mul3A_699, %mul3A_697 : vector<200x512xf32>
    %add3A_701 = arith.constant 58.7904968 : f32
    %add3A_702 = vector.broadcast %add3A_701 : f32 to vector<200x512xf32>
    %add3A_703 = arith.addf %mul3A_700, %add3A_702 : vector<200x512xf32>
    %mul3A_704 = arith.mulf %add3A_703, %mul3A_697 : vector<200x512xf32>
    %add3A_705 = arith.constant -85.2716217 : f32
    %add3A_706 = vector.broadcast %add3A_705 : f32 to vector<200x512xf32>
    %add3A_707 = arith.addf %mul3A_704, %add3A_706 : vector<200x512xf32>
    %mul3A_708 = arith.mulf %add3A_707, %mul3A_697 : vector<200x512xf32>
    %add3A_709 = arith.constant 64.9286575 : f32
    %add3A_710 = vector.broadcast %add3A_709 : f32 to vector<200x512xf32>
    %add3A_711 = arith.addf %mul3A_708, %add3A_710 : vector<200x512xf32>
    %mul3A_712 = arith.mulf %add3A_711, %mul3A_697 : vector<200x512xf32>
    %add3A_713 = arith.constant -19.7389812 : f32
    %add3A_714 = vector.broadcast %add3A_713 : f32 to vector<200x512xf32>
    %add3A_715 = arith.addf %mul3A_712, %add3A_714 : vector<200x512xf32>
    %mul3A_716 = arith.mulf %add3A_715, %mul3A_697 : vector<200x512xf32>
    %add3A_717 = arith.constant 0.999999225 : f32
    %add3A_718 = vector.broadcast %add3A_717 : f32 to vector<200x512xf32>
    %add3A_719 = arith.addf %mul3A_716, %add3A_718 : vector<200x512xf32>
    %mul3A_720 = vector.broadcast %slice3A_691 : vector<200x1xf32> to vector<200x512xf32>
    %mul3A_721 = arith.mulf %mul3A_720, %add3A_719 : vector<200x512xf32>
    %add3A_722 = arith.addf %add3A_658, %mul3A_721 : vector<200x512xf32>
    %slice3A_723 = vector.extract_strided_slice %get3A_46 {offsets = [0, 26], sizes = [200, 1], strides = [1, 1]} : vector<200x32xf32> to vector<200x1xf32>
    %slice3A_724 = vector.extract_strided_slice %get3A_49 {offsets = [0, 26], sizes = [200, 1], strides = [1, 1]} : vector<200x32xf32> to vector<200x1xf32>
    %mul3A_725 = vector.broadcast %slice3A_724 : vector<200x1xf32> to vector<200x512xf32>
    %mul3A_726 = arith.mulf %mul3A_725, %add3A_28 : vector<200x512xf32>
    %round3A_727 = math.roundeven %mul3A_726 : vector<200x512xf32>
    %sub3A_728 = arith.subf %mul3A_726, %round3A_727 : vector<200x512xf32>
    %mul3A_729 = arith.mulf %sub3A_728, %sub3A_728 : vector<200x512xf32>
    %mul3A_730 = arith.constant -21.071106 : f32
    %mul3A_731 = vector.broadcast %mul3A_730 : f32 to vector<200x512xf32>
    %mul3A_732 = arith.mulf %mul3A_731, %mul3A_729 : vector<200x512xf32>
    %add3A_733 = arith.constant 58.7904968 : f32
    %add3A_734 = vector.broadcast %add3A_733 : f32 to vector<200x512xf32>
    %add3A_735 = arith.addf %mul3A_732, %add3A_734 : vector<200x512xf32>
    %mul3A_736 = arith.mulf %add3A_735, %mul3A_729 : vector<200x512xf32>
    %add3A_737 = arith.constant -85.2716217 : f32
    %add3A_738 = vector.broadcast %add3A_737 : f32 to vector<200x512xf32>
    %add3A_739 = arith.addf %mul3A_736, %add3A_738 : vector<200x512xf32>
    %mul3A_740 = arith.mulf %add3A_739, %mul3A_729 : vector<200x512xf32>
    %add3A_741 = arith.constant 64.9286575 : f32
    %add3A_742 = vector.broadcast %add3A_741 : f32 to vector<200x512xf32>
    %add3A_743 = arith.addf %mul3A_740, %add3A_742 : vector<200x512xf32>
    %mul3A_744 = arith.mulf %add3A_743, %mul3A_729 : vector<200x512xf32>
    %add3A_745 = arith.constant -19.7389812 : f32
    %add3A_746 = vector.broadcast %add3A_745 : f32 to vector<200x512xf32>
    %add3A_747 = arith.addf %mul3A_744, %add3A_746 : vector<200x512xf32>
    %mul3A_748 = arith.mulf %add3A_747, %mul3A_729 : vector<200x512xf32>
    %add3A_749 = arith.constant 0.999999225 : f32
    %add3A_750 = vector.broadcast %add3A_749 : f32 to vector<200x512xf32>
    %add3A_751 = arith.addf %mul3A_748, %add3A_750 : vector<200x512xf32>
    %mul3A_752 = vector.broadcast %slice3A_723 : vector<200x1xf32> to vector<200x512xf32>
    %mul3A_753 = arith.mulf %mul3A_752, %add3A_751 : vector<200x512xf32>
    %add3A_754 = arith.addf %add3A_690, %mul3A_753 : vector<200x512xf32>
    %slice3A_755 = vector.extract_strided_slice %get3A_46 {offsets = [0, 11], sizes = [200, 1], strides = [1, 1]} : vector<200x32xf32> to vector<200x1xf32>
    %slice3A_756 = vector.extract_strided_slice %get3A_49 {offsets = [0, 11], sizes = [200, 1], strides = [1, 1]} : vector<200x32xf32> to vector<200x1xf32>
    %mul3A_757 = vector.broadcast %slice3A_756 : vector<200x1xf32> to vector<200x512xf32>
    %mul3A_758 = arith.mulf %mul3A_757, %add3A : vector<200x512xf32>
    %round3A_759 = math.roundeven %mul3A_758 : vector<200x512xf32>
    %sub3A_760 = arith.subf %mul3A_758, %round3A_759 : vector<200x512xf32>
    %mul3A_761 = arith.mulf %sub3A_760, %sub3A_760 : vector<200x512xf32>
    %mul3A_762 = arith.constant -21.071106 : f32
    %mul3A_763 = vector.broadcast %mul3A_762 : f32 to vector<200x512xf32>
    %mul3A_764 = arith.mulf %mul3A_763, %mul3A_761 : vector<200x512xf32>
    %add3A_765 = arith.constant 58.7904968 : f32
    %add3A_766 = vector.broadcast %add3A_765 : f32 to vector<200x512xf32>
    %add3A_767 = arith.addf %mul3A_764, %add3A_766 : vector<200x512xf32>
    %mul3A_768 = arith.mulf %add3A_767, %mul3A_761 : vector<200x512xf32>
    %add3A_769 = arith.constant -85.2716217 : f32
    %add3A_770 = vector.broadcast %add3A_769 : f32 to vector<200x512xf32>
    %add3A_771 = arith.addf %mul3A_768, %add3A_770 : vector<200x512xf32>
    %mul3A_772 = arith.mulf %add3A_771, %mul3A_761 : vector<200x512xf32>
    %add3A_773 = arith.constant 64.9286575 : f32
    %add3A_774 = vector.broadcast %add3A_773 : f32 to vector<200x512xf32>
    %add3A_775 = arith.addf %mul3A_772, %add3A_774 : vector<200x512xf32>
    %mul3A_776 = arith.mulf %add3A_775, %mul3A_761 : vector<200x512xf32>
    %add3A_777 = arith.constant -19.7389812 : f32
    %add3A_778 = vector.broadcast %add3A_777 : f32 to vector<200x512xf32>
    %add3A_779 = arith.addf %mul3A_776, %add3A_778 : vector<200x512xf32>
    %mul3A_780 = arith.mulf %add3A_779, %mul3A_761 : vector<200x512xf32>
    %add3A_781 = arith.constant 0.999999225 : f32
    %add3A_782 = vector.broadcast %add3A_781 : f32 to vector<200x512xf32>
    %add3A_783 = arith.addf %mul3A_780, %add3A_782 : vector<200x512xf32>
    %mul3A_784 = vector.broadcast %slice3A_755 : vector<200x1xf32> to vector<200x512xf32>
    %mul3A_785 = arith.mulf %mul3A_784, %add3A_783 : vector<200x512xf32>
    %add3A_786 = arith.addf %add3A_722, %mul3A_785 : vector<200x512xf32>
    %slice3A_787 = vector.extract_strided_slice %get3A_46 {offsets = [0, 27], sizes = [200, 1], strides = [1, 1]} : vector<200x32xf32> to vector<200x1xf32>
    %slice3A_788 = vector.extract_strided_slice %get3A_49 {offsets = [0, 27], sizes = [200, 1], strides = [1, 1]} : vector<200x32xf32> to vector<200x1xf32>
    %mul3A_789 = vector.broadcast %slice3A_788 : vector<200x1xf32> to vector<200x512xf32>
    %mul3A_790 = arith.mulf %mul3A_789, %add3A_28 : vector<200x512xf32>
    %round3A_791 = math.roundeven %mul3A_790 : vector<200x512xf32>
    %sub3A_792 = arith.subf %mul3A_790, %round3A_791 : vector<200x512xf32>
    %mul3A_793 = arith.mulf %sub3A_792, %sub3A_792 : vector<200x512xf32>
    %mul3A_794 = arith.constant -21.071106 : f32
    %mul3A_795 = vector.broadcast %mul3A_794 : f32 to vector<200x512xf32>
    %mul3A_796 = arith.mulf %mul3A_795, %mul3A_793 : vector<200x512xf32>
    %add3A_797 = arith.constant 58.7904968 : f32
    %add3A_798 = vector.broadcast %add3A_797 : f32 to vector<200x512xf32>
    %add3A_799 = arith.addf %mul3A_796, %add3A_798 : vector<200x512xf32>
    %mul3A_800 = arith.mulf %add3A_799, %mul3A_793 : vector<200x512xf32>
    %add3A_801 = arith.constant -85.2716217 : f32
    %add3A_802 = vector.broadcast %add3A_801 : f32 to vector<200x512xf32>
    %add3A_803 = arith.addf %mul3A_800, %add3A_802 : vector<200x512xf32>
    %mul3A_804 = arith.mulf %add3A_803, %mul3A_793 : vector<200x512xf32>
    %add3A_805 = arith.constant 64.9286575 : f32
    %add3A_806 = vector.broadcast %add3A_805 : f32 to vector<200x512xf32>
    %add3A_807 = arith.addf %mul3A_804, %add3A_806 : vector<200x512xf32>
    %mul3A_808 = arith.mulf %add3A_807, %mul3A_793 : vector<200x512xf32>
    %add3A_809 = arith.constant -19.7389812 : f32
    %add3A_810 = vector.broadcast %add3A_809 : f32 to vector<200x512xf32>
    %add3A_811 = arith.addf %mul3A_808, %add3A_810 : vector<200x512xf32>
    %mul3A_812 = arith.mulf %add3A_811, %mul3A_793 : vector<200x512xf32>
    %add3A_813 = arith.constant 0.999999225 : f32
    %add3A_814 = vector.broadcast %add3A_813 : f32 to vector<200x512xf32>
    %add3A_815 = arith.addf %mul3A_812, %add3A_814 : vector<200x512xf32>
    %mul3A_816 = vector.broadcast %slice3A_787 : vector<200x1xf32> to vector<200x512xf32>
    %mul3A_817 = arith.mulf %mul3A_816, %add3A_815 : vector<200x512xf32>
    %add3A_818 = arith.addf %add3A_754, %mul3A_817 : vector<200x512xf32>
    %slice3A_819 = vector.extract_strided_slice %get3A_46 {offsets = [0, 12], sizes = [200, 1], strides = [1, 1]} : vector<200x32xf32> to vector<200x1xf32>
    %slice3A_820 = vector.extract_strided_slice %get3A_49 {offsets = [0, 12], sizes = [200, 1], strides = [1, 1]} : vector<200x32xf32> to vector<200x1xf32>
    %mul3A_821 = vector.broadcast %slice3A_820 : vector<200x1xf32> to vector<200x512xf32>
    %mul3A_822 = arith.mulf %mul3A_821, %add3A : vector<200x512xf32>
    %round3A_823 = math.roundeven %mul3A_822 : vector<200x512xf32>
    %sub3A_824 = arith.subf %mul3A_822, %round3A_823 : vector<200x512xf32>
    %mul3A_825 = arith.mulf %sub3A_824, %sub3A_824 : vector<200x512xf32>
    %mul3A_826 = arith.constant -21.071106 : f32
    %mul3A_827 = vector.broadcast %mul3A_826 : f32 to vector<200x512xf32>
    %mul3A_828 = arith.mulf %mul3A_827, %mul3A_825 : vector<200x512xf32>
    %add3A_829 = arith.constant 58.7904968 : f32
    %add3A_830 = vector.broadcast %add3A_829 : f32 to vector<200x512xf32>
    %add3A_831 = arith.addf %mul3A_828, %add3A_830 : vector<200x512xf32>
    %mul3A_832 = arith.mulf %add3A_831, %mul3A_825 : vector<200x512xf32>
    %add3A_833 = arith.constant -85.2716217 : f32
    %add3A_834 = vector.broadcast %add3A_833 : f32 to vector<200x512xf32>
    %add3A_835 = arith.addf %mul3A_832, %add3A_834 : vector<200x512xf32>
    %mul3A_836 = arith.mulf %add3A_835, %mul3A_825 : vector<200x512xf32>
    %add3A_837 = arith.constant 64.9286575 : f32
    %add3A_838 = vector.broadcast %add3A_837 : f32 to vector<200x512xf32>
    %add3A_839 = arith.addf %mul3A_836, %add3A_838 : vector<200x512xf32>
    %mul3A_840 = arith.mulf %add3A_839, %mul3A_825 : vector<200x512xf32>
    %add3A_841 = arith.constant -19.7389812 : f32
    %add3A_842 = vector.broadcast %add3A_841 : f32 to vector<200x512xf32>
    %add3A_843 = arith.addf %mul3A_840, %add3A_842 : vector<200x512xf32>
    %mul3A_844 = arith.mulf %add3A_843, %mul3A_825 : vector<200x512xf32>
    %add3A_845 = arith.constant 0.999999225 : f32
    %add3A_846 = vector.broadcast %add3A_845 : f32 to vector<200x512xf32>
    %add3A_847 = arith.addf %mul3A_844, %add3A_846 : vector<200x512xf32>
    %mul3A_848 = vector.broadcast %slice3A_819 : vector<200x1xf32> to vector<200x512xf32>
    %mul3A_849 = arith.mulf %mul3A_848, %add3A_847 : vector<200x512xf32>
    %add3A_850 = arith.addf %add3A_786, %mul3A_849 : vector<200x512xf32>
    %slice3A_851 = vector.extract_strided_slice %get3A_46 {offsets = [0, 28], sizes = [200, 1], strides = [1, 1]} : vector<200x32xf32> to vector<200x1xf32>
    %slice3A_852 = vector.extract_strided_slice %get3A_49 {offsets = [0, 28], sizes = [200, 1], strides = [1, 1]} : vector<200x32xf32> to vector<200x1xf32>
    %mul3A_853 = vector.broadcast %slice3A_852 : vector<200x1xf32> to vector<200x512xf32>
    %mul3A_854 = arith.mulf %mul3A_853, %add3A_28 : vector<200x512xf32>
    %round3A_855 = math.roundeven %mul3A_854 : vector<200x512xf32>
    %sub3A_856 = arith.subf %mul3A_854, %round3A_855 : vector<200x512xf32>
    %mul3A_857 = arith.mulf %sub3A_856, %sub3A_856 : vector<200x512xf32>
    %mul3A_858 = arith.constant -21.071106 : f32
    %mul3A_859 = vector.broadcast %mul3A_858 : f32 to vector<200x512xf32>
    %mul3A_860 = arith.mulf %mul3A_859, %mul3A_857 : vector<200x512xf32>
    %add3A_861 = arith.constant 58.7904968 : f32
    %add3A_862 = vector.broadcast %add3A_861 : f32 to vector<200x512xf32>
    %add3A_863 = arith.addf %mul3A_860, %add3A_862 : vector<200x512xf32>
    %mul3A_864 = arith.mulf %add3A_863, %mul3A_857 : vector<200x512xf32>
    %add3A_865 = arith.constant -85.2716217 : f32
    %add3A_866 = vector.broadcast %add3A_865 : f32 to vector<200x512xf32>
    %add3A_867 = arith.addf %mul3A_864, %add3A_866 : vector<200x512xf32>
    %mul3A_868 = arith.mulf %add3A_867, %mul3A_857 : vector<200x512xf32>
    %add3A_869 = arith.constant 64.9286575 : f32
    %add3A_870 = vector.broadcast %add3A_869 : f32 to vector<200x512xf32>
    %add3A_871 = arith.addf %mul3A_868, %add3A_870 : vector<200x512xf32>
    %mul3A_872 = arith.mulf %add3A_871, %mul3A_857 : vector<200x512xf32>
    %add3A_873 = arith.constant -19.7389812 : f32
    %add3A_874 = vector.broadcast %add3A_873 : f32 to vector<200x512xf32>
    %add3A_875 = arith.addf %mul3A_872, %add3A_874 : vector<200x512xf32>
    %mul3A_876 = arith.mulf %add3A_875, %mul3A_857 : vector<200x512xf32>
    %add3A_877 = arith.constant 0.999999225 : f32
    %add3A_878 = vector.broadcast %add3A_877 : f32 to vector<200x512xf32>
    %add3A_879 = arith.addf %mul3A_876, %add3A_878 : vector<200x512xf32>
    %mul3A_880 = vector.broadcast %slice3A_851 : vector<200x1xf32> to vector<200x512xf32>
    %mul3A_881 = arith.mulf %mul3A_880, %add3A_879 : vector<200x512xf32>
    %add3A_882 = arith.addf %add3A_818, %mul3A_881 : vector<200x512xf32>
    %slice3A_883 = vector.extract_strided_slice %get3A_46 {offsets = [0, 13], sizes = [200, 1], strides = [1, 1]} : vector<200x32xf32> to vector<200x1xf32>
    %slice3A_884 = vector.extract_strided_slice %get3A_49 {offsets = [0, 13], sizes = [200, 1], strides = [1, 1]} : vector<200x32xf32> to vector<200x1xf32>
    %mul3A_885 = vector.broadcast %slice3A_884 : vector<200x1xf32> to vector<200x512xf32>
    %mul3A_886 = arith.mulf %mul3A_885, %add3A : vector<200x512xf32>
    %round3A_887 = math.roundeven %mul3A_886 : vector<200x512xf32>
    %sub3A_888 = arith.subf %mul3A_886, %round3A_887 : vector<200x512xf32>
    %mul3A_889 = arith.mulf %sub3A_888, %sub3A_888 : vector<200x512xf32>
    %mul3A_890 = arith.constant -21.071106 : f32
    %mul3A_891 = vector.broadcast %mul3A_890 : f32 to vector<200x512xf32>
    %mul3A_892 = arith.mulf %mul3A_891, %mul3A_889 : vector<200x512xf32>
    %add3A_893 = arith.constant 58.7904968 : f32
    %add3A_894 = vector.broadcast %add3A_893 : f32 to vector<200x512xf32>
    %add3A_895 = arith.addf %mul3A_892, %add3A_894 : vector<200x512xf32>
    %mul3A_896 = arith.mulf %add3A_895, %mul3A_889 : vector<200x512xf32>
    %add3A_897 = arith.constant -85.2716217 : f32
    %add3A_898 = vector.broadcast %add3A_897 : f32 to vector<200x512xf32>
    %add3A_899 = arith.addf %mul3A_896, %add3A_898 : vector<200x512xf32>
    %mul3A_900 = arith.mulf %add3A_899, %mul3A_889 : vector<200x512xf32>
    %add3A_901 = arith.constant 64.9286575 : f32
    %add3A_902 = vector.broadcast %add3A_901 : f32 to vector<200x512xf32>
    %add3A_903 = arith.addf %mul3A_900, %add3A_902 : vector<200x512xf32>
    %mul3A_904 = arith.mulf %add3A_903, %mul3A_889 : vector<200x512xf32>
    %add3A_905 = arith.constant -19.7389812 : f32
    %add3A_906 = vector.broadcast %add3A_905 : f32 to vector<200x512xf32>
    %add3A_907 = arith.addf %mul3A_904, %add3A_906 : vector<200x512xf32>
    %mul3A_908 = arith.mulf %add3A_907, %mul3A_889 : vector<200x512xf32>
    %add3A_909 = arith.constant 0.999999225 : f32
    %add3A_910 = vector.broadcast %add3A_909 : f32 to vector<200x512xf32>
    %add3A_911 = arith.addf %mul3A_908, %add3A_910 : vector<200x512xf32>
    %mul3A_912 = vector.broadcast %slice3A_883 : vector<200x1xf32> to vector<200x512xf32>
    %mul3A_913 = arith.mulf %mul3A_912, %add3A_911 : vector<200x512xf32>
    %add3A_914 = arith.addf %add3A_850, %mul3A_913 : vector<200x512xf32>
    %slice3A_915 = vector.extract_strided_slice %get3A_46 {offsets = [0, 29], sizes = [200, 1], strides = [1, 1]} : vector<200x32xf32> to vector<200x1xf32>
    %slice3A_916 = vector.extract_strided_slice %get3A_49 {offsets = [0, 29], sizes = [200, 1], strides = [1, 1]} : vector<200x32xf32> to vector<200x1xf32>
    %mul3A_917 = vector.broadcast %slice3A_916 : vector<200x1xf32> to vector<200x512xf32>
    %mul3A_918 = arith.mulf %mul3A_917, %add3A_28 : vector<200x512xf32>
    %round3A_919 = math.roundeven %mul3A_918 : vector<200x512xf32>
    %sub3A_920 = arith.subf %mul3A_918, %round3A_919 : vector<200x512xf32>
    %mul3A_921 = arith.mulf %sub3A_920, %sub3A_920 : vector<200x512xf32>
    %mul3A_922 = arith.constant -21.071106 : f32
    %mul3A_923 = vector.broadcast %mul3A_922 : f32 to vector<200x512xf32>
    %mul3A_924 = arith.mulf %mul3A_923, %mul3A_921 : vector<200x512xf32>
    %add3A_925 = arith.constant 58.7904968 : f32
    %add3A_926 = vector.broadcast %add3A_925 : f32 to vector<200x512xf32>
    %add3A_927 = arith.addf %mul3A_924, %add3A_926 : vector<200x512xf32>
    %mul3A_928 = arith.mulf %add3A_927, %mul3A_921 : vector<200x512xf32>
    %add3A_929 = arith.constant -85.2716217 : f32
    %add3A_930 = vector.broadcast %add3A_929 : f32 to vector<200x512xf32>
    %add3A_931 = arith.addf %mul3A_928, %add3A_930 : vector<200x512xf32>
    %mul3A_932 = arith.mulf %add3A_931, %mul3A_921 : vector<200x512xf32>
    %add3A_933 = arith.constant 64.9286575 : f32
    %add3A_934 = vector.broadcast %add3A_933 : f32 to vector<200x512xf32>
    %add3A_935 = arith.addf %mul3A_932, %add3A_934 : vector<200x512xf32>
    %mul3A_936 = arith.mulf %add3A_935, %mul3A_921 : vector<200x512xf32>
    %add3A_937 = arith.constant -19.7389812 : f32
    %add3A_938 = vector.broadcast %add3A_937 : f32 to vector<200x512xf32>
    %add3A_939 = arith.addf %mul3A_936, %add3A_938 : vector<200x512xf32>
    %mul3A_940 = arith.mulf %add3A_939, %mul3A_921 : vector<200x512xf32>
    %add3A_941 = arith.constant 0.999999225 : f32
    %add3A_942 = vector.broadcast %add3A_941 : f32 to vector<200x512xf32>
    %add3A_943 = arith.addf %mul3A_940, %add3A_942 : vector<200x512xf32>
    %mul3A_944 = vector.broadcast %slice3A_915 : vector<200x1xf32> to vector<200x512xf32>
    %mul3A_945 = arith.mulf %mul3A_944, %add3A_943 : vector<200x512xf32>
    %add3A_946 = arith.addf %add3A_882, %mul3A_945 : vector<200x512xf32>
    %slice3A_947 = vector.extract_strided_slice %get3A_46 {offsets = [0, 14], sizes = [200, 1], strides = [1, 1]} : vector<200x32xf32> to vector<200x1xf32>
    %slice3A_948 = vector.extract_strided_slice %get3A_49 {offsets = [0, 14], sizes = [200, 1], strides = [1, 1]} : vector<200x32xf32> to vector<200x1xf32>
    %mul3A_949 = vector.broadcast %slice3A_948 : vector<200x1xf32> to vector<200x512xf32>
    %mul3A_950 = arith.mulf %mul3A_949, %add3A : vector<200x512xf32>
    %round3A_951 = math.roundeven %mul3A_950 : vector<200x512xf32>
    %sub3A_952 = arith.subf %mul3A_950, %round3A_951 : vector<200x512xf32>
    %mul3A_953 = arith.mulf %sub3A_952, %sub3A_952 : vector<200x512xf32>
    %mul3A_954 = arith.constant -21.071106 : f32
    %mul3A_955 = vector.broadcast %mul3A_954 : f32 to vector<200x512xf32>
    %mul3A_956 = arith.mulf %mul3A_955, %mul3A_953 : vector<200x512xf32>
    %add3A_957 = arith.constant 58.7904968 : f32
    %add3A_958 = vector.broadcast %add3A_957 : f32 to vector<200x512xf32>
    %add3A_959 = arith.addf %mul3A_956, %add3A_958 : vector<200x512xf32>
    %mul3A_960 = arith.mulf %add3A_959, %mul3A_953 : vector<200x512xf32>
    %add3A_961 = arith.constant -85.2716217 : f32
    %add3A_962 = vector.broadcast %add3A_961 : f32 to vector<200x512xf32>
    %add3A_963 = arith.addf %mul3A_960, %add3A_962 : vector<200x512xf32>
    %mul3A_964 = arith.mulf %add3A_963, %mul3A_953 : vector<200x512xf32>
    %add3A_965 = arith.constant 64.9286575 : f32
    %add3A_966 = vector.broadcast %add3A_965 : f32 to vector<200x512xf32>
    %add3A_967 = arith.addf %mul3A_964, %add3A_966 : vector<200x512xf32>
    %mul3A_968 = arith.mulf %add3A_967, %mul3A_953 : vector<200x512xf32>
    %add3A_969 = arith.constant -19.7389812 : f32
    %add3A_970 = vector.broadcast %add3A_969 : f32 to vector<200x512xf32>
    %add3A_971 = arith.addf %mul3A_968, %add3A_970 : vector<200x512xf32>
    %mul3A_972 = arith.mulf %add3A_971, %mul3A_953 : vector<200x512xf32>
    %add3A_973 = arith.constant 0.999999225 : f32
    %add3A_974 = vector.broadcast %add3A_973 : f32 to vector<200x512xf32>
    %add3A_975 = arith.addf %mul3A_972, %add3A_974 : vector<200x512xf32>
    %mul3A_976 = vector.broadcast %slice3A_947 : vector<200x1xf32> to vector<200x512xf32>
    %mul3A_977 = arith.mulf %mul3A_976, %add3A_975 : vector<200x512xf32>
    %add3A_978 = arith.addf %add3A_914, %mul3A_977 : vector<200x512xf32>
    %slice3A_979 = vector.extract_strided_slice %get3A_46 {offsets = [0, 30], sizes = [200, 1], strides = [1, 1]} : vector<200x32xf32> to vector<200x1xf32>
    %slice3A_980 = vector.extract_strided_slice %get3A_49 {offsets = [0, 30], sizes = [200, 1], strides = [1, 1]} : vector<200x32xf32> to vector<200x1xf32>
    %mul3A_981 = vector.broadcast %slice3A_980 : vector<200x1xf32> to vector<200x512xf32>
    %mul3A_982 = arith.mulf %mul3A_981, %add3A_28 : vector<200x512xf32>
    %round3A_983 = math.roundeven %mul3A_982 : vector<200x512xf32>
    %sub3A_984 = arith.subf %mul3A_982, %round3A_983 : vector<200x512xf32>
    %mul3A_985 = arith.mulf %sub3A_984, %sub3A_984 : vector<200x512xf32>
    %mul3A_986 = arith.constant -21.071106 : f32
    %mul3A_987 = vector.broadcast %mul3A_986 : f32 to vector<200x512xf32>
    %mul3A_988 = arith.mulf %mul3A_987, %mul3A_985 : vector<200x512xf32>
    %add3A_989 = arith.constant 58.7904968 : f32
    %add3A_990 = vector.broadcast %add3A_989 : f32 to vector<200x512xf32>
    %add3A_991 = arith.addf %mul3A_988, %add3A_990 : vector<200x512xf32>
    %mul3A_992 = arith.mulf %add3A_991, %mul3A_985 : vector<200x512xf32>
    %add3A_993 = arith.constant -85.2716217 : f32
    %add3A_994 = vector.broadcast %add3A_993 : f32 to vector<200x512xf32>
    %add3A_995 = arith.addf %mul3A_992, %add3A_994 : vector<200x512xf32>
    %mul3A_996 = arith.mulf %add3A_995, %mul3A_985 : vector<200x512xf32>
    %add3A_997 = arith.constant 64.9286575 : f32
    %add3A_998 = vector.broadcast %add3A_997 : f32 to vector<200x512xf32>
    %add3A_999 = arith.addf %mul3A_996, %add3A_998 : vector<200x512xf32>
    %mul3A_1000 = arith.mulf %add3A_999, %mul3A_985 : vector<200x512xf32>
    %add3A_1001 = arith.constant -19.7389812 : f32
    %add3A_1002 = vector.broadcast %add3A_1001 : f32 to vector<200x512xf32>
    %add3A_1003 = arith.addf %mul3A_1000, %add3A_1002 : vector<200x512xf32>
    %mul3A_1004 = arith.mulf %add3A_1003, %mul3A_985 : vector<200x512xf32>
    %add3A_1005 = arith.constant 0.999999225 : f32
    %add3A_1006 = vector.broadcast %add3A_1005 : f32 to vector<200x512xf32>
    %add3A_1007 = arith.addf %mul3A_1004, %add3A_1006 : vector<200x512xf32>
    %mul3A_1008 = vector.broadcast %slice3A_979 : vector<200x1xf32> to vector<200x512xf32>
    %mul3A_1009 = arith.mulf %mul3A_1008, %add3A_1007 : vector<200x512xf32>
    %add3A_1010 = arith.addf %add3A_946, %mul3A_1009 : vector<200x512xf32>
    %slice3A_1011 = vector.extract_strided_slice %get3A_46 {offsets = [0, 15], sizes = [200, 1], strides = [1, 1]} : vector<200x32xf32> to vector<200x1xf32>
    %slice3A_1012 = vector.extract_strided_slice %get3A_49 {offsets = [0, 15], sizes = [200, 1], strides = [1, 1]} : vector<200x32xf32> to vector<200x1xf32>
    %mul3A_1013 = vector.broadcast %slice3A_1012 : vector<200x1xf32> to vector<200x512xf32>
    %mul3A_1014 = arith.mulf %mul3A_1013, %add3A : vector<200x512xf32>
    %round3A_1015 = math.roundeven %mul3A_1014 : vector<200x512xf32>
    %sub3A_1016 = arith.subf %mul3A_1014, %round3A_1015 : vector<200x512xf32>
    %mul3A_1017 = arith.mulf %sub3A_1016, %sub3A_1016 : vector<200x512xf32>
    %mul3A_1018 = arith.constant -21.071106 : f32
    %mul3A_1019 = vector.broadcast %mul3A_1018 : f32 to vector<200x512xf32>
    %mul3A_1020 = arith.mulf %mul3A_1019, %mul3A_1017 : vector<200x512xf32>
    %add3A_1021 = arith.constant 58.7904968 : f32
    %add3A_1022 = vector.broadcast %add3A_1021 : f32 to vector<200x512xf32>
    %add3A_1023 = arith.addf %mul3A_1020, %add3A_1022 : vector<200x512xf32>
    %mul3A_1024 = arith.mulf %add3A_1023, %mul3A_1017 : vector<200x512xf32>
    %add3A_1025 = arith.constant -85.2716217 : f32
    %add3A_1026 = vector.broadcast %add3A_1025 : f32 to vector<200x512xf32>
    %add3A_1027 = arith.addf %mul3A_1024, %add3A_1026 : vector<200x512xf32>
    %mul3A_1028 = arith.mulf %add3A_1027, %mul3A_1017 : vector<200x512xf32>
    %add3A_1029 = arith.constant 64.9286575 : f32
    %add3A_1030 = vector.broadcast %add3A_1029 : f32 to vector<200x512xf32>
    %add3A_1031 = arith.addf %mul3A_1028, %add3A_1030 : vector<200x512xf32>
    %mul3A_1032 = arith.mulf %add3A_1031, %mul3A_1017 : vector<200x512xf32>
    %add3A_1033 = arith.constant -19.7389812 : f32
    %add3A_1034 = vector.broadcast %add3A_1033 : f32 to vector<200x512xf32>
    %add3A_1035 = arith.addf %mul3A_1032, %add3A_1034 : vector<200x512xf32>
    %mul3A_1036 = arith.mulf %add3A_1035, %mul3A_1017 : vector<200x512xf32>
    %add3A_1037 = arith.constant 0.999999225 : f32
    %add3A_1038 = vector.broadcast %add3A_1037 : f32 to vector<200x512xf32>
    %add3A_1039 = arith.addf %mul3A_1036, %add3A_1038 : vector<200x512xf32>
    %mul3A_1040 = vector.broadcast %slice3A_1011 : vector<200x1xf32> to vector<200x512xf32>
    %mul3A_1041 = arith.mulf %mul3A_1040, %add3A_1039 : vector<200x512xf32>
    %add3A_1042 = arith.addf %add3A_978, %mul3A_1041 : vector<200x512xf32>
    %slice3A_1043 = vector.extract_strided_slice %get3A_46 {offsets = [0, 31], sizes = [200, 1], strides = [1, 1]} : vector<200x32xf32> to vector<200x1xf32>
    %slice3A_1044 = vector.extract_strided_slice %get3A_49 {offsets = [0, 31], sizes = [200, 1], strides = [1, 1]} : vector<200x32xf32> to vector<200x1xf32>
    %mul3A_1045 = vector.broadcast %slice3A_1044 : vector<200x1xf32> to vector<200x512xf32>
    %mul3A_1046 = arith.mulf %mul3A_1045, %add3A_28 : vector<200x512xf32>
    %round3A_1047 = math.roundeven %mul3A_1046 : vector<200x512xf32>
    %sub3A_1048 = arith.subf %mul3A_1046, %round3A_1047 : vector<200x512xf32>
    %mul3A_1049 = arith.mulf %sub3A_1048, %sub3A_1048 : vector<200x512xf32>
    %mul3A_1050 = arith.constant -21.071106 : f32
    %mul3A_1051 = vector.broadcast %mul3A_1050 : f32 to vector<200x512xf32>
    %mul3A_1052 = arith.mulf %mul3A_1051, %mul3A_1049 : vector<200x512xf32>
    %add3A_1053 = arith.constant 58.7904968 : f32
    %add3A_1054 = vector.broadcast %add3A_1053 : f32 to vector<200x512xf32>
    %add3A_1055 = arith.addf %mul3A_1052, %add3A_1054 : vector<200x512xf32>
    %mul3A_1056 = arith.mulf %add3A_1055, %mul3A_1049 : vector<200x512xf32>
    %add3A_1057 = arith.constant -85.2716217 : f32
    %add3A_1058 = vector.broadcast %add3A_1057 : f32 to vector<200x512xf32>
    %add3A_1059 = arith.addf %mul3A_1056, %add3A_1058 : vector<200x512xf32>
    %mul3A_1060 = arith.mulf %add3A_1059, %mul3A_1049 : vector<200x512xf32>
    %add3A_1061 = arith.constant 64.9286575 : f32
    %add3A_1062 = vector.broadcast %add3A_1061 : f32 to vector<200x512xf32>
    %add3A_1063 = arith.addf %mul3A_1060, %add3A_1062 : vector<200x512xf32>
    %mul3A_1064 = arith.mulf %add3A_1063, %mul3A_1049 : vector<200x512xf32>
    %add3A_1065 = arith.constant -19.7389812 : f32
    %add3A_1066 = vector.broadcast %add3A_1065 : f32 to vector<200x512xf32>
    %add3A_1067 = arith.addf %mul3A_1064, %add3A_1066 : vector<200x512xf32>
    %mul3A_1068 = arith.mulf %add3A_1067, %mul3A_1049 : vector<200x512xf32>
    %add3A_1069 = arith.constant 0.999999225 : f32
    %add3A_1070 = vector.broadcast %add3A_1069 : f32 to vector<200x512xf32>
    %add3A_1071 = arith.addf %mul3A_1068, %add3A_1070 : vector<200x512xf32>
    %mul3A_1072 = vector.broadcast %slice3A_1043 : vector<200x1xf32> to vector<200x512xf32>
    %mul3A_1073 = arith.mulf %mul3A_1072, %add3A_1071 : vector<200x512xf32>
    %add3A_1074 = arith.addf %add3A_1010, %mul3A_1073 : vector<200x512xf32>
    %mul3A_1075 = arith.mulf %exp3A, %add3A_1042 : vector<200x512xf32>
    %mul3A_1076 = arith.mulf %mul3A_1075, %add3A_1074 : vector<200x512xf32>
    %get3A_1077 = arith.constant 0 : index
    %get3A_1078 = arith.constant 0 : index
    %get3A_1079 = vector.load %arg2[%get3A_1077, %get3A_1078] : memref<200x3xf32, #tpu.memory_space<vmem>>, vector<200x3xf32>
    %slice3A_1080 = vector.extract_strided_slice %get3A_1079 {offsets = [0, 0], sizes = [200, 1], strides = [1, 1]} : vector<200x3xf32> to vector<200x1xf32>
    %mul3A_1081 = vector.broadcast %slice3A_1080 : vector<200x1xf32> to vector<200x512xf32>
    %mul3A_1082 = arith.mulf %mul3A_1076, %mul3A_1081 : vector<200x512xf32>
    %reduce_sum3A = arith.constant dense<0.000000e+00> : vector<512xf32>
    %reduce_sum3A_1083 = vector.multi_reduction <add>, %mul3A_1082, %reduce_sum3A [0] : vector<200x512xf32> to vector<512xf32>
    %broadcast_in_dim3A_1084 = vector.shape_cast %reduce_sum3A_1083 : vector<512xf32> to vector<1x512xf32>
    %slice3A_1085 = vector.extract_strided_slice %get3A_1079 {offsets = [0, 1], sizes = [200, 1], strides = [1, 1]} : vector<200x3xf32> to vector<200x1xf32>
    %mul3A_1086 = vector.broadcast %slice3A_1085 : vector<200x1xf32> to vector<200x512xf32>
    %mul3A_1087 = arith.mulf %mul3A_1076, %mul3A_1086 : vector<200x512xf32>
    %reduce_sum3A_1088 = arith.constant dense<0.000000e+00> : vector<512xf32>
    %reduce_sum3A_1089 = vector.multi_reduction <add>, %mul3A_1087, %reduce_sum3A_1088 [0] : vector<200x512xf32> to vector<512xf32>
    %broadcast_in_dim3A_1090 = vector.shape_cast %reduce_sum3A_1089 : vector<512xf32> to vector<1x512xf32>
    %slice3A_1091 = vector.extract_strided_slice %get3A_1079 {offsets = [0, 2], sizes = [200, 1], strides = [1, 1]} : vector<200x3xf32> to vector<200x1xf32>
    %mul3A_1092 = vector.broadcast %slice3A_1091 : vector<200x1xf32> to vector<200x512xf32>
    %mul3A_1093 = arith.mulf %mul3A_1076, %mul3A_1092 : vector<200x512xf32>
    %reduce_sum3A_1094 = arith.constant dense<0.000000e+00> : vector<512xf32>
    %reduce_sum3A_1095 = vector.multi_reduction <add>, %mul3A_1093, %reduce_sum3A_1094 [0] : vector<200x512xf32> to vector<512xf32>
    %broadcast_in_dim3A_1096 = vector.shape_cast %reduce_sum3A_1095 : vector<512xf32> to vector<1x512xf32>
    %concatenate3A = tpu.concatenate %broadcast_in_dim3A_1084, %broadcast_in_dim3A_1090, %broadcast_in_dim3A_1096 in 0 : vector<1x512xf32>, vector<1x512xf32>, vector<1x512xf32> -> vector<3x512xf32>
    %eq3A = arith.constant 0 : i32
    %eq3A_1097 = arith.cmpi eq, %arg0, %eq3A : i32
    %convert_element_type3A = arith.extui %eq3A_1097 : i1 to i32
    %cond3A = arith.constant 0 : i32
    %cond3A_1098 = arith.cmpi ne, %convert_element_type3A, %cond3A : i32
    scf.if %cond3A_1098 {
      %broadcast_in_dim3A_1105 = arith.constant 0.000000e+00 : f32
      %broadcast_in_dim3A_1106 = vector.broadcast %broadcast_in_dim3A_1105 : f32 to vector<3x512xf32>
      %swap3A_1107 = arith.constant 0 : index
      %swap3A_1108 = arith.constant 0 : index
      %swap3A_1109 = vector.load %arg8[%swap3A_1107, %swap3A_1108] : memref<3x512xf32, #tpu.memory_space<vmem>>, vector<3x512xf32>
      tpu.vector_store %arg8[%swap3A_1107, %swap3A_1108], %broadcast_in_dim3A_1106 {strides = array<i32>} : memref<3x512xf32, #tpu.memory_space<vmem>>, vector<3x512xf32>,
    } else {
    }
    %get3A_1099 = arith.constant 0 : index
    %get3A_1100 = arith.constant 0 : index
    %get3A_1101 = vector.load %arg8[%get3A_1099, %get3A_1100] : memref<3x512xf32, #tpu.memory_space<vmem>>, vector<3x512xf32>
    %add3A_1102 = arith.addf %get3A_1101, %concatenate3A : vector<3x512xf32>
    %swap3A = arith.constant 0 : index
    %swap3A_1103 = arith.constant 0 : index
    %swap3A_1104 = vector.load %arg8[%swap3A, %swap3A_1103] : memref<3x512xf32, #tpu.memory_space<vmem>>, vector<3x512xf32>
    tpu.vector_store %arg8[%swap3A, %swap3A_1103], %add3A_1102 {strides = array<i32>} : memref<3x512xf32, #tpu.memory_space<vmem>>, vector<3x512xf32>,
    return
  }
  func.func @transform_0(%arg0: i32) -> (i32, i32) {
    %c0_i32 = arith.constant 0 : i32
    %c0_i32_0 = arith.constant 0 : i32
    %c0_i32_1 = arith.constant 0 : i32
    return %c0_i32, %c0_i32_0 : i32, i32
  }
  func.func @transform_1(%arg0: i32) -> (i32, i32) {
    %c0_i32 = arith.constant 0 : i32
    %c0_i32_0 = arith.constant 0 : i32
    return %arg0, %c0_i32 : i32, i32
  }
  func.func @transform_2(%arg0: i32) -> (i32, i32) {
    %c0_i32 = arith.constant 0 : i32
    %c0_i32_0 = arith.constant 0 : i32
    return %arg0, %c0_i32 : i32, i32
  }
  func.func @transform_3(%arg0: i32) -> (i32, i32) {
    %c0_i32 = arith.constant 0 : i32
    %c0_i32_0 = arith.constant 0 : i32
    return %arg0, %c0_i32 : i32, i32
  }
  func.func @transform_4(%arg0: i32) -> (i32, i32) {
    %c0_i32 = arith.constant 0 : i32
    %c0_i32_0 = arith.constant 0 : i32
    return %arg0, %c0_i32 : i32, i32
  }
  func.func @transform_5(%arg0: i32) -> (i32, i32) {
    %c0_i32 = arith.constant 0 : i32
    %c0_i32_0 = arith.constant 0 : i32
    return %arg0, %c0_i32 : i32, i32
  }
  func.func @transform_6(%arg0: i32) -> (i32, i32) {
    %c0_i32 = arith.constant 0 : i32
    %c0_i32_0 = arith.constant 0 : i32
    return %arg0, %c0_i32 : i32, i32
  }
  func.func @transform_7(%arg0: i32) -> (i32, i32) {
    %c0_i32 = arith.constant 0 : i32
    %c0_i32_0 = arith.constant 0 : i32
    %c0_i32_1 = arith.constant 0 : i32
    return %c0_i32, %c0_i32_0 : i32, i32
  }
}

</mosaic_0001>

<sc_bundles>
// kernel: kernel.4.cloned.1.call-start
scs
__scs_entry_jumppad:
0x0: {  	(pc) =	sbr.rel $0x88, $3  }
0x1: {  	(tag) =	ssettag $0x0;
	lr =	simm.s32 $0x1  }
0x2: {  	[smem:$0x3F9B] =	sst lr;
	_ =	strace $0xD0000000  }
0x3: {  	_ = 	snop  }
0x4: {  	_ = 	snop  }
0x5: {  	_ = 	snop  }
0x6: {  	_ = 	snop  }
0x7: {  	_ = 	snop  }
__scs_overlays_trampoline_lowered:
0x8: {  	[smem:$0x3FAA] =	sst s0  }
0x9: {  	[smem:$0x3FAB] =	sst s1  }
0xa: {  	[smem:$0x3FAC] =	sst s2  }
0xb: {  	[smem:$0x3FAD] =	sst s3  }
0xc: {  	[smem:$0x3FAE] =	sst s4  }
0xd: {  	[smem:$0x3FAF] =	sst s5  }
0xe: {  	[smem:$0x3FB0] =	sst s6  }
0xf: {  	[smem:$0x3FB1] =	sst s7  }
0x10: {  	[smem:$0x3FB2] =	sst s8  }
0x11: {  	[smem:$0x3FB3] =	sst s9;
	s0 =	simm.s32 @!p0 $0x0  }
0x12: {  	s1 =	sld [smem:$0x3F99];
	s0 =	simm.s32 @p0 $0x1  }
0x13: {  	[smem:$0x3FB4] =	sst s0;
	s0 =	simm.s32 @!p1 $0x0  }
0x14: {  	s2 =	sld [smem:$0x3F98];
	s0 =	simm.s32 @p1 $0x1  }
0x15: {  	[smem:$0x3FB5] =	sst s0;
	s0 =	simm.s32 @!p2 $0x0  }
0x16: {  	s3 =	sld [smem:$0x3FDB];
	s0 =	simm.s32 @p2 $0x1  }
0x17: {  	s4 =	simm.s32 $0x1BF5;
	[smem:$0x3FB7] =	sst s0  }
0x18: {  	s0 =	sld [smem:$0x3F9A];
	_ =	swait.ge [sflag:s4], $0x0  }
0x19: {  	s7 =	sld [smem:$0x3F9B]  }
0x1a: {  	s8 =	sadd.s32 $0xFFFFE003, lr  }
0x1b: {  	s9 =	sadd.s32 $0xFFFFFEF7, lr;
	s5 =	simm.s32 $0xFFFFFFFF;
	p2 =	slt.u32 s8, $0xFFFFF086  }
0x1c: {  	p1 =	slt.u32 s9, $0xF7A;
	s5 =	simm.s32 @!p2 $0x0  }
0x1d: {  	s5 =	simm.s32 @p1 $0x1;
	p0 =	seq.s32 s7, s2  }
0x1e: {  	s7 =	smul.u32 @!p0 $0xF7A, s2;
	p2 =	seq.s32 @!p0 s5, $0x0  }
0x1f: {  	s9 =	smul.u32 $0xF7A, s1;
	s8 =	simm.s32 @!p0 $0x1BF5;
	p2 =	por !p2, p0  }
0x20: {  	[sflag:s8] =	ssyncset.s32 @!p0 $0xFFFFF086;
	s6 =	sadd.s32 @!p0 s3, s7;
	s7 =	simm.s32 @!p0 $0x108  }
0x21: {  	s3 =	sadd.s32 s3, s9;
	s6 =	sadd.s32 @!p0 $0x88, s6;
	s7 =	simm.s32 @p2 $0x1082  }
0x22: {  	[simem:s7], [sflag:s8] =	dma.local @!p0 [hbm:s6], $0xF7A  }
0x23: {  	s9 =	sor.u32 $0xD0000000, s2;
	s6 =	simm.s32 $0x108;
	_ =	swait.ge @!p0 [sflag:s8], $0x0  }
0x24: {  	s3 =	sadd.s32 $0x88, s3;
	s6 =	simm.s32 @!p1 $0x1082;
	[sflag:s4] =	ssyncset.s32 $0xFFFFF086  }
0x25: {  	[simem:s6], [sflag:s4] =	dma.local [hbm:s3], $0xF7A  }
0x26: {  	[smem:$0x3F9B] =	sst s1;
	(tag) =	ssettag s2;
	_ =	strace s9  }
0x27: {  	s1 =	sld [smem:$0x3FAB]  }
0x28: {  	s2 =	sld [smem:$0x3FAC]  }
0x29: {  	s4 =	sld [smem:$0x3FAE]  }
0x2a: {  	p0 =	seq.s32 s5, $0x0;
	s5 =	sld [smem:$0x3FAF]  }
0x2b: {  	s6 =	sld [smem:$0x3FB0]  }
0x2c: {  	s7 =	sld [smem:$0x3FB1]  }
0x2d: {  	s3 =	simm.s32 $0x108;
	s8 =	sld [smem:$0x3FB2]  }
0x2e: {  	s3 =	simm.s32 @!p0 $0x1082;
	s9 =	sld [smem:$0x3FB3]  }
0x2f: {  	lr =	sadd.s32 s0, s3;
	s0 =	sld [smem:$0x3FAA]  }
0x30: {  	s3 =	sld [smem:$0x3FAD]  }
0x31: {  	[smem:$0x3FB6] =	sst s10  }
0x32: {  	s10 =	sld [smem:$0x3FB4];
	_ =	sdelay $0x3  }
0x33: {  	p0 =	seq.s32 s10, $0x1;
	s10 =	sld [smem:$0x3FB6];
	_ =	sdelay $0x3  }
0x34: {  	[smem:$0x3FB6] =	sst s10  }
0x35: {  	s10 =	sld [smem:$0x3FB5];
	_ =	sdelay $0x3  }
0x36: {  	p1 =	seq.s32 s10, $0x1;
	s10 =	sld [smem:$0x3FB6];
	_ =	sdelay $0x3  }
0x37: {  	[smem:$0x3FB6] =	sst s10  }
0x38: {  	s10 =	sld [smem:$0x3FB7]  }
0x39: {  	_ = 	snop;
	(pc) =	sbr.ind lr, $3  }
0x3a: {  	_ = 	snop  }
0x3b: {  	_ = 	snop  }
0x3c: {  	p2 =	seq.s32 s10, $0x1;
	s10 =	sld [smem:$0x3FB6]  }
0x3d: {  	_ =	shalt  }
0x3e: {  	_ =	shalt  }
0x3f: {  	_ =	shalt  }
0x40: {  	_ =	shalt  }
0x41: {  	_ =	shalt  }
0x42: {  	_ =	shalt  }
0x43: {  	_ =	shalt  }
0x44: {  	_ =	shalt  }
0x45: {  	_ =	shalt  }
0x46: {  	_ =	shalt  }
0x47: {  	_ =	shalt  }
0x48: {  	_ =	shalt  }
0x49: {  	_ =	shalt  }
0x4a: {  	_ =	shalt  }
0x4b: {  	_ =	shalt  }
0x4c: {  	_ =	shalt  }
0x4d: {  	_ =	shalt  }
0x4e: {  	_ =	shalt  }
0x4f: {  	_ =	shalt  }
0x50: {  	_ =	shalt  }
0x51: {  	_ =	shalt  }
0x52: {  	_ =	shalt  }
0x53: {  	_ =	shalt  }
0x54: {  	_ =	shalt  }
0x55: {  	_ =	shalt  }
0x56: {  	_ =	shalt  }
0x57: {  	_ =	shalt  }
0x58: {  	_ =	shalt  }
0x59: {  	_ =	shalt  }
0x5a: {  	_ =	shalt  }
0x5b: {  	_ =	shalt  }
0x5c: {  	_ =	shalt  }
0x5d: {  	_ =	shalt  }
0x5e: {  	_ =	shalt  }
0x5f: {  	_ =	shalt  }
0x60: {  	_ =	shalt  }
0x61: {  	_ =	shalt  }
0x62: {  	_ =	shalt  }
0x63: {  	_ =	shalt  }
0x64: {  	_ =	shalt  }
0x65: {  	_ =	shalt  }
0x66: {  	_ =	shalt  }
0x67: {  	_ =	shalt  }
0x68: {  	_ =	shalt  }
0x69: {  	_ =	shalt  }
0x6a: {  	_ =	shalt  }
0x6b: {  	_ =	shalt  }
0x6c: {  	_ =	shalt  }
0x6d: {  	_ =	shalt  }
0x6e: {  	_ =	shalt  }
0x6f: {  	_ =	shalt  }
0x70: {  	_ =	shalt  }
0x71: {  	_ =	shalt  }
0x72: {  	_ =	shalt  }
0x73: {  	_ =	shalt  }
0x74: {  	_ =	shalt  }
0x75: {  	_ =	shalt  }
0x76: {  	_ =	shalt  }
0x77: {  	_ =	shalt  }
0x78: {  	_ =	shalt  }
0x79: {  	_ =	shalt  }
0x7a: {  	_ =	shalt  }
0x7b: {  	_ =	shalt  }
0x7c: {  	_ =	shalt  }
0x7d: {  	_ =	shalt  }
0x7e: {  	_ =	shalt  }
0x7f: {  	_ =	shalt  }
0x80: {  	_ =	shalt  }
0x81: {  	_ =	shalt  }
0x82: {  	_ =	shalt  }
0x83: {  	_ =	shalt  }
0x84: {  	_ =	shalt  }
0x85: {  	_ =	shalt  }
0x86: {  	_ =	shalt  }
0x87: {  	_ =	shalt  }
.Lfunc_end0:
.L_simem_size_0:
called_computation_lowered:
.L_overlay_start_0:
0x88: {  	s2 =	sld [smem:$0x3FD9]  }
0x89: {  	s3 =	sld [smem:$0x3FFE];
	_ =	sdelay $0x1  }
0x8a: {  	s1 =	srdreg.scid  }
0x8b: {  	s0 =	sand.u32 $0x1, s1  }
0x8c: {  	s16 =	sshll.u32 s0, $0xA;
	s2 =	sadd.s32 s3, s2  }
0x8d: {  	s2 =	sadd.s32 s2, s16  }
0x8e: {  	[smem:$0x3FC2] =	sst s2  }
0x8f: {  	_ = 	snop  }
0x90: {  	(tm) =	ssettm $0x1  }
0x91: {  	s17 =	sld [smem:$0x3FFB];
	_ =	sdelay $0x3  }
0x92: {  	_ =	strace s17  }
0x93: {  	s2 =	sld [smem:$0x3FFC];
	_ =	sdelay $0x3  }
0x94: {  	_ =	strace s2  }
0x95: {  	s2 =	sld [smem:$0x3FFD];
	_ =	sdelay $0x3  }
0x96: {  	_ =	strace s2  }
0x97: {  	_ =	strace $0x8FFFFFFF  }
0x98: {  	s18 =	sld [smem:$0x3FDB];
	_ =	sdelay $0x1  }
0x99: {  	s19 =	simm.s32 $_scs_section_size  }
0x9a: {  	s4 =	simm.s32 $_size__tile_overlayer_lowered;
	s5 =	simm.s32 $_tile_overlayer_lowered  }
0x9b: {  	s22 =	simm.s32 $0x1BFF;
	s21 =	sshll.u32 s5, $0x1;
	s2 =	sadd.s32 s19, s18  }
0x9c: {  	s6 =	simm.s32 $0x0;
	s20 =	sshll.u32 s4, $0x1;
	s4 =	sadd.s32 s21, s2  }
0x9d: {  	[timem:s6], [sflag:s22] =	dma.local [hbm:s4], s20  }
0x9e: {  	_ =	swait.ge [sflag:s22], s20  }
0x9f: {  	s3 =	ssub.s32 $0x0, s20;
	[sflag:s22] =	ssyncset.done $0x0  }
0xa0: {  	[sflag:s22] =	ssyncadd.s32 s3;
	_ =	sdelay $0x1  }
0xa1: {  	s23 =	simm.s32 $0x1B8B  }
0xa2: {  	_ =	swait.ge [sflag:s23], $0x1  }
0xa3: {  	[sflag:s23] =	ssyncset.done $0x0  }
0xa4: {  	s25 =	simm.s32 $0x1B8E;
	s24 =	sld [smem:$0x3FFE];
	[sflag:s23] =	ssyncadd.s32 $0xFFFFFFFF  }
0xa5: {  	s26 =	simm.s32 $execute0_lowered;
	[smem:$0x3FD2] =	sst s25  }
0xa6: {  	s4 =	sshll.u32 s26, $0x1;
	_ =	strace $0x80000046;
	[dreg:$0x1] =	wrdreg $0xFFFFFFFF  }
0xa7: {  	s28 =	simm.s32 $_size_execute0_lowered;
	s2 =	sadd.s32 s2, s4;
	[dreg:$0x0] =	wrdreg $0x0  }
0xa8: {  	s4 =	sshll.u32 s28, $0x1;
	[dreg:$0x2] =	wrdreg s2  }
0xa9: {  	[dreg:$0x3] =	wrdreg s4  }
0xaa: {  	[dreg:$0x4] =	wrdreg $0xC0  }
0xab: {  	_ =	task [dreg:s6], $0x5FFFF  }
0xac: {  	[dreg:$0x1] =	wrdreg $0xFFFFFFFF  }
0xad: {  	[dreg:$0x0] =	wrdreg $0x60  }
0xae: {  	[dreg:$0x2] =	wrdreg s24  }
0xaf: {  	[dreg:$0x3] =	wrdreg $0x9  }
0xb0: {  	_ =	task.clear_ibuf [dreg:s6], $0x4FFFF;
	_ =	strace $0x90000046  }
0xb1: {  	s29 =	simm.s32 $0x9;
	_ =	strace $0x80000048  }
0xb2: {  	_ =	swait.ge [sflag:s29], $0x1  }
0xb3: {  	[sflag:s29] =	ssyncadd.s32 $0xFFFFFFFF  }
0xb4: {  	_ =	strace $0x90000048  }
0xb5: {  	_ =	sfence  }
0xb6: {  	s30 =	sld [smem:$0x0];
	_ =	sdelay $0x2  }
0xb7: {  	s31 =	sshll.u32 s1, $0xD;
	s1 =	sshrl.u32 s1, $0x2  }
0xb8: {  	s3 =	sand.u32 $0x4000, s31;
	s1 =	sadd.s32 s1, s30  }
0xb9: {  	s0 =	sor.u32 s3, s0;
	s1 =	sshll.u32 s1, $0x11  }
0xba: {  	s0 =	sor.u32 s1, s0  }
0xbb: {  	s0 =	sadd.s32 $0x8F2B, s0  }
0xbc: {  	[sflag:s0] =	ssyncadd.remote.s32 $0x1  }
0xbd: {  	_ =	sfence.sel $0xFFFF  }
0xbe: {  	[dreg:$0x0] =	wrdreg $0xFFFFFFFF;
	(pc) =	sbr.abs _section_cstart, $3  }
0xbf: {  	[dreg:$0x1] =	wrdreg $0xFFFFFFFF  }
0xc0: {  	_ =	task.clear_ibuf [dreg:s6], $0x2FFFF;
	_ =	strace $0x9FFFFFFF  }
0xc1: {  	(tm) =	ssettm $0x7FFFFFFF  }
tec
execute0_lowered:
.L_overlay_start_1:
0x0: {  	(tag) =	ssettag $0x1  }
0x1: {  	s0 =	srdreg.scid  }
0x2: {  	s9 =	stileid.u32;
	s1 =	rddreg [dreg:$0x0];
	s2 =	simm.s32 $0x0  }
0x3: {  	s28 =	simm.s32 $0x300;
	s29 =	simm.s32 $0x400;
	s16 =	smul.u32 $0x4E20, s9  }
0x4: {  	s30 =	simm.s32 $0x500;
	s0 =	sand.u32 $0x1, s0;
	s24 =	smul.u32 $0x27100, s9  }
0x5: {  	v0 =	vlaneseq.u32;
	s31 =	simm.s32 $0x600;
	s3 =	sshll.u32 s9, $0x1;
	s18 =	smul.u32 $0x2710, s0  }
0x6: {  	v2 =	vor.u32 $0x10, v0;
	s4 =	sor.u32 s0, s3;
	s25 =	ssub.s32 $0x2, s0;
	s0 =	smul.u32 $0x13880, s0  }
0x7: {  	[smem:$0x7FF] =	sst s2;
	v17 =	vor.u32 $0x100, v0;
	v18 =	vor.u32 $0x110, v0;
	v19 =	vor.u32 $0x120, v0;
	s9 =	simm.s32 $0x2;
	s5 =	smul.u32 $0x4E2, s4  }
0x8: {  	v1 =	vmul.u32 $0xFFFFFFFF, v0;
	v20 =	vor.u32 $0x130, v0;
	v21 =	vor.u32 $0x140, v0;
	_ =	strace $0x80000047;
	s3 =	sadd.s32 $0x1400, s1;
	s7 =	smul.u32 $0x9C400, s4  }
0x9: {  	v22 =	vor.u32 $0x150, v0;
	v23 =	vor.u32 $0x160, v0;
	v24 =	vor.u32 $0x170, v0;
	s6 =	smul.u32 $0x271, s4;
	s4 =	sshll.u32 s4, $0x7;
	s8 =	sshrl.u32 s25, $0x1  }
0xa: {  	v25 =	vor.u32 $0x180, v0;
	v26 =	vor.u32 $0x190, v0;
	v27 =	vor.u32 $0x1A0, v0;
	s8 =	ssub.s32 s25, s8;
	s1 =	sadd.s32 s5, s1;
	s4 =	sor.u32 s4, s7  }
0xb: {  	v28 =	vor.u32 $0x1B0, v0;
	v29 =	vor.u32 $0x1C0, v0;
	v30 =	vor.u32 $0x1D0, v0;
	s6 =	sadd.s32 $0x1, s6;
	s11 =	smax.u32 s8, $0x1;
	s8 =	simm.s32 $0x3  }
0xc: {  	v31 =	vor.u32 $0x1E0, v0;
	v32 =	vor.u32 $0x1F0, v0;
	v34 =	vor.u32 $0x210, v0;
	s4 =	sand.u32 $0x1FFE380, s4;
	s26 =	sshll.u32 s6, $0x7;
	s6 =	sshll.u32 s6, $0x4  }
0xd: {  	v35 =	vor.u32 $0x220, v0;
	[tilespmem:$0x1FF10] =	vst v2;
	v2 =	vadd.s32 $0xF, v1;
	v1 =	vor.u32 $0x20, v0;
	s10 =	sadd.s32 $0x272400, s1;
	[dreg:$0x4] =	wrdreg s11;
	s4 =	sshrl.u32 s4, $0x3  }
0xe: {  	v36 =	vor.u32 $0x230, v0;
	v37 =	vor.u32 $0x240, v0;
	[tilespmem:$0x1FF20] =	vst v1;
	v1 =	vor.u32 $0x30, v0;
	s1 =	sadd.s32 $0x27C200, s1;
	[dreg:$0x2] =	wrdreg s10;
	s5 =	sadd.s32 s3, s4  }
0xf: {  	v38 =	vor.u32 $0x250, v0;
	v39 =	vor.u32 $0x260, v0;
	[tilespmem:$0x1FF30] =	vst v1;
	v1 =	vor.u32 $0x40, v0;
	s7 =	sand.u32 $0x7FFC00, s26;
	[dreg:$0x3] =	wrdreg s1;
	s12 =	sadd.s32 $0x80, s5  }
0x10: {  	v40 =	vor.u32 $0x270, v0;
	v41 =	vor.u32 $0x280, v0;
	[tilespmem:$0x1FF40] =	vst v1;
	v1 =	vor.u32 $0x50, v0;
	s6 =	sand.u32 $0x70, s6;
	s13 =	sadd.s32 $0x100, s5;
	[dreg:$0x5] =	wrdreg s12  }
0x11: {  	v42 =	vor.u32 $0x290, v0;
	v43 =	vor.u32 $0x2A0, v0;
	[tilespmem:$0x1FF50] =	vst v1;
	v1 =	vor.u32 $0x60, v0;
	s1 =	simm.s32 $0x700;
	s14 =	sadd.s32 $0x180, s5;
	[dreg:$0x6] =	wrdreg s13  }
0x12: {  	v44 =	vor.u32 $0x2B0, v0;
	v45 =	vor.u32 $0x2C0, v0;
	s10 =	simm.s32 $0x0;
	[tilespmem:$0x1FF60] =	vst v1;
	v1 =	vor.u32 $0x70, v0;
	s15 =	sadd.s32 $0x200, s5;
	[dreg:$0x7] =	wrdreg s14  }
0x13: {  	v46 =	vor.u32 $0x2D0, v0;
	v47 =	vor.u32 $0x2E0, v0;
	s6 =	sadd.s32 s3, s6;
	[tilespmem:$0x1FF70] =	vst v1;
	v1 =	vor.u32 $0x80, v0;
	s4 =	sadd.s32 $0x280, s5;
	[dreg:$0x8] =	wrdreg s15  }
0x14: {  	v48 =	vor.u32 $0x2F0, v0;
	v49 =	vor.u32 $0x300, v0;
	s6 =	sadd.s32 s7, s6;
	s17 =	sadd.s32 $0x300, s5;
	[tilespmem:$0x1FF80] =	vst v1;
	v1 =	vor.u32 $0x90, v0;
	[dreg:$0x9] =	wrdreg s4  }
0x15: {  	v50 =	vor.u32 $0x310, v0;
	v51 =	vor.u32 $0x320, v0;
	s22 =	sadd.s32 $0x380, s5;
	s7 =	simm.s32 $0x2F80;
	[dreg:$0xa] =	wrdreg s17;
	[tilespmem:$0x1FF90] =	vst v1;
	v1 =	vor.u32 $0xA0, v0  }
0x16: {  	v52 =	vor.u32 $0x330, v0;
	v53 =	vor.u32 $0x340, v0;
	[dreg:$0xb] =	wrdreg s22;
	s23 =	sadd.s32 $0x80, s6;
	s25 =	sadd.s32 $0x100, s6;
	[tilespmem:$0x1FFA0] =	vst v1;
	v1 =	vor.u32 $0xB0, v0  }
.Ltmp0:
0x17: {  	v33 =	vor.u32 $0x200, v0;
	v54 =	vor.u32 $0x350, v0;
	s26 =	sadd.s32 $0x180, s6;
	s19 =	sadd.s32 $0x200, s6;
	[tilespmem:$0x1FFB0] =	vst v1;
	v1 =	vor.u32 $0xC0, v0;
	(pc) =	sbr.rel .LBB2_1-.Ltmp0, $4  }
0x18: {  	v55 =	vor.u32 $0x360, v0;
	v56 =	vor.u32 $0x370, v0;
	s20 =	sadd.s32 $0x280, s6;
	s21 =	sadd.s32 $0x300, s6;
	[dreg:$0xc] =	wrdreg s23;
	[tilespmem:$0x1FFC0] =	vst v1;
	v1 =	vor.u32 $0xD0, v0  }
0x19: {  	v57 =	vor.u32 $0x380, v0;
	v58 =	vor.u32 $0x390, v0;
	s22 =	sadd.s32 s18, s16;
	s15 =	sadd.s32 s0, s24;
	[dreg:$0xd] =	wrdreg s25;
	[tilespmem:$0x1FFD0] =	vst v1;
	v1 =	vor.u32 $0xE0, v0  }
0x1a: {  	v59 =	vor.u32 $0x3A0, v0;
	v60 =	vor.u32 $0x3B0, v0;
	s0 =	simm.s32 $0x1;
	s4 =	simm.s32 $0x800;
	[dreg:$0xe] =	wrdreg s26;
	[tilespmem:$0x1FFE0] =	vst v1;
	v1 =	vor.u32 $0xF0, v0  }
0x1b: {  	v61 =	vor.u32 $0x3C0, v0;
	v62 =	vor.u32 $0x3D0, v0;
	v63 =	vor.u32 $0x3E0, v0;
	s23 =	sadd.s32 $0x380, s6;
	s25 =	simm.s32 $0x100;
	s26 =	simm.s32 $0x200;
	[tilespmem:$0x1FFF0] =	vst v1  }
.LBB2_6:
0x1c: {  	s11 =	rddreg [dreg:$0x2]  }
0x1d: {  	[hbm4b:s11+s2] =	stream.linear.scatter [tilespmem:s4], [sflag:$0x3], $0x2710, $0x38;
	[tilespmem:$0x5700] =	vst v63  }
0x1e: {  	_ =	swait.ge [sflag:s8], $0x2710  }
0x1f: {  	[sflag:s8] =	ssyncset.done $0x0  }
0x20: {  	s18 =	rddreg [dreg:$0x3];
	[sflag:s8] =	ssyncadd.s32 $0xFFFFD8F0  }
0x21: {  	[hbm4b:s18+s2] =	stream.linear.scatter [tilespmem:s7], [sflag:$0x3], $0x2710, $0x38;
	[tilespmem:$0x5700] =	vst v63  }
0x22: {  	_ =	swait.ge [sflag:s8], $0x2710  }
0x23: {  	s10 =	sadd.s32 $0x1, s10;
	s24 =	rddreg [dreg:$0x4]  }
0x24: {  	p0 =	sne.s32 s10, s24  }
.Ltmp1:
0x25: {  	_ = 	snop;
	(pc) =	sbr.rel @!p0 .LBB2_7-.Ltmp1, $3  }
0x26: {  	_ =	sdelay $0x1  }
0x27: {  	[sflag:s8] =	ssyncset.done $0x0  }
0x28: {  	[sflag:s8] =	ssyncadd.s32 $0xFFFFD8F0  }
.LBB2_1:
0x29: {  	[tilespmem:s2], [sflag:$0x1] =	stream.linear.gather [hbm4b:s5+s2], $0x80, $0x38;
	[tilespmem:$0x5700] =	vst v63  }
0x2a: {  	s11 =	rddreg [dreg:$0x5]  }
0x2b: {  	[tilespmem:s25], [sflag:$0x1] =	stream.linear.gather [hbm4b:s11+s2], $0x80, $0x38;
	[tilespmem:$0x5700] =	vst v63  }
0x2c: {  	s17 =	rddreg [dreg:$0x6]  }
0x2d: {  	[tilespmem:s26], [sflag:$0x1] =	stream.linear.gather [hbm4b:s17+s2], $0x80, $0x38;
	[tilespmem:$0x5700] =	vst v63  }
0x2e: {  	s18 =	rddreg [dreg:$0x7]  }
0x2f: {  	[tilespmem:s28], [sflag:$0x1] =	stream.linear.gather [hbm4b:s18+s2], $0x80, $0x38;
	[tilespmem:$0x5700] =	vst v63  }
0x30: {  	s24 =	rddreg [dreg:$0x8]  }
0x31: {  	[tilespmem:s29], [sflag:$0x1] =	stream.linear.gather [hbm4b:s24+s2], $0x80, $0x38;
	[tilespmem:$0x5700] =	vst v63  }
0x32: {  	s12 =	rddreg [dreg:$0x9]  }
0x33: {  	[tilespmem:s30], [sflag:$0x1] =	stream.linear.gather [hbm4b:s12+s2], $0x80, $0x38;
	[tilespmem:$0x5700] =	vst v63  }
0x34: {  	s13 =	rddreg [dreg:$0xa]  }
0x35: {  	[tilespmem:s31], [sflag:$0x1] =	stream.linear.gather [hbm4b:s13+s2], $0x80, $0x38;
	[tilespmem:$0x5700] =	vst v63  }
0x36: {  	s14 =	rddreg [dreg:$0xb]  }
0x37: {  	[tilespmem:s1], [sflag:$0x1] =	stream.linear.gather [hbm4b:s14+s2], $0x80, $0x38;
	[tilespmem:$0x5700] =	vst v63  }
0x38: {  	s16 =	simm.s32 $0x80  }
0x39: {  	[tilespmem:s16], [sflag:$0x2] =	stream.linear.gather [hbm4b:s6+s2], $0x80, $0x38;
	[tilespmem:$0x5700] =	vst v63  }
0x3a: {  	s17 =	rddreg [dreg:$0xc];
	s12 =	simm.s32 $0x180  }
0x3b: {  	[tilespmem:s12], [sflag:$0x2] =	stream.linear.gather [hbm4b:s17+s2], $0x80, $0x38;
	[tilespmem:$0x5700] =	vst v63  }
0x3c: {  	s18 =	rddreg [dreg:$0xd];
	s24 =	simm.s32 $0x280  }
0x3d: {  	[tilespmem:s24], [sflag:$0x2] =	stream.linear.gather [hbm4b:s18+s2], $0x80, $0x38;
	[tilespmem:$0x5700] =	vst v63  }
0x3e: {  	s13 =	rddreg [dreg:$0xe];
	s14 =	simm.s32 $0x380  }
0x3f: {  	[tilespmem:s14], [sflag:$0x2] =	stream.linear.gather [hbm4b:s13+s2], $0x80, $0x38;
	[tilespmem:$0x5700] =	vst v63  }
0x40: {  	s16 =	simm.s32 $0x480  }
0x41: {  	[tilespmem:s16], [sflag:$0x2] =	stream.linear.gather [hbm4b:s19+s2], $0x80, $0x38;
	[tilespmem:$0x5700] =	vst v63  }
0x42: {  	s17 =	simm.s32 $0x580  }
0x43: {  	[tilespmem:s17], [sflag:$0x2] =	stream.linear.gather [hbm4b:s20+s2], $0x80, $0x38;
	[tilespmem:$0x5700] =	vst v63  }
.Ltmp2:
0x44: {  	_ = 	snop;
	(pc) =	sbr.rel .LBB2_2-.Ltmp2, $4  }
0x45: {  	s11 =	simm.s32 $0x1;
	s12 =	simm.s32 $0x0;
	s18 =	simm.s32 $0x680  }
0x46: {  	[tilespmem:s18], [sflag:$0x2] =	stream.linear.gather [hbm4b:s21+s2], $0x80, $0x38;
	[tilespmem:$0x5700] =	vst v63  }
0x47: {  	s24 =	simm.s32 $0x780;
	s14 =	smov.u32 s15;
	s13 =	simm.s32 $0x0  }
0x48: {  	[tilespmem:s24], [sflag:$0x2] =	stream.linear.gather [hbm4b:s23+s2], $0x80, $0x38;
	[tilespmem:$0x5700] =	vst v63  }
.LBB2_5:
0x49: {  	s12 =	sadd.s32 $0x20, s12  }
0x4a: {  	p0 =	sne.s32 s12, $0x2720  }
.Ltmp3:
0x4b: {  	_ = 	snop;
	(pc) =	sbr.rel @!p0 .LBB2_6-.Ltmp3, $2  }
0x4c: {  	_ =	sdelay $0x2  }
0x4d: {  	s13 =	sadd.s32 $0x1, s13;
	s11 =	sadd.s32 $0x2, s11;
	s14 =	smov.u32 s24  }
.LBB2_2:
0x4e: {  	_ =	swait.ge [sflag:s0], $0x400  }
0x4f: {  	[sflag:s0] =	ssyncset.done $0x0  }
0x50: {  	[sflag:s0] =	ssyncadd.s32 $0xFFFFFC00  }
0x51: {  	v1 =	vld [tilespmem:$0x0]  }
0x52: {  	v3 =	vld [tilespmem:$0x10];
	_ =	sdelay $0x3  }
0x53: {  	v1 =	vand.u32 $0x7FFFFFFF, v1  }
0x54: {  	(xrf1) =	vsort.ascd.msk.f32 $0xffff, v1, v0;
	v1 =	vand.u32 $0x7FFFFFFF, v3;
	v3 =	vld [tilespmem:$0x1FF10];
	_ =	sdelay $0x4  }
0x55: {  	(xrf1) =	vsort.ascd.msk.f32 $0xffff, v1, v3;
	_ =	sdelay $0xc  }
0x56: {  	v1, v3, _ =	vpop (xrf1)  }
0x57: {  	v4, v5, _ =	vpop (xrf1)  }
0x58: {  	v4 =	vperm.xlane v4, v2  }
0x59: {  	v5 =	vperm.xlane v5, v2  }
0x5a: {  	vm0 =	vgt.f32 v4, v1  }
0x5b: {  	v6 =	vld [tilespmem:$0x20];
	v1 =	vsel vm0, v4, v1;
	v3 =	vsel vm0, v5, v3  }
0x5c: {  	(xrf1) =	vsort.ascd.msk.f32 $0xffff, v1, v3;
	v3 =	vld [tilespmem:$0x1FF20];
	_ =	sdelay $0x3  }
0x5d: {  	v7 =	vld [tilespmem:$0x30];
	v1 =	vand.u32 $0x7FFFFFFF, v6  }
0x5e: {  	(xrf1) =	vsort.ascd.msk.f32 $0xffff, v1, v3;
	v3 =	vld [tilespmem:$0x1FF30];
	_ =	sdelay $0x3  }
0x5f: {  	v1 =	vand.u32 $0x7FFFFFFF, v7  }
0x60: {  	(xrf1) =	vsort.ascd.msk.f32 $0xffff, v1, v3;
	_ =	sdelay $0xb  }
0x61: {  	v1, v3, _ =	vpop (xrf1)  }
0x62: {  	v14, v9, _ =	vpop (xrf1)  }
0x63: {  	v10, v11, _ =	vpop (xrf1)  }
0x64: {  	v6 =	vperm.xlane v10, v2  }
0x65: {  	v7 =	vperm.xlane v11, v2  }
0x66: {  	vm14 =	vgt.f32 v6, v14  }
0x67: {  	v4 =	vsel vm14, v6, v14;
	v5 =	vsel vm14, v7, v9  }
0x68: {  	(xrf1) =	vsort.ascd.msk.f32 $0xffff, v4, v5;
	_ =	sdelay $0xd  }
0x69: {  	v4, v5, _ =	vpop (xrf1)  }
0x6a: {  	v4 =	vperm.xlane v4, v2  }
0x6b: {  	v5 =	vperm.xlane v5, v2  }
0x6c: {  	vm15 =	vgt.f32 v4, v1  }
0x6d: {  	v12 =	vld [tilespmem:$0x40];
	v1 =	vsel vm15, v4, v1;
	v3 =	vsel vm15, v5, v3  }
0x6e: {  	(xrf1) =	vsort.ascd.msk.f32 $0xffff, v1, v3;
	v3 =	vld [tilespmem:$0x1FF40];
	_ =	sdelay $0x3  }
0x6f: {  	v13 =	vld [tilespmem:$0x50];
	v1 =	vand.u32 $0x7FFFFFFF, v12  }
0x70: {  	(xrf1) =	vsort.ascd.msk.f32 $0xffff, v1, v3;
	v3 =	vld [tilespmem:$0x1FF50];
	_ =	sdelay $0x3  }
0x71: {  	v1 =	vand.u32 $0x7FFFFFFF, v13  }
0x72: {  	(xrf1) =	vsort.ascd.msk.f32 $0xffff, v1, v3;
	_ =	sdelay $0xb  }
0x73: {  	v1, v3, _ =	vpop (xrf1)  }
0x74: {  	v8 =	vld [tilespmem:$0x60];
	v4, v14, _ =	vpop (xrf1)  }
0x75: {  	v12, v13, _ =	vpop (xrf1)  }
0x76: {  	v6 =	vperm.xlane v12, v2  }
0x77: {  	v7 =	vperm.xlane v13, v2  }
0x78: {  	v9 =	vld [tilespmem:$0x70];
	vm4 =	vgt.f32 v6, v4  }
0x79: {  	v5 =	vsel vm4, v7, v14;
	v14 =	vand.u32 $0x7FFFFFFF, v8;
	v8 =	vld [tilespmem:$0x1FF60]  }
0x7a: {  	v11 =	vld [tilespmem:$0x1FF70];
	_ =	sdelay $0x1  }
0x7b: {  	v4 =	vsel vm4, v6, v4  }
0x7c: {  	(xrf1) =	vsort.ascd.msk.f32 $0xffff, v4, v5  }
0x7d: {  	v10 =	vand.u32 $0x7FFFFFFF, v9;
	(xrf1) =	vsort.ascd.msk.f32 $0xffff, v14, v8  }
0x7e: {  	(xrf1) =	vsort.ascd.msk.f32 $0xffff, v10, v11;
	_ =	sdelay $0xb  }
0x7f: {  	v4, v5, _ =	vpop (xrf1)  }
0x80: {  	v6, v12, _ =	vpop (xrf1)  }
0x81: {  	v13, v14, _ =	vpop (xrf1)  }
0x82: {  	v8 =	vperm.xlane v13, v2  }
0x83: {  	v9 =	vperm.xlane v14, v2  }
0x84: {  	vm5 =	vgt.f32 v8, v6  }
0x85: {  	v6 =	vsel vm5, v8, v6;
	v7 =	vsel vm5, v9, v12  }
0x86: {  	(xrf1) =	vsort.ascd.msk.f32 $0xffff, v6, v7;
	_ =	sdelay $0xd  }
0x87: {  	v6, v7, _ =	vpop (xrf1)  }
0x88: {  	v6 =	vperm.xlane v6, v2  }
0x89: {  	v7 =	vperm.xlane v7, v2  }
0x8a: {  	vm6 =	vgt.f32 v6, v4  }
0x8b: {  	v4 =	vsel vm6, v6, v4;
	v5 =	vsel vm6, v7, v5  }
0x8c: {  	(xrf1) =	vsort.ascd.msk.f32 $0xffff, v4, v5;
	_ =	sdelay $0xd  }
0x8d: {  	v4, v5, _ =	vpop (xrf1)  }
0x8e: {  	v4 =	vperm.xlane v4, v2  }
0x8f: {  	v5 =	vperm.xlane v5, v2  }
0x90: {  	vm7 =	vgt.f32 v4, v1  }
0x91: {  	v12 =	vld [tilespmem:$0x100];
	v1 =	vsel vm7, v4, v1;
	v3 =	vsel vm7, v5, v3  }
0x92: {  	(xrf1) =	vsort.ascd.msk.f32 $0xffff, v1, v3;
	v3 =	vld [tilespmem:$0x1FF80];
	_ =	sdelay $0x3  }
0x93: {  	v13 =	vld [tilespmem:$0x110];
	v1 =	vand.u32 $0x7FFFFFFF, v12  }
0x94: {  	(xrf1) =	vsort.ascd.msk.f32 $0xffff, v1, v3;
	v3 =	vld [tilespmem:$0x1FF90];
	_ =	sdelay $0x3  }
0x95: {  	v1 =	vand.u32 $0x7FFFFFFF, v13  }
0x96: {  	(xrf1) =	vsort.ascd.msk.f32 $0xffff, v1, v3;
	_ =	sdelay $0xb  }
0x97: {  	v1, v3, _ =	vpop (xrf1)  }
0x98: {  	v10 =	vld [tilespmem:$0x1FFA0];
	v4, v5, _ =	vpop (xrf1)  }
0x99: {  	v13 =	vld [tilespmem:$0x120];
	v14, v12, _ =	vpop (xrf1)  }
0x9a: {  	v6 =	vperm.xlane v14, v2;
	v14 =	vld [tilespmem:$0x130]  }
0x9b: {  	v7 =	vperm.xlane v12, v2;
	v12 =	vld [tilespmem:$0x1FFB0]  }
0x9c: {  	vm8 =	vgt.f32 v6, v4  }
0x9d: {  	v4 =	vsel vm8, v6, v4;
	v5 =	vsel vm8, v7, v5  }
0x9e: {  	v8 =	vand.u32 $0x7FFFFFFF, v13;
	(xrf1) =	vsort.ascd.msk.f32 $0xffff, v4, v5  }
0x9f: {  	(xrf1) =	vsort.ascd.msk.f32 $0xffff, v8, v10;
	v11 =	vand.u32 $0x7FFFFFFF, v14  }
0xa0: {  	(xrf1) =	vsort.ascd.msk.f32 $0xffff, v11, v12;
	_ =	sdelay $0xb  }
0xa1: {  	v4, v5, _ =	vpop (xrf1)  }
0xa2: {  	v6, v13, _ =	vpop (xrf1)  }
0xa3: {  	v14, v12, _ =	vpop (xrf1)  }
0xa4: {  	v8 =	vperm.xlane v14, v2  }
0xa5: {  	v9 =	vperm.xlane v12, v2  }
0xa6: {  	vm9 =	vgt.f32 v8, v6  }
0xa7: {  	v6 =	vsel vm9, v8, v6;
	v7 =	vsel vm9, v9, v13  }
0xa8: {  	(xrf1) =	vsort.ascd.msk.f32 $0xffff, v6, v7;
	_ =	sdelay $0xa  }
0xa9: {  	v13 =	vld [tilespmem:$0x140];
	_ =	sdelay $0x2  }
0xaa: {  	v11 =	vld [tilespmem:$0x1FFC0];
	v6, v7, _ =	vpop (xrf1)  }
0xab: {  	v14 =	vld [tilespmem:$0x150];
	v6 =	vperm.xlane v6, v2  }
0xac: {  	v10 =	vand.u32 $0x7FFFFFFF, v13;
	v13 =	vld [tilespmem:$0x1FFD0];
	v7 =	vperm.xlane v7, v2  }
0xad: {  	vm10 =	vgt.f32 v6, v4  }
0xae: {  	v4 =	vsel vm10, v6, v4;
	v5 =	vsel vm10, v7, v5  }
0xaf: {  	(xrf1) =	vsort.ascd.msk.f32 $0xffff, v4, v5  }
0xb0: {  	v12 =	vand.u32 $0x7FFFFFFF, v14;
	(xrf1) =	vsort.ascd.msk.f32 $0xffff, v10, v11  }
0xb1: {  	(xrf1) =	vsort.ascd.msk.f32 $0xffff, v12, v13;
	_ =	sdelay $0xb  }
0xb2: {  	v4, v5, _ =	vpop (xrf1)  }
0xb3: {  	v10 =	vld [tilespmem:$0x160];
	v6, v14, _ =	vpop (xrf1)  }
0xb4: {  	v11 =	vld [tilespmem:$0x170];
	v12, v13, _ =	vpop (xrf1)  }
0xb5: {  	v8 =	vperm.xlane v12, v2  }
0xb6: {  	v9 =	vperm.xlane v13, v2  }
0xb7: {  	vm11 =	vgt.f32 v8, v6  }
0xb8: {  	v7 =	vsel vm11, v9, v14;
	v9 =	vld [tilespmem:$0x1FFE0]  }
0xb9: {  	v14 =	vand.u32 $0x7FFFFFFF, v10;
	v10 =	vand.u32 $0x7FFFFFFF, v11;
	v11 =	vld [tilespmem:$0x1FFF0];
	_ =	sdelay $0x1  }
0xba: {  	v6 =	vsel vm11, v8, v6  }
0xbb: {  	(xrf1) =	vsort.ascd.msk.f32 $0xffff, v6, v7  }
0xbc: {  	(xrf1) =	vsort.ascd.msk.f32 $0xffff, v14, v9  }
0xbd: {  	(xrf1) =	vsort.ascd.msk.f32 $0xffff, v10, v11;
	_ =	sdelay $0xb  }
0xbe: {  	v6, v7, _ =	vpop (xrf1)  }
0xbf: {  	v8, v12, _ =	vpop (xrf1)  }
0xc0: {  	v13, v14, _ =	vpop (xrf1)  }
0xc1: {  	v10 =	vperm.xlane v13, v2  }
0xc2: {  	v11 =	vperm.xlane v14, v2  }
0xc3: {  	vm12 =	vgt.f32 v10, v8  }
0xc4: {  	v8 =	vsel vm12, v10, v8;
	v9 =	vsel vm12, v11, v12  }
0xc5: {  	(xrf1) =	vsort.ascd.msk.f32 $0xffff, v8, v9;
	_ =	sdelay $0xd  }
0xc6: {  	v8, v9, _ =	vpop (xrf1)  }
0xc7: {  	v8 =	vperm.xlane v8, v2  }
0xc8: {  	v9 =	vperm.xlane v9, v2  }
0xc9: {  	vm13 =	vgt.f32 v8, v6  }
0xca: {  	v6 =	vsel vm13, v8, v6;
	v7 =	vsel vm13, v9, v7  }
0xcb: {  	(xrf1) =	vsort.ascd.msk.f32 $0xffff, v6, v7;
	_ =	sdelay $0xd  }
0xcc: {  	v6, v7, _ =	vpop (xrf1)  }
0xcd: {  	v6 =	vperm.xlane v6, v2  }
0xce: {  	v7 =	vperm.xlane v7, v2  }
0xcf: {  	vm14 =	vgt.f32 v6, v4  }
0xd0: {  	v4 =	vsel vm14, v6, v4;
	v5 =	vsel vm14, v7, v5  }
0xd1: {  	(xrf1) =	vsort.ascd.msk.f32 $0xffff, v4, v5;
	_ =	sdelay $0xd  }
0xd2: {  	v12 =	vld [tilespmem:$0x200];
	v4, v5, _ =	vpop (xrf1)  }
0xd3: {  	v13 =	vld [tilespmem:$0x210];
	v4 =	vperm.xlane v4, v2  }
0xd4: {  	v5 =	vperm.xlane v5, v2  }
0xd5: {  	vm15 =	vgt.f32 v4, v1  }
0xd6: {  	v1 =	vsel vm15, v4, v1;
	v3 =	vsel vm15, v5, v3  }
0xd7: {  	(xrf1) =	vsort.ascd.msk.f32 $0xffff, v1, v3;
	v1 =	vand.u32 $0x7FFFFFFF, v12  }
0xd8: {  	(xrf1) =	vsort.ascd.msk.f32 $0xffff, v1, v17;
	v1 =	vand.u32 $0x7FFFFFFF, v13  }
0xd9: {  	(xrf1) =	vsort.ascd.msk.f32 $0xffff, v1, v18;
	_ =	sdelay $0xb  }
0xda: {  	v3, v1, _ =	vpop (xrf1)  }
0xdb: {  	v4, v5, _ =	vpop (xrf1)  }
0xdc: {  	v13 =	vld [tilespmem:$0x220];
	v14, v12, _ =	vpop (xrf1)  }
0xdd: {  	v6 =	vperm.xlane v14, v2;
	v14 =	vld [tilespmem:$0x230]  }
0xde: {  	v7 =	vperm.xlane v12, v2  }
0xdf: {  	vm4 =	vgt.f32 v6, v4  }
0xe0: {  	v4 =	vsel vm4, v6, v4;
	v5 =	vsel vm4, v7, v5  }
0xe1: {  	v11 =	vand.u32 $0x7FFFFFFF, v13;
	(xrf1) =	vsort.ascd.msk.f32 $0xffff, v4, v5  }
0xe2: {  	(xrf1) =	vsort.ascd.msk.f32 $0xffff, v11, v19;
	v12 =	vand.u32 $0x7FFFFFFF, v14  }
0xe3: {  	(xrf1) =	vsort.ascd.msk.f32 $0xffff, v12, v20;
	_ =	sdelay $0xb  }
0xe4: {  	v4, v5, _ =	vpop (xrf1)  }
0xe5: {  	v6, v13, _ =	vpop (xrf1)  }
0xe6: {  	v14, v12, _ =	vpop (xrf1)  }
0xe7: {  	v8 =	vperm.xlane v14, v2  }
0xe8: {  	v9 =	vperm.xlane v12, v2  }
0xe9: {  	vm5 =	vgt.f32 v8, v6  }
0xea: {  	v6 =	vsel vm5, v8, v6;
	v7 =	vsel vm5, v9, v13  }
0xeb: {  	(xrf1) =	vsort.ascd.msk.f32 $0xffff, v6, v7;
	_ =	sdelay $0xd  }
0xec: {  	v13 =	vld [tilespmem:$0x240];
	v6, v7, _ =	vpop (xrf1)  }
0xed: {  	v14 =	vld [tilespmem:$0x250];
	v6 =	vperm.xlane v6, v2  }
0xee: {  	v7 =	vperm.xlane v7, v2  }
0xef: {  	vm6 =	vgt.f32 v6, v4  }
0xf0: {  	v4 =	vsel vm6, v6, v4;
	v5 =	vsel vm6, v7, v5  }
0xf1: {  	v12 =	vand.u32 $0x7FFFFFFF, v13;
	(xrf1) =	vsort.ascd.msk.f32 $0xffff, v4, v5  }
0xf2: {  	v13 =	vand.u32 $0x7FFFFFFF, v14;
	(xrf1) =	vsort.ascd.msk.f32 $0xffff, v12, v21  }
0xf3: {  	(xrf1) =	vsort.ascd.msk.f32 $0xffff, v13, v22;
	_ =	sdelay $0xb  }
0xf4: {  	v4, v5, _ =	vpop (xrf1)  }
0xf5: {  	v6, v7, _ =	vpop (xrf1)  }
0xf6: {  	v13 =	vld [tilespmem:$0x260];
	v14, v12, _ =	vpop (xrf1)  }
0xf7: {  	v8 =	vperm.xlane v14, v2;
	v14 =	vld [tilespmem:$0x270]  }
0xf8: {  	v9 =	vperm.xlane v12, v2  }
0xf9: {  	vm7 =	vgt.f32 v8, v6  }
0xfa: {  	v6 =	vsel vm7, v8, v6;
	v7 =	vsel vm7, v9, v7  }
0xfb: {  	v10 =	vand.u32 $0x7FFFFFFF, v13;
	(xrf1) =	vsort.ascd.msk.f32 $0xffff, v6, v7  }
0xfc: {  	(xrf1) =	vsort.ascd.msk.f32 $0xffff, v10, v23;
	v12 =	vand.u32 $0x7FFFFFFF, v14  }
0xfd: {  	(xrf1) =	vsort.ascd.msk.f32 $0xffff, v12, v24;
	_ =	sdelay $0xb  }
0xfe: {  	v6, v7, _ =	vpop (xrf1)  }
0xff: {  	v8, v13, _ =	vpop (xrf1)  }
0x100: {  	v14, v12, _ =	vpop (xrf1)  }
0x101: {  	v10 =	vperm.xlane v14, v2  }
0x102: {  	v11 =	vperm.xlane v12, v2  }
0x103: {  	vm8 =	vgt.f32 v10, v8  }
0x104: {  	v8 =	vsel vm8, v10, v8;
	v9 =	vsel vm8, v11, v13  }
0x105: {  	(xrf1) =	vsort.ascd.msk.f32 $0xffff, v8, v9;
	_ =	sdelay $0xd  }
0x106: {  	v8, v9, _ =	vpop (xrf1)  }
0x107: {  	v8 =	vperm.xlane v8, v2  }
0x108: {  	v9 =	vperm.xlane v9, v2  }
0x109: {  	vm9 =	vgt.f32 v8, v6  }
0x10a: {  	v6 =	vsel vm9, v8, v6;
	v7 =	vsel vm9, v9, v7  }
0x10b: {  	(xrf1) =	vsort.ascd.msk.f32 $0xffff, v6, v7;
	_ =	sdelay $0xd  }
0x10c: {  	v13 =	vld [tilespmem:$0x300];
	v6, v7, _ =	vpop (xrf1)  }
0x10d: {  	v14 =	vld [tilespmem:$0x310];
	v6 =	vperm.xlane v6, v2  }
0x10e: {  	v7 =	vperm.xlane v7, v2  }
0x10f: {  	vm10 =	vgt.f32 v6, v4  }
0x110: {  	v4 =	vsel vm10, v6, v4;
	v5 =	vsel vm10, v7, v5  }
0x111: {  	v12 =	vand.u32 $0x7FFFFFFF, v13;
	(xrf1) =	vsort.ascd.msk.f32 $0xffff, v4, v5  }
0x112: {  	v13 =	vand.u32 $0x7FFFFFFF, v14;
	(xrf1) =	vsort.ascd.msk.f32 $0xffff, v12, v25  }
0x113: {  	(xrf1) =	vsort.ascd.msk.f32 $0xffff, v13, v26;
	_ =	sdelay $0xb  }
0x114: {  	v4, v5, _ =	vpop (xrf1)  }
0x115: {  	v6, v7, _ =	vpop (xrf1)  }
0x116: {  	v13 =	vld [tilespmem:$0x320];
	v14, v12, _ =	vpop (xrf1)  }
0x117: {  	v8 =	vperm.xlane v14, v2;
	v14 =	vld [tilespmem:$0x330]  }
0x118: {  	v9 =	vperm.xlane v12, v2  }
0x119: {  	vm11 =	vgt.f32 v8, v6  }
0x11a: {  	v6 =	vsel vm11, v8, v6;
	v7 =	vsel vm11, v9, v7  }
0x11b: {  	v10 =	vand.u32 $0x7FFFFFFF, v13;
	(xrf1) =	vsort.ascd.msk.f32 $0xffff, v6, v7  }
0x11c: {  	(xrf1) =	vsort.ascd.msk.f32 $0xffff, v10, v27;
	v12 =	vand.u32 $0x7FFFFFFF, v14  }
0x11d: {  	(xrf1) =	vsort.ascd.msk.f32 $0xffff, v12, v28;
	_ =	sdelay $0xb  }
0x11e: {  	v6, v7, _ =	vpop (xrf1)  }
0x11f: {  	v8, v13, _ =	vpop (xrf1)  }
0x120: {  	v14, v12, _ =	vpop (xrf1)  }
0x121: {  	v10 =	vperm.xlane v14, v2  }
0x122: {  	v11 =	vperm.xlane v12, v2  }
0x123: {  	vm12 =	vgt.f32 v10, v8  }
0x124: {  	v8 =	vsel vm12, v10, v8;
	v9 =	vsel vm12, v11, v13  }
0x125: {  	(xrf1) =	vsort.ascd.msk.f32 $0xffff, v8, v9;
	_ =	sdelay $0xd  }
0x126: {  	v13 =	vld [tilespmem:$0x340];
	v8, v9, _ =	vpop (xrf1)  }
0x127: {  	v14 =	vld [tilespmem:$0x350];
	v8 =	vperm.xlane v8, v2  }
0x128: {  	v9 =	vperm.xlane v9, v2  }
0x129: {  	vm13 =	vgt.f32 v8, v6  }
0x12a: {  	v6 =	vsel vm13, v8, v6;
	v7 =	vsel vm13, v9, v7  }
0x12b: {  	v10 =	vand.u32 $0x7FFFFFFF, v13;
	(xrf1) =	vsort.ascd.msk.f32 $0xffff, v6, v7  }
0x12c: {  	v11 =	vand.u32 $0x7FFFFFFF, v14;
	(xrf1) =	vsort.ascd.msk.f32 $0xffff, v10, v29  }
0x12d: {  	(xrf1) =	vsort.ascd.msk.f32 $0xffff, v11, v30;
	_ =	sdelay $0xb  }
0x12e: {  	v6, v7, _ =	vpop (xrf1)  }
0x12f: {  	v8, v9, _ =	vpop (xrf1)  }
0x130: {  	v12 =	vld [tilespmem:$0x360];
	v10, v11, _ =	vpop (xrf1)  }
0x131: {  	v13 =	vld [tilespmem:$0x370];
	v10 =	vperm.xlane v10, v2  }
0x132: {  	v11 =	vperm.xlane v11, v2  }
0x133: {  	vm14 =	vgt.f32 v10, v8  }
0x134: {  	v8 =	vsel vm14, v10, v8;
	v9 =	vsel vm14, v11, v9  }
0x135: {  	v12 =	vand.u32 $0x7FFFFFFF, v12;
	(xrf1) =	vsort.ascd.msk.f32 $0xffff, v8, v9  }
0x136: {  	v14 =	vand.u32 $0x7FFFFFFF, v13;
	(xrf1) =	vsort.ascd.msk.f32 $0xffff, v12, v31  }
0x137: {  	(xrf1) =	vsort.ascd.msk.f32 $0xffff, v14, v32;
	_ =	sdelay $0xb  }
0x138: {  	v8, v9, _ =	vpop (xrf1)  }
0x139: {  	v10, v11, _ =	vpop (xrf1)  }
0x13a: {  	v12, v13, _ =	vpop (xrf1)  }
0x13b: {  	v12 =	vperm.xlane v12, v2  }
0x13c: {  	v13 =	vperm.xlane v13, v2  }
0x13d: {  	vm15 =	vgt.f32 v12, v10  }
0x13e: {  	v10 =	vsel vm15, v12, v10;
	v11 =	vsel vm15, v13, v11  }
0x13f: {  	(xrf1) =	vsort.ascd.msk.f32 $0xffff, v10, v11;
	_ =	sdelay $0xd  }
0x140: {  	v10, v11, _ =	vpop (xrf1)  }
0x141: {  	v10 =	vperm.xlane v10, v2  }
0x142: {  	v11 =	vperm.xlane v11, v2  }
0x143: {  	vm4 =	vgt.f32 v10, v8  }
0x144: {  	v8 =	vsel vm4, v10, v8;
	v9 =	vsel vm4, v11, v9  }
0x145: {  	(xrf1) =	vsort.ascd.msk.f32 $0xffff, v8, v9;
	_ =	sdelay $0xd  }
0x146: {  	v8, v9, _ =	vpop (xrf1)  }
0x147: {  	v8 =	vperm.xlane v8, v2  }
0x148: {  	v9 =	vperm.xlane v9, v2  }
0x149: {  	vm5 =	vgt.f32 v8, v6  }
0x14a: {  	v6 =	vsel vm5, v8, v6;
	v7 =	vsel vm5, v9, v7  }
0x14b: {  	(xrf1) =	vsort.ascd.msk.f32 $0xffff, v6, v7;
	_ =	sdelay $0xd  }
0x14c: {  	v6, v7, _ =	vpop (xrf1)  }
0x14d: {  	v6 =	vperm.xlane v6, v2  }
0x14e: {  	v7 =	vperm.xlane v7, v2  }
0x14f: {  	vm6 =	vgt.f32 v6, v4  }
0x150: {  	v4 =	vsel vm6, v6, v4;
	v5 =	vsel vm6, v7, v5  }
0x151: {  	(xrf1) =	vsort.ascd.msk.f32 $0xffff, v4, v5;
	_ =	sdelay $0xd  }
0x152: {  	v12 =	vld [tilespmem:$0x400];
	v4, v5, _ =	vpop (xrf1)  }
0x153: {  	v13 =	vld [tilespmem:$0x410];
	v4 =	vperm.xlane v4, v2  }
0x154: {  	v5 =	vperm.xlane v5, v2  }
0x155: {  	vm7 =	vgt.f32 v4, v3  }
0x156: {  	v3 =	vsel vm7, v4, v3;
	v1 =	vsel vm7, v5, v1  }
0x157: {  	(xrf1) =	vsort.ascd.msk.f32 $0xffff, v3, v1;
	v1 =	vand.u32 $0x7FFFFFFF, v12  }
0x158: {  	(xrf1) =	vsort.ascd.msk.f32 $0xffff, v1, v33;
	v1 =	vand.u32 $0x7FFFFFFF, v13  }
0x159: {  	(xrf1) =	vsort.ascd.msk.f32 $0xffff, v1, v34;
	_ =	sdelay $0xb  }
0x15a: {  	v4, v3, _ =	vpop (xrf1)  }
0x15b: {  	v1, v5, _ =	vpop (xrf1)  }
0x15c: {  	v13 =	vld [tilespmem:$0x420];
	v14, v12, _ =	vpop (xrf1)  }
0x15d: {  	v6 =	vperm.xlane v14, v2;
	v14 =	vld [tilespmem:$0x430]  }
0x15e: {  	v7 =	vperm.xlane v12, v2  }
0x15f: {  	vm8 =	vgt.f32 v6, v1  }
0x160: {  	v1 =	vsel vm8, v6, v1;
	v5 =	vsel vm8, v7, v5  }
0x161: {  	(xrf1) =	vsort.ascd.msk.f32 $0xffff, v1, v5;
	v1 =	vand.u32 $0x7FFFFFFF, v13  }
0x162: {  	(xrf1) =	vsort.ascd.msk.f32 $0xffff, v1, v35;
	v1 =	vand.u32 $0x7FFFFFFF, v14  }
0x163: {  	(xrf1) =	vsort.ascd.msk.f32 $0xffff, v1, v36;
	_ =	sdelay $0xb  }
0x164: {  	v1, v5, _ =	vpop (xrf1)  }
0x165: {  	v6, v12, _ =	vpop (xrf1)  }
0x166: {  	v13, v14, _ =	vpop (xrf1)  }
0x167: {  	v8 =	vperm.xlane v13, v2  }
0x168: {  	v9 =	vperm.xlane v14, v2  }
0x169: {  	vm9 =	vgt.f32 v8, v6  }
0x16a: {  	v6 =	vsel vm9, v8, v6;
	v7 =	vsel vm9, v9, v12  }
0x16b: {  	(xrf1) =	vsort.ascd.msk.f32 $0xffff, v6, v7;
	_ =	sdelay $0xd  }
0x16c: {  	v12 =	vld [tilespmem:$0x440];
	v6, v7, _ =	vpop (xrf1)  }
0x16d: {  	v13 =	vld [tilespmem:$0x450];
	v6 =	vperm.xlane v6, v2  }
0x16e: {  	v7 =	vperm.xlane v7, v2  }
0x16f: {  	vm10 =	vgt.f32 v6, v1  }
0x170: {  	v1 =	vsel vm10, v6, v1;
	v5 =	vsel vm10, v7, v5  }
0x171: {  	(xrf1) =	vsort.ascd.msk.f32 $0xffff, v1, v5;
	v1 =	vand.u32 $0x7FFFFFFF, v12  }
0x172: {  	(xrf1) =	vsort.ascd.msk.f32 $0xffff, v1, v37;
	v1 =	vand.u32 $0x7FFFFFFF, v13  }
0x173: {  	(xrf1) =	vsort.ascd.msk.f32 $0xffff, v1, v38;
	_ =	sdelay $0xb  }
0x174: {  	v1, v5, _ =	vpop (xrf1)  }
0x175: {  	v6, v7, _ =	vpop (xrf1)  }
0x176: {  	v13 =	vld [tilespmem:$0x460];
	v14, v12, _ =	vpop (xrf1)  }
0x177: {  	v8 =	vperm.xlane v14, v2;
	v14 =	vld [tilespmem:$0x470]  }
0x178: {  	v9 =	vperm.xlane v12, v2  }
0x179: {  	vm11 =	vgt.f32 v8, v6  }
0x17a: {  	v6 =	vsel vm11, v8, v6;
	v7 =	vsel vm11, v9, v7  }
0x17b: {  	v10 =	vand.u32 $0x7FFFFFFF, v13;
	(xrf1) =	vsort.ascd.msk.f32 $0xffff, v6, v7  }
0x17c: {  	(xrf1) =	vsort.ascd.msk.f32 $0xffff, v10, v39;
	v11 =	vand.u32 $0x7FFFFFFF, v14  }
0x17d: {  	(xrf1) =	vsort.ascd.msk.f32 $0xffff, v11, v40;
	_ =	sdelay $0xb  }
0x17e: {  	v6, v7, _ =	vpop (xrf1)  }
0x17f: {  	v8, v12, _ =	vpop (xrf1)  }
0x180: {  	v13, v14, _ =	vpop (xrf1)  }
0x181: {  	v10 =	vperm.xlane v13, v2  }
0x182: {  	v11 =	vperm.xlane v14, v2  }
0x183: {  	vm12 =	vgt.f32 v10, v8  }
0x184: {  	v8 =	vsel vm12, v10, v8;
	v9 =	vsel vm12, v11, v12  }
0x185: {  	(xrf1) =	vsort.ascd.msk.f32 $0xffff, v8, v9;
	_ =	sdelay $0xd  }
0x186: {  	v8, v9, _ =	vpop (xrf1)  }
0x187: {  	v8 =	vperm.xlane v8, v2  }
0x188: {  	v9 =	vperm.xlane v9, v2  }
0x189: {  	vm13 =	vgt.f32 v8, v6  }
0x18a: {  	v6 =	vsel vm13, v8, v6;
	v7 =	vsel vm13, v9, v7  }
0x18b: {  	(xrf1) =	vsort.ascd.msk.f32 $0xffff, v6, v7;
	_ =	sdelay $0xd  }
0x18c: {  	v12 =	vld [tilespmem:$0x500];
	v6, v7, _ =	vpop (xrf1)  }
0x18d: {  	v13 =	vld [tilespmem:$0x510];
	v6 =	vperm.xlane v6, v2  }
0x18e: {  	v7 =	vperm.xlane v7, v2  }
0x18f: {  	vm14 =	vgt.f32 v6, v1  }
0x190: {  	v1 =	vsel vm14, v6, v1;
	v5 =	vsel vm14, v7, v5  }
0x191: {  	(xrf1) =	vsort.ascd.msk.f32 $0xffff, v1, v5;
	v1 =	vand.u32 $0x7FFFFFFF, v12  }
0x192: {  	(xrf1) =	vsort.ascd.msk.f32 $0xffff, v1, v41;
	v1 =	vand.u32 $0x7FFFFFFF, v13  }
0x193: {  	(xrf1) =	vsort.ascd.msk.f32 $0xffff, v1, v42;
	_ =	sdelay $0xb  }
0x194: {  	v1, v5, _ =	vpop (xrf1)  }
0x195: {  	v6, v7, _ =	vpop (xrf1)  }
0x196: {  	v13 =	vld [tilespmem:$0x520];
	v14, v12, _ =	vpop (xrf1)  }
0x197: {  	v8 =	vperm.xlane v14, v2;
	v14 =	vld [tilespmem:$0x530]  }
0x198: {  	v9 =	vperm.xlane v12, v2  }
0x199: {  	vm15 =	vgt.f32 v8, v6  }
0x19a: {  	v6 =	vsel vm15, v8, v6;
	v7 =	vsel vm15, v9, v7  }
0x19b: {  	v10 =	vand.u32 $0x7FFFFFFF, v13;
	(xrf1) =	vsort.ascd.msk.f32 $0xffff, v6, v7  }
0x19c: {  	(xrf1) =	vsort.ascd.msk.f32 $0xffff, v10, v43;
	v12 =	vand.u32 $0x7FFFFFFF, v14  }
0x19d: {  	(xrf1) =	vsort.ascd.msk.f32 $0xffff, v12, v44;
	_ =	sdelay $0xb  }
0x19e: {  	v6, v7, _ =	vpop (xrf1)  }
0x19f: {  	v8, v13, _ =	vpop (xrf1)  }
0x1a0: {  	v14, v12, _ =	vpop (xrf1)  }
0x1a1: {  	v10 =	vperm.xlane v14, v2  }
0x1a2: {  	v11 =	vperm.xlane v12, v2  }
0x1a3: {  	vm4 =	vgt.f32 v10, v8  }
0x1a4: {  	v8 =	vsel vm4, v10, v8;
	v9 =	vsel vm4, v11, v13  }
0x1a5: {  	(xrf1) =	vsort.ascd.msk.f32 $0xffff, v8, v9;
	_ =	sdelay $0xd  }
0x1a6: {  	v13 =	vld [tilespmem:$0x540];
	v8, v9, _ =	vpop (xrf1)  }
0x1a7: {  	v14 =	vld [tilespmem:$0x550];
	v8 =	vperm.xlane v8, v2  }
0x1a8: {  	v9 =	vperm.xlane v9, v2  }
0x1a9: {  	vm5 =	vgt.f32 v8, v6  }
0x1aa: {  	v6 =	vsel vm5, v8, v6;
	v7 =	vsel vm5, v9, v7  }
0x1ab: {  	v12 =	vand.u32 $0x7FFFFFFF, v13;
	(xrf1) =	vsort.ascd.msk.f32 $0xffff, v6, v7  }
0x1ac: {  	v13 =	vand.u32 $0x7FFFFFFF, v14;
	(xrf1) =	vsort.ascd.msk.f32 $0xffff, v12, v45  }
0x1ad: {  	(xrf1) =	vsort.ascd.msk.f32 $0xffff, v13, v46;
	_ =	sdelay $0xb  }
0x1ae: {  	v6, v7, _ =	vpop (xrf1)  }
0x1af: {  	v8, v9, _ =	vpop (xrf1)  }
0x1b0: {  	v12 =	vld [tilespmem:$0x560];
	v10, v11, _ =	vpop (xrf1)  }
0x1b1: {  	v13 =	vld [tilespmem:$0x570];
	v10 =	vperm.xlane v10, v2  }
0x1b2: {  	v11 =	vperm.xlane v11, v2  }
0x1b3: {  	vm6 =	vgt.f32 v10, v8  }
0x1b4: {  	v8 =	vsel vm6, v10, v8;
	v9 =	vsel vm6, v11, v9  }
0x1b5: {  	v14 =	vand.u32 $0x7FFFFFFF, v12;
	(xrf1) =	vsort.ascd.msk.f32 $0xffff, v8, v9  }
0x1b6: {  	v12 =	vand.u32 $0x7FFFFFFF, v13;
	(xrf1) =	vsort.ascd.msk.f32 $0xffff, v14, v47  }
0x1b7: {  	(xrf1) =	vsort.ascd.msk.f32 $0xffff, v12, v48;
	_ =	sdelay $0xb  }
0x1b8: {  	v8, v9, _ =	vpop (xrf1)  }
0x1b9: {  	v10, v11, _ =	vpop (xrf1)  }
0x1ba: {  	v12, v13, _ =	vpop (xrf1)  }
0x1bb: {  	v12 =	vperm.xlane v12, v2  }
0x1bc: {  	v13 =	vperm.xlane v13, v2  }
0x1bd: {  	vm7 =	vgt.f32 v12, v10  }
0x1be: {  	v10 =	vsel vm7, v12, v10;
	v11 =	vsel vm7, v13, v11  }
0x1bf: {  	(xrf1) =	vsort.ascd.msk.f32 $0xffff, v10, v11;
	_ =	sdelay $0xd  }
0x1c0: {  	v10, v11, _ =	vpop (xrf1)  }
0x1c1: {  	v10 =	vperm.xlane v10, v2  }
0x1c2: {  	v11 =	vperm.xlane v11, v2  }
0x1c3: {  	vm8 =	vgt.f32 v10, v8  }
0x1c4: {  	v8 =	vsel vm8, v10, v8;
	v9 =	vsel vm8, v11, v9  }
0x1c5: {  	(xrf1) =	vsort.ascd.msk.f32 $0xffff, v8, v9;
	_ =	sdelay $0xd  }
0x1c6: {  	v8, v9, _ =	vpop (xrf1)  }
0x1c7: {  	v8 =	vperm.xlane v8, v2  }
0x1c8: {  	v9 =	vperm.xlane v9, v2  }
0x1c9: {  	vm9 =	vgt.f32 v8, v6  }
0x1ca: {  	v6 =	vsel vm9, v8, v6;
	v7 =	vsel vm9, v9, v7  }
0x1cb: {  	(xrf1) =	vsort.ascd.msk.f32 $0xffff, v6, v7;
	_ =	sdelay $0xd  }
0x1cc: {  	v13 =	vld [tilespmem:$0x600];
	v6, v7, _ =	vpop (xrf1)  }
0x1cd: {  	v14 =	vld [tilespmem:$0x610];
	v6 =	vperm.xlane v6, v2  }
0x1ce: {  	v7 =	vperm.xlane v7, v2  }
0x1cf: {  	vm10 =	vgt.f32 v6, v1  }
0x1d0: {  	v1 =	vsel vm10, v6, v1;
	v5 =	vsel vm10, v7, v5  }
0x1d1: {  	(xrf1) =	vsort.ascd.msk.f32 $0xffff, v1, v5;
	v1 =	vand.u32 $0x7FFFFFFF, v13  }
0x1d2: {  	(xrf1) =	vsort.ascd.msk.f32 $0xffff, v1, v49;
	v1 =	vand.u32 $0x7FFFFFFF, v14  }
0x1d3: {  	(xrf1) =	vsort.ascd.msk.f32 $0xffff, v1, v50;
	_ =	sdelay $0xb  }
0x1d4: {  	v6, v5, _ =	vpop (xrf1)  }
0x1d5: {  	v1, v7, _ =	vpop (xrf1)  }
0x1d6: {  	v14 =	vld [tilespmem:$0x620];
	v12, v13, _ =	vpop (xrf1)  }
0x1d7: {  	v8 =	vperm.xlane v12, v2;
	v12 =	vld [tilespmem:$0x630]  }
0x1d8: {  	v9 =	vperm.xlane v13, v2  }
0x1d9: {  	vm11 =	vgt.f32 v8, v1  }
0x1da: {  	v1 =	vsel vm11, v8, v1;
	v7 =	vsel vm11, v9, v7  }
0x1db: {  	(xrf1) =	vsort.ascd.msk.f32 $0xffff, v1, v7;
	v1 =	vand.u32 $0x7FFFFFFF, v14  }
0x1dc: {  	(xrf1) =	vsort.ascd.msk.f32 $0xffff, v1, v51;
	v1 =	vand.u32 $0x7FFFFFFF, v12  }
0x1dd: {  	(xrf1) =	vsort.ascd.msk.f32 $0xffff, v1, v52;
	_ =	sdelay $0xb  }
0x1de: {  	v1, v7, _ =	vpop (xrf1)  }
0x1df: {  	v8, v13, _ =	vpop (xrf1)  }
0x1e0: {  	v14, v12, _ =	vpop (xrf1)  }
0x1e1: {  	v10 =	vperm.xlane v14, v2  }
0x1e2: {  	v11 =	vperm.xlane v12, v2  }
0x1e3: {  	vm12 =	vgt.f32 v10, v8  }
0x1e4: {  	v8 =	vsel vm12, v10, v8;
	v9 =	vsel vm12, v11, v13  }
0x1e5: {  	(xrf1) =	vsort.ascd.msk.f32 $0xffff, v8, v9;
	_ =	sdelay $0xd  }
0x1e6: {  	v13 =	vld [tilespmem:$0x640];
	v8, v9, _ =	vpop (xrf1)  }
0x1e7: {  	v14 =	vld [tilespmem:$0x650];
	v8 =	vperm.xlane v8, v2  }
0x1e8: {  	v9 =	vperm.xlane v9, v2  }
0x1e9: {  	vm13 =	vgt.f32 v8, v1  }
0x1ea: {  	v1 =	vsel vm13, v8, v1;
	v7 =	vsel vm13, v9, v7  }
0x1eb: {  	(xrf1) =	vsort.ascd.msk.f32 $0xffff, v1, v7;
	v1 =	vand.u32 $0x7FFFFFFF, v13  }
0x1ec: {  	(xrf1) =	vsort.ascd.msk.f32 $0xffff, v1, v53;
	v1 =	vand.u32 $0x7FFFFFFF, v14  }
0x1ed: {  	(xrf1) =	vsort.ascd.msk.f32 $0xffff, v1, v54;
	_ =	sdelay $0xb  }
0x1ee: {  	v1, v7, _ =	vpop (xrf1)  }
0x1ef: {  	v8, v9, _ =	vpop (xrf1)  }
0x1f0: {  	v12 =	vld [tilespmem:$0x660];
	v10, v11, _ =	vpop (xrf1)  }
0x1f1: {  	v13 =	vld [tilespmem:$0x670];
	v10 =	vperm.xlane v10, v2  }
0x1f2: {  	v11 =	vperm.xlane v11, v2  }
0x1f3: {  	vm14 =	vgt.f32 v10, v8  }
0x1f4: {  	v8 =	vsel vm14, v10, v8;
	v9 =	vsel vm14, v11, v9  }
0x1f5: {  	v12 =	vand.u32 $0x7FFFFFFF, v12;
	(xrf1) =	vsort.ascd.msk.f32 $0xffff, v8, v9  }
0x1f6: {  	v14 =	vand.u32 $0x7FFFFFFF, v13;
	(xrf1) =	vsort.ascd.msk.f32 $0xffff, v12, v55  }
0x1f7: {  	(xrf1) =	vsort.ascd.msk.f32 $0xffff, v14, v56;
	_ =	sdelay $0xb  }
0x1f8: {  	v8, v9, _ =	vpop (xrf1)  }
0x1f9: {  	v10, v11, _ =	vpop (xrf1)  }
0x1fa: {  	v12, v13, _ =	vpop (xrf1)  }
0x1fb: {  	v12 =	vperm.xlane v12, v2  }
0x1fc: {  	v13 =	vperm.xlane v13, v2  }
0x1fd: {  	vm15 =	vgt.f32 v12, v10  }
0x1fe: {  	v10 =	vsel vm15, v12, v10;
	v11 =	vsel vm15, v13, v11  }
0x1ff: {  	(xrf1) =	vsort.ascd.msk.f32 $0xffff, v10, v11;
	_ =	sdelay $0xd  }
0x200: {  	v10, v11, _ =	vpop (xrf1)  }
0x201: {  	v10 =	vperm.xlane v10, v2  }
0x202: {  	v11 =	vperm.xlane v11, v2  }
0x203: {  	vm4 =	vgt.f32 v10, v8  }
0x204: {  	v8 =	vsel vm4, v10, v8;
	v9 =	vsel vm4, v11, v9  }
0x205: {  	(xrf1) =	vsort.ascd.msk.f32 $0xffff, v8, v9;
	_ =	sdelay $0xd  }
0x206: {  	v12 =	vld [tilespmem:$0x700];
	v8, v9, _ =	vpop (xrf1)  }
0x207: {  	v13 =	vld [tilespmem:$0x710];
	v8 =	vperm.xlane v8, v2  }
0x208: {  	v9 =	vperm.xlane v9, v2  }
0x209: {  	vm5 =	vgt.f32 v8, v1  }
0x20a: {  	v1 =	vsel vm5, v8, v1;
	v7 =	vsel vm5, v9, v7  }
0x20b: {  	(xrf1) =	vsort.ascd.msk.f32 $0xffff, v1, v7;
	v1 =	vand.u32 $0x7FFFFFFF, v12  }
0x20c: {  	(xrf1) =	vsort.ascd.msk.f32 $0xffff, v1, v57;
	v1 =	vand.u32 $0x7FFFFFFF, v13  }
0x20d: {  	(xrf1) =	vsort.ascd.msk.f32 $0xffff, v1, v58;
	_ =	sdelay $0xb  }
0x20e: {  	v7, v8, _ =	vpop (xrf1)  }
0x20f: {  	v1, v9, _ =	vpop (xrf1)  }
0x210: {  	v12 =	vld [tilespmem:$0x720];
	v10, v11, _ =	vpop (xrf1)  }
0x211: {  	v13 =	vld [tilespmem:$0x730];
	v10 =	vperm.xlane v10, v2  }
0x212: {  	v11 =	vperm.xlane v11, v2  }
0x213: {  	vm6 =	vgt.f32 v10, v1  }
0x214: {  	v1 =	vsel vm6, v10, v1;
	v9 =	vsel vm6, v11, v9  }
0x215: {  	(xrf1) =	vsort.ascd.msk.f32 $0xffff, v1, v9;
	v1 =	vand.u32 $0x7FFFFFFF, v12  }
0x216: {  	(xrf1) =	vsort.ascd.msk.f32 $0xffff, v1, v59;
	v1 =	vand.u32 $0x7FFFFFFF, v13  }
0x217: {  	(xrf1) =	vsort.ascd.msk.f32 $0xffff, v1, v60;
	_ =	sdelay $0xb  }
0x218: {  	v1, v9, _ =	vpop (xrf1)  }
0x219: {  	v10, v11, _ =	vpop (xrf1)  }
0x21a: {  	v12, v13, _ =	vpop (xrf1)  }
0x21b: {  	v12 =	vperm.xlane v12, v2  }
0x21c: {  	v13 =	vperm.xlane v13, v2  }
0x21d: {  	vm7 =	vgt.f32 v12, v10  }
0x21e: {  	v10 =	vsel vm7, v12, v10;
	v11 =	vsel vm7, v13, v11  }
0x21f: {  	(xrf1) =	vsort.ascd.msk.f32 $0xffff, v10, v11;
	_ =	sdelay $0xd  }
0x220: {  	v12 =	vld [tilespmem:$0x740];
	v10, v11, _ =	vpop (xrf1)  }
0x221: {  	v13 =	vld [tilespmem:$0x750];
	v10 =	vperm.xlane v10, v2  }
0x222: {  	v11 =	vperm.xlane v11, v2  }
0x223: {  	vm8 =	vgt.f32 v10, v1  }
0x224: {  	v1 =	vsel vm8, v10, v1;
	v9 =	vsel vm8, v11, v9  }
0x225: {  	(xrf1) =	vsort.ascd.msk.f32 $0xffff, v1, v9;
	v1 =	vand.u32 $0x7FFFFFFF, v12  }
0x226: {  	(xrf1) =	vsort.ascd.msk.f32 $0xffff, v1, v61;
	v1 =	vand.u32 $0x7FFFFFFF, v13  }
0x227: {  	(xrf1) =	vsort.ascd.msk.f32 $0xffff, v1, v62;
	_ =	sdelay $0xb  }
0x228: {  	v9, v10, _ =	vpop (xrf1)  }
0x229: {  	v1, v11, _ =	vpop (xrf1)  }
0x22a: {  	v14 =	vld [tilespmem:$0x760];
	v12, v13, _ =	vpop (xrf1)  }
0x22b: {  	v15 =	vld [tilespmem:$0x770];
	v12 =	vperm.xlane v12, v2  }
0x22c: {  	v13 =	vperm.xlane v13, v2  }
0x22d: {  	vm9 =	vgt.f32 v12, v1  }
0x22e: {  	v1 =	vsel vm9, v12, v1;
	v11 =	vsel vm9, v13, v11  }
0x22f: {  	(xrf1) =	vsort.ascd.msk.f32 $0xffff, v1, v11;
	v1 =	vand.u32 $0x7FFFFFFF, v14  }
0x230: {  	v14 =	vand.u32 $0x7FFFFFFF, v15;
	(xrf1) =	vsort.ascd.msk.f32 $0xffff, v1, v63;
	v1 =	vor.u32 $0x3F0, v0  }
0x231: {  	(xrf1) =	vsort.ascd.msk.f32 $0xffff, v14, v1;
	_ =	sdelay $0xb  }
0x232: {  	v11, v12, _ =	vpop (xrf1)  }
0x233: {  	v13, v14, _ =	vpop (xrf1)  }
0x234: {  	v15, v16, _ =	vpop (xrf1)  }
0x235: {  	v15 =	vperm.xlane v15, v2  }
0x236: {  	v16 =	vperm.xlane v16, v2  }
0x237: {  	vm10 =	vgt.f32 v15, v13  }
0x238: {  	v13 =	vsel vm10, v15, v13;
	v14 =	vsel vm10, v16, v14  }
0x239: {  	(xrf1) =	vsort.ascd.msk.f32 $0xffff, v13, v14;
	_ =	sdelay $0xd  }
0x23a: {  	v13, v14, _ =	vpop (xrf1)  }
0x23b: {  	v13 =	vperm.xlane v13, v2  }
0x23c: {  	v14 =	vperm.xlane v14, v2  }
0x23d: {  	vm11 =	vgt.f32 v13, v11  }
0x23e: {  	v11 =	vsel vm11, v13, v11;
	v12 =	vsel vm11, v14, v12  }
0x23f: {  	(xrf1) =	vsort.ascd.msk.f32 $0xffff, v11, v12;
	_ =	sdelay $0xd  }
0x240: {  	v11, v12, _ =	vpop (xrf1)  }
0x241: {  	v11 =	vperm.xlane v11, v2  }
0x242: {  	v12 =	vperm.xlane v12, v2  }
0x243: {  	vm12 =	vgt.f32 v11, v9  }
0x244: {  	v9 =	vsel vm12, v11, v9;
	v10 =	vsel vm12, v12, v10  }
0x245: {  	(xrf1) =	vsort.ascd.msk.f32 $0xffff, v9, v10;
	_ =	sdelay $0xd  }
0x246: {  	v9, v10, _ =	vpop (xrf1)  }
0x247: {  	v9 =	vperm.xlane v9, v2  }
0x248: {  	v10 =	vperm.xlane v10, v2  }
0x249: {  	vm13 =	vgt.f32 v9, v7  }
0x24a: {  	v7 =	vsel vm13, v9, v7;
	v8 =	vsel vm13, v10, v8  }
0x24b: {  	(xrf1) =	vsort.ascd.msk.f32 $0xffff, v7, v8;
	_ =	sdelay $0xd  }
0x24c: {  	v7, v8, _ =	vpop (xrf1)  }
0x24d: {  	v7 =	vperm.xlane v7, v2  }
0x24e: {  	v8 =	vperm.xlane v8, v2  }
0x24f: {  	vm14 =	vgt.f32 v7, v6  }
0x250: {  	v6 =	vsel vm14, v7, v6;
	v5 =	vsel vm14, v8, v5  }
0x251: {  	(xrf1) =	vsort.ascd.msk.f32 $0xffff, v6, v5;
	_ =	sdelay $0xd  }
0x252: {  	v5, v6, _ =	vpop (xrf1)  }
0x253: {  	v5 =	vperm.xlane v5, v2  }
0x254: {  	v6 =	vperm.xlane v6, v2  }
0x255: {  	vm15 =	vgt.f32 v5, v4  }
0x256: {  	v4 =	vsel vm15, v5, v4;
	v3 =	vsel vm15, v6, v3  }
0x257: {  	(xrf1) =	vsort.ascd.msk.f32 $0xffff, v4, v3;
	_ =	sdelay $0xd  }
0x258: {  	_, v3, _ =	vpop (xrf1)  }
0x259: {  	v12 =	vshll.u32 v3, $0x1  }
0x25a: {  	v13 =	vand.u32 $0x7F, v3;
	v4 =	vand.u32 $0xFFFFFF00, v12  }
0x25b: {  	v4 =	vor.u32 v13, v4;
	_ =	sdelay $0x4  }
0x25c: {  	v14 =	vor.u32 s12, v0;
	v4 =	vld.idx.msk [tilespmem:v4+s2+$0x0], $0xffff  }
0x25d: {  	p0 =	seq.s32 s12, $0x2700  }
.Ltmp4:
0x25e: {  	_ = 	snop;
	(pc) =	sbr.rel @p0 .LBB2_6-.Ltmp4, $4  }
0x25f: {  	_ = 	snop  }
0x260: {  	v3 =	vcvt.s32.f32 v3  }
0x261: {  	[tilespmem:v14+s4+$0x0] =	vst.idx.msk $0xffff, v4  }
0x262: {  	[tilespmem:v14+s7+$0x0] =	vst.idx.msk $0xffff, v3  }
0x263: {  	s24 =	sadd.s32 s12, s22  }
0x264: {  	s16 =	sadd.s32 $0x20, s24  }
0x265: {  	s24 =	sadd.s32 $0x100, s14;
	s16 =	sand.u32 $0x70, s16  }
0x266: {  	s17 =	sand.u32 $0xFFFFC00, s24;
	s16 =	sadd.s32 s3, s16  }
0x267: {  	s16 =	sadd.s32 s17, s16  }
0x268: {  	[tilespmem:s2], [sflag:$0x1] =	stream.linear.gather [hbm4b:s16+s2], $0x80, $0x38;
	[tilespmem:$0x5700] =	vst v63  }
0x269: {  	s17 =	sadd.s32 $0x80, s16  }
0x26a: {  	[tilespmem:s25], [sflag:$0x1] =	stream.linear.gather [hbm4b:s17+s2], $0x80, $0x38;
	[tilespmem:$0x5700] =	vst v63  }
0x26b: {  	s18 =	sadd.s32 $0x100, s16  }
0x26c: {  	[tilespmem:s26], [sflag:$0x1] =	stream.linear.gather [hbm4b:s18+s2], $0x80, $0x38;
	[tilespmem:$0x5700] =	vst v63  }
0x26d: {  	s18 =	sadd.s32 $0x180, s16  }
0x26e: {  	[tilespmem:s28], [sflag:$0x1] =	stream.linear.gather [hbm4b:s18+s2], $0x80, $0x38;
	[tilespmem:$0x5700] =	vst v63  }
0x26f: {  	s18 =	sadd.s32 $0x200, s16  }
0x270: {  	[tilespmem:s29], [sflag:$0x1] =	stream.linear.gather [hbm4b:s18+s2], $0x80, $0x38;
	[tilespmem:$0x5700] =	vst v63  }
0x271: {  	p0 =	sgt.u32 s11, $0x270;
	s18 =	sadd.s32 $0x280, s16  }
0x272: {  	[tilespmem:s30], [sflag:$0x1] =	stream.linear.gather [hbm4b:s18+s2], $0x80, $0x38;
	[tilespmem:$0x5700] =	vst v63  }
.Ltmp5:
0x273: {  	_ = 	snop;
	(pc) =	sbr.rel @p0 .LBB2_5-.Ltmp5, $4  }
0x274: {  	s18 =	sadd.s32 $0x300, s16  }
0x275: {  	[tilespmem:s31], [sflag:$0x1] =	stream.linear.gather [hbm4b:s18+s2], $0x80, $0x38;
	[tilespmem:$0x5700] =	vst v63  }
0x276: {  	s16 =	sadd.s32 $0x380, s16  }
0x277: {  	[tilespmem:s1], [sflag:$0x1] =	stream.linear.gather [hbm4b:s16+s2], $0x80, $0x38;
	[tilespmem:$0x5700] =	vst v63  }
0x278: {  	_ =	swait.ge [sflag:s9], $0x400  }
0x279: {  	[sflag:s9] =	ssyncset.done $0x0  }
0x27a: {  	[sflag:s9] =	ssyncadd.s32 $0xFFFFFC00  }
0x27b: {  	v3 =	vld [tilespmem:$0x80]  }
0x27c: {  	v4 =	vld [tilespmem:$0x90]  }
0x27d: {  	v10 =	vld [tilespmem:$0x1FF10];
	_ =	sdelay $0x2  }
0x27e: {  	v3 =	vand.u32 $0x7FFFFFFF, v3  }
0x27f: {  	(xrf1) =	vsort.ascd.msk.f32 $0xffff, v3, v0;
	v3 =	vand.u32 $0x7FFFFFFF, v4  }
0x280: {  	(xrf1) =	vsort.ascd.msk.f32 $0xffff, v3, v10;
	_ =	sdelay $0xc  }
0x281: {  	v11 =	vld [tilespmem:$0x1FF20];
	v3, v4, _ =	vpop (xrf1)  }
0x282: {  	v7 =	vld [tilespmem:$0xA0];
	v5, v6, _ =	vpop (xrf1)  }
0x283: {  	v8 =	vld [tilespmem:$0xB0];
	v5 =	vperm.xlane v5, v2  }
0x284: {  	v12 =	vld [tilespmem:$0x1FF30];
	v6 =	vperm.xlane v6, v2  }
0x285: {  	vm0 =	vgt.f32 v5, v3  }
0x286: {  	v3 =	vsel vm0, v5, v3;
	v4 =	vsel vm0, v6, v4  }
0x287: {  	(xrf1) =	vsort.ascd.msk.f32 $0xffff, v3, v4;
	v3 =	vand.u32 $0x7FFFFFFF, v7  }
0x288: {  	(xrf1) =	vsort.ascd.msk.f32 $0xffff, v3, v11;
	v3 =	vand.u32 $0x7FFFFFFF, v8  }
0x289: {  	(xrf1) =	vsort.ascd.msk.f32 $0xffff, v3, v12;
	_ =	sdelay $0xb  }
0x28a: {  	v3, v4, _ =	vpop (xrf1)  }
0x28b: {  	v5, v13, _ =	vpop (xrf1)  }
0x28c: {  	v14, v12, _ =	vpop (xrf1)  }
0x28d: {  	v7 =	vperm.xlane v14, v2  }
0x28e: {  	v8 =	vperm.xlane v12, v2  }
0x28f: {  	vm14 =	vgt.f32 v7, v5  }
0x290: {  	v5 =	vsel vm14, v7, v5;
	v6 =	vsel vm14, v8, v13  }
0x291: {  	(xrf1) =	vsort.ascd.msk.f32 $0xffff, v5, v6;
	_ =	sdelay $0xd  }
0x292: {  	v13 =	vld [tilespmem:$0xC0];
	v5, v6, _ =	vpop (xrf1)  }
0x293: {  	v5 =	vperm.xlane v5, v2  }
0x294: {  	v6 =	vperm.xlane v6, v2  }
0x295: {  	v14 =	vld [tilespmem:$0xD0];
	vm15 =	vgt.f32 v5, v3  }
0x296: {  	v12 =	vld [tilespmem:$0x1FF40];
	v3 =	vsel vm15, v5, v3;
	v4 =	vsel vm15, v6, v4  }
0x297: {  	(xrf1) =	vsort.ascd.msk.f32 $0xffff, v3, v4;
	v3 =	vand.u32 $0x7FFFFFFF, v13;
	v13 =	vld [tilespmem:$0x1FF50];
	_ =	sdelay $0x3  }
0x298: {  	(xrf1) =	vsort.ascd.msk.f32 $0xffff, v3, v12;
	v3 =	vand.u32 $0x7FFFFFFF, v14  }
0x299: {  	(xrf1) =	vsort.ascd.msk.f32 $0xffff, v3, v13;
	_ =	sdelay $0xb  }
0x29a: {  	v3, v4, _ =	vpop (xrf1)  }
0x29b: {  	v9 =	vld [tilespmem:$0xE0];
	v5, v14, _ =	vpop (xrf1)  }
0x29c: {  	v12, v13, _ =	vpop (xrf1)  }
0x29d: {  	v7 =	vperm.xlane v12, v2  }
0x29e: {  	v8 =	vperm.xlane v13, v2  }
0x29f: {  	v10 =	vld [tilespmem:$0xF0];
	vm4 =	vgt.f32 v7, v5  }
0x2a0: {  	v6 =	vsel vm4, v8, v14;
	v14 =	vand.u32 $0x7FFFFFFF, v9;
	v9 =	vld [tilespmem:$0x1FF60]  }
0x2a1: {  	v12 =	vld [tilespmem:$0x1FF70];
	_ =	sdelay $0x1  }
0x2a2: {  	v5 =	vsel vm4, v7, v5  }
0x2a3: {  	(xrf1) =	vsort.ascd.msk.f32 $0xffff, v5, v6  }
0x2a4: {  	v11 =	vand.u32 $0x7FFFFFFF, v10;
	(xrf1) =	vsort.ascd.msk.f32 $0xffff, v14, v9  }
0x2a5: {  	(xrf1) =	vsort.ascd.msk.f32 $0xffff, v11, v12;
	_ =	sdelay $0xb  }
0x2a6: {  	v5, v6, _ =	vpop (xrf1)  }
0x2a7: {  	v7, v13, _ =	vpop (xrf1)  }
0x2a8: {  	v14, v12, _ =	vpop (xrf1)  }
0x2a9: {  	v9 =	vperm.xlane v14, v2  }
0x2aa: {  	v10 =	vperm.xlane v12, v2  }
0x2ab: {  	vm5 =	vgt.f32 v9, v7  }
0x2ac: {  	v7 =	vsel vm5, v9, v7;
	v8 =	vsel vm5, v10, v13  }
0x2ad: {  	(xrf1) =	vsort.ascd.msk.f32 $0xffff, v7, v8;
	_ =	sdelay $0xd  }
0x2ae: {  	v7, v8, _ =	vpop (xrf1)  }
0x2af: {  	v7 =	vperm.xlane v7, v2  }
0x2b0: {  	v8 =	vperm.xlane v8, v2  }
0x2b1: {  	vm6 =	vgt.f32 v7, v5  }
0x2b2: {  	v5 =	vsel vm6, v7, v5;
	v6 =	vsel vm6, v8, v6  }
0x2b3: {  	(xrf1) =	vsort.ascd.msk.f32 $0xffff, v5, v6;
	_ =	sdelay $0xc  }
0x2b4: {  	v11 =	vld [tilespmem:$0x1FF80]  }
0x2b5: {  	v13 =	vld [tilespmem:$0x180];
	v5, v6, _ =	vpop (xrf1)  }
0x2b6: {  	v14 =	vld [tilespmem:$0x190];
	v5 =	vperm.xlane v5, v2  }
0x2b7: {  	v12 =	vld [tilespmem:$0x1FF90];
	v6 =	vperm.xlane v6, v2  }
0x2b8: {  	vm7 =	vgt.f32 v5, v3  }
0x2b9: {  	v3 =	vsel vm7, v5, v3;
	v4 =	vsel vm7, v6, v4  }
0x2ba: {  	(xrf1) =	vsort.ascd.msk.f32 $0xffff, v3, v4;
	v3 =	vand.u32 $0x7FFFFFFF, v13  }
0x2bb: {  	(xrf1) =	vsort.ascd.msk.f32 $0xffff, v3, v11;
	v3 =	vand.u32 $0x7FFFFFFF, v14  }
0x2bc: {  	(xrf1) =	vsort.ascd.msk.f32 $0xffff, v3, v12;
	_ =	sdelay $0xb  }
0x2bd: {  	v3, v4, _ =	vpop (xrf1)  }
0x2be: {  	v9 =	vld [tilespmem:$0x1FFA0];
	v5, v6, _ =	vpop (xrf1)  }
0x2bf: {  	v12 =	vld [tilespmem:$0x1A0];
	v13, v14, _ =	vpop (xrf1)  }
0x2c0: {  	v7 =	vperm.xlane v13, v2;
	v13 =	vld [tilespmem:$0x1B0]  }
0x2c1: {  	v11 =	vld [tilespmem:$0x1FFB0];
	v8 =	vperm.xlane v14, v2  }
0x2c2: {  	vm8 =	vgt.f32 v7, v5  }
0x2c3: {  	v5 =	vsel vm8, v7, v5;
	v6 =	vsel vm8, v8, v6  }
0x2c4: {  	v14 =	vand.u32 $0x7FFFFFFF, v12;
	(xrf1) =	vsort.ascd.msk.f32 $0xffff, v5, v6  }
0x2c5: {  	(xrf1) =	vsort.ascd.msk.f32 $0xffff, v14, v9;
	v10 =	vand.u32 $0x7FFFFFFF, v13  }
0x2c6: {  	(xrf1) =	vsort.ascd.msk.f32 $0xffff, v10, v11;
	_ =	sdelay $0xb  }
0x2c7: {  	v5, v6, _ =	vpop (xrf1)  }
0x2c8: {  	v7, v12, _ =	vpop (xrf1)  }
0x2c9: {  	v13, v14, _ =	vpop (xrf1)  }
0x2ca: {  	v9 =	vperm.xlane v13, v2  }
0x2cb: {  	v10 =	vperm.xlane v14, v2  }
0x2cc: {  	vm9 =	vgt.f32 v9, v7  }
0x2cd: {  	v7 =	vsel vm9, v9, v7;
	v8 =	vsel vm9, v10, v12  }
0x2ce: {  	(xrf1) =	vsort.ascd.msk.f32 $0xffff, v7, v8;
	_ =	sdelay $0xc  }
0x2cf: {  	v13 =	vld [tilespmem:$0x1D0]  }
0x2d0: {  	v12 =	vld [tilespmem:$0x1C0];
	v7, v8, _ =	vpop (xrf1)  }
0x2d1: {  	v9 =	vld [tilespmem:$0x1FFC0];
	v7 =	vperm.xlane v7, v2  }
0x2d2: {  	v11 =	vld [tilespmem:$0x1FFD0];
	v8 =	vperm.xlane v8, v2  }
0x2d3: {  	vm10 =	vgt.f32 v7, v5  }
0x2d4: {  	v5 =	vsel vm10, v7, v5;
	v6 =	vsel vm10, v8, v6  }
0x2d5: {  	v14 =	vand.u32 $0x7FFFFFFF, v12;
	(xrf1) =	vsort.ascd.msk.f32 $0xffff, v5, v6  }
0x2d6: {  	v10 =	vand.u32 $0x7FFFFFFF, v13;
	(xrf1) =	vsort.ascd.msk.f32 $0xffff, v14, v9  }
0x2d7: {  	(xrf1) =	vsort.ascd.msk.f32 $0xffff, v10, v11;
	_ =	sdelay $0xb  }
0x2d8: {  	v5, v6, _ =	vpop (xrf1)  }
0x2d9: {  	v7, v8, _ =	vpop (xrf1)  }
0x2da: {  	v11 =	vld [tilespmem:$0x1E0];
	v12, v10, _ =	vpop (xrf1)  }
0x2db: {  	v14 =	vld [tilespmem:$0x1FFE0];
	v9 =	vperm.xlane v12, v2  }
0x2dc: {  	v10 =	vperm.xlane v10, v2  }
0x2dd: {  	vm11 =	vgt.f32 v9, v7  }
0x2de: {  	v7 =	vsel vm11, v9, v7;
	v8 =	vsel vm11, v10, v8  }
0x2df: {  	v13 =	vand.u32 $0x7FFFFFFF, v11;
	v12 =	vld [tilespmem:$0x1F0];
	(xrf1) =	vsort.ascd.msk.f32 $0xffff, v7, v8  }
0x2e0: {  	(xrf1) =	vsort.ascd.msk.f32 $0xffff, v13, v14;
	v14 =	vld [tilespmem:$0x1FFF0];
	_ =	sdelay $0x3  }
0x2e1: {  	v13 =	vand.u32 $0x7FFFFFFF, v12  }
0x2e2: {  	(xrf1) =	vsort.ascd.msk.f32 $0xffff, v13, v14;
	_ =	sdelay $0xb  }
0x2e3: {  	v7, v8, _ =	vpop (xrf1)  }
0x2e4: {  	v9, v10, _ =	vpop (xrf1)  }
0x2e5: {  	v11, v12, _ =	vpop (xrf1)  }
0x2e6: {  	v11 =	vperm.xlane v11, v2  }
0x2e7: {  	v12 =	vperm.xlane v12, v2  }
0x2e8: {  	vm12 =	vgt.f32 v11, v9  }
0x2e9: {  	v9 =	vsel vm12, v11, v9;
	v10 =	vsel vm12, v12, v10  }
0x2ea: {  	(xrf1) =	vsort.ascd.msk.f32 $0xffff, v9, v10;
	_ =	sdelay $0xd  }
0x2eb: {  	v9, v10, _ =	vpop (xrf1)  }
0x2ec: {  	v9 =	vperm.xlane v9, v2  }
0x2ed: {  	v10 =	vperm.xlane v10, v2  }
0x2ee: {  	vm13 =	vgt.f32 v9, v7  }
0x2ef: {  	v7 =	vsel vm13, v9, v7;
	v8 =	vsel vm13, v10, v8  }
0x2f0: {  	(xrf1) =	vsort.ascd.msk.f32 $0xffff, v7, v8;
	_ =	sdelay $0xd  }
0x2f1: {  	v7, v8, _ =	vpop (xrf1)  }
0x2f2: {  	v7 =	vperm.xlane v7, v2  }
0x2f3: {  	v8 =	vperm.xlane v8, v2  }
0x2f4: {  	vm14 =	vgt.f32 v7, v5  }
0x2f5: {  	v5 =	vsel vm14, v7, v5;
	v6 =	vsel vm14, v8, v6  }
0x2f6: {  	(xrf1) =	vsort.ascd.msk.f32 $0xffff, v5, v6;
	_ =	sdelay $0xd  }
0x2f7: {  	v12 =	vld [tilespmem:$0x280];
	v5, v6, _ =	vpop (xrf1)  }
0x2f8: {  	v13 =	vld [tilespmem:$0x290];
	v5 =	vperm.xlane v5, v2  }
0x2f9: {  	v6 =	vperm.xlane v6, v2  }
0x2fa: {  	vm15 =	vgt.f32 v5, v3  }
0x2fb: {  	v3 =	vsel vm15, v5, v3;
	v4 =	vsel vm15, v6, v4  }
0x2fc: {  	(xrf1) =	vsort.ascd.msk.f32 $0xffff, v3, v4;
	v3 =	vand.u32 $0x7FFFFFFF, v12  }
0x2fd: {  	(xrf1) =	vsort.ascd.msk.f32 $0xffff, v3, v17;
	v3 =	vand.u32 $0x7FFFFFFF, v13  }
0x2fe: {  	(xrf1) =	vsort.ascd.msk.f32 $0xffff, v3, v18;
	_ =	sdelay $0xb  }
0x2ff: {  	v4, v3, _ =	vpop (xrf1)  }
0x300: {  	v5, v6, _ =	vpop (xrf1)  }
0x301: {  	v13 =	vld [tilespmem:$0x2A0];
	v14, v12, _ =	vpop (xrf1)  }
0x302: {  	v7 =	vperm.xlane v14, v2;
	v14 =	vld [tilespmem:$0x2B0]  }
0x303: {  	v8 =	vperm.xlane v12, v2  }
0x304: {  	vm4 =	vgt.f32 v7, v5  }
0x305: {  	v5 =	vsel vm4, v7, v5;
	v6 =	vsel vm4, v8, v6  }
0x306: {  	v11 =	vand.u32 $0x7FFFFFFF, v13;
	(xrf1) =	vsort.ascd.msk.f32 $0xffff, v5, v6  }
0x307: {  	(xrf1) =	vsort.ascd.msk.f32 $0xffff, v11, v19;
	v12 =	vand.u32 $0x7FFFFFFF, v14  }
0x308: {  	(xrf1) =	vsort.ascd.msk.f32 $0xffff, v12, v20;
	_ =	sdelay $0xb  }
0x309: {  	v5, v6, _ =	vpop (xrf1)  }
0x30a: {  	v7, v13, _ =	vpop (xrf1)  }
0x30b: {  	v14, v12, _ =	vpop (xrf1)  }
0x30c: {  	v9 =	vperm.xlane v14, v2  }
0x30d: {  	v10 =	vperm.xlane v12, v2  }
0x30e: {  	vm5 =	vgt.f32 v9, v7  }
0x30f: {  	v7 =	vsel vm5, v9, v7;
	v8 =	vsel vm5, v10, v13  }
0x310: {  	(xrf1) =	vsort.ascd.msk.f32 $0xffff, v7, v8;
	_ =	sdelay $0xd  }
0x311: {  	v13 =	vld [tilespmem:$0x2C0];
	v7, v8, _ =	vpop (xrf1)  }
0x312: {  	v14 =	vld [tilespmem:$0x2D0];
	v7 =	vperm.xlane v7, v2  }
0x313: {  	v8 =	vperm.xlane v8, v2  }
0x314: {  	vm6 =	vgt.f32 v7, v5  }
0x315: {  	v5 =	vsel vm6, v7, v5;
	v6 =	vsel vm6, v8, v6  }
0x316: {  	v12 =	vand.u32 $0x7FFFFFFF, v13;
	(xrf1) =	vsort.ascd.msk.f32 $0xffff, v5, v6  }
0x317: {  	v13 =	vand.u32 $0x7FFFFFFF, v14;
	(xrf1) =	vsort.ascd.msk.f32 $0xffff, v12, v21  }
0x318: {  	(xrf1) =	vsort.ascd.msk.f32 $0xffff, v13, v22;
	_ =	sdelay $0xb  }
0x319: {  	v5, v6, _ =	vpop (xrf1)  }
0x31a: {  	v7, v8, _ =	vpop (xrf1)  }
0x31b: {  	v11 =	vld [tilespmem:$0x2E0];
	v14, v10, _ =	vpop (xrf1)  }
0x31c: {  	v12 =	vld [tilespmem:$0x2F0];
	v9 =	vperm.xlane v14, v2  }
0x31d: {  	v10 =	vperm.xlane v10, v2  }
0x31e: {  	vm7 =	vgt.f32 v9, v7  }
0x31f: {  	v7 =	vsel vm7, v9, v7;
	v8 =	vsel vm7, v10, v8  }
0x320: {  	v11 =	vand.u32 $0x7FFFFFFF, v11;
	(xrf1) =	vsort.ascd.msk.f32 $0xffff, v7, v8  }
0x321: {  	v12 =	vand.u32 $0x7FFFFFFF, v12;
	(xrf1) =	vsort.ascd.msk.f32 $0xffff, v11, v23  }
0x322: {  	(xrf1) =	vsort.ascd.msk.f32 $0xffff, v12, v24;
	_ =	sdelay $0xb  }
0x323: {  	v7, v8, _ =	vpop (xrf1)  }
0x324: {  	v9, v10, _ =	vpop (xrf1)  }
0x325: {  	v11, v12, _ =	vpop (xrf1)  }
0x326: {  	v11 =	vperm.xlane v11, v2  }
0x327: {  	v12 =	vperm.xlane v12, v2  }
0x328: {  	vm8 =	vgt.f32 v11, v9  }
0x329: {  	v9 =	vsel vm8, v11, v9;
	v10 =	vsel vm8, v12, v10  }
0x32a: {  	(xrf1) =	vsort.ascd.msk.f32 $0xffff, v9, v10;
	_ =	sdelay $0xd  }
0x32b: {  	v9, v10, _ =	vpop (xrf1)  }
0x32c: {  	v9 =	vperm.xlane v9, v2  }
0x32d: {  	v10 =	vperm.xlane v10, v2  }
0x32e: {  	vm9 =	vgt.f32 v9, v7  }
0x32f: {  	v7 =	vsel vm9, v9, v7;
	v8 =	vsel vm9, v10, v8  }
0x330: {  	(xrf1) =	vsort.ascd.msk.f32 $0xffff, v7, v8;
	_ =	sdelay $0xd  }
0x331: {  	v13 =	vld [tilespmem:$0x380];
	v7, v8, _ =	vpop (xrf1)  }
0x332: {  	v14 =	vld [tilespmem:$0x390];
	v7 =	vperm.xlane v7, v2  }
0x333: {  	v8 =	vperm.xlane v8, v2  }
0x334: {  	vm10 =	vgt.f32 v7, v5  }
0x335: {  	v5 =	vsel vm10, v7, v5;
	v6 =	vsel vm10, v8, v6  }
0x336: {  	v12 =	vand.u32 $0x7FFFFFFF, v13;
	(xrf1) =	vsort.ascd.msk.f32 $0xffff, v5, v6  }
0x337: {  	v13 =	vand.u32 $0x7FFFFFFF, v14;
	(xrf1) =	vsort.ascd.msk.f32 $0xffff, v12, v25  }
0x338: {  	(xrf1) =	vsort.ascd.msk.f32 $0xffff, v13, v26;
	_ =	sdelay $0xb  }
0x339: {  	v5, v6, _ =	vpop (xrf1)  }
0x33a: {  	v7, v8, _ =	vpop (xrf1)  }
0x33b: {  	v11 =	vld [tilespmem:$0x3A0];
	v14, v10, _ =	vpop (xrf1)  }
0x33c: {  	v12 =	vld [tilespmem:$0x3B0];
	v9 =	vperm.xlane v14, v2  }
0x33d: {  	v10 =	vperm.xlane v10, v2  }
0x33e: {  	vm11 =	vgt.f32 v9, v7  }
0x33f: {  	v7 =	vsel vm11, v9, v7;
	v8 =	vsel vm11, v10, v8  }
0x340: {  	v9 =	vand.u32 $0x7FFFFFFF, v11;
	(xrf1) =	vsort.ascd.msk.f32 $0xffff, v7, v8  }
0x341: {  	v10 =	vand.u32 $0x7FFFFFFF, v12;
	(xrf1) =	vsort.ascd.msk.f32 $0xffff, v9, v27  }
0x342: {  	(xrf1) =	vsort.ascd.msk.f32 $0xffff, v10, v28;
	_ =	sdelay $0xb  }
0x343: {  	v7, v8, _ =	vpop (xrf1)  }
0x344: {  	v9, v10, _ =	vpop (xrf1)  }
0x345: {  	v11, v12, _ =	vpop (xrf1)  }
0x346: {  	v11 =	vperm.xlane v11, v2  }
0x347: {  	v12 =	vperm.xlane v12, v2  }
0x348: {  	vm12 =	vgt.f32 v11, v9  }
0x349: {  	v9 =	vsel vm12, v11, v9;
	v10 =	vsel vm12, v12, v10  }
0x34a: {  	(xrf1) =	vsort.ascd.msk.f32 $0xffff, v9, v10;
	_ =	sdelay $0xd  }
0x34b: {  	v11 =	vld [tilespmem:$0x3C0];
	v9, v10, _ =	vpop (xrf1)  }
0x34c: {  	v12 =	vld [tilespmem:$0x3D0];
	v9 =	vperm.xlane v9, v2  }
0x34d: {  	v10 =	vperm.xlane v10, v2  }
0x34e: {  	vm13 =	vgt.f32 v9, v7  }
0x34f: {  	v7 =	vsel vm13, v9, v7;
	v8 =	vsel vm13, v10, v8  }
0x350: {  	v11 =	vand.u32 $0x7FFFFFFF, v11;
	(xrf1) =	vsort.ascd.msk.f32 $0xffff, v7, v8  }
0x351: {  	v12 =	vand.u32 $0x7FFFFFFF, v12;
	(xrf1) =	vsort.ascd.msk.f32 $0xffff, v11, v29  }
0x352: {  	(xrf1) =	vsort.ascd.msk.f32 $0xffff, v12, v30;
	_ =	sdelay $0xb  }
0x353: {  	v7, v8, _ =	vpop (xrf1)  }
0x354: {  	v9, v10, _ =	vpop (xrf1)  }
0x355: {  	v13 =	vld [tilespmem:$0x3E0];
	v11, v12, _ =	vpop (xrf1)  }
0x356: {  	v14 =	vld [tilespmem:$0x3F0];
	v11 =	vperm.xlane v11, v2  }
0x357: {  	v12 =	vperm.xlane v12, v2  }
0x358: {  	vm14 =	vgt.f32 v11, v9  }
0x359: {  	v9 =	vsel vm14, v11, v9;
	v10 =	vsel vm14, v12, v10  }
0x35a: {  	v13 =	vand.u32 $0x7FFFFFFF, v13;
	(xrf1) =	vsort.ascd.msk.f32 $0xffff, v9, v10  }
0x35b: {  	v14 =	vand.u32 $0x7FFFFFFF, v14;
	(xrf1) =	vsort.ascd.msk.f32 $0xffff, v13, v31  }
0x35c: {  	(xrf1) =	vsort.ascd.msk.f32 $0xffff, v14, v32;
	_ =	sdelay $0xb  }
0x35d: {  	v9, v10, _ =	vpop (xrf1)  }
0x35e: {  	v11, v12, _ =	vpop (xrf1)  }
0x35f: {  	v13, v14, _ =	vpop (xrf1)  }
0x360: {  	v13 =	vperm.xlane v13, v2  }
0x361: {  	v14 =	vperm.xlane v14, v2  }
0x362: {  	vm15 =	vgt.f32 v13, v11  }
0x363: {  	v11 =	vsel vm15, v13, v11;
	v12 =	vsel vm15, v14, v12  }
0x364: {  	(xrf1) =	vsort.ascd.msk.f32 $0xffff, v11, v12;
	_ =	sdelay $0xd  }
0x365: {  	v11, v12, _ =	vpop (xrf1)  }
0x366: {  	v11 =	vperm.xlane v11, v2  }
0x367: {  	v12 =	vperm.xlane v12, v2  }
0x368: {  	vm4 =	vgt.f32 v11, v9  }
0x369: {  	v9 =	vsel vm4, v11, v9;
	v10 =	vsel vm4, v12, v10  }
0x36a: {  	(xrf1) =	vsort.ascd.msk.f32 $0xffff, v9, v10;
	_ =	sdelay $0xd  }
0x36b: {  	v9, v10, _ =	vpop (xrf1)  }
0x36c: {  	v9 =	vperm.xlane v9, v2  }
0x36d: {  	v10 =	vperm.xlane v10, v2  }
0x36e: {  	vm5 =	vgt.f32 v9, v7  }
0x36f: {  	v7 =	vsel vm5, v9, v7;
	v8 =	vsel vm5, v10, v8  }
0x370: {  	(xrf1) =	vsort.ascd.msk.f32 $0xffff, v7, v8;
	_ =	sdelay $0xd  }
0x371: {  	v7, v8, _ =	vpop (xrf1)  }
0x372: {  	v7 =	vperm.xlane v7, v2  }
0x373: {  	v8 =	vperm.xlane v8, v2  }
0x374: {  	vm6 =	vgt.f32 v7, v5  }
0x375: {  	v5 =	vsel vm6, v7, v5;
	v6 =	vsel vm6, v8, v6  }
0x376: {  	(xrf1) =	vsort.ascd.msk.f32 $0xffff, v5, v6;
	_ =	sdelay $0xd  }
0x377: {  	v12 =	vld [tilespmem:$0x480];
	v5, v6, _ =	vpop (xrf1)  }
0x378: {  	v13 =	vld [tilespmem:$0x490];
	v5 =	vperm.xlane v5, v2  }
0x379: {  	v6 =	vperm.xlane v6, v2  }
0x37a: {  	vm7 =	vgt.f32 v5, v4  }
0x37b: {  	v4 =	vsel vm7, v5, v4;
	v3 =	vsel vm7, v6, v3  }
0x37c: {  	(xrf1) =	vsort.ascd.msk.f32 $0xffff, v4, v3;
	v3 =	vand.u32 $0x7FFFFFFF, v12  }
0x37d: {  	(xrf1) =	vsort.ascd.msk.f32 $0xffff, v3, v33;
	v3 =	vand.u32 $0x7FFFFFFF, v13  }
0x37e: {  	(xrf1) =	vsort.ascd.msk.f32 $0xffff, v3, v34;
	_ =	sdelay $0xb  }
0x37f: {  	v4, v3, _ =	vpop (xrf1)  }
0x380: {  	v5, v6, _ =	vpop (xrf1)  }
0x381: {  	v13 =	vld [tilespmem:$0x4A0];
	v14, v12, _ =	vpop (xrf1)  }
0x382: {  	v7 =	vperm.xlane v14, v2;
	v14 =	vld [tilespmem:$0x4B0]  }
0x383: {  	v8 =	vperm.xlane v12, v2  }
0x384: {  	vm8 =	vgt.f32 v7, v5  }
0x385: {  	v5 =	vsel vm8, v7, v5;
	v6 =	vsel vm8, v8, v6  }
0x386: {  	v11 =	vand.u32 $0x7FFFFFFF, v13;
	(xrf1) =	vsort.ascd.msk.f32 $0xffff, v5, v6  }
0x387: {  	(xrf1) =	vsort.ascd.msk.f32 $0xffff, v11, v35;
	v12 =	vand.u32 $0x7FFFFFFF, v14  }
0x388: {  	(xrf1) =	vsort.ascd.msk.f32 $0xffff, v12, v36;
	_ =	sdelay $0xb  }
0x389: {  	v5, v6, _ =	vpop (xrf1)  }
0x38a: {  	v7, v13, _ =	vpop (xrf1)  }
0x38b: {  	v14, v12, _ =	vpop (xrf1)  }
0x38c: {  	v9 =	vperm.xlane v14, v2  }
0x38d: {  	v10 =	vperm.xlane v12, v2  }
0x38e: {  	vm9 =	vgt.f32 v9, v7  }
0x38f: {  	v7 =	vsel vm9, v9, v7;
	v8 =	vsel vm9, v10, v13  }
0x390: {  	(xrf1) =	vsort.ascd.msk.f32 $0xffff, v7, v8;
	_ =	sdelay $0xd  }
0x391: {  	v13 =	vld [tilespmem:$0x4C0];
	v7, v8, _ =	vpop (xrf1)  }
0x392: {  	v14 =	vld [tilespmem:$0x4D0];
	v7 =	vperm.xlane v7, v2  }
0x393: {  	v8 =	vperm.xlane v8, v2  }
0x394: {  	vm10 =	vgt.f32 v7, v5  }
0x395: {  	v5 =	vsel vm10, v7, v5;
	v6 =	vsel vm10, v8, v6  }
0x396: {  	v12 =	vand.u32 $0x7FFFFFFF, v13;
	(xrf1) =	vsort.ascd.msk.f32 $0xffff, v5, v6  }
0x397: {  	v13 =	vand.u32 $0x7FFFFFFF, v14;
	(xrf1) =	vsort.ascd.msk.f32 $0xffff, v12, v37  }
0x398: {  	(xrf1) =	vsort.ascd.msk.f32 $0xffff, v13, v38;
	_ =	sdelay $0xb  }
0x399: {  	v5, v6, _ =	vpop (xrf1)  }
0x39a: {  	v7, v8, _ =	vpop (xrf1)  }
0x39b: {  	v11 =	vld [tilespmem:$0x4E0];
	v14, v10, _ =	vpop (xrf1)  }
0x39c: {  	v12 =	vld [tilespmem:$0x4F0];
	v9 =	vperm.xlane v14, v2  }
0x39d: {  	v10 =	vperm.xlane v10, v2  }
0x39e: {  	vm11 =	vgt.f32 v9, v7  }
0x39f: {  	v7 =	vsel vm11, v9, v7;
	v8 =	vsel vm11, v10, v8  }
0x3a0: {  	v11 =	vand.u32 $0x7FFFFFFF, v11;
	(xrf1) =	vsort.ascd.msk.f32 $0xffff, v7, v8  }
0x3a1: {  	v12 =	vand.u32 $0x7FFFFFFF, v12;
	(xrf1) =	vsort.ascd.msk.f32 $0xffff, v11, v39  }
0x3a2: {  	(xrf1) =	vsort.ascd.msk.f32 $0xffff, v12, v40;
	_ =	sdelay $0xb  }
0x3a3: {  	v7, v8, _ =	vpop (xrf1)  }
0x3a4: {  	v9, v10, _ =	vpop (xrf1)  }
0x3a5: {  	v11, v12, _ =	vpop (xrf1)  }
0x3a6: {  	v11 =	vperm.xlane v11, v2  }
0x3a7: {  	v12 =	vperm.xlane v12, v2  }
0x3a8: {  	vm12 =	vgt.f32 v11, v9  }
0x3a9: {  	v9 =	vsel vm12, v11, v9;
	v10 =	vsel vm12, v12, v10  }
0x3aa: {  	(xrf1) =	vsort.ascd.msk.f32 $0xffff, v9, v10;
	_ =	sdelay $0xd  }
0x3ab: {  	v9, v10, _ =	vpop (xrf1)  }
0x3ac: {  	v9 =	vperm.xlane v9, v2  }
0x3ad: {  	v10 =	vperm.xlane v10, v2  }
0x3ae: {  	vm13 =	vgt.f32 v9, v7  }
0x3af: {  	v7 =	vsel vm13, v9, v7;
	v8 =	vsel vm13, v10, v8  }
0x3b0: {  	(xrf1) =	vsort.ascd.msk.f32 $0xffff, v7, v8;
	_ =	sdelay $0xd  }
0x3b1: {  	v13 =	vld [tilespmem:$0x580];
	v7, v8, _ =	vpop (xrf1)  }
0x3b2: {  	v14 =	vld [tilespmem:$0x590];
	v7 =	vperm.xlane v7, v2  }
0x3b3: {  	v8 =	vperm.xlane v8, v2  }
0x3b4: {  	vm14 =	vgt.f32 v7, v5  }
0x3b5: {  	v5 =	vsel vm14, v7, v5;
	v6 =	vsel vm14, v8, v6  }
0x3b6: {  	v12 =	vand.u32 $0x7FFFFFFF, v13;
	(xrf1) =	vsort.ascd.msk.f32 $0xffff, v5, v6  }
0x3b7: {  	v13 =	vand.u32 $0x7FFFFFFF, v14;
	(xrf1) =	vsort.ascd.msk.f32 $0xffff, v12, v41  }
0x3b8: {  	(xrf1) =	vsort.ascd.msk.f32 $0xffff, v13, v42;
	_ =	sdelay $0xb  }
0x3b9: {  	v5, v6, _ =	vpop (xrf1)  }
0x3ba: {  	v7, v8, _ =	vpop (xrf1)  }
0x3bb: {  	v11 =	vld [tilespmem:$0x5A0];
	v14, v10, _ =	vpop (xrf1)  }
0x3bc: {  	v12 =	vld [tilespmem:$0x5B0];
	v9 =	vperm.xlane v14, v2  }
0x3bd: {  	v10 =	vperm.xlane v10, v2  }
0x3be: {  	vm15 =	vgt.f32 v9, v7  }
0x3bf: {  	v7 =	vsel vm15, v9, v7;
	v8 =	vsel vm15, v10, v8  }
0x3c0: {  	v9 =	vand.u32 $0x7FFFFFFF, v11;
	(xrf1) =	vsort.ascd.msk.f32 $0xffff, v7, v8  }
0x3c1: {  	v10 =	vand.u32 $0x7FFFFFFF, v12;
	(xrf1) =	vsort.ascd.msk.f32 $0xffff, v9, v43  }
0x3c2: {  	(xrf1) =	vsort.ascd.msk.f32 $0xffff, v10, v44;
	_ =	sdelay $0xb  }
0x3c3: {  	v7, v8, _ =	vpop (xrf1)  }
0x3c4: {  	v9, v10, _ =	vpop (xrf1)  }
0x3c5: {  	v11, v12, _ =	vpop (xrf1)  }
0x3c6: {  	v11 =	vperm.xlane v11, v2  }
0x3c7: {  	v12 =	vperm.xlane v12, v2  }
0x3c8: {  	vm4 =	vgt.f32 v11, v9  }
0x3c9: {  	v9 =	vsel vm4, v11, v9;
	v10 =	vsel vm4, v12, v10  }
0x3ca: {  	(xrf1) =	vsort.ascd.msk.f32 $0xffff, v9, v10;
	_ =	sdelay $0xd  }
0x3cb: {  	v11 =	vld [tilespmem:$0x5C0];
	v9, v10, _ =	vpop (xrf1)  }
0x3cc: {  	v12 =	vld [tilespmem:$0x5D0];
	v9 =	vperm.xlane v9, v2  }
0x3cd: {  	v10 =	vperm.xlane v10, v2  }
0x3ce: {  	vm5 =	vgt.f32 v9, v7  }
0x3cf: {  	v7 =	vsel vm5, v9, v7;
	v8 =	vsel vm5, v10, v8  }
0x3d0: {  	v11 =	vand.u32 $0x7FFFFFFF, v11;
	(xrf1) =	vsort.ascd.msk.f32 $0xffff, v7, v8  }
0x3d1: {  	v12 =	vand.u32 $0x7FFFFFFF, v12;
	(xrf1) =	vsort.ascd.msk.f32 $0xffff, v11, v45  }
0x3d2: {  	(xrf1) =	vsort.ascd.msk.f32 $0xffff, v12, v46;
	_ =	sdelay $0xb  }
0x3d3: {  	v7, v8, _ =	vpop (xrf1)  }
0x3d4: {  	v9, v10, _ =	vpop (xrf1)  }
0x3d5: {  	v13 =	vld [tilespmem:$0x5E0];
	v11, v12, _ =	vpop (xrf1)  }
0x3d6: {  	v14 =	vld [tilespmem:$0x5F0];
	v11 =	vperm.xlane v11, v2  }
0x3d7: {  	v12 =	vperm.xlane v12, v2  }
0x3d8: {  	vm6 =	vgt.f32 v11, v9  }
0x3d9: {  	v9 =	vsel vm6, v11, v9;
	v10 =	vsel vm6, v12, v10  }
0x3da: {  	v13 =	vand.u32 $0x7FFFFFFF, v13;
	(xrf1) =	vsort.ascd.msk.f32 $0xffff, v9, v10  }
0x3db: {  	v12 =	vand.u32 $0x7FFFFFFF, v14;
	(xrf1) =	vsort.ascd.msk.f32 $0xffff, v13, v47  }
0x3dc: {  	(xrf1) =	vsort.ascd.msk.f32 $0xffff, v12, v48;
	_ =	sdelay $0xb  }
0x3dd: {  	v9, v10, _ =	vpop (xrf1)  }
0x3de: {  	v11, v12, _ =	vpop (xrf1)  }
0x3df: {  	v13, v14, _ =	vpop (xrf1)  }
0x3e0: {  	v13 =	vperm.xlane v13, v2  }
0x3e1: {  	v14 =	vperm.xlane v14, v2  }
0x3e2: {  	vm7 =	vgt.f32 v13, v11  }
0x3e3: {  	v11 =	vsel vm7, v13, v11;
	v12 =	vsel vm7, v14, v12  }
0x3e4: {  	(xrf1) =	vsort.ascd.msk.f32 $0xffff, v11, v12;
	_ =	sdelay $0xd  }
0x3e5: {  	v11, v12, _ =	vpop (xrf1)  }
0x3e6: {  	v11 =	vperm.xlane v11, v2  }
0x3e7: {  	v12 =	vperm.xlane v12, v2  }
0x3e8: {  	vm8 =	vgt.f32 v11, v9  }
0x3e9: {  	v9 =	vsel vm8, v11, v9;
	v10 =	vsel vm8, v12, v10  }
0x3ea: {  	(xrf1) =	vsort.ascd.msk.f32 $0xffff, v9, v10;
	_ =	sdelay $0xd  }
0x3eb: {  	v9, v10, _ =	vpop (xrf1)  }
0x3ec: {  	v9 =	vperm.xlane v9, v2  }
0x3ed: {  	v10 =	vperm.xlane v10, v2  }
0x3ee: {  	vm9 =	vgt.f32 v9, v7  }
0x3ef: {  	v7 =	vsel vm9, v9, v7;
	v8 =	vsel vm9, v10, v8  }
0x3f0: {  	(xrf1) =	vsort.ascd.msk.f32 $0xffff, v7, v8;
	_ =	sdelay $0xd  }
0x3f1: {  	v13 =	vld [tilespmem:$0x680];
	v7, v8, _ =	vpop (xrf1)  }
0x3f2: {  	v14 =	vld [tilespmem:$0x690];
	v7 =	vperm.xlane v7, v2  }
0x3f3: {  	v8 =	vperm.xlane v8, v2  }
0x3f4: {  	vm10 =	vgt.f32 v7, v5  }
0x3f5: {  	v5 =	vsel vm10, v7, v5;
	v6 =	vsel vm10, v8, v6  }
0x3f6: {  	v12 =	vand.u32 $0x7FFFFFFF, v13;
	(xrf1) =	vsort.ascd.msk.f32 $0xffff, v5, v6  }
0x3f7: {  	v13 =	vand.u32 $0x7FFFFFFF, v14;
	(xrf1) =	vsort.ascd.msk.f32 $0xffff, v12, v49  }
0x3f8: {  	(xrf1) =	vsort.ascd.msk.f32 $0xffff, v13, v50;
	_ =	sdelay $0xb  }
0x3f9: {  	v6, v5, _ =	vpop (xrf1)  }
0x3fa: {  	v7, v8, _ =	vpop (xrf1)  }
0x3fb: {  	v11 =	vld [tilespmem:$0x6A0];
	v14, v10, _ =	vpop (xrf1)  }
0x3fc: {  	v12 =	vld [tilespmem:$0x6B0];
	v9 =	vperm.xlane v14, v2  }
0x3fd: {  	v10 =	vperm.xlane v10, v2  }
0x3fe: {  	vm11 =	vgt.f32 v9, v7  }
0x3ff: {  	v7 =	vsel vm11, v9, v7;
	v8 =	vsel vm11, v10, v8  }
0x400: {  	v9 =	vand.u32 $0x7FFFFFFF, v11;
	(xrf1) =	vsort.ascd.msk.f32 $0xffff, v7, v8  }
0x401: {  	v10 =	vand.u32 $0x7FFFFFFF, v12;
	(xrf1) =	vsort.ascd.msk.f32 $0xffff, v9, v51  }
0x402: {  	(xrf1) =	vsort.ascd.msk.f32 $0xffff, v10, v52;
	_ =	sdelay $0xb  }
0x403: {  	v7, v8, _ =	vpop (xrf1)  }
0x404: {  	v9, v10, _ =	vpop (xrf1)  }
0x405: {  	v11, v12, _ =	vpop (xrf1)  }
0x406: {  	v11 =	vperm.xlane v11, v2  }
0x407: {  	v12 =	vperm.xlane v12, v2  }
0x408: {  	vm12 =	vgt.f32 v11, v9  }
0x409: {  	v9 =	vsel vm12, v11, v9;
	v10 =	vsel vm12, v12, v10  }
0x40a: {  	(xrf1) =	vsort.ascd.msk.f32 $0xffff, v9, v10;
	_ =	sdelay $0xd  }
0x40b: {  	v11 =	vld [tilespmem:$0x6C0];
	v9, v10, _ =	vpop (xrf1)  }
0x40c: {  	v12 =	vld [tilespmem:$0x6D0];
	v9 =	vperm.xlane v9, v2  }
0x40d: {  	v10 =	vperm.xlane v10, v2  }
0x40e: {  	vm13 =	vgt.f32 v9, v7  }
0x40f: {  	v7 =	vsel vm13, v9, v7;
	v8 =	vsel vm13, v10, v8  }
0x410: {  	v11 =	vand.u32 $0x7FFFFFFF, v11;
	(xrf1) =	vsort.ascd.msk.f32 $0xffff, v7, v8  }
0x411: {  	v12 =	vand.u32 $0x7FFFFFFF, v12;
	(xrf1) =	vsort.ascd.msk.f32 $0xffff, v11, v53  }
0x412: {  	(xrf1) =	vsort.ascd.msk.f32 $0xffff, v12, v54;
	_ =	sdelay $0xb  }
0x413: {  	v7, v8, _ =	vpop (xrf1)  }
0x414: {  	v9, v10, _ =	vpop (xrf1)  }
0x415: {  	v13 =	vld [tilespmem:$0x6E0];
	v11, v12, _ =	vpop (xrf1)  }
0x416: {  	v14 =	vld [tilespmem:$0x6F0];
	v11 =	vperm.xlane v11, v2  }
0x417: {  	v12 =	vperm.xlane v12, v2  }
0x418: {  	vm14 =	vgt.f32 v11, v9  }
0x419: {  	v9 =	vsel vm14, v11, v9;
	v10 =	vsel vm14, v12, v10  }
0x41a: {  	v13 =	vand.u32 $0x7FFFFFFF, v13;
	(xrf1) =	vsort.ascd.msk.f32 $0xffff, v9, v10  }
0x41b: {  	v14 =	vand.u32 $0x7FFFFFFF, v14;
	(xrf1) =	vsort.ascd.msk.f32 $0xffff, v13, v55  }
0x41c: {  	(xrf1) =	vsort.ascd.msk.f32 $0xffff, v14, v56;
	_ =	sdelay $0xb  }
0x41d: {  	v9, v10, _ =	vpop (xrf1)  }
0x41e: {  	v11, v12, _ =	vpop (xrf1)  }
0x41f: {  	v13, v14, _ =	vpop (xrf1)  }
0x420: {  	v13 =	vperm.xlane v13, v2  }
0x421: {  	v14 =	vperm.xlane v14, v2  }
0x422: {  	vm15 =	vgt.f32 v13, v11  }
0x423: {  	v11 =	vsel vm15, v13, v11;
	v12 =	vsel vm15, v14, v12  }
0x424: {  	(xrf1) =	vsort.ascd.msk.f32 $0xffff, v11, v12;
	_ =	sdelay $0xd  }
0x425: {  	v11, v12, _ =	vpop (xrf1)  }
0x426: {  	v11 =	vperm.xlane v11, v2  }
0x427: {  	v12 =	vperm.xlane v12, v2  }
0x428: {  	vm4 =	vgt.f32 v11, v9  }
0x429: {  	v9 =	vsel vm4, v11, v9;
	v10 =	vsel vm4, v12, v10  }
0x42a: {  	(xrf1) =	vsort.ascd.msk.f32 $0xffff, v9, v10;
	_ =	sdelay $0xd  }
0x42b: {  	v11 =	vld [tilespmem:$0x780];
	v9, v10, _ =	vpop (xrf1)  }
0x42c: {  	v12 =	vld [tilespmem:$0x790];
	v9 =	vperm.xlane v9, v2  }
0x42d: {  	v10 =	vperm.xlane v10, v2  }
0x42e: {  	vm5 =	vgt.f32 v9, v7  }
0x42f: {  	v7 =	vsel vm5, v9, v7;
	v8 =	vsel vm5, v10, v8  }
0x430: {  	v11 =	vand.u32 $0x7FFFFFFF, v11;
	(xrf1) =	vsort.ascd.msk.f32 $0xffff, v7, v8  }
0x431: {  	v12 =	vand.u32 $0x7FFFFFFF, v12;
	(xrf1) =	vsort.ascd.msk.f32 $0xffff, v11, v57  }
0x432: {  	(xrf1) =	vsort.ascd.msk.f32 $0xffff, v12, v58;
	_ =	sdelay $0xb  }
0x433: {  	v7, v8, _ =	vpop (xrf1)  }
0x434: {  	v9, v10, _ =	vpop (xrf1)  }
0x435: {  	v13 =	vld [tilespmem:$0x7A0];
	v11, v12, _ =	vpop (xrf1)  }
0x436: {  	v14 =	vld [tilespmem:$0x7B0];
	v11 =	vperm.xlane v11, v2  }
0x437: {  	v12 =	vperm.xlane v12, v2  }
0x438: {  	vm6 =	vgt.f32 v11, v9  }
0x439: {  	v9 =	vsel vm6, v11, v9;
	v10 =	vsel vm6, v12, v10  }
0x43a: {  	v13 =	vand.u32 $0x7FFFFFFF, v13;
	(xrf1) =	vsort.ascd.msk.f32 $0xffff, v9, v10  }
0x43b: {  	v12 =	vand.u32 $0x7FFFFFFF, v14;
	(xrf1) =	vsort.ascd.msk.f32 $0xffff, v13, v59  }
0x43c: {  	(xrf1) =	vsort.ascd.msk.f32 $0xffff, v12, v60;
	_ =	sdelay $0xb  }
0x43d: {  	v9, v10, _ =	vpop (xrf1)  }
0x43e: {  	v11, v12, _ =	vpop (xrf1)  }
0x43f: {  	v13, v14, _ =	vpop (xrf1)  }
0x440: {  	v13 =	vperm.xlane v13, v2  }
0x441: {  	v14 =	vperm.xlane v14, v2  }
0x442: {  	vm7 =	vgt.f32 v13, v11  }
0x443: {  	v11 =	vsel vm7, v13, v11;
	v12 =	vsel vm7, v14, v12  }
0x444: {  	(xrf1) =	vsort.ascd.msk.f32 $0xffff, v11, v12;
	_ =	sdelay $0xd  }
0x445: {  	v13 =	vld [tilespmem:$0x7C0];
	v11, v12, _ =	vpop (xrf1)  }
0x446: {  	v14 =	vld [tilespmem:$0x7D0];
	v11 =	vperm.xlane v11, v2  }
0x447: {  	v12 =	vperm.xlane v12, v2  }
0x448: {  	vm8 =	vgt.f32 v11, v9  }
0x449: {  	v9 =	vsel vm8, v11, v9;
	v10 =	vsel vm8, v12, v10  }
0x44a: {  	v13 =	vand.u32 $0x7FFFFFFF, v13;
	(xrf1) =	vsort.ascd.msk.f32 $0xffff, v9, v10  }
0x44b: {  	v14 =	vand.u32 $0x7FFFFFFF, v14;
	(xrf1) =	vsort.ascd.msk.f32 $0xffff, v13, v61  }
0x44c: {  	(xrf1) =	vsort.ascd.msk.f32 $0xffff, v14, v62;
	_ =	sdelay $0xb  }
0x44d: {  	v9, v10, _ =	vpop (xrf1)  }
0x44e: {  	v11, v12, _ =	vpop (xrf1)  }
0x44f: {  	v15 =	vld [tilespmem:$0x7E0];
	v13, v14, _ =	vpop (xrf1)  }
0x450: {  	v16 =	vld [tilespmem:$0x7F0];
	v13 =	vperm.xlane v13, v2  }
0x451: {  	v14 =	vperm.xlane v14, v2  }
0x452: {  	vm9 =	vgt.f32 v13, v11  }
0x453: {  	v11 =	vsel vm9, v13, v11;
	v12 =	vsel vm9, v14, v12  }
0x454: {  	(xrf1) =	vsort.ascd.msk.f32 $0xffff, v11, v12;
	v12 =	vand.u32 $0x7FFFFFFF, v15  }
0x455: {  	v13 =	vand.u32 $0x7FFFFFFF, v16;
	(xrf1) =	vsort.ascd.msk.f32 $0xffff, v12, v63  }
0x456: {  	(xrf1) =	vsort.ascd.msk.f32 $0xffff, v13, v1;
	_ =	sdelay $0xb  }
0x457: {  	v1, v11, _ =	vpop (xrf1)  }
0x458: {  	v12, v13, _ =	vpop (xrf1)  }
0x459: {  	v14, v15, _ =	vpop (xrf1)  }
0x45a: {  	v14 =	vperm.xlane v14, v2  }
0x45b: {  	v15 =	vperm.xlane v15, v2  }
0x45c: {  	vm10 =	vgt.f32 v14, v12  }
0x45d: {  	v12 =	vsel vm10, v14, v12;
	v13 =	vsel vm10, v15, v13  }
0x45e: {  	(xrf1) =	vsort.ascd.msk.f32 $0xffff, v12, v13;
	_ =	sdelay $0xd  }
0x45f: {  	v12, v13, _ =	vpop (xrf1)  }
0x460: {  	v12 =	vperm.xlane v12, v2  }
0x461: {  	v13 =	vperm.xlane v13, v2  }
0x462: {  	vm11 =	vgt.f32 v12, v1  }
0x463: {  	v1 =	vsel vm11, v12, v1;
	v11 =	vsel vm11, v13, v11  }
0x464: {  	(xrf1) =	vsort.ascd.msk.f32 $0xffff, v1, v11;
	_ =	sdelay $0xd  }
0x465: {  	v1, v11, _ =	vpop (xrf1)  }
0x466: {  	v1 =	vperm.xlane v1, v2  }
0x467: {  	v11 =	vperm.xlane v11, v2  }
0x468: {  	vm12 =	vgt.f32 v1, v9  }
0x469: {  	v1 =	vsel vm12, v1, v9;
	v14 =	vsel vm12, v11, v10  }
0x46a: {  	(xrf1) =	vsort.ascd.msk.f32 $0xffff, v1, v14;
	_ =	sdelay $0xd  }
0x46b: {  	v1, v9, _ =	vpop (xrf1)  }
0x46c: {  	v1 =	vperm.xlane v1, v2  }
0x46d: {  	v9 =	vperm.xlane v9, v2  }
0x46e: {  	vm13 =	vgt.f32 v1, v7  }
0x46f: {  	v1 =	vsel vm13, v1, v7;
	v12 =	vsel vm13, v9, v8  }
0x470: {  	(xrf1) =	vsort.ascd.msk.f32 $0xffff, v1, v12;
	_ =	sdelay $0xd  }
0x471: {  	v1, v7, _ =	vpop (xrf1)  }
0x472: {  	v1 =	vperm.xlane v1, v2  }
0x473: {  	v7 =	vperm.xlane v7, v2  }
0x474: {  	vm14 =	vgt.f32 v1, v6  }
0x475: {  	v1 =	vsel vm14, v1, v6;
	v5 =	vsel vm14, v7, v5  }
0x476: {  	(xrf1) =	vsort.ascd.msk.f32 $0xffff, v1, v5;
	_ =	sdelay $0xd  }
0x477: {  	v1, v5, _ =	vpop (xrf1)  }
0x478: {  	v1 =	vperm.xlane v1, v2  }
0x479: {  	v5 =	vperm.xlane v5, v2  }
0x47a: {  	vm15 =	vgt.f32 v1, v4  }
0x47b: {  	v1 =	vsel vm15, v1, v4;
	v3 =	vsel vm15, v5, v3  }
0x47c: {  	(xrf1) =	vsort.ascd.msk.f32 $0xffff, v1, v3;
	_ =	sdelay $0xd  }
0x47d: {  	_, v1, _ =	vpop (xrf1)  }
0x47e: {  	v3 =	vshll.u32 v1, $0x1  }
0x47f: {  	v13 =	vand.u32 $0x7F, v1;
	v3 =	vand.u32 $0xFFFFFF00, v3  }
0x480: {  	v3 =	vor.u32 v3, v13  }
0x481: {  	v3 =	vor.u32 $0x80, v3;
	_ =	sdelay $0x3  }
0x482: {  	s16 =	sadd.s32 $0x10, s12  }
0x483: {  	v14 =	vor.u32 s16, v0;
	v3 =	vld.idx.msk [tilespmem:v3+s2+$0x0], $0xffff  }
0x484: {  	p0 =	sgt.u32 s13, $0x136  }
0x485: {  	s16 =	sadd.s32 @!p0 s12, s22  }
0x486: {  	s16 =	sadd.s32 @!p0 $0x30, s16  }
0x487: {  	s14 =	sadd.s32 @!p0 $0x180, s14;
	s16 =	sand.u32 @!p0 $0x70, s16;
	v1 =	vcvt.s32.f32 v1  }
0x488: {  	s14 =	sand.u32 @!p0 $0xFFFFC00, s14;
	s16 =	sadd.s32 @!p0 s3, s16;
	[tilespmem:v14+s4+$0x0] =	vst.idx.msk $0xffff, v3  }
0x489: {  	s17 =	simm.s32 @!p0 $0x80;
	s14 =	sadd.s32 @!p0 s14, s16;
	s16 =	simm.s32 @!p0 $0x0;
	[tilespmem:v14+s7+$0x0] =	vst.idx.msk $0xffff, v1  }
0x48a: {  	[tilespmem:s17], [sflag:$0x2] =	stream.linear.gather @!p0 [hbm4b:s14+s16], $0x80, $0x38;
	[tilespmem:$0x5700] =	vst v63  }
0x48b: {  	s18 =	simm.s32 @!p0 $0x180;
	s17 =	sadd.s32 @!p0 $0x80, s14  }
0x48c: {  	[tilespmem:s18], [sflag:$0x2] =	stream.linear.gather @!p0 [hbm4b:s17+s16], $0x80, $0x38;
	[tilespmem:$0x5700] =	vst v63  }
0x48d: {  	s17 =	sadd.s32 @!p0 $0x100, s14;
	s18 =	simm.s32 @!p0 $0x280  }
0x48e: {  	[tilespmem:s18], [sflag:$0x2] =	stream.linear.gather @!p0 [hbm4b:s17+s16], $0x80, $0x38;
	[tilespmem:$0x5700] =	vst v63  }
0x48f: {  	s17 =	sadd.s32 @!p0 $0x180, s14;
	s18 =	simm.s32 @!p0 $0x380  }
0x490: {  	[tilespmem:s18], [sflag:$0x2] =	stream.linear.gather @!p0 [hbm4b:s17+s16], $0x80, $0x38;
	[tilespmem:$0x5700] =	vst v63  }
0x491: {  	s17 =	sadd.s32 @!p0 $0x200, s14;
	s18 =	simm.s32 @!p0 $0x480  }
0x492: {  	[tilespmem:s18], [sflag:$0x2] =	stream.linear.gather @!p0 [hbm4b:s17+s16], $0x80, $0x38;
	[tilespmem:$0x5700] =	vst v63  }
0x493: {  	s17 =	sadd.s32 @!p0 $0x280, s14;
	s18 =	simm.s32 @!p0 $0x580  }
0x494: {  	[tilespmem:s18], [sflag:$0x2] =	stream.linear.gather @!p0 [hbm4b:s17+s16], $0x80, $0x38;
	[tilespmem:$0x5700] =	vst v63  }
.Ltmp6:
0x495: {  	_ = 	snop;
	(pc) =	sbr.rel .LBB2_5-.Ltmp6, $4  }
0x496: {  	s17 =	sadd.s32 @!p0 $0x300, s14;
	s18 =	simm.s32 @!p0 $0x680  }
0x497: {  	[tilespmem:s18], [sflag:$0x2] =	stream.linear.gather @!p0 [hbm4b:s17+s16], $0x80, $0x38;
	[tilespmem:$0x5700] =	vst v63  }
0x498: {  	s14 =	sadd.s32 @!p0 $0x380, s14;
	s17 =	simm.s32 @!p0 $0x780  }
0x499: {  	[tilespmem:s17], [sflag:$0x2] =	stream.linear.gather @!p0 [hbm4b:s14+s16], $0x80, $0x38;
	[tilespmem:$0x5700] =	vst v63  }
.LBB2_7:
0x49a: {  	_ =	sfence.sel $0x180000  }
0x49b: {  	[bflag:$0x0] =	sbarrier.arrive $0xFFFF  }
0x49c: {  	_ =	strace $0x90000047  }
0x49d: {  	s0 =	stileid.u32;
	[bflag:$0x2] =	sbarrier.arrive $0xFFFF  }
0x49e: {  	p0 =	sne.s32 s0, $0x0;
	s0 =	rddreg [dreg:$0x1]  }
0x49f: {  	s0 =	sadd.s32 @!p0 $0x100000, s0  }
0x4a0: {  	[sflag:s0] =	ssyncadd.tile.s32 @!p0 $0x1;
	_ =	shalt  }
.Lfunc_end2:
_tile_overlayer_lowered:
.L_overlay_start_2:
0x4a1: {  	(tag) =	ssettag $0x2  }
0x4a2: {  	s0 =	rddreg [dreg:$0x0];
	s2 =	stileid.u32  }
0x4a3: {  	s1 =	rddreg [dreg:$0x1];
	p0 =	sne.s32 s2, $0x0  }
0x4a4: {  	s3 =	rddreg [dreg:$0x2];
	[bflag:$0x3] =	sbarrier.arrive $0xFFFF;
	s2 =	simm.s32 @!p0 $0x1C03  }
0x4a5: {  	[timem:s3], [sflag:s2] =	dma.local @!p0 [hbm:s0], s1  }
0x4a6: {  	s0 =	simm.s32 @!p0 $0x3  }
0x4a7: {  	_ =	swait.ge @!p0 [sflag:s0], s1  }
0x4a8: {  	s1 =	ssub.s32 @!p0 $0x0, s1;
	[sflag:s0] =	ssyncset.done @!p0 $0x0  }
0x4a9: {  	[sflag:s0] =	ssyncadd.s32 @!p0 s1  }
0x4aa: {  	[bflag:$0x3] =	sbarrier.arrive $0xFFFF  }
0x4ab: {  	_ =	shalt  }

</sc_bundles>
